<compile_context>
chip_gen: v7x
topology: tpu7x:2x2x1
jax: 0.10.2.dev20260603
libtpu: 0.0.44.dev20260713+nightly
codegen_flags: <defaults>
</compile_context>

<pallas_src>
import jax
import jax.numpy as jnp
from jax import lax
from jax.experimental import pallas as pl
from jax.experimental.pallas import tpu as pltpu
from jax.experimental.pallas import tpu_sc as plsc

NUM_WORKERS = 32
BATCH = 16384
EMBED_DIM = 64
B_PER_W = BATCH // NUM_WORKERS
CHUNK = 128
N_CHUNKS = B_PER_W // CHUNK


def _fast_rsqrt(x):
    i = lax.bitcast_convert_type(x, jnp.int32)
    i = jnp.int32(0x5F3759DF) - (i >> 1)
    y = lax.bitcast_convert_type(i, jnp.float32)
    xh = x * jnp.float32(0.5)
    th = jnp.float32(1.5)
    y = y * (th - xh * y * y)
    y = y * (th - xh * y * y)
    y = y * (th - xh * y * y)
    return y


def _sc_body(s_hbm, o_hbm, r_hbm, e_tab, r_tab, out_hbm,
             idx_s, idx_o, idx_r, rows_s, rows_o, rows_r, out_v, sem):
    wid = lax.axis_index("s") * 2 + lax.axis_index("c")
    row0 = wid * N_CHUNKS
    base = wid * B_PER_W

    pltpu.sync_copy(s_hbm.at[pl.ds(row0, N_CHUNKS)], idx_s)
    pltpu.sync_copy(o_hbm.at[pl.ds(row0, N_CHUNKS)], idx_o)
    pltpu.sync_copy(r_hbm.at[pl.ds(row0, N_CHUNKS)], idx_r)

    copies = []
    for j in range(N_CHUNKS):
        dst = pl.ds(j * CHUNK, CHUNK)
        copies.append(pltpu.async_copy(e_tab.at[idx_s.at[j]], rows_s.at[dst], sem))
        copies.append(pltpu.async_copy(e_tab.at[idx_o.at[j]], rows_o.at[dst], sem))
        copies.append(pltpu.async_copy(r_tab.at[idx_r.at[j]], rows_r.at[dst], sem))
    for c in copies:
        c.wait()

    lane = lax.iota(jnp.int32, 16)

    def group(g, carry):
        vals = jnp.zeros((16,), jnp.float32)
        for l in range(16):
            e = g * 16 + l
            a = [rows_s[e, pl.ds(16 * k, 16)] for k in range(4)]
            b = [rows_r[e, pl.ds(16 * k, 16)] for k in range(4)]
            c = [rows_o[e, pl.ds(16 * k, 16)] for k in range(4)]
            ss = a[0] * a[0] + a[1] * a[1] + a[2] * a[2] + a[3] * a[3]
            sr = b[0] * b[0] + b[1] * b[1] + b[2] * b[2] + b[3] * b[3]
            so = c[0] * c[0] + c[1] * c[1] + c[2] * c[2] + c[3] * c[3]
            inv_s = _fast_rsqrt(jnp.sum(ss))
            inv_r = _fast_rsqrt(jnp.sum(sr))
            inv_o = _fast_rsqrt(jnp.sum(so))
            acc = jnp.abs(a[0] * inv_s + b[0] * inv_r - c[0] * inv_o)
            for k in range(1, 4):
                acc = acc + jnp.abs(a[k] * inv_s + b[k] * inv_r - c[k] * inv_o)
            vals = jnp.where(lane == l, jnp.sum(acc), vals)
        out_v[pl.ds(g * 16, 16)] = vals
        return carry

    lax.fori_loop(0, B_PER_W // 16, group, jnp.int32(0))

    pltpu.sync_copy(out_v, out_hbm.at[pl.ds(base, B_PER_W)])


@jax.jit
def kernel(s, r, o, e_embeddings, r_embeddings):
    s2 = s.astype(jnp.int32).reshape(BATCH // CHUNK, CHUNK)
    o2 = o.astype(jnp.int32).reshape(BATCH // CHUNK, CHUNK)
    r2 = r.astype(jnp.int32).reshape(BATCH // CHUNK, CHUNK)

    mesh = plsc.VectorSubcoreMesh(core_axis_name="c", subcore_axis_name="s")
    run = pl.kernel(
        _sc_body,
        out_type=jax.ShapeDtypeStruct((BATCH,), jnp.float32),
        mesh=mesh,
        compiler_params=pltpu.CompilerParams(
            needs_layout_passes=False, use_tc_tiling_on_sc=False),
        scratch_types=[
            pltpu.VMEM((N_CHUNKS, CHUNK), jnp.int32),
            pltpu.VMEM((N_CHUNKS, CHUNK), jnp.int32),
            pltpu.VMEM((N_CHUNKS, CHUNK), jnp.int32),
            pltpu.VMEM((B_PER_W, EMBED_DIM), jnp.float32),
            pltpu.VMEM((B_PER_W, EMBED_DIM), jnp.float32),
            pltpu.VMEM((B_PER_W, EMBED_DIM), jnp.float32),
            pltpu.VMEM((B_PER_W,), jnp.float32),
            pltpu.SemaphoreType.DMA,
        ],
    )
    return run(s2, o2, r2, e_embeddings, r_embeddings)

# --- scband reference (transcript-rebuilt; emitter-appended) ---
"""Pipeline reference for scband-trans-emodel-74466142978069 (READ-ONLY COPY).

The authoritative reference and input builder live on the scoring server;
editing this copy changes nothing except your own understanding.
"""

import jax, jax.numpy as jnp
import numpy as np

NUM_ENTITIES = 1000000
NUM_RELATIONS = 1000
EMBED_DIM = 64
BATCH = 16384


def _l2_normalize(x, eps=1e-12):
    norm = jnp.sqrt(jnp.sum(x * x, axis=-1, keepdims=True))
    return x / jnp.maximum(norm, eps)


def setup_inputs(seed: int = 0) -> dict:
    key = jax.random.key(seed)
    k1, k2, k3, k4, k5 = jax.random.split(key, 5)
    s = jax.random.randint(k1, (BATCH,), 0, NUM_ENTITIES, dtype=jnp.int64 if jax.config.jax_enable_x64 else jnp.int32)
    o = jax.random.randint(k2, (BATCH,), 0, NUM_ENTITIES, dtype=jnp.int64 if jax.config.jax_enable_x64 else jnp.int32)
    r = jax.random.randint(k3, (BATCH,), 0, NUM_RELATIONS, dtype=jnp.int64 if jax.config.jax_enable_x64 else jnp.int32)
    # Xavier-uniform-initialized embedding tables (learned parameters)
    bound_e = float(np.sqrt(6.0 / (NUM_ENTITIES + EMBED_DIM)))
    bound_r = float(np.sqrt(6.0 / (NUM_RELATIONS + EMBED_DIM)))
    e_embeddings = jax.random.uniform(k4, (NUM_ENTITIES, EMBED_DIM), dtype=jnp.float32, minval=-bound_e, maxval=bound_e)
    r_embeddings = jax.random.uniform(k5, (NUM_RELATIONS, EMBED_DIM), dtype=jnp.float32, minval=-bound_r, maxval=bound_r)
    return {"s": s, "r": r, "o": o, "e_embeddings": e_embeddings, "r_embeddings": r_embeddings}


def reference(s, r, o, e_embeddings, r_embeddings):
    # Embedding lookups (gathers)
    se = jnp.take(e_embeddings, s, axis=0)
    oe = jnp.take(e_embeddings, o, axis=0)
    re = jnp.take(r_embeddings, r, axis=0)
    # F.normalize(p=2, dim=-1)
    se = _l2_normalize(se)
    re = _l2_normalize(re)
    oe = _l2_normalize(oe)
    # torch.norm(s + r - o, p=1, dim=-1)
    return jnp.sum(jnp.abs(se + re - oe), axis=-1)

if __name__ == "__main__":
    import jax
    _d = setup_inputs()
    print(jax.jit(kernel)(*tuple(_d.values())))

</pallas_src>

<mosaic_0001>
#map = affine_map<(d0, d1) -> (0, 0)>
#map1 = affine_map<(d0, d1) -> (0)>
module attributes {stable_mosaic.version = 14 : i64} {
  func.func @_sc_body(%arg0: i32, %arg1: i32, %arg2: memref<128x128xi32, #tpu.memory_space<hbm>>, %arg3: memref<128x128xi32, #tpu.memory_space<hbm>>, %arg4: memref<128x128xi32, #tpu.memory_space<hbm>>, %arg5: memref<1000000x64xf32, #tpu.memory_space<hbm>>, %arg6: memref<1000x64xf32, #tpu.memory_space<hbm>>, %arg7: memref<16384xf32, #tpu.memory_space<hbm>>, %arg8: memref<4x128xi32, #tpu.memory_space<vmem>>, %arg9: memref<4x128xi32, #tpu.memory_space<vmem>>, %arg10: memref<4x128xi32, #tpu.memory_space<vmem>>, %arg11: memref<512x64xf32, #tpu.memory_space<vmem>>, %arg12: memref<512x64xf32, #tpu.memory_space<vmem>>, %arg13: memref<512x64xf32, #tpu.memory_space<vmem>>, %arg14: memref<512xf32, #tpu.memory_space<vmem>>, %arg15: memref<!tpu.dma_semaphore, #tpu.memory_space<semaphore_mem>>) attributes {dimension_semantics = [#tpu.dimension_semantics<core_parallel>, #tpu.dimension_semantics<subcore_parallel>], iteration_bounds = array<i64: 2, 16>, scalar_prefetch = 0 : i64, scratch_operands = 8 : i64, tpu.core_type = #tpu.core_type<sc_vector_subcore>, window_params = [{transform_indices = #map}, {transform_indices = #map}, {transform_indices = #map}, {transform_indices = #map}, {transform_indices = #map}, {transform_indices = #map1}]} {
    %mul3A = arith.constant 2 : i32
    %mul3A_0 = arith.muli %arg1, %mul3A : i32
    %add3A = arith.addi %mul3A_0, %arg0 : i32
    %mul3A_1 = arith.constant 4 : i32
    %mul3A_2 = arith.muli %add3A, %mul3A_1 : i32
    %mul3A_3 = arith.constant 512 : i32
    %mul3A_4 = arith.muli %add3A, %mul3A_3 : i32
    "tpu.region"() ({
      %run_scoped3A = tpu.sem_alloc : memref<!tpu.dma_semaphore, #tpu.memory_space<semaphore_mem>>
      %dma_start3A_248 = arith.constant 0 : i32
      %dma_start3A_249 = tpu.memref_slice %arg2[%mul3A_2, %dma_start3A_248] : memref<128x128xi32, #tpu.memory_space<hbm>> -> memref<4x128xi32, #tpu.memory_space<hbm>>
      %dma_start3A_250 = arith.constant 0 : i32
      %dma_start3A_251 = tpu.memref_slice %arg2[%mul3A_2, %dma_start3A_250] : memref<128x128xi32, #tpu.memory_space<hbm>> -> memref<4x128xi32, #tpu.memory_space<hbm>>
      tpu.enqueue_dma source(%dma_start3A_251 : memref<4x128xi32, #tpu.memory_space<hbm>>) target(%arg8 : memref<4x128xi32, #tpu.memory_space<vmem>>) target_semaphore(%run_scoped3A : memref<!tpu.dma_semaphore, #tpu.memory_space<semaphore_mem>>)
      %dma_wait3A_252 = arith.constant 0 : i32
      %dma_wait3A_253 = tpu.memref_slice %arg2[%mul3A_2, %dma_wait3A_252] : memref<128x128xi32, #tpu.memory_space<hbm>> -> memref<4x128xi32, #tpu.memory_space<hbm>>
      %dma_wait3A_254 = arith.constant 0 : i32
      %dma_wait3A_255 = tpu.memref_slice %arg2[%mul3A_2, %dma_wait3A_254] : memref<128x128xi32, #tpu.memory_space<hbm>> -> memref<4x128xi32, #tpu.memory_space<hbm>>
      tpu.wait_dma2 semaphore(%run_scoped3A : memref<!tpu.dma_semaphore, #tpu.memory_space<semaphore_mem>>) src(%dma_wait3A_255 : memref<4x128xi32, #tpu.memory_space<hbm>>) dst(%arg8 : memref<4x128xi32, #tpu.memory_space<vmem>>)
      tpu.yield
    }) : () -> ()
    "tpu.region"() ({
      %run_scoped3A = tpu.sem_alloc : memref<!tpu.dma_semaphore, #tpu.memory_space<semaphore_mem>>
      %dma_start3A_248 = arith.constant 0 : i32
      %dma_start3A_249 = tpu.memref_slice %arg3[%mul3A_2, %dma_start3A_248] : memref<128x128xi32, #tpu.memory_space<hbm>> -> memref<4x128xi32, #tpu.memory_space<hbm>>
      %dma_start3A_250 = arith.constant 0 : i32
      %dma_start3A_251 = tpu.memref_slice %arg3[%mul3A_2, %dma_start3A_250] : memref<128x128xi32, #tpu.memory_space<hbm>> -> memref<4x128xi32, #tpu.memory_space<hbm>>
      tpu.enqueue_dma source(%dma_start3A_251 : memref<4x128xi32, #tpu.memory_space<hbm>>) target(%arg9 : memref<4x128xi32, #tpu.memory_space<vmem>>) target_semaphore(%run_scoped3A : memref<!tpu.dma_semaphore, #tpu.memory_space<semaphore_mem>>)
      %dma_wait3A_252 = arith.constant 0 : i32
      %dma_wait3A_253 = tpu.memref_slice %arg3[%mul3A_2, %dma_wait3A_252] : memref<128x128xi32, #tpu.memory_space<hbm>> -> memref<4x128xi32, #tpu.memory_space<hbm>>
      %dma_wait3A_254 = arith.constant 0 : i32
      %dma_wait3A_255 = tpu.memref_slice %arg3[%mul3A_2, %dma_wait3A_254] : memref<128x128xi32, #tpu.memory_space<hbm>> -> memref<4x128xi32, #tpu.memory_space<hbm>>
      tpu.wait_dma2 semaphore(%run_scoped3A : memref<!tpu.dma_semaphore, #tpu.memory_space<semaphore_mem>>) src(%dma_wait3A_255 : memref<4x128xi32, #tpu.memory_space<hbm>>) dst(%arg9 : memref<4x128xi32, #tpu.memory_space<vmem>>)
      tpu.yield
    }) : () -> ()
    "tpu.region"() ({
      %run_scoped3A = tpu.sem_alloc : memref<!tpu.dma_semaphore, #tpu.memory_space<semaphore_mem>>
      %dma_start3A_248 = arith.constant 0 : i32
      %dma_start3A_249 = tpu.memref_slice %arg4[%mul3A_2, %dma_start3A_248] : memref<128x128xi32, #tpu.memory_space<hbm>> -> memref<4x128xi32, #tpu.memory_space<hbm>>
      %dma_start3A_250 = arith.constant 0 : i32
      %dma_start3A_251 = tpu.memref_slice %arg4[%mul3A_2, %dma_start3A_250] : memref<128x128xi32, #tpu.memory_space<hbm>> -> memref<4x128xi32, #tpu.memory_space<hbm>>
      tpu.enqueue_dma source(%dma_start3A_251 : memref<4x128xi32, #tpu.memory_space<hbm>>) target(%arg10 : memref<4x128xi32, #tpu.memory_space<vmem>>) target_semaphore(%run_scoped3A : memref<!tpu.dma_semaphore, #tpu.memory_space<semaphore_mem>>)
      %dma_wait3A_252 = arith.constant 0 : i32
      %dma_wait3A_253 = tpu.memref_slice %arg4[%mul3A_2, %dma_wait3A_252] : memref<128x128xi32, #tpu.memory_space<hbm>> -> memref<4x128xi32, #tpu.memory_space<hbm>>
      %dma_wait3A_254 = arith.constant 0 : i32
      %dma_wait3A_255 = tpu.memref_slice %arg4[%mul3A_2, %dma_wait3A_254] : memref<128x128xi32, #tpu.memory_space<hbm>> -> memref<4x128xi32, #tpu.memory_space<hbm>>
      tpu.wait_dma2 semaphore(%run_scoped3A : memref<!tpu.dma_semaphore, #tpu.memory_space<semaphore_mem>>) src(%dma_wait3A_255 : memref<4x128xi32, #tpu.memory_space<hbm>>) dst(%arg10 : memref<4x128xi32, #tpu.memory_space<vmem>>)
      tpu.yield
    }) : () -> ()
    %dma_start3A = arith.constant 0 : i32
    %dma_start3A_5 = arith.constant 0 : i32
    %dma_start3A_6 = arith.constant 0 : i32
    %dma_start3A_7 = tpu.memref_slice %arg11[%dma_start3A_5, %dma_start3A_6] : memref<512x64xf32, #tpu.memory_space<vmem>> -> memref<128x64xf32, #tpu.memory_space<vmem>>
    %dma_start3A_8 = arith.constant 0 : i32
    %dma_start3A_9 = tpu.memref_slice %arg8[%dma_start3A, %dma_start3A_8] : memref<4x128xi32, #tpu.memory_space<vmem>> -> memref<1x128xi32, #tpu.memory_space<vmem>>
    %dma_start3A_10 = tpu.memref_squeeze %dma_start3A_9 : memref<1x128xi32, #tpu.memory_space<vmem>> -> memref<128xi32, #tpu.memory_space<vmem>>
    %dma_start3A_11 = arith.constant 0 : i32
    %dma_start3A_12 = arith.constant 0 : i32
    %dma_start3A_13 = tpu.memref_slice %arg5[%dma_start3A_11, %dma_start3A_12] : memref<1000000x64xf32, #tpu.memory_space<hbm>> -> memref<1000000x64xf32, #tpu.memory_space<hbm>>
    tpu.enqueue_indirect_dma source(%dma_start3A_13 : memref<1000000x64xf32, #tpu.memory_space<hbm>>) target(%dma_start3A_7 : memref<128x64xf32, #tpu.memory_space<vmem>>) offsets(%dma_start3A_10 : memref<128xi32, #tpu.memory_space<vmem>>) semaphore(%arg15 : memref<!tpu.dma_semaphore, #tpu.memory_space<semaphore_mem>>)
    %dma_start3A_14 = arith.constant 0 : i32
    %dma_start3A_15 = arith.constant 0 : i32
    %dma_start3A_16 = arith.constant 0 : i32
    %dma_start3A_17 = tpu.memref_slice %arg12[%dma_start3A_15, %dma_start3A_16] : memref<512x64xf32, #tpu.memory_space<vmem>> -> memref<128x64xf32, #tpu.memory_space<vmem>>
    %dma_start3A_18 = arith.constant 0 : i32
    %dma_start3A_19 = tpu.memref_slice %arg9[%dma_start3A_14, %dma_start3A_18] : memref<4x128xi32, #tpu.memory_space<vmem>> -> memref<1x128xi32, #tpu.memory_space<vmem>>
    %dma_start3A_20 = tpu.memref_squeeze %dma_start3A_19 : memref<1x128xi32, #tpu.memory_space<vmem>> -> memref<128xi32, #tpu.memory_space<vmem>>
    %dma_start3A_21 = arith.constant 0 : i32
    %dma_start3A_22 = arith.constant 0 : i32
    %dma_start3A_23 = tpu.memref_slice %arg5[%dma_start3A_21, %dma_start3A_22] : memref<1000000x64xf32, #tpu.memory_space<hbm>> -> memref<1000000x64xf32, #tpu.memory_space<hbm>>
    tpu.enqueue_indirect_dma source(%dma_start3A_23 : memref<1000000x64xf32, #tpu.memory_space<hbm>>) target(%dma_start3A_17 : memref<128x64xf32, #tpu.memory_space<vmem>>) offsets(%dma_start3A_20 : memref<128xi32, #tpu.memory_space<vmem>>) semaphore(%arg15 : memref<!tpu.dma_semaphore, #tpu.memory_space<semaphore_mem>>)
    %dma_start3A_24 = arith.constant 0 : i32
    %dma_start3A_25 = arith.constant 0 : i32
    %dma_start3A_26 = arith.constant 0 : i32
    %dma_start3A_27 = tpu.memref_slice %arg13[%dma_start3A_25, %dma_start3A_26] : memref<512x64xf32, #tpu.memory_space<vmem>> -> memref<128x64xf32, #tpu.memory_space<vmem>>
    %dma_start3A_28 = arith.constant 0 : i32
    %dma_start3A_29 = tpu.memref_slice %arg10[%dma_start3A_24, %dma_start3A_28] : memref<4x128xi32, #tpu.memory_space<vmem>> -> memref<1x128xi32, #tpu.memory_space<vmem>>
    %dma_start3A_30 = tpu.memref_squeeze %dma_start3A_29 : memref<1x128xi32, #tpu.memory_space<vmem>> -> memref<128xi32, #tpu.memory_space<vmem>>
    %dma_start3A_31 = arith.constant 0 : i32
    %dma_start3A_32 = arith.constant 0 : i32
    %dma_start3A_33 = tpu.memref_slice %arg6[%dma_start3A_31, %dma_start3A_32] : memref<1000x64xf32, #tpu.memory_space<hbm>> -> memref<1000x64xf32, #tpu.memory_space<hbm>>
    tpu.enqueue_indirect_dma source(%dma_start3A_33 : memref<1000x64xf32, #tpu.memory_space<hbm>>) target(%dma_start3A_27 : memref<128x64xf32, #tpu.memory_space<vmem>>) offsets(%dma_start3A_30 : memref<128xi32, #tpu.memory_space<vmem>>) semaphore(%arg15 : memref<!tpu.dma_semaphore, #tpu.memory_space<semaphore_mem>>)
    %dma_start3A_34 = arith.constant 1 : i32
    %dma_start3A_35 = arith.constant 128 : i32
    %dma_start3A_36 = arith.constant 0 : i32
    %dma_start3A_37 = tpu.memref_slice %arg11[%dma_start3A_35, %dma_start3A_36] : memref<512x64xf32, #tpu.memory_space<vmem>> -> memref<128x64xf32, #tpu.memory_space<vmem>>
    %dma_start3A_38 = arith.constant 0 : i32
    %dma_start3A_39 = tpu.memref_slice %arg8[%dma_start3A_34, %dma_start3A_38] : memref<4x128xi32, #tpu.memory_space<vmem>> -> memref<1x128xi32, #tpu.memory_space<vmem>>
    %dma_start3A_40 = tpu.memref_squeeze %dma_start3A_39 : memref<1x128xi32, #tpu.memory_space<vmem>> -> memref<128xi32, #tpu.memory_space<vmem>>
    %dma_start3A_41 = arith.constant 0 : i32
    %dma_start3A_42 = arith.constant 0 : i32
    %dma_start3A_43 = tpu.memref_slice %arg5[%dma_start3A_41, %dma_start3A_42] : memref<1000000x64xf32, #tpu.memory_space<hbm>> -> memref<1000000x64xf32, #tpu.memory_space<hbm>>
    tpu.enqueue_indirect_dma source(%dma_start3A_43 : memref<1000000x64xf32, #tpu.memory_space<hbm>>) target(%dma_start3A_37 : memref<128x64xf32, #tpu.memory_space<vmem>>) offsets(%dma_start3A_40 : memref<128xi32, #tpu.memory_space<vmem>>) semaphore(%arg15 : memref<!tpu.dma_semaphore, #tpu.memory_space<semaphore_mem>>)
    %dma_start3A_44 = arith.constant 1 : i32
    %dma_start3A_45 = arith.constant 128 : i32
    %dma_start3A_46 = arith.constant 0 : i32
    %dma_start3A_47 = tpu.memref_slice %arg12[%dma_start3A_45, %dma_start3A_46] : memref<512x64xf32, #tpu.memory_space<vmem>> -> memref<128x64xf32, #tpu.memory_space<vmem>>
    %dma_start3A_48 = arith.constant 0 : i32
    %dma_start3A_49 = tpu.memref_slice %arg9[%dma_start3A_44, %dma_start3A_48] : memref<4x128xi32, #tpu.memory_space<vmem>> -> memref<1x128xi32, #tpu.memory_space<vmem>>
    %dma_start3A_50 = tpu.memref_squeeze %dma_start3A_49 : memref<1x128xi32, #tpu.memory_space<vmem>> -> memref<128xi32, #tpu.memory_space<vmem>>
    %dma_start3A_51 = arith.constant 0 : i32
    %dma_start3A_52 = arith.constant 0 : i32
    %dma_start3A_53 = tpu.memref_slice %arg5[%dma_start3A_51, %dma_start3A_52] : memref<1000000x64xf32, #tpu.memory_space<hbm>> -> memref<1000000x64xf32, #tpu.memory_space<hbm>>
    tpu.enqueue_indirect_dma source(%dma_start3A_53 : memref<1000000x64xf32, #tpu.memory_space<hbm>>) target(%dma_start3A_47 : memref<128x64xf32, #tpu.memory_space<vmem>>) offsets(%dma_start3A_50 : memref<128xi32, #tpu.memory_space<vmem>>) semaphore(%arg15 : memref<!tpu.dma_semaphore, #tpu.memory_space<semaphore_mem>>)
    %dma_start3A_54 = arith.constant 1 : i32
    %dma_start3A_55 = arith.constant 128 : i32
    %dma_start3A_56 = arith.constant 0 : i32
    %dma_start3A_57 = tpu.memref_slice %arg13[%dma_start3A_55, %dma_start3A_56] : memref<512x64xf32, #tpu.memory_space<vmem>> -> memref<128x64xf32, #tpu.memory_space<vmem>>
    %dma_start3A_58 = arith.constant 0 : i32
    %dma_start3A_59 = tpu.memref_slice %arg10[%dma_start3A_54, %dma_start3A_58] : memref<4x128xi32, #tpu.memory_space<vmem>> -> memref<1x128xi32, #tpu.memory_space<vmem>>
    %dma_start3A_60 = tpu.memref_squeeze %dma_start3A_59 : memref<1x128xi32, #tpu.memory_space<vmem>> -> memref<128xi32, #tpu.memory_space<vmem>>
    %dma_start3A_61 = arith.constant 0 : i32
    %dma_start3A_62 = arith.constant 0 : i32
    %dma_start3A_63 = tpu.memref_slice %arg6[%dma_start3A_61, %dma_start3A_62] : memref<1000x64xf32, #tpu.memory_space<hbm>> -> memref<1000x64xf32, #tpu.memory_space<hbm>>
    tpu.enqueue_indirect_dma source(%dma_start3A_63 : memref<1000x64xf32, #tpu.memory_space<hbm>>) target(%dma_start3A_57 : memref<128x64xf32, #tpu.memory_space<vmem>>) offsets(%dma_start3A_60 : memref<128xi32, #tpu.memory_space<vmem>>) semaphore(%arg15 : memref<!tpu.dma_semaphore, #tpu.memory_space<semaphore_mem>>)
    %dma_start3A_64 = arith.constant 2 : i32
    %dma_start3A_65 = arith.constant 256 : i32
    %dma_start3A_66 = arith.constant 0 : i32
    %dma_start3A_67 = tpu.memref_slice %arg11[%dma_start3A_65, %dma_start3A_66] : memref<512x64xf32, #tpu.memory_space<vmem>> -> memref<128x64xf32, #tpu.memory_space<vmem>>
    %dma_start3A_68 = arith.constant 0 : i32
    %dma_start3A_69 = tpu.memref_slice %arg8[%dma_start3A_64, %dma_start3A_68] : memref<4x128xi32, #tpu.memory_space<vmem>> -> memref<1x128xi32, #tpu.memory_space<vmem>>
    %dma_start3A_70 = tpu.memref_squeeze %dma_start3A_69 : memref<1x128xi32, #tpu.memory_space<vmem>> -> memref<128xi32, #tpu.memory_space<vmem>>
    %dma_start3A_71 = arith.constant 0 : i32
    %dma_start3A_72 = arith.constant 0 : i32
    %dma_start3A_73 = tpu.memref_slice %arg5[%dma_start3A_71, %dma_start3A_72] : memref<1000000x64xf32, #tpu.memory_space<hbm>> -> memref<1000000x64xf32, #tpu.memory_space<hbm>>
    tpu.enqueue_indirect_dma source(%dma_start3A_73 : memref<1000000x64xf32, #tpu.memory_space<hbm>>) target(%dma_start3A_67 : memref<128x64xf32, #tpu.memory_space<vmem>>) offsets(%dma_start3A_70 : memref<128xi32, #tpu.memory_space<vmem>>) semaphore(%arg15 : memref<!tpu.dma_semaphore, #tpu.memory_space<semaphore_mem>>)
    %dma_start3A_74 = arith.constant 2 : i32
    %dma_start3A_75 = arith.constant 256 : i32
    %dma_start3A_76 = arith.constant 0 : i32
    %dma_start3A_77 = tpu.memref_slice %arg12[%dma_start3A_75, %dma_start3A_76] : memref<512x64xf32, #tpu.memory_space<vmem>> -> memref<128x64xf32, #tpu.memory_space<vmem>>
    %dma_start3A_78 = arith.constant 0 : i32
    %dma_start3A_79 = tpu.memref_slice %arg9[%dma_start3A_74, %dma_start3A_78] : memref<4x128xi32, #tpu.memory_space<vmem>> -> memref<1x128xi32, #tpu.memory_space<vmem>>
    %dma_start3A_80 = tpu.memref_squeeze %dma_start3A_79 : memref<1x128xi32, #tpu.memory_space<vmem>> -> memref<128xi32, #tpu.memory_space<vmem>>
    %dma_start3A_81 = arith.constant 0 : i32
    %dma_start3A_82 = arith.constant 0 : i32
    %dma_start3A_83 = tpu.memref_slice %arg5[%dma_start3A_81, %dma_start3A_82] : memref<1000000x64xf32, #tpu.memory_space<hbm>> -> memref<1000000x64xf32, #tpu.memory_space<hbm>>
    tpu.enqueue_indirect_dma source(%dma_start3A_83 : memref<1000000x64xf32, #tpu.memory_space<hbm>>) target(%dma_start3A_77 : memref<128x64xf32, #tpu.memory_space<vmem>>) offsets(%dma_start3A_80 : memref<128xi32, #tpu.memory_space<vmem>>) semaphore(%arg15 : memref<!tpu.dma_semaphore, #tpu.memory_space<semaphore_mem>>)
    %dma_start3A_84 = arith.constant 2 : i32
    %dma_start3A_85 = arith.constant 256 : i32
    %dma_start3A_86 = arith.constant 0 : i32
    %dma_start3A_87 = tpu.memref_slice %arg13[%dma_start3A_85, %dma_start3A_86] : memref<512x64xf32, #tpu.memory_space<vmem>> -> memref<128x64xf32, #tpu.memory_space<vmem>>
    %dma_start3A_88 = arith.constant 0 : i32
    %dma_start3A_89 = tpu.memref_slice %arg10[%dma_start3A_84, %dma_start3A_88] : memref<4x128xi32, #tpu.memory_space<vmem>> -> memref<1x128xi32, #tpu.memory_space<vmem>>
    %dma_start3A_90 = tpu.memref_squeeze %dma_start3A_89 : memref<1x128xi32, #tpu.memory_space<vmem>> -> memref<128xi32, #tpu.memory_space<vmem>>
    %dma_start3A_91 = arith.constant 0 : i32
    %dma_start3A_92 = arith.constant 0 : i32
    %dma_start3A_93 = tpu.memref_slice %arg6[%dma_start3A_91, %dma_start3A_92] : memref<1000x64xf32, #tpu.memory_space<hbm>> -> memref<1000x64xf32, #tpu.memory_space<hbm>>
    tpu.enqueue_indirect_dma source(%dma_start3A_93 : memref<1000x64xf32, #tpu.memory_space<hbm>>) target(%dma_start3A_87 : memref<128x64xf32, #tpu.memory_space<vmem>>) offsets(%dma_start3A_90 : memref<128xi32, #tpu.memory_space<vmem>>) semaphore(%arg15 : memref<!tpu.dma_semaphore, #tpu.memory_space<semaphore_mem>>)
    %dma_start3A_94 = arith.constant 3 : i32
    %dma_start3A_95 = arith.constant 384 : i32
    %dma_start3A_96 = arith.constant 0 : i32
    %dma_start3A_97 = tpu.memref_slice %arg11[%dma_start3A_95, %dma_start3A_96] : memref<512x64xf32, #tpu.memory_space<vmem>> -> memref<128x64xf32, #tpu.memory_space<vmem>>
    %dma_start3A_98 = arith.constant 0 : i32
    %dma_start3A_99 = tpu.memref_slice %arg8[%dma_start3A_94, %dma_start3A_98] : memref<4x128xi32, #tpu.memory_space<vmem>> -> memref<1x128xi32, #tpu.memory_space<vmem>>
    %dma_start3A_100 = tpu.memref_squeeze %dma_start3A_99 : memref<1x128xi32, #tpu.memory_space<vmem>> -> memref<128xi32, #tpu.memory_space<vmem>>
    %dma_start3A_101 = arith.constant 0 : i32
    %dma_start3A_102 = arith.constant 0 : i32
    %dma_start3A_103 = tpu.memref_slice %arg5[%dma_start3A_101, %dma_start3A_102] : memref<1000000x64xf32, #tpu.memory_space<hbm>> -> memref<1000000x64xf32, #tpu.memory_space<hbm>>
    tpu.enqueue_indirect_dma source(%dma_start3A_103 : memref<1000000x64xf32, #tpu.memory_space<hbm>>) target(%dma_start3A_97 : memref<128x64xf32, #tpu.memory_space<vmem>>) offsets(%dma_start3A_100 : memref<128xi32, #tpu.memory_space<vmem>>) semaphore(%arg15 : memref<!tpu.dma_semaphore, #tpu.memory_space<semaphore_mem>>)
    %dma_start3A_104 = arith.constant 3 : i32
    %dma_start3A_105 = arith.constant 384 : i32
    %dma_start3A_106 = arith.constant 0 : i32
    %dma_start3A_107 = tpu.memref_slice %arg12[%dma_start3A_105, %dma_start3A_106] : memref<512x64xf32, #tpu.memory_space<vmem>> -> memref<128x64xf32, #tpu.memory_space<vmem>>
    %dma_start3A_108 = arith.constant 0 : i32
    %dma_start3A_109 = tpu.memref_slice %arg9[%dma_start3A_104, %dma_start3A_108] : memref<4x128xi32, #tpu.memory_space<vmem>> -> memref<1x128xi32, #tpu.memory_space<vmem>>
    %dma_start3A_110 = tpu.memref_squeeze %dma_start3A_109 : memref<1x128xi32, #tpu.memory_space<vmem>> -> memref<128xi32, #tpu.memory_space<vmem>>
    %dma_start3A_111 = arith.constant 0 : i32
    %dma_start3A_112 = arith.constant 0 : i32
    %dma_start3A_113 = tpu.memref_slice %arg5[%dma_start3A_111, %dma_start3A_112] : memref<1000000x64xf32, #tpu.memory_space<hbm>> -> memref<1000000x64xf32, #tpu.memory_space<hbm>>
    tpu.enqueue_indirect_dma source(%dma_start3A_113 : memref<1000000x64xf32, #tpu.memory_space<hbm>>) target(%dma_start3A_107 : memref<128x64xf32, #tpu.memory_space<vmem>>) offsets(%dma_start3A_110 : memref<128xi32, #tpu.memory_space<vmem>>) semaphore(%arg15 : memref<!tpu.dma_semaphore, #tpu.memory_space<semaphore_mem>>)
    %dma_start3A_114 = arith.constant 3 : i32
    %dma_start3A_115 = arith.constant 384 : i32
    %dma_start3A_116 = arith.constant 0 : i32
    %dma_start3A_117 = tpu.memref_slice %arg13[%dma_start3A_115, %dma_start3A_116] : memref<512x64xf32, #tpu.memory_space<vmem>> -> memref<128x64xf32, #tpu.memory_space<vmem>>
    %dma_start3A_118 = arith.constant 0 : i32
    %dma_start3A_119 = tpu.memref_slice %arg10[%dma_start3A_114, %dma_start3A_118] : memref<4x128xi32, #tpu.memory_space<vmem>> -> memref<1x128xi32, #tpu.memory_space<vmem>>
    %dma_start3A_120 = tpu.memref_squeeze %dma_start3A_119 : memref<1x128xi32, #tpu.memory_space<vmem>> -> memref<128xi32, #tpu.memory_space<vmem>>
    %dma_start3A_121 = arith.constant 0 : i32
    %dma_start3A_122 = arith.constant 0 : i32
    %dma_start3A_123 = tpu.memref_slice %arg6[%dma_start3A_121, %dma_start3A_122] : memref<1000x64xf32, #tpu.memory_space<hbm>> -> memref<1000x64xf32, #tpu.memory_space<hbm>>
    tpu.enqueue_indirect_dma source(%dma_start3A_123 : memref<1000x64xf32, #tpu.memory_space<hbm>>) target(%dma_start3A_117 : memref<128x64xf32, #tpu.memory_space<vmem>>) offsets(%dma_start3A_120 : memref<128xi32, #tpu.memory_space<vmem>>) semaphore(%arg15 : memref<!tpu.dma_semaphore, #tpu.memory_space<semaphore_mem>>)
    %dma_wait3A = arith.constant 0 : i32
    %dma_wait3A_124 = arith.constant 0 : i32
    %dma_wait3A_125 = arith.constant 0 : i32
    %dma_wait3A_126 = tpu.memref_slice %arg11[%dma_wait3A_124, %dma_wait3A_125] : memref<512x64xf32, #tpu.memory_space<vmem>> -> memref<128x64xf32, #tpu.memory_space<vmem>>
    %dma_wait3A_127 = arith.constant 0 : i32
    %dma_wait3A_128 = tpu.memref_slice %arg8[%dma_wait3A, %dma_wait3A_127] : memref<4x128xi32, #tpu.memory_space<vmem>> -> memref<1x128xi32, #tpu.memory_space<vmem>>
    %dma_wait3A_129 = tpu.memref_squeeze %dma_wait3A_128 : memref<1x128xi32, #tpu.memory_space<vmem>> -> memref<128xi32, #tpu.memory_space<vmem>>
    %dma_wait3A_130 = arith.constant 0 : i32
    %dma_wait3A_131 = arith.constant 0 : i32
    %dma_wait3A_132 = tpu.memref_slice %arg5[%dma_wait3A_130, %dma_wait3A_131] : memref<1000000x64xf32, #tpu.memory_space<hbm>> -> memref<1000000x64xf32, #tpu.memory_space<hbm>>
    tpu.wait_indirect_dma semaphore(%arg15 : memref<!tpu.dma_semaphore, #tpu.memory_space<semaphore_mem>>) src(%dma_wait3A_132 : memref<1000000x64xf32, #tpu.memory_space<hbm>>) dst(%dma_wait3A_126 : memref<128x64xf32, #tpu.memory_space<vmem>>)
    %dma_wait3A_133 = arith.constant 0 : i32
    %dma_wait3A_134 = arith.constant 0 : i32
    %dma_wait3A_135 = arith.constant 0 : i32
    %dma_wait3A_136 = tpu.memref_slice %arg12[%dma_wait3A_134, %dma_wait3A_135] : memref<512x64xf32, #tpu.memory_space<vmem>> -> memref<128x64xf32, #tpu.memory_space<vmem>>
    %dma_wait3A_137 = arith.constant 0 : i32
    %dma_wait3A_138 = tpu.memref_slice %arg9[%dma_wait3A_133, %dma_wait3A_137] : memref<4x128xi32, #tpu.memory_space<vmem>> -> memref<1x128xi32, #tpu.memory_space<vmem>>
    %dma_wait3A_139 = tpu.memref_squeeze %dma_wait3A_138 : memref<1x128xi32, #tpu.memory_space<vmem>> -> memref<128xi32, #tpu.memory_space<vmem>>
    %dma_wait3A_140 = arith.constant 0 : i32
    %dma_wait3A_141 = arith.constant 0 : i32
    %dma_wait3A_142 = tpu.memref_slice %arg5[%dma_wait3A_140, %dma_wait3A_141] : memref<1000000x64xf32, #tpu.memory_space<hbm>> -> memref<1000000x64xf32, #tpu.memory_space<hbm>>
    tpu.wait_indirect_dma semaphore(%arg15 : memref<!tpu.dma_semaphore, #tpu.memory_space<semaphore_mem>>) src(%dma_wait3A_142 : memref<1000000x64xf32, #tpu.memory_space<hbm>>) dst(%dma_wait3A_136 : memref<128x64xf32, #tpu.memory_space<vmem>>)
    %dma_wait3A_143 = arith.constant 0 : i32
    %dma_wait3A_144 = arith.constant 0 : i32
    %dma_wait3A_145 = arith.constant 0 : i32
    %dma_wait3A_146 = tpu.memref_slice %arg13[%dma_wait3A_144, %dma_wait3A_145] : memref<512x64xf32, #tpu.memory_space<vmem>> -> memref<128x64xf32, #tpu.memory_space<vmem>>
    %dma_wait3A_147 = arith.constant 0 : i32
    %dma_wait3A_148 = tpu.memref_slice %arg10[%dma_wait3A_143, %dma_wait3A_147] : memref<4x128xi32, #tpu.memory_space<vmem>> -> memref<1x128xi32, #tpu.memory_space<vmem>>
    %dma_wait3A_149 = tpu.memref_squeeze %dma_wait3A_148 : memref<1x128xi32, #tpu.memory_space<vmem>> -> memref<128xi32, #tpu.memory_space<vmem>>
    %dma_wait3A_150 = arith.constant 0 : i32
    %dma_wait3A_151 = arith.constant 0 : i32
    %dma_wait3A_152 = tpu.memref_slice %arg6[%dma_wait3A_150, %dma_wait3A_151] : memref<1000x64xf32, #tpu.memory_space<hbm>> -> memref<1000x64xf32, #tpu.memory_space<hbm>>
    tpu.wait_indirect_dma semaphore(%arg15 : memref<!tpu.dma_semaphore, #tpu.memory_space<semaphore_mem>>) src(%dma_wait3A_152 : memref<1000x64xf32, #tpu.memory_space<hbm>>) dst(%dma_wait3A_146 : memref<128x64xf32, #tpu.memory_space<vmem>>)
    %dma_wait3A_153 = arith.constant 1 : i32
    %dma_wait3A_154 = arith.constant 128 : i32
    %dma_wait3A_155 = arith.constant 0 : i32
    %dma_wait3A_156 = tpu.memref_slice %arg11[%dma_wait3A_154, %dma_wait3A_155] : memref<512x64xf32, #tpu.memory_space<vmem>> -> memref<128x64xf32, #tpu.memory_space<vmem>>
    %dma_wait3A_157 = arith.constant 0 : i32
    %dma_wait3A_158 = tpu.memref_slice %arg8[%dma_wait3A_153, %dma_wait3A_157] : memref<4x128xi32, #tpu.memory_space<vmem>> -> memref<1x128xi32, #tpu.memory_space<vmem>>
    %dma_wait3A_159 = tpu.memref_squeeze %dma_wait3A_158 : memref<1x128xi32, #tpu.memory_space<vmem>> -> memref<128xi32, #tpu.memory_space<vmem>>
    %dma_wait3A_160 = arith.constant 0 : i32
    %dma_wait3A_161 = arith.constant 0 : i32
    %dma_wait3A_162 = tpu.memref_slice %arg5[%dma_wait3A_160, %dma_wait3A_161] : memref<1000000x64xf32, #tpu.memory_space<hbm>> -> memref<1000000x64xf32, #tpu.memory_space<hbm>>
    tpu.wait_indirect_dma semaphore(%arg15 : memref<!tpu.dma_semaphore, #tpu.memory_space<semaphore_mem>>) src(%dma_wait3A_162 : memref<1000000x64xf32, #tpu.memory_space<hbm>>) dst(%dma_wait3A_156 : memref<128x64xf32, #tpu.memory_space<vmem>>)
    %dma_wait3A_163 = arith.constant 1 : i32
    %dma_wait3A_164 = arith.constant 128 : i32
    %dma_wait3A_165 = arith.constant 0 : i32
    %dma_wait3A_166 = tpu.memref_slice %arg12[%dma_wait3A_164, %dma_wait3A_165] : memref<512x64xf32, #tpu.memory_space<vmem>> -> memref<128x64xf32, #tpu.memory_space<vmem>>
    %dma_wait3A_167 = arith.constant 0 : i32
    %dma_wait3A_168 = tpu.memref_slice %arg9[%dma_wait3A_163, %dma_wait3A_167] : memref<4x128xi32, #tpu.memory_space<vmem>> -> memref<1x128xi32, #tpu.memory_space<vmem>>
    %dma_wait3A_169 = tpu.memref_squeeze %dma_wait3A_168 : memref<1x128xi32, #tpu.memory_space<vmem>> -> memref<128xi32, #tpu.memory_space<vmem>>
    %dma_wait3A_170 = arith.constant 0 : i32
    %dma_wait3A_171 = arith.constant 0 : i32
    %dma_wait3A_172 = tpu.memref_slice %arg5[%dma_wait3A_170, %dma_wait3A_171] : memref<1000000x64xf32, #tpu.memory_space<hbm>> -> memref<1000000x64xf32, #tpu.memory_space<hbm>>
    tpu.wait_indirect_dma semaphore(%arg15 : memref<!tpu.dma_semaphore, #tpu.memory_space<semaphore_mem>>) src(%dma_wait3A_172 : memref<1000000x64xf32, #tpu.memory_space<hbm>>) dst(%dma_wait3A_166 : memref<128x64xf32, #tpu.memory_space<vmem>>)
    %dma_wait3A_173 = arith.constant 1 : i32
    %dma_wait3A_174 = arith.constant 128 : i32
    %dma_wait3A_175 = arith.constant 0 : i32
    %dma_wait3A_176 = tpu.memref_slice %arg13[%dma_wait3A_174, %dma_wait3A_175] : memref<512x64xf32, #tpu.memory_space<vmem>> -> memref<128x64xf32, #tpu.memory_space<vmem>>
    %dma_wait3A_177 = arith.constant 0 : i32
    %dma_wait3A_178 = tpu.memref_slice %arg10[%dma_wait3A_173, %dma_wait3A_177] : memref<4x128xi32, #tpu.memory_space<vmem>> -> memref<1x128xi32, #tpu.memory_space<vmem>>
    %dma_wait3A_179 = tpu.memref_squeeze %dma_wait3A_178 : memref<1x128xi32, #tpu.memory_space<vmem>> -> memref<128xi32, #tpu.memory_space<vmem>>
    %dma_wait3A_180 = arith.constant 0 : i32
    %dma_wait3A_181 = arith.constant 0 : i32
    %dma_wait3A_182 = tpu.memref_slice %arg6[%dma_wait3A_180, %dma_wait3A_181] : memref<1000x64xf32, #tpu.memory_space<hbm>> -> memref<1000x64xf32, #tpu.memory_space<hbm>>
    tpu.wait_indirect_dma semaphore(%arg15 : memref<!tpu.dma_semaphore, #tpu.memory_space<semaphore_mem>>) src(%dma_wait3A_182 : memref<1000x64xf32, #tpu.memory_space<hbm>>) dst(%dma_wait3A_176 : memref<128x64xf32, #tpu.memory_space<vmem>>)
    %dma_wait3A_183 = arith.constant 2 : i32
    %dma_wait3A_184 = arith.constant 256 : i32
    %dma_wait3A_185 = arith.constant 0 : i32
    %dma_wait3A_186 = tpu.memref_slice %arg11[%dma_wait3A_184, %dma_wait3A_185] : memref<512x64xf32, #tpu.memory_space<vmem>> -> memref<128x64xf32, #tpu.memory_space<vmem>>
    %dma_wait3A_187 = arith.constant 0 : i32
    %dma_wait3A_188 = tpu.memref_slice %arg8[%dma_wait3A_183, %dma_wait3A_187] : memref<4x128xi32, #tpu.memory_space<vmem>> -> memref<1x128xi32, #tpu.memory_space<vmem>>
    %dma_wait3A_189 = tpu.memref_squeeze %dma_wait3A_188 : memref<1x128xi32, #tpu.memory_space<vmem>> -> memref<128xi32, #tpu.memory_space<vmem>>
    %dma_wait3A_190 = arith.constant 0 : i32
    %dma_wait3A_191 = arith.constant 0 : i32
    %dma_wait3A_192 = tpu.memref_slice %arg5[%dma_wait3A_190, %dma_wait3A_191] : memref<1000000x64xf32, #tpu.memory_space<hbm>> -> memref<1000000x64xf32, #tpu.memory_space<hbm>>
    tpu.wait_indirect_dma semaphore(%arg15 : memref<!tpu.dma_semaphore, #tpu.memory_space<semaphore_mem>>) src(%dma_wait3A_192 : memref<1000000x64xf32, #tpu.memory_space<hbm>>) dst(%dma_wait3A_186 : memref<128x64xf32, #tpu.memory_space<vmem>>)
    %dma_wait3A_193 = arith.constant 2 : i32
    %dma_wait3A_194 = arith.constant 256 : i32
    %dma_wait3A_195 = arith.constant 0 : i32
    %dma_wait3A_196 = tpu.memref_slice %arg12[%dma_wait3A_194, %dma_wait3A_195] : memref<512x64xf32, #tpu.memory_space<vmem>> -> memref<128x64xf32, #tpu.memory_space<vmem>>
    %dma_wait3A_197 = arith.constant 0 : i32
    %dma_wait3A_198 = tpu.memref_slice %arg9[%dma_wait3A_193, %dma_wait3A_197] : memref<4x128xi32, #tpu.memory_space<vmem>> -> memref<1x128xi32, #tpu.memory_space<vmem>>
    %dma_wait3A_199 = tpu.memref_squeeze %dma_wait3A_198 : memref<1x128xi32, #tpu.memory_space<vmem>> -> memref<128xi32, #tpu.memory_space<vmem>>
    %dma_wait3A_200 = arith.constant 0 : i32
    %dma_wait3A_201 = arith.constant 0 : i32
    %dma_wait3A_202 = tpu.memref_slice %arg5[%dma_wait3A_200, %dma_wait3A_201] : memref<1000000x64xf32, #tpu.memory_space<hbm>> -> memref<1000000x64xf32, #tpu.memory_space<hbm>>
    tpu.wait_indirect_dma semaphore(%arg15 : memref<!tpu.dma_semaphore, #tpu.memory_space<semaphore_mem>>) src(%dma_wait3A_202 : memref<1000000x64xf32, #tpu.memory_space<hbm>>) dst(%dma_wait3A_196 : memref<128x64xf32, #tpu.memory_space<vmem>>)
    %dma_wait3A_203 = arith.constant 2 : i32
    %dma_wait3A_204 = arith.constant 256 : i32
    %dma_wait3A_205 = arith.constant 0 : i32
    %dma_wait3A_206 = tpu.memref_slice %arg13[%dma_wait3A_204, %dma_wait3A_205] : memref<512x64xf32, #tpu.memory_space<vmem>> -> memref<128x64xf32, #tpu.memory_space<vmem>>
    %dma_wait3A_207 = arith.constant 0 : i32
    %dma_wait3A_208 = tpu.memref_slice %arg10[%dma_wait3A_203, %dma_wait3A_207] : memref<4x128xi32, #tpu.memory_space<vmem>> -> memref<1x128xi32, #tpu.memory_space<vmem>>
    %dma_wait3A_209 = tpu.memref_squeeze %dma_wait3A_208 : memref<1x128xi32, #tpu.memory_space<vmem>> -> memref<128xi32, #tpu.memory_space<vmem>>
    %dma_wait3A_210 = arith.constant 0 : i32
    %dma_wait3A_211 = arith.constant 0 : i32
    %dma_wait3A_212 = tpu.memref_slice %arg6[%dma_wait3A_210, %dma_wait3A_211] : memref<1000x64xf32, #tpu.memory_space<hbm>> -> memref<1000x64xf32, #tpu.memory_space<hbm>>
    tpu.wait_indirect_dma semaphore(%arg15 : memref<!tpu.dma_semaphore, #tpu.memory_space<semaphore_mem>>) src(%dma_wait3A_212 : memref<1000x64xf32, #tpu.memory_space<hbm>>) dst(%dma_wait3A_206 : memref<128x64xf32, #tpu.memory_space<vmem>>)
    %dma_wait3A_213 = arith.constant 3 : i32
    %dma_wait3A_214 = arith.constant 384 : i32
    %dma_wait3A_215 = arith.constant 0 : i32
    %dma_wait3A_216 = tpu.memref_slice %arg11[%dma_wait3A_214, %dma_wait3A_215] : memref<512x64xf32, #tpu.memory_space<vmem>> -> memref<128x64xf32, #tpu.memory_space<vmem>>
    %dma_wait3A_217 = arith.constant 0 : i32
    %dma_wait3A_218 = tpu.memref_slice %arg8[%dma_wait3A_213, %dma_wait3A_217] : memref<4x128xi32, #tpu.memory_space<vmem>> -> memref<1x128xi32, #tpu.memory_space<vmem>>
    %dma_wait3A_219 = tpu.memref_squeeze %dma_wait3A_218 : memref<1x128xi32, #tpu.memory_space<vmem>> -> memref<128xi32, #tpu.memory_space<vmem>>
    %dma_wait3A_220 = arith.constant 0 : i32
    %dma_wait3A_221 = arith.constant 0 : i32
    %dma_wait3A_222 = tpu.memref_slice %arg5[%dma_wait3A_220, %dma_wait3A_221] : memref<1000000x64xf32, #tpu.memory_space<hbm>> -> memref<1000000x64xf32, #tpu.memory_space<hbm>>
    tpu.wait_indirect_dma semaphore(%arg15 : memref<!tpu.dma_semaphore, #tpu.memory_space<semaphore_mem>>) src(%dma_wait3A_222 : memref<1000000x64xf32, #tpu.memory_space<hbm>>) dst(%dma_wait3A_216 : memref<128x64xf32, #tpu.memory_space<vmem>>)
    %dma_wait3A_223 = arith.constant 3 : i32
    %dma_wait3A_224 = arith.constant 384 : i32
    %dma_wait3A_225 = arith.constant 0 : i32
    %dma_wait3A_226 = tpu.memref_slice %arg12[%dma_wait3A_224, %dma_wait3A_225] : memref<512x64xf32, #tpu.memory_space<vmem>> -> memref<128x64xf32, #tpu.memory_space<vmem>>
    %dma_wait3A_227 = arith.constant 0 : i32
    %dma_wait3A_228 = tpu.memref_slice %arg9[%dma_wait3A_223, %dma_wait3A_227] : memref<4x128xi32, #tpu.memory_space<vmem>> -> memref<1x128xi32, #tpu.memory_space<vmem>>
    %dma_wait3A_229 = tpu.memref_squeeze %dma_wait3A_228 : memref<1x128xi32, #tpu.memory_space<vmem>> -> memref<128xi32, #tpu.memory_space<vmem>>
    %dma_wait3A_230 = arith.constant 0 : i32
    %dma_wait3A_231 = arith.constant 0 : i32
    %dma_wait3A_232 = tpu.memref_slice %arg5[%dma_wait3A_230, %dma_wait3A_231] : memref<1000000x64xf32, #tpu.memory_space<hbm>> -> memref<1000000x64xf32, #tpu.memory_space<hbm>>
    tpu.wait_indirect_dma semaphore(%arg15 : memref<!tpu.dma_semaphore, #tpu.memory_space<semaphore_mem>>) src(%dma_wait3A_232 : memref<1000000x64xf32, #tpu.memory_space<hbm>>) dst(%dma_wait3A_226 : memref<128x64xf32, #tpu.memory_space<vmem>>)
    %dma_wait3A_233 = arith.constant 3 : i32
    %dma_wait3A_234 = arith.constant 384 : i32
    %dma_wait3A_235 = arith.constant 0 : i32
    %dma_wait3A_236 = tpu.memref_slice %arg13[%dma_wait3A_234, %dma_wait3A_235] : memref<512x64xf32, #tpu.memory_space<vmem>> -> memref<128x64xf32, #tpu.memory_space<vmem>>
    %dma_wait3A_237 = arith.constant 0 : i32
    %dma_wait3A_238 = tpu.memref_slice %arg10[%dma_wait3A_233, %dma_wait3A_237] : memref<4x128xi32, #tpu.memory_space<vmem>> -> memref<1x128xi32, #tpu.memory_space<vmem>>
    %dma_wait3A_239 = tpu.memref_squeeze %dma_wait3A_238 : memref<1x128xi32, #tpu.memory_space<vmem>> -> memref<128xi32, #tpu.memory_space<vmem>>
    %dma_wait3A_240 = arith.constant 0 : i32
    %dma_wait3A_241 = arith.constant 0 : i32
    %dma_wait3A_242 = tpu.memref_slice %arg6[%dma_wait3A_240, %dma_wait3A_241] : memref<1000x64xf32, #tpu.memory_space<hbm>> -> memref<1000x64xf32, #tpu.memory_space<hbm>>
    tpu.wait_indirect_dma semaphore(%arg15 : memref<!tpu.dma_semaphore, #tpu.memory_space<semaphore_mem>>) src(%dma_wait3A_242 : memref<1000x64xf32, #tpu.memory_space<hbm>>) dst(%dma_wait3A_236 : memref<128x64xf32, #tpu.memory_space<vmem>>)
    %iota3A = tpu.iota {dimensions = array<i32: 0>} : vector<16xi32>
    %scan3A = arith.constant 0 : i32
    %scan3A_243 = arith.constant 0 : i32
    %scan3A_244 = arith.constant 32 : i32
    %scan3A_245 = arith.addi %scan3A_243, %scan3A_244 : i32
    %scan3A_246 = arith.constant 1 : i32
    scf.for %scan3A_248 = %scan3A_243 to %scan3A_245 step %scan3A_246  : i32 {
      %broadcast_in_dim3A = arith.constant 0.000000e+00 : f32
      %broadcast_in_dim3A_249 = vector.broadcast %broadcast_in_dim3A : f32 to vector<16xf32>
      %mul3A_250 = arith.constant 16 : i32
      %mul3A_251 = arith.muli %scan3A_248, %mul3A_250 : i32
      %add3A_252 = arith.constant 0 : i32
      %add3A_253 = arith.addi %mul3A_251, %add3A_252 : i32
      %get3A = arith.index_cast %add3A_253 : i32 to index
      %get3A_254 = arith.constant 0 : index
      %get3A_255 = tpu.vector_load %arg11[%get3A, %get3A_254] {strides = array<i32>} : memref<512x64xf32, #tpu.memory_space<vmem>>, vector<16xf32>,
      %get3A_256 = arith.index_cast %add3A_253 : i32 to index
      %get3A_257 = arith.constant 16 : index
      %get3A_258 = tpu.vector_load %arg11[%get3A_256, %get3A_257] {strides = array<i32>} : memref<512x64xf32, #tpu.memory_space<vmem>>, vector<16xf32>,
      %get3A_259 = arith.index_cast %add3A_253 : i32 to index
      %get3A_260 = arith.constant 32 : index
      %get3A_261 = tpu.vector_load %arg11[%get3A_259, %get3A_260] {strides = array<i32>} : memref<512x64xf32, #tpu.memory_space<vmem>>, vector<16xf32>,
      %get3A_262 = arith.index_cast %add3A_253 : i32 to index
      %get3A_263 = arith.constant 48 : index
      %get3A_264 = tpu.vector_load %arg11[%get3A_262, %get3A_263] {strides = array<i32>} : memref<512x64xf32, #tpu.memory_space<vmem>>, vector<16xf32>,
      %get3A_265 = arith.index_cast %add3A_253 : i32 to index
      %get3A_266 = arith.constant 0 : index
      %get3A_267 = tpu.vector_load %arg13[%get3A_265, %get3A_266] {strides = array<i32>} : memref<512x64xf32, #tpu.memory_space<vmem>>, vector<16xf32>,
      %get3A_268 = arith.index_cast %add3A_253 : i32 to index
      %get3A_269 = arith.constant 16 : index
      %get3A_270 = tpu.vector_load %arg13[%get3A_268, %get3A_269] {strides = array<i32>} : memref<512x64xf32, #tpu.memory_space<vmem>>, vector<16xf32>,
      %get3A_271 = arith.index_cast %add3A_253 : i32 to index
      %get3A_272 = arith.constant 32 : index
      %get3A_273 = tpu.vector_load %arg13[%get3A_271, %get3A_272] {strides = array<i32>} : memref<512x64xf32, #tpu.memory_space<vmem>>, vector<16xf32>,
      %get3A_274 = arith.index_cast %add3A_253 : i32 to index
      %get3A_275 = arith.constant 48 : index
      %get3A_276 = tpu.vector_load %arg13[%get3A_274, %get3A_275] {strides = array<i32>} : memref<512x64xf32, #tpu.memory_space<vmem>>, vector<16xf32>,
      %get3A_277 = arith.index_cast %add3A_253 : i32 to index
      %get3A_278 = arith.constant 0 : index
      %get3A_279 = tpu.vector_load %arg12[%get3A_277, %get3A_278] {strides = array<i32>} : memref<512x64xf32, #tpu.memory_space<vmem>>, vector<16xf32>,
      %get3A_280 = arith.index_cast %add3A_253 : i32 to index
      %get3A_281 = arith.constant 16 : index
      %get3A_282 = tpu.vector_load %arg12[%get3A_280, %get3A_281] {strides = array<i32>} : memref<512x64xf32, #tpu.memory_space<vmem>>, vector<16xf32>,
      %get3A_283 = arith.index_cast %add3A_253 : i32 to index
      %get3A_284 = arith.constant 32 : index
      %get3A_285 = tpu.vector_load %arg12[%get3A_283, %get3A_284] {strides = array<i32>} : memref<512x64xf32, #tpu.memory_space<vmem>>, vector<16xf32>,
      %get3A_286 = arith.index_cast %add3A_253 : i32 to index
      %get3A_287 = arith.constant 48 : index
      %get3A_288 = tpu.vector_load %arg12[%get3A_286, %get3A_287] {strides = array<i32>} : memref<512x64xf32, #tpu.memory_space<vmem>>, vector<16xf32>,
      %mul3A_289 = arith.mulf %get3A_255, %get3A_255 : vector<16xf32>
      %mul3A_290 = arith.mulf %get3A_258, %get3A_258 : vector<16xf32>
      %add3A_291 = arith.addf %mul3A_289, %mul3A_290 : vector<16xf32>
      %mul3A_292 = arith.mulf %get3A_261, %get3A_261 : vector<16xf32>
      %add3A_293 = arith.addf %add3A_291, %mul3A_292 : vector<16xf32>
      %mul3A_294 = arith.mulf %get3A_264, %get3A_264 : vector<16xf32>
      %add3A_295 = arith.addf %add3A_293, %mul3A_294 : vector<16xf32>
      %mul3A_296 = arith.mulf %get3A_267, %get3A_267 : vector<16xf32>
      %mul3A_297 = arith.mulf %get3A_270, %get3A_270 : vector<16xf32>
      %add3A_298 = arith.addf %mul3A_296, %mul3A_297 : vector<16xf32>
      %mul3A_299 = arith.mulf %get3A_273, %get3A_273 : vector<16xf32>
      %add3A_300 = arith.addf %add3A_298, %mul3A_299 : vector<16xf32>
      %mul3A_301 = arith.mulf %get3A_276, %get3A_276 : vector<16xf32>
      %add3A_302 = arith.addf %add3A_300, %mul3A_301 : vector<16xf32>
      %mul3A_303 = arith.mulf %get3A_279, %get3A_279 : vector<16xf32>
      %mul3A_304 = arith.mulf %get3A_282, %get3A_282 : vector<16xf32>
      %add3A_305 = arith.addf %mul3A_303, %mul3A_304 : vector<16xf32>
      %mul3A_306 = arith.mulf %get3A_285, %get3A_285 : vector<16xf32>
      %add3A_307 = arith.addf %add3A_305, %mul3A_306 : vector<16xf32>
      %mul3A_308 = arith.mulf %get3A_288, %get3A_288 : vector<16xf32>
      %add3A_309 = arith.addf %add3A_307, %mul3A_308 : vector<16xf32>
      %reduce_sum3A = arith.constant true
      %reduce_sum3A_310 = vector.broadcast %reduce_sum3A : i1 to vector<16xi1>
      %reduce_sum3A_311 = tpu.scan <sum>, %add3A_295 masked %reduce_sum3A_310 : vector<16xf32>, vector<16xi1> -> vector<16xf32>
      %reduce_sum3A_312 = vector.extract %reduce_sum3A_311[15] : f32 from vector<16xf32>
      %bitcast_convert_type3A = arith.bitcast %reduce_sum3A_312 : f32 to i32
      %shift_right_arithmetic3A = arith.constant 1 : i32
      %shift_right_arithmetic3A_313 = arith.shrsi %bitcast_convert_type3A, %shift_right_arithmetic3A : i32
      %sub3A = arith.constant 1597463007 : i32
      %sub3A_314 = arith.subi %sub3A, %shift_right_arithmetic3A_313 : i32
      %bitcast_convert_type3A_315 = arith.bitcast %sub3A_314 : i32 to f32
      %mul3A_316 = arith.constant 5.000000e-01 : f32
      %mul3A_317 = arith.mulf %reduce_sum3A_312, %mul3A_316 : f32
      %mul3A_318 = arith.mulf %mul3A_317, %bitcast_convert_type3A_315 : f32
      %mul3A_319 = arith.mulf %mul3A_318, %bitcast_convert_type3A_315 : f32
      %sub3A_320 = arith.constant 1.500000e+00 : f32
      %sub3A_321 = arith.subf %sub3A_320, %mul3A_319 : f32
      %mul3A_322 = arith.mulf %bitcast_convert_type3A_315, %sub3A_321 : f32
      %mul3A_323 = arith.mulf %mul3A_317, %mul3A_322 : f32
      %mul3A_324 = arith.mulf %mul3A_323, %mul3A_322 : f32
      %sub3A_325 = arith.constant 1.500000e+00 : f32
      %sub3A_326 = arith.subf %sub3A_325, %mul3A_324 : f32
      %mul3A_327 = arith.mulf %mul3A_322, %sub3A_326 : f32
      %mul3A_328 = arith.mulf %mul3A_317, %mul3A_327 : f32
      %mul3A_329 = arith.mulf %mul3A_328, %mul3A_327 : f32
      %sub3A_330 = arith.constant 1.500000e+00 : f32
      %sub3A_331 = arith.subf %sub3A_330, %mul3A_329 : f32
      %mul3A_332 = arith.mulf %mul3A_327, %sub3A_331 : f32
      %reduce_sum3A_333 = arith.constant true
      %reduce_sum3A_334 = vector.broadcast %reduce_sum3A_333 : i1 to vector<16xi1>
      %reduce_sum3A_335 = tpu.scan <sum>, %add3A_302 masked %reduce_sum3A_334 : vector<16xf32>, vector<16xi1> -> vector<16xf32>
      %reduce_sum3A_336 = vector.extract %reduce_sum3A_335[15] : f32 from vector<16xf32>
      %bitcast_convert_type3A_337 = arith.bitcast %reduce_sum3A_336 : f32 to i32
      %shift_right_arithmetic3A_338 = arith.constant 1 : i32
      %shift_right_arithmetic3A_339 = arith.shrsi %bitcast_convert_type3A_337, %shift_right_arithmetic3A_338 : i32
      %sub3A_340 = arith.constant 1597463007 : i32
      %sub3A_341 = arith.subi %sub3A_340, %shift_right_arithmetic3A_339 : i32
      %bitcast_convert_type3A_342 = arith.bitcast %sub3A_341 : i32 to f32
      %mul3A_343 = arith.constant 5.000000e-01 : f32
      %mul3A_344 = arith.mulf %reduce_sum3A_336, %mul3A_343 : f32
      %mul3A_345 = arith.mulf %mul3A_344, %bitcast_convert_type3A_342 : f32
      %mul3A_346 = arith.mulf %mul3A_345, %bitcast_convert_type3A_342 : f32
      %sub3A_347 = arith.constant 1.500000e+00 : f32
      %sub3A_348 = arith.subf %sub3A_347, %mul3A_346 : f32
      %mul3A_349 = arith.mulf %bitcast_convert_type3A_342, %sub3A_348 : f32
      %mul3A_350 = arith.mulf %mul3A_344, %mul3A_349 : f32
      %mul3A_351 = arith.mulf %mul3A_350, %mul3A_349 : f32
      %sub3A_352 = arith.constant 1.500000e+00 : f32
      %sub3A_353 = arith.subf %sub3A_352, %mul3A_351 : f32
      %mul3A_354 = arith.mulf %mul3A_349, %sub3A_353 : f32
      %mul3A_355 = arith.mulf %mul3A_344, %mul3A_354 : f32
      %mul3A_356 = arith.mulf %mul3A_355, %mul3A_354 : f32
      %sub3A_357 = arith.constant 1.500000e+00 : f32
      %sub3A_358 = arith.subf %sub3A_357, %mul3A_356 : f32
      %mul3A_359 = arith.mulf %mul3A_354, %sub3A_358 : f32
      %reduce_sum3A_360 = arith.constant true
      %reduce_sum3A_361 = vector.broadcast %reduce_sum3A_360 : i1 to vector<16xi1>
      %reduce_sum3A_362 = tpu.scan <sum>, %add3A_309 masked %reduce_sum3A_361 : vector<16xf32>, vector<16xi1> -> vector<16xf32>
      %reduce_sum3A_363 = vector.extract %reduce_sum3A_362[15] : f32 from vector<16xf32>
      %bitcast_convert_type3A_364 = arith.bitcast %reduce_sum3A_363 : f32 to i32
      %shift_right_arithmetic3A_365 = arith.constant 1 : i32
      %shift_right_arithmetic3A_366 = arith.shrsi %bitcast_convert_type3A_364, %shift_right_arithmetic3A_365 : i32
      %sub3A_367 = arith.constant 1597463007 : i32
      %sub3A_368 = arith.subi %sub3A_367, %shift_right_arithmetic3A_366 : i32
      %bitcast_convert_type3A_369 = arith.bitcast %sub3A_368 : i32 to f32
      %mul3A_370 = arith.constant 5.000000e-01 : f32
      %mul3A_371 = arith.mulf %reduce_sum3A_363, %mul3A_370 : f32
      %mul3A_372 = arith.mulf %mul3A_371, %bitcast_convert_type3A_369 : f32
      %mul3A_373 = arith.mulf %mul3A_372, %bitcast_convert_type3A_369 : f32
      %sub3A_374 = arith.constant 1.500000e+00 : f32
      %sub3A_375 = arith.subf %sub3A_374, %mul3A_373 : f32
      %mul3A_376 = arith.mulf %bitcast_convert_type3A_369, %sub3A_375 : f32
      %mul3A_377 = arith.mulf %mul3A_371, %mul3A_376 : f32
      %mul3A_378 = arith.mulf %mul3A_377, %mul3A_376 : f32
      %sub3A_379 = arith.constant 1.500000e+00 : f32
      %sub3A_380 = arith.subf %sub3A_379, %mul3A_378 : f32
      %mul3A_381 = arith.mulf %mul3A_376, %sub3A_380 : f32
      %mul3A_382 = arith.mulf %mul3A_371, %mul3A_381 : f32
      %mul3A_383 = arith.mulf %mul3A_382, %mul3A_381 : f32
      %sub3A_384 = arith.constant 1.500000e+00 : f32
      %sub3A_385 = arith.subf %sub3A_384, %mul3A_383 : f32
      %mul3A_386 = arith.mulf %mul3A_381, %sub3A_385 : f32
      %mul3A_387 = vector.broadcast %mul3A_332 : f32 to vector<16xf32>
      %mul3A_388 = arith.mulf %get3A_255, %mul3A_387 : vector<16xf32>
      %mul3A_389 = vector.broadcast %mul3A_359 : f32 to vector<16xf32>
      %mul3A_390 = arith.mulf %get3A_267, %mul3A_389 : vector<16xf32>
      %add3A_391 = arith.addf %mul3A_388, %mul3A_390 : vector<16xf32>
      %mul3A_392 = vector.broadcast %mul3A_386 : f32 to vector<16xf32>
      %mul3A_393 = arith.mulf %get3A_279, %mul3A_392 : vector<16xf32>
      %sub3A_394 = arith.subf %add3A_391, %mul3A_393 : vector<16xf32>
      %abs3A = math.absf %sub3A_394 : vector<16xf32>
      %mul3A_395 = vector.broadcast %mul3A_332 : f32 to vector<16xf32>
      %mul3A_396 = arith.mulf %get3A_258, %mul3A_395 : vector<16xf32>
      %mul3A_397 = vector.broadcast %mul3A_359 : f32 to vector<16xf32>
      %mul3A_398 = arith.mulf %get3A_270, %mul3A_397 : vector<16xf32>
      %add3A_399 = arith.addf %mul3A_396, %mul3A_398 : vector<16xf32>
      %mul3A_400 = vector.broadcast %mul3A_386 : f32 to vector<16xf32>
      %mul3A_401 = arith.mulf %get3A_282, %mul3A_400 : vector<16xf32>
      %sub3A_402 = arith.subf %add3A_399, %mul3A_401 : vector<16xf32>
      %abs3A_403 = math.absf %sub3A_402 : vector<16xf32>
      %add3A_404 = arith.addf %abs3A, %abs3A_403 : vector<16xf32>
      %mul3A_405 = vector.broadcast %mul3A_332 : f32 to vector<16xf32>
      %mul3A_406 = arith.mulf %get3A_261, %mul3A_405 : vector<16xf32>
      %mul3A_407 = vector.broadcast %mul3A_359 : f32 to vector<16xf32>
      %mul3A_408 = arith.mulf %get3A_273, %mul3A_407 : vector<16xf32>
      %add3A_409 = arith.addf %mul3A_406, %mul3A_408 : vector<16xf32>
      %mul3A_410 = vector.broadcast %mul3A_386 : f32 to vector<16xf32>
      %mul3A_411 = arith.mulf %get3A_285, %mul3A_410 : vector<16xf32>
      %sub3A_412 = arith.subf %add3A_409, %mul3A_411 : vector<16xf32>
      %abs3A_413 = math.absf %sub3A_412 : vector<16xf32>
      %add3A_414 = arith.addf %add3A_404, %abs3A_413 : vector<16xf32>
      %mul3A_415 = vector.broadcast %mul3A_332 : f32 to vector<16xf32>
      %mul3A_416 = arith.mulf %get3A_264, %mul3A_415 : vector<16xf32>
      %mul3A_417 = vector.broadcast %mul3A_359 : f32 to vector<16xf32>
      %mul3A_418 = arith.mulf %get3A_276, %mul3A_417 : vector<16xf32>
      %add3A_419 = arith.addf %mul3A_416, %mul3A_418 : vector<16xf32>
      %mul3A_420 = vector.broadcast %mul3A_386 : f32 to vector<16xf32>
      %mul3A_421 = arith.mulf %get3A_288, %mul3A_420 : vector<16xf32>
      %sub3A_422 = arith.subf %add3A_419, %mul3A_421 : vector<16xf32>
      %abs3A_423 = math.absf %sub3A_422 : vector<16xf32>
      %add3A_424 = arith.addf %add3A_414, %abs3A_423 : vector<16xf32>
      %eq3A = arith.constant 0 : i32
      %eq3A_425 = vector.broadcast %eq3A : i32 to vector<16xi32>
      %eq3A_426 = arith.cmpi eq, %iota3A, %eq3A_425 : vector<16xi32>
      %reduce_sum3A_427 = arith.constant true
      %reduce_sum3A_428 = vector.broadcast %reduce_sum3A_427 : i1 to vector<16xi1>
      %reduce_sum3A_429 = tpu.scan <sum>, %add3A_424 masked %reduce_sum3A_428 : vector<16xf32>, vector<16xi1> -> vector<16xf32>
      %reduce_sum3A_430 = vector.extract %reduce_sum3A_429[15] : f32 from vector<16xf32>
      %broadcast_in_dim3A_431 = vector.broadcast %reduce_sum3A_430 : f32 to vector<16xf32>
      %select_n3A = arith.select %eq3A_426, %broadcast_in_dim3A_431, %broadcast_in_dim3A_249 : vector<16xi1>, vector<16xf32>
      %mul3A_432 = arith.constant 16 : i32
      %mul3A_433 = arith.muli %scan3A_248, %mul3A_432 : i32
      %add3A_434 = arith.constant 1 : i32
      %add3A_435 = arith.addi %mul3A_433, %add3A_434 : i32
      %get3A_436 = arith.index_cast %add3A_435 : i32 to index
      %get3A_437 = arith.constant 0 : index
      %get3A_438 = tpu.vector_load %arg11[%get3A_436, %get3A_437] {strides = array<i32>} : memref<512x64xf32, #tpu.memory_space<vmem>>, vector<16xf32>,
      %get3A_439 = arith.index_cast %add3A_435 : i32 to index
      %get3A_440 = arith.constant 16 : index
      %get3A_441 = tpu.vector_load %arg11[%get3A_439, %get3A_440] {strides = array<i32>} : memref<512x64xf32, #tpu.memory_space<vmem>>, vector<16xf32>,
      %get3A_442 = arith.index_cast %add3A_435 : i32 to index
      %get3A_443 = arith.constant 32 : index
      %get3A_444 = tpu.vector_load %arg11[%get3A_442, %get3A_443] {strides = array<i32>} : memref<512x64xf32, #tpu.memory_space<vmem>>, vector<16xf32>,
      %get3A_445 = arith.index_cast %add3A_435 : i32 to index
      %get3A_446 = arith.constant 48 : index
      %get3A_447 = tpu.vector_load %arg11[%get3A_445, %get3A_446] {strides = array<i32>} : memref<512x64xf32, #tpu.memory_space<vmem>>, vector<16xf32>,
      %get3A_448 = arith.index_cast %add3A_435 : i32 to index
      %get3A_449 = arith.constant 0 : index
      %get3A_450 = tpu.vector_load %arg13[%get3A_448, %get3A_449] {strides = array<i32>} : memref<512x64xf32, #tpu.memory_space<vmem>>, vector<16xf32>,
      %get3A_451 = arith.index_cast %add3A_435 : i32 to index
      %get3A_452 = arith.constant 16 : index
      %get3A_453 = tpu.vector_load %arg13[%get3A_451, %get3A_452] {strides = array<i32>} : memref<512x64xf32, #tpu.memory_space<vmem>>, vector<16xf32>,
      %get3A_454 = arith.index_cast %add3A_435 : i32 to index
      %get3A_455 = arith.constant 32 : index
      %get3A_456 = tpu.vector_load %arg13[%get3A_454, %get3A_455] {strides = array<i32>} : memref<512x64xf32, #tpu.memory_space<vmem>>, vector<16xf32>,
      %get3A_457 = arith.index_cast %add3A_435 : i32 to index
      %get3A_458 = arith.constant 48 : index
      %get3A_459 = tpu.vector_load %arg13[%get3A_457, %get3A_458] {strides = array<i32>} : memref<512x64xf32, #tpu.memory_space<vmem>>, vector<16xf32>,
      %get3A_460 = arith.index_cast %add3A_435 : i32 to index
      %get3A_461 = arith.constant 0 : index
      %get3A_462 = tpu.vector_load %arg12[%get3A_460, %get3A_461] {strides = array<i32>} : memref<512x64xf32, #tpu.memory_space<vmem>>, vector<16xf32>,
      %get3A_463 = arith.index_cast %add3A_435 : i32 to index
      %get3A_464 = arith.constant 16 : index
      %get3A_465 = tpu.vector_load %arg12[%get3A_463, %get3A_464] {strides = array<i32>} : memref<512x64xf32, #tpu.memory_space<vmem>>, vector<16xf32>,
      %get3A_466 = arith.index_cast %add3A_435 : i32 to index
      %get3A_467 = arith.constant 32 : index
      %get3A_468 = tpu.vector_load %arg12[%get3A_466, %get3A_467] {strides = array<i32>} : memref<512x64xf32, #tpu.memory_space<vmem>>, vector<16xf32>,
      %get3A_469 = arith.index_cast %add3A_435 : i32 to index
      %get3A_470 = arith.constant 48 : index
      %get3A_471 = tpu.vector_load %arg12[%get3A_469, %get3A_470] {strides = array<i32>} : memref<512x64xf32, #tpu.memory_space<vmem>>, vector<16xf32>,
      %mul3A_472 = arith.mulf %get3A_438, %get3A_438 : vector<16xf32>
      %mul3A_473 = arith.mulf %get3A_441, %get3A_441 : vector<16xf32>
      %add3A_474 = arith.addf %mul3A_472, %mul3A_473 : vector<16xf32>
      %mul3A_475 = arith.mulf %get3A_444, %get3A_444 : vector<16xf32>
      %add3A_476 = arith.addf %add3A_474, %mul3A_475 : vector<16xf32>
      %mul3A_477 = arith.mulf %get3A_447, %get3A_447 : vector<16xf32>
      %add3A_478 = arith.addf %add3A_476, %mul3A_477 : vector<16xf32>
      %mul3A_479 = arith.mulf %get3A_450, %get3A_450 : vector<16xf32>
      %mul3A_480 = arith.mulf %get3A_453, %get3A_453 : vector<16xf32>
      %add3A_481 = arith.addf %mul3A_479, %mul3A_480 : vector<16xf32>
      %mul3A_482 = arith.mulf %get3A_456, %get3A_456 : vector<16xf32>
      %add3A_483 = arith.addf %add3A_481, %mul3A_482 : vector<16xf32>
      %mul3A_484 = arith.mulf %get3A_459, %get3A_459 : vector<16xf32>
      %add3A_485 = arith.addf %add3A_483, %mul3A_484 : vector<16xf32>
      %mul3A_486 = arith.mulf %get3A_462, %get3A_462 : vector<16xf32>
      %mul3A_487 = arith.mulf %get3A_465, %get3A_465 : vector<16xf32>
      %add3A_488 = arith.addf %mul3A_486, %mul3A_487 : vector<16xf32>
      %mul3A_489 = arith.mulf %get3A_468, %get3A_468 : vector<16xf32>
      %add3A_490 = arith.addf %add3A_488, %mul3A_489 : vector<16xf32>
      %mul3A_491 = arith.mulf %get3A_471, %get3A_471 : vector<16xf32>
      %add3A_492 = arith.addf %add3A_490, %mul3A_491 : vector<16xf32>
      %reduce_sum3A_493 = arith.constant true
      %reduce_sum3A_494 = vector.broadcast %reduce_sum3A_493 : i1 to vector<16xi1>
      %reduce_sum3A_495 = tpu.scan <sum>, %add3A_478 masked %reduce_sum3A_494 : vector<16xf32>, vector<16xi1> -> vector<16xf32>
      %reduce_sum3A_496 = vector.extract %reduce_sum3A_495[15] : f32 from vector<16xf32>
      %bitcast_convert_type3A_497 = arith.bitcast %reduce_sum3A_496 : f32 to i32
      %shift_right_arithmetic3A_498 = arith.constant 1 : i32
      %shift_right_arithmetic3A_499 = arith.shrsi %bitcast_convert_type3A_497, %shift_right_arithmetic3A_498 : i32
      %sub3A_500 = arith.constant 1597463007 : i32
      %sub3A_501 = arith.subi %sub3A_500, %shift_right_arithmetic3A_499 : i32
      %bitcast_convert_type3A_502 = arith.bitcast %sub3A_501 : i32 to f32
      %mul3A_503 = arith.constant 5.000000e-01 : f32
      %mul3A_504 = arith.mulf %reduce_sum3A_496, %mul3A_503 : f32
      %mul3A_505 = arith.mulf %mul3A_504, %bitcast_convert_type3A_502 : f32
      %mul3A_506 = arith.mulf %mul3A_505, %bitcast_convert_type3A_502 : f32
      %sub3A_507 = arith.constant 1.500000e+00 : f32
      %sub3A_508 = arith.subf %sub3A_507, %mul3A_506 : f32
      %mul3A_509 = arith.mulf %bitcast_convert_type3A_502, %sub3A_508 : f32
      %mul3A_510 = arith.mulf %mul3A_504, %mul3A_509 : f32
      %mul3A_511 = arith.mulf %mul3A_510, %mul3A_509 : f32
      %sub3A_512 = arith.constant 1.500000e+00 : f32
      %sub3A_513 = arith.subf %sub3A_512, %mul3A_511 : f32
      %mul3A_514 = arith.mulf %mul3A_509, %sub3A_513 : f32
      %mul3A_515 = arith.mulf %mul3A_504, %mul3A_514 : f32
      %mul3A_516 = arith.mulf %mul3A_515, %mul3A_514 : f32
      %sub3A_517 = arith.constant 1.500000e+00 : f32
      %sub3A_518 = arith.subf %sub3A_517, %mul3A_516 : f32
      %mul3A_519 = arith.mulf %mul3A_514, %sub3A_518 : f32
      %reduce_sum3A_520 = arith.constant true
      %reduce_sum3A_521 = vector.broadcast %reduce_sum3A_520 : i1 to vector<16xi1>
      %reduce_sum3A_522 = tpu.scan <sum>, %add3A_485 masked %reduce_sum3A_521 : vector<16xf32>, vector<16xi1> -> vector<16xf32>
      %reduce_sum3A_523 = vector.extract %reduce_sum3A_522[15] : f32 from vector<16xf32>
      %bitcast_convert_type3A_524 = arith.bitcast %reduce_sum3A_523 : f32 to i32
      %shift_right_arithmetic3A_525 = arith.constant 1 : i32
      %shift_right_arithmetic3A_526 = arith.shrsi %bitcast_convert_type3A_524, %shift_right_arithmetic3A_525 : i32
      %sub3A_527 = arith.constant 1597463007 : i32
      %sub3A_528 = arith.subi %sub3A_527, %shift_right_arithmetic3A_526 : i32
      %bitcast_convert_type3A_529 = arith.bitcast %sub3A_528 : i32 to f32
      %mul3A_530 = arith.constant 5.000000e-01 : f32
      %mul3A_531 = arith.mulf %reduce_sum3A_523, %mul3A_530 : f32
      %mul3A_532 = arith.mulf %mul3A_531, %bitcast_convert_type3A_529 : f32
      %mul3A_533 = arith.mulf %mul3A_532, %bitcast_convert_type3A_529 : f32
      %sub3A_534 = arith.constant 1.500000e+00 : f32
      %sub3A_535 = arith.subf %sub3A_534, %mul3A_533 : f32
      %mul3A_536 = arith.mulf %bitcast_convert_type3A_529, %sub3A_535 : f32
      %mul3A_537 = arith.mulf %mul3A_531, %mul3A_536 : f32
      %mul3A_538 = arith.mulf %mul3A_537, %mul3A_536 : f32
      %sub3A_539 = arith.constant 1.500000e+00 : f32
      %sub3A_540 = arith.subf %sub3A_539, %mul3A_538 : f32
      %mul3A_541 = arith.mulf %mul3A_536, %sub3A_540 : f32
      %mul3A_542 = arith.mulf %mul3A_531, %mul3A_541 : f32
      %mul3A_543 = arith.mulf %mul3A_542, %mul3A_541 : f32
      %sub3A_544 = arith.constant 1.500000e+00 : f32
      %sub3A_545 = arith.subf %sub3A_544, %mul3A_543 : f32
      %mul3A_546 = arith.mulf %mul3A_541, %sub3A_545 : f32
      %reduce_sum3A_547 = arith.constant true
      %reduce_sum3A_548 = vector.broadcast %reduce_sum3A_547 : i1 to vector<16xi1>
      %reduce_sum3A_549 = tpu.scan <sum>, %add3A_492 masked %reduce_sum3A_548 : vector<16xf32>, vector<16xi1> -> vector<16xf32>
      %reduce_sum3A_550 = vector.extract %reduce_sum3A_549[15] : f32 from vector<16xf32>
      %bitcast_convert_type3A_551 = arith.bitcast %reduce_sum3A_550 : f32 to i32
      %shift_right_arithmetic3A_552 = arith.constant 1 : i32
      %shift_right_arithmetic3A_553 = arith.shrsi %bitcast_convert_type3A_551, %shift_right_arithmetic3A_552 : i32
      %sub3A_554 = arith.constant 1597463007 : i32
      %sub3A_555 = arith.subi %sub3A_554, %shift_right_arithmetic3A_553 : i32
      %bitcast_convert_type3A_556 = arith.bitcast %sub3A_555 : i32 to f32
      %mul3A_557 = arith.constant 5.000000e-01 : f32
      %mul3A_558 = arith.mulf %reduce_sum3A_550, %mul3A_557 : f32
      %mul3A_559 = arith.mulf %mul3A_558, %bitcast_convert_type3A_556 : f32
      %mul3A_560 = arith.mulf %mul3A_559, %bitcast_convert_type3A_556 : f32
      %sub3A_561 = arith.constant 1.500000e+00 : f32
      %sub3A_562 = arith.subf %sub3A_561, %mul3A_560 : f32
      %mul3A_563 = arith.mulf %bitcast_convert_type3A_556, %sub3A_562 : f32
      %mul3A_564 = arith.mulf %mul3A_558, %mul3A_563 : f32
      %mul3A_565 = arith.mulf %mul3A_564, %mul3A_563 : f32
      %sub3A_566 = arith.constant 1.500000e+00 : f32
      %sub3A_567 = arith.subf %sub3A_566, %mul3A_565 : f32
      %mul3A_568 = arith.mulf %mul3A_563, %sub3A_567 : f32
      %mul3A_569 = arith.mulf %mul3A_558, %mul3A_568 : f32
      %mul3A_570 = arith.mulf %mul3A_569, %mul3A_568 : f32
      %sub3A_571 = arith.constant 1.500000e+00 : f32
      %sub3A_572 = arith.subf %sub3A_571, %mul3A_570 : f32
      %mul3A_573 = arith.mulf %mul3A_568, %sub3A_572 : f32
      %mul3A_574 = vector.broadcast %mul3A_519 : f32 to vector<16xf32>
      %mul3A_575 = arith.mulf %get3A_438, %mul3A_574 : vector<16xf32>
      %mul3A_576 = vector.broadcast %mul3A_546 : f32 to vector<16xf32>
      %mul3A_577 = arith.mulf %get3A_450, %mul3A_576 : vector<16xf32>
      %add3A_578 = arith.addf %mul3A_575, %mul3A_577 : vector<16xf32>
      %mul3A_579 = vector.broadcast %mul3A_573 : f32 to vector<16xf32>
      %mul3A_580 = arith.mulf %get3A_462, %mul3A_579 : vector<16xf32>
      %sub3A_581 = arith.subf %add3A_578, %mul3A_580 : vector<16xf32>
      %abs3A_582 = math.absf %sub3A_581 : vector<16xf32>
      %mul3A_583 = vector.broadcast %mul3A_519 : f32 to vector<16xf32>
      %mul3A_584 = arith.mulf %get3A_441, %mul3A_583 : vector<16xf32>
      %mul3A_585 = vector.broadcast %mul3A_546 : f32 to vector<16xf32>
      %mul3A_586 = arith.mulf %get3A_453, %mul3A_585 : vector<16xf32>
      %add3A_587 = arith.addf %mul3A_584, %mul3A_586 : vector<16xf32>
      %mul3A_588 = vector.broadcast %mul3A_573 : f32 to vector<16xf32>
      %mul3A_589 = arith.mulf %get3A_465, %mul3A_588 : vector<16xf32>
      %sub3A_590 = arith.subf %add3A_587, %mul3A_589 : vector<16xf32>
      %abs3A_591 = math.absf %sub3A_590 : vector<16xf32>
      %add3A_592 = arith.addf %abs3A_582, %abs3A_591 : vector<16xf32>
      %mul3A_593 = vector.broadcast %mul3A_519 : f32 to vector<16xf32>
      %mul3A_594 = arith.mulf %get3A_444, %mul3A_593 : vector<16xf32>
      %mul3A_595 = vector.broadcast %mul3A_546 : f32 to vector<16xf32>
      %mul3A_596 = arith.mulf %get3A_456, %mul3A_595 : vector<16xf32>
      %add3A_597 = arith.addf %mul3A_594, %mul3A_596 : vector<16xf32>
      %mul3A_598 = vector.broadcast %mul3A_573 : f32 to vector<16xf32>
      %mul3A_599 = arith.mulf %get3A_468, %mul3A_598 : vector<16xf32>
      %sub3A_600 = arith.subf %add3A_597, %mul3A_599 : vector<16xf32>
      %abs3A_601 = math.absf %sub3A_600 : vector<16xf32>
      %add3A_602 = arith.addf %add3A_592, %abs3A_601 : vector<16xf32>
      %mul3A_603 = vector.broadcast %mul3A_519 : f32 to vector<16xf32>
      %mul3A_604 = arith.mulf %get3A_447, %mul3A_603 : vector<16xf32>
      %mul3A_605 = vector.broadcast %mul3A_546 : f32 to vector<16xf32>
      %mul3A_606 = arith.mulf %get3A_459, %mul3A_605 : vector<16xf32>
      %add3A_607 = arith.addf %mul3A_604, %mul3A_606 : vector<16xf32>
      %mul3A_608 = vector.broadcast %mul3A_573 : f32 to vector<16xf32>
      %mul3A_609 = arith.mulf %get3A_471, %mul3A_608 : vector<16xf32>
      %sub3A_610 = arith.subf %add3A_607, %mul3A_609 : vector<16xf32>
      %abs3A_611 = math.absf %sub3A_610 : vector<16xf32>
      %add3A_612 = arith.addf %add3A_602, %abs3A_611 : vector<16xf32>
      %eq3A_613 = arith.constant 1 : i32
      %eq3A_614 = vector.broadcast %eq3A_613 : i32 to vector<16xi32>
      %eq3A_615 = arith.cmpi eq, %iota3A, %eq3A_614 : vector<16xi32>
      %reduce_sum3A_616 = arith.constant true
      %reduce_sum3A_617 = vector.broadcast %reduce_sum3A_616 : i1 to vector<16xi1>
      %reduce_sum3A_618 = tpu.scan <sum>, %add3A_612 masked %reduce_sum3A_617 : vector<16xf32>, vector<16xi1> -> vector<16xf32>
      %reduce_sum3A_619 = vector.extract %reduce_sum3A_618[15] : f32 from vector<16xf32>
      %broadcast_in_dim3A_620 = vector.broadcast %reduce_sum3A_619 : f32 to vector<16xf32>
      %select_n3A_621 = arith.select %eq3A_615, %broadcast_in_dim3A_620, %select_n3A : vector<16xi1>, vector<16xf32>
      %mul3A_622 = arith.constant 16 : i32
      %mul3A_623 = arith.muli %scan3A_248, %mul3A_622 : i32
      %add3A_624 = arith.constant 2 : i32
      %add3A_625 = arith.addi %mul3A_623, %add3A_624 : i32
      %get3A_626 = arith.index_cast %add3A_625 : i32 to index
      %get3A_627 = arith.constant 0 : index
      %get3A_628 = tpu.vector_load %arg11[%get3A_626, %get3A_627] {strides = array<i32>} : memref<512x64xf32, #tpu.memory_space<vmem>>, vector<16xf32>,
      %get3A_629 = arith.index_cast %add3A_625 : i32 to index
      %get3A_630 = arith.constant 16 : index
      %get3A_631 = tpu.vector_load %arg11[%get3A_629, %get3A_630] {strides = array<i32>} : memref<512x64xf32, #tpu.memory_space<vmem>>, vector<16xf32>,
      %get3A_632 = arith.index_cast %add3A_625 : i32 to index
      %get3A_633 = arith.constant 32 : index
      %get3A_634 = tpu.vector_load %arg11[%get3A_632, %get3A_633] {strides = array<i32>} : memref<512x64xf32, #tpu.memory_space<vmem>>, vector<16xf32>,
      %get3A_635 = arith.index_cast %add3A_625 : i32 to index
      %get3A_636 = arith.constant 48 : index
      %get3A_637 = tpu.vector_load %arg11[%get3A_635, %get3A_636] {strides = array<i32>} : memref<512x64xf32, #tpu.memory_space<vmem>>, vector<16xf32>,
      %get3A_638 = arith.index_cast %add3A_625 : i32 to index
      %get3A_639 = arith.constant 0 : index
      %get3A_640 = tpu.vector_load %arg13[%get3A_638, %get3A_639] {strides = array<i32>} : memref<512x64xf32, #tpu.memory_space<vmem>>, vector<16xf32>,
      %get3A_641 = arith.index_cast %add3A_625 : i32 to index
      %get3A_642 = arith.constant 16 : index
      %get3A_643 = tpu.vector_load %arg13[%get3A_641, %get3A_642] {strides = array<i32>} : memref<512x64xf32, #tpu.memory_space<vmem>>, vector<16xf32>,
      %get3A_644 = arith.index_cast %add3A_625 : i32 to index
      %get3A_645 = arith.constant 32 : index
      %get3A_646 = tpu.vector_load %arg13[%get3A_644, %get3A_645] {strides = array<i32>} : memref<512x64xf32, #tpu.memory_space<vmem>>, vector<16xf32>,
      %get3A_647 = arith.index_cast %add3A_625 : i32 to index
      %get3A_648 = arith.constant 48 : index
      %get3A_649 = tpu.vector_load %arg13[%get3A_647, %get3A_648] {strides = array<i32>} : memref<512x64xf32, #tpu.memory_space<vmem>>, vector<16xf32>,
      %get3A_650 = arith.index_cast %add3A_625 : i32 to index
      %get3A_651 = arith.constant 0 : index
      %get3A_652 = tpu.vector_load %arg12[%get3A_650, %get3A_651] {strides = array<i32>} : memref<512x64xf32, #tpu.memory_space<vmem>>, vector<16xf32>,
      %get3A_653 = arith.index_cast %add3A_625 : i32 to index
      %get3A_654 = arith.constant 16 : index
      %get3A_655 = tpu.vector_load %arg12[%get3A_653, %get3A_654] {strides = array<i32>} : memref<512x64xf32, #tpu.memory_space<vmem>>, vector<16xf32>,
      %get3A_656 = arith.index_cast %add3A_625 : i32 to index
      %get3A_657 = arith.constant 32 : index
      %get3A_658 = tpu.vector_load %arg12[%get3A_656, %get3A_657] {strides = array<i32>} : memref<512x64xf32, #tpu.memory_space<vmem>>, vector<16xf32>,
      %get3A_659 = arith.index_cast %add3A_625 : i32 to index
      %get3A_660 = arith.constant 48 : index
      %get3A_661 = tpu.vector_load %arg12[%get3A_659, %get3A_660] {strides = array<i32>} : memref<512x64xf32, #tpu.memory_space<vmem>>, vector<16xf32>,
      %mul3A_662 = arith.mulf %get3A_628, %get3A_628 : vector<16xf32>
      %mul3A_663 = arith.mulf %get3A_631, %get3A_631 : vector<16xf32>
      %add3A_664 = arith.addf %mul3A_662, %mul3A_663 : vector<16xf32>
      %mul3A_665 = arith.mulf %get3A_634, %get3A_634 : vector<16xf32>
      %add3A_666 = arith.addf %add3A_664, %mul3A_665 : vector<16xf32>
      %mul3A_667 = arith.mulf %get3A_637, %get3A_637 : vector<16xf32>
      %add3A_668 = arith.addf %add3A_666, %mul3A_667 : vector<16xf32>
      %mul3A_669 = arith.mulf %get3A_640, %get3A_640 : vector<16xf32>
      %mul3A_670 = arith.mulf %get3A_643, %get3A_643 : vector<16xf32>
      %add3A_671 = arith.addf %mul3A_669, %mul3A_670 : vector<16xf32>
      %mul3A_672 = arith.mulf %get3A_646, %get3A_646 : vector<16xf32>
      %add3A_673 = arith.addf %add3A_671, %mul3A_672 : vector<16xf32>
      %mul3A_674 = arith.mulf %get3A_649, %get3A_649 : vector<16xf32>
      %add3A_675 = arith.addf %add3A_673, %mul3A_674 : vector<16xf32>
      %mul3A_676 = arith.mulf %get3A_652, %get3A_652 : vector<16xf32>
      %mul3A_677 = arith.mulf %get3A_655, %get3A_655 : vector<16xf32>
      %add3A_678 = arith.addf %mul3A_676, %mul3A_677 : vector<16xf32>
      %mul3A_679 = arith.mulf %get3A_658, %get3A_658 : vector<16xf32>
      %add3A_680 = arith.addf %add3A_678, %mul3A_679 : vector<16xf32>
      %mul3A_681 = arith.mulf %get3A_661, %get3A_661 : vector<16xf32>
      %add3A_682 = arith.addf %add3A_680, %mul3A_681 : vector<16xf32>
      %reduce_sum3A_683 = arith.constant true
      %reduce_sum3A_684 = vector.broadcast %reduce_sum3A_683 : i1 to vector<16xi1>
      %reduce_sum3A_685 = tpu.scan <sum>, %add3A_668 masked %reduce_sum3A_684 : vector<16xf32>, vector<16xi1> -> vector<16xf32>
      %reduce_sum3A_686 = vector.extract %reduce_sum3A_685[15] : f32 from vector<16xf32>
      %bitcast_convert_type3A_687 = arith.bitcast %reduce_sum3A_686 : f32 to i32
      %shift_right_arithmetic3A_688 = arith.constant 1 : i32
      %shift_right_arithmetic3A_689 = arith.shrsi %bitcast_convert_type3A_687, %shift_right_arithmetic3A_688 : i32
      %sub3A_690 = arith.constant 1597463007 : i32
      %sub3A_691 = arith.subi %sub3A_690, %shift_right_arithmetic3A_689 : i32
      %bitcast_convert_type3A_692 = arith.bitcast %sub3A_691 : i32 to f32
      %mul3A_693 = arith.constant 5.000000e-01 : f32
      %mul3A_694 = arith.mulf %reduce_sum3A_686, %mul3A_693 : f32
      %mul3A_695 = arith.mulf %mul3A_694, %bitcast_convert_type3A_692 : f32
      %mul3A_696 = arith.mulf %mul3A_695, %bitcast_convert_type3A_692 : f32
      %sub3A_697 = arith.constant 1.500000e+00 : f32
      %sub3A_698 = arith.subf %sub3A_697, %mul3A_696 : f32
      %mul3A_699 = arith.mulf %bitcast_convert_type3A_692, %sub3A_698 : f32
      %mul3A_700 = arith.mulf %mul3A_694, %mul3A_699 : f32
      %mul3A_701 = arith.mulf %mul3A_700, %mul3A_699 : f32
      %sub3A_702 = arith.constant 1.500000e+00 : f32
      %sub3A_703 = arith.subf %sub3A_702, %mul3A_701 : f32
      %mul3A_704 = arith.mulf %mul3A_699, %sub3A_703 : f32
      %mul3A_705 = arith.mulf %mul3A_694, %mul3A_704 : f32
      %mul3A_706 = arith.mulf %mul3A_705, %mul3A_704 : f32
      %sub3A_707 = arith.constant 1.500000e+00 : f32
      %sub3A_708 = arith.subf %sub3A_707, %mul3A_706 : f32
      %mul3A_709 = arith.mulf %mul3A_704, %sub3A_708 : f32
      %reduce_sum3A_710 = arith.constant true
      %reduce_sum3A_711 = vector.broadcast %reduce_sum3A_710 : i1 to vector<16xi1>
      %reduce_sum3A_712 = tpu.scan <sum>, %add3A_675 masked %reduce_sum3A_711 : vector<16xf32>, vector<16xi1> -> vector<16xf32>
      %reduce_sum3A_713 = vector.extract %reduce_sum3A_712[15] : f32 from vector<16xf32>
      %bitcast_convert_type3A_714 = arith.bitcast %reduce_sum3A_713 : f32 to i32
      %shift_right_arithmetic3A_715 = arith.constant 1 : i32
      %shift_right_arithmetic3A_716 = arith.shrsi %bitcast_convert_type3A_714, %shift_right_arithmetic3A_715 : i32
      %sub3A_717 = arith.constant 1597463007 : i32
      %sub3A_718 = arith.subi %sub3A_717, %shift_right_arithmetic3A_716 : i32
      %bitcast_convert_type3A_719 = arith.bitcast %sub3A_718 : i32 to f32
      %mul3A_720 = arith.constant 5.000000e-01 : f32
      %mul3A_721 = arith.mulf %reduce_sum3A_713, %mul3A_720 : f32
      %mul3A_722 = arith.mulf %mul3A_721, %bitcast_convert_type3A_719 : f32
      %mul3A_723 = arith.mulf %mul3A_722, %bitcast_convert_type3A_719 : f32
      %sub3A_724 = arith.constant 1.500000e+00 : f32
      %sub3A_725 = arith.subf %sub3A_724, %mul3A_723 : f32
      %mul3A_726 = arith.mulf %bitcast_convert_type3A_719, %sub3A_725 : f32
      %mul3A_727 = arith.mulf %mul3A_721, %mul3A_726 : f32
      %mul3A_728 = arith.mulf %mul3A_727, %mul3A_726 : f32
      %sub3A_729 = arith.constant 1.500000e+00 : f32
      %sub3A_730 = arith.subf %sub3A_729, %mul3A_728 : f32
      %mul3A_731 = arith.mulf %mul3A_726, %sub3A_730 : f32
      %mul3A_732 = arith.mulf %mul3A_721, %mul3A_731 : f32
      %mul3A_733 = arith.mulf %mul3A_732, %mul3A_731 : f32
      %sub3A_734 = arith.constant 1.500000e+00 : f32
      %sub3A_735 = arith.subf %sub3A_734, %mul3A_733 : f32
      %mul3A_736 = arith.mulf %mul3A_731, %sub3A_735 : f32
      %reduce_sum3A_737 = arith.constant true
      %reduce_sum3A_738 = vector.broadcast %reduce_sum3A_737 : i1 to vector<16xi1>
      %reduce_sum3A_739 = tpu.scan <sum>, %add3A_682 masked %reduce_sum3A_738 : vector<16xf32>, vector<16xi1> -> vector<16xf32>
      %reduce_sum3A_740 = vector.extract %reduce_sum3A_739[15] : f32 from vector<16xf32>
      %bitcast_convert_type3A_741 = arith.bitcast %reduce_sum3A_740 : f32 to i32
      %shift_right_arithmetic3A_742 = arith.constant 1 : i32
      %shift_right_arithmetic3A_743 = arith.shrsi %bitcast_convert_type3A_741, %shift_right_arithmetic3A_742 : i32
      %sub3A_744 = arith.constant 1597463007 : i32
      %sub3A_745 = arith.subi %sub3A_744, %shift_right_arithmetic3A_743 : i32
      %bitcast_convert_type3A_746 = arith.bitcast %sub3A_745 : i32 to f32
      %mul3A_747 = arith.constant 5.000000e-01 : f32
      %mul3A_748 = arith.mulf %reduce_sum3A_740, %mul3A_747 : f32
      %mul3A_749 = arith.mulf %mul3A_748, %bitcast_convert_type3A_746 : f32
      %mul3A_750 = arith.mulf %mul3A_749, %bitcast_convert_type3A_746 : f32
      %sub3A_751 = arith.constant 1.500000e+00 : f32
      %sub3A_752 = arith.subf %sub3A_751, %mul3A_750 : f32
      %mul3A_753 = arith.mulf %bitcast_convert_type3A_746, %sub3A_752 : f32
      %mul3A_754 = arith.mulf %mul3A_748, %mul3A_753 : f32
      %mul3A_755 = arith.mulf %mul3A_754, %mul3A_753 : f32
      %sub3A_756 = arith.constant 1.500000e+00 : f32
      %sub3A_757 = arith.subf %sub3A_756, %mul3A_755 : f32
      %mul3A_758 = arith.mulf %mul3A_753, %sub3A_757 : f32
      %mul3A_759 = arith.mulf %mul3A_748, %mul3A_758 : f32
      %mul3A_760 = arith.mulf %mul3A_759, %mul3A_758 : f32
      %sub3A_761 = arith.constant 1.500000e+00 : f32
      %sub3A_762 = arith.subf %sub3A_761, %mul3A_760 : f32
      %mul3A_763 = arith.mulf %mul3A_758, %sub3A_762 : f32
      %mul3A_764 = vector.broadcast %mul3A_709 : f32 to vector<16xf32>
      %mul3A_765 = arith.mulf %get3A_628, %mul3A_764 : vector<16xf32>
      %mul3A_766 = vector.broadcast %mul3A_736 : f32 to vector<16xf32>
      %mul3A_767 = arith.mulf %get3A_640, %mul3A_766 : vector<16xf32>
      %add3A_768 = arith.addf %mul3A_765, %mul3A_767 : vector<16xf32>
      %mul3A_769 = vector.broadcast %mul3A_763 : f32 to vector<16xf32>
      %mul3A_770 = arith.mulf %get3A_652, %mul3A_769 : vector<16xf32>
      %sub3A_771 = arith.subf %add3A_768, %mul3A_770 : vector<16xf32>
      %abs3A_772 = math.absf %sub3A_771 : vector<16xf32>
      %mul3A_773 = vector.broadcast %mul3A_709 : f32 to vector<16xf32>
      %mul3A_774 = arith.mulf %get3A_631, %mul3A_773 : vector<16xf32>
      %mul3A_775 = vector.broadcast %mul3A_736 : f32 to vector<16xf32>
      %mul3A_776 = arith.mulf %get3A_643, %mul3A_775 : vector<16xf32>
      %add3A_777 = arith.addf %mul3A_774, %mul3A_776 : vector<16xf32>
      %mul3A_778 = vector.broadcast %mul3A_763 : f32 to vector<16xf32>
      %mul3A_779 = arith.mulf %get3A_655, %mul3A_778 : vector<16xf32>
      %sub3A_780 = arith.subf %add3A_777, %mul3A_779 : vector<16xf32>
      %abs3A_781 = math.absf %sub3A_780 : vector<16xf32>
      %add3A_782 = arith.addf %abs3A_772, %abs3A_781 : vector<16xf32>
      %mul3A_783 = vector.broadcast %mul3A_709 : f32 to vector<16xf32>
      %mul3A_784 = arith.mulf %get3A_634, %mul3A_783 : vector<16xf32>
      %mul3A_785 = vector.broadcast %mul3A_736 : f32 to vector<16xf32>
      %mul3A_786 = arith.mulf %get3A_646, %mul3A_785 : vector<16xf32>
      %add3A_787 = arith.addf %mul3A_784, %mul3A_786 : vector<16xf32>
      %mul3A_788 = vector.broadcast %mul3A_763 : f32 to vector<16xf32>
      %mul3A_789 = arith.mulf %get3A_658, %mul3A_788 : vector<16xf32>
      %sub3A_790 = arith.subf %add3A_787, %mul3A_789 : vector<16xf32>
      %abs3A_791 = math.absf %sub3A_790 : vector<16xf32>
      %add3A_792 = arith.addf %add3A_782, %abs3A_791 : vector<16xf32>
      %mul3A_793 = vector.broadcast %mul3A_709 : f32 to vector<16xf32>
      %mul3A_794 = arith.mulf %get3A_637, %mul3A_793 : vector<16xf32>
      %mul3A_795 = vector.broadcast %mul3A_736 : f32 to vector<16xf32>
      %mul3A_796 = arith.mulf %get3A_649, %mul3A_795 : vector<16xf32>
      %add3A_797 = arith.addf %mul3A_794, %mul3A_796 : vector<16xf32>
      %mul3A_798 = vector.broadcast %mul3A_763 : f32 to vector<16xf32>
      %mul3A_799 = arith.mulf %get3A_661, %mul3A_798 : vector<16xf32>
      %sub3A_800 = arith.subf %add3A_797, %mul3A_799 : vector<16xf32>
      %abs3A_801 = math.absf %sub3A_800 : vector<16xf32>
      %add3A_802 = arith.addf %add3A_792, %abs3A_801 : vector<16xf32>
      %eq3A_803 = arith.constant 2 : i32
      %eq3A_804 = vector.broadcast %eq3A_803 : i32 to vector<16xi32>
      %eq3A_805 = arith.cmpi eq, %iota3A, %eq3A_804 : vector<16xi32>
      %reduce_sum3A_806 = arith.constant true
      %reduce_sum3A_807 = vector.broadcast %reduce_sum3A_806 : i1 to vector<16xi1>
      %reduce_sum3A_808 = tpu.scan <sum>, %add3A_802 masked %reduce_sum3A_807 : vector<16xf32>, vector<16xi1> -> vector<16xf32>
      %reduce_sum3A_809 = vector.extract %reduce_sum3A_808[15] : f32 from vector<16xf32>
      %broadcast_in_dim3A_810 = vector.broadcast %reduce_sum3A_809 : f32 to vector<16xf32>
      %select_n3A_811 = arith.select %eq3A_805, %broadcast_in_dim3A_810, %select_n3A_621 : vector<16xi1>, vector<16xf32>
      %mul3A_812 = arith.constant 16 : i32
      %mul3A_813 = arith.muli %scan3A_248, %mul3A_812 : i32
      %add3A_814 = arith.constant 3 : i32
      %add3A_815 = arith.addi %mul3A_813, %add3A_814 : i32
      %get3A_816 = arith.index_cast %add3A_815 : i32 to index
      %get3A_817 = arith.constant 0 : index
      %get3A_818 = tpu.vector_load %arg11[%get3A_816, %get3A_817] {strides = array<i32>} : memref<512x64xf32, #tpu.memory_space<vmem>>, vector<16xf32>,
      %get3A_819 = arith.index_cast %add3A_815 : i32 to index
      %get3A_820 = arith.constant 16 : index
      %get3A_821 = tpu.vector_load %arg11[%get3A_819, %get3A_820] {strides = array<i32>} : memref<512x64xf32, #tpu.memory_space<vmem>>, vector<16xf32>,
      %get3A_822 = arith.index_cast %add3A_815 : i32 to index
      %get3A_823 = arith.constant 32 : index
      %get3A_824 = tpu.vector_load %arg11[%get3A_822, %get3A_823] {strides = array<i32>} : memref<512x64xf32, #tpu.memory_space<vmem>>, vector<16xf32>,
      %get3A_825 = arith.index_cast %add3A_815 : i32 to index
      %get3A_826 = arith.constant 48 : index
      %get3A_827 = tpu.vector_load %arg11[%get3A_825, %get3A_826] {strides = array<i32>} : memref<512x64xf32, #tpu.memory_space<vmem>>, vector<16xf32>,
      %get3A_828 = arith.index_cast %add3A_815 : i32 to index
      %get3A_829 = arith.constant 0 : index
      %get3A_830 = tpu.vector_load %arg13[%get3A_828, %get3A_829] {strides = array<i32>} : memref<512x64xf32, #tpu.memory_space<vmem>>, vector<16xf32>,
      %get3A_831 = arith.index_cast %add3A_815 : i32 to index
      %get3A_832 = arith.constant 16 : index
      %get3A_833 = tpu.vector_load %arg13[%get3A_831, %get3A_832] {strides = array<i32>} : memref<512x64xf32, #tpu.memory_space<vmem>>, vector<16xf32>,
      %get3A_834 = arith.index_cast %add3A_815 : i32 to index
      %get3A_835 = arith.constant 32 : index
      %get3A_836 = tpu.vector_load %arg13[%get3A_834, %get3A_835] {strides = array<i32>} : memref<512x64xf32, #tpu.memory_space<vmem>>, vector<16xf32>,
      %get3A_837 = arith.index_cast %add3A_815 : i32 to index
      %get3A_838 = arith.constant 48 : index
      %get3A_839 = tpu.vector_load %arg13[%get3A_837, %get3A_838] {strides = array<i32>} : memref<512x64xf32, #tpu.memory_space<vmem>>, vector<16xf32>,
      %get3A_840 = arith.index_cast %add3A_815 : i32 to index
      %get3A_841 = arith.constant 0 : index
      %get3A_842 = tpu.vector_load %arg12[%get3A_840, %get3A_841] {strides = array<i32>} : memref<512x64xf32, #tpu.memory_space<vmem>>, vector<16xf32>,
      %get3A_843 = arith.index_cast %add3A_815 : i32 to index
      %get3A_844 = arith.constant 16 : index
      %get3A_845 = tpu.vector_load %arg12[%get3A_843, %get3A_844] {strides = array<i32>} : memref<512x64xf32, #tpu.memory_space<vmem>>, vector<16xf32>,
      %get3A_846 = arith.index_cast %add3A_815 : i32 to index
      %get3A_847 = arith.constant 32 : index
      %get3A_848 = tpu.vector_load %arg12[%get3A_846, %get3A_847] {strides = array<i32>} : memref<512x64xf32, #tpu.memory_space<vmem>>, vector<16xf32>,
      %get3A_849 = arith.index_cast %add3A_815 : i32 to index
      %get3A_850 = arith.constant 48 : index
      %get3A_851 = tpu.vector_load %arg12[%get3A_849, %get3A_850] {strides = array<i32>} : memref<512x64xf32, #tpu.memory_space<vmem>>, vector<16xf32>,
      %mul3A_852 = arith.mulf %get3A_818, %get3A_818 : vector<16xf32>
      %mul3A_853 = arith.mulf %get3A_821, %get3A_821 : vector<16xf32>
      %add3A_854 = arith.addf %mul3A_852, %mul3A_853 : vector<16xf32>
      %mul3A_855 = arith.mulf %get3A_824, %get3A_824 : vector<16xf32>
      %add3A_856 = arith.addf %add3A_854, %mul3A_855 : vector<16xf32>
      %mul3A_857 = arith.mulf %get3A_827, %get3A_827 : vector<16xf32>
      %add3A_858 = arith.addf %add3A_856, %mul3A_857 : vector<16xf32>
      %mul3A_859 = arith.mulf %get3A_830, %get3A_830 : vector<16xf32>
      %mul3A_860 = arith.mulf %get3A_833, %get3A_833 : vector<16xf32>
      %add3A_861 = arith.addf %mul3A_859, %mul3A_860 : vector<16xf32>
      %mul3A_862 = arith.mulf %get3A_836, %get3A_836 : vector<16xf32>
      %add3A_863 = arith.addf %add3A_861, %mul3A_862 : vector<16xf32>
      %mul3A_864 = arith.mulf %get3A_839, %get3A_839 : vector<16xf32>
      %add3A_865 = arith.addf %add3A_863, %mul3A_864 : vector<16xf32>
      %mul3A_866 = arith.mulf %get3A_842, %get3A_842 : vector<16xf32>
      %mul3A_867 = arith.mulf %get3A_845, %get3A_845 : vector<16xf32>
      %add3A_868 = arith.addf %mul3A_866, %mul3A_867 : vector<16xf32>
      %mul3A_869 = arith.mulf %get3A_848, %get3A_848 : vector<16xf32>
      %add3A_870 = arith.addf %add3A_868, %mul3A_869 : vector<16xf32>
      %mul3A_871 = arith.mulf %get3A_851, %get3A_851 : vector<16xf32>
      %add3A_872 = arith.addf %add3A_870, %mul3A_871 : vector<16xf32>
      %reduce_sum3A_873 = arith.constant true
      %reduce_sum3A_874 = vector.broadcast %reduce_sum3A_873 : i1 to vector<16xi1>
      %reduce_sum3A_875 = tpu.scan <sum>, %add3A_858 masked %reduce_sum3A_874 : vector<16xf32>, vector<16xi1> -> vector<16xf32>
      %reduce_sum3A_876 = vector.extract %reduce_sum3A_875[15] : f32 from vector<16xf32>
      %bitcast_convert_type3A_877 = arith.bitcast %reduce_sum3A_876 : f32 to i32
      %shift_right_arithmetic3A_878 = arith.constant 1 : i32
      %shift_right_arithmetic3A_879 = arith.shrsi %bitcast_convert_type3A_877, %shift_right_arithmetic3A_878 : i32
      %sub3A_880 = arith.constant 1597463007 : i32
      %sub3A_881 = arith.subi %sub3A_880, %shift_right_arithmetic3A_879 : i32
      %bitcast_convert_type3A_882 = arith.bitcast %sub3A_881 : i32 to f32
      %mul3A_883 = arith.constant 5.000000e-01 : f32
      %mul3A_884 = arith.mulf %reduce_sum3A_876, %mul3A_883 : f32
      %mul3A_885 = arith.mulf %mul3A_884, %bitcast_convert_type3A_882 : f32
      %mul3A_886 = arith.mulf %mul3A_885, %bitcast_convert_type3A_882 : f32
      %sub3A_887 = arith.constant 1.500000e+00 : f32
      %sub3A_888 = arith.subf %sub3A_887, %mul3A_886 : f32
      %mul3A_889 = arith.mulf %bitcast_convert_type3A_882, %sub3A_888 : f32
      %mul3A_890 = arith.mulf %mul3A_884, %mul3A_889 : f32
      %mul3A_891 = arith.mulf %mul3A_890, %mul3A_889 : f32
      %sub3A_892 = arith.constant 1.500000e+00 : f32
      %sub3A_893 = arith.subf %sub3A_892, %mul3A_891 : f32
      %mul3A_894 = arith.mulf %mul3A_889, %sub3A_893 : f32
      %mul3A_895 = arith.mulf %mul3A_884, %mul3A_894 : f32
      %mul3A_896 = arith.mulf %mul3A_895, %mul3A_894 : f32
      %sub3A_897 = arith.constant 1.500000e+00 : f32
      %sub3A_898 = arith.subf %sub3A_897, %mul3A_896 : f32
      %mul3A_899 = arith.mulf %mul3A_894, %sub3A_898 : f32
      %reduce_sum3A_900 = arith.constant true
      %reduce_sum3A_901 = vector.broadcast %reduce_sum3A_900 : i1 to vector<16xi1>
      %reduce_sum3A_902 = tpu.scan <sum>, %add3A_865 masked %reduce_sum3A_901 : vector<16xf32>, vector<16xi1> -> vector<16xf32>
      %reduce_sum3A_903 = vector.extract %reduce_sum3A_902[15] : f32 from vector<16xf32>
      %bitcast_convert_type3A_904 = arith.bitcast %reduce_sum3A_903 : f32 to i32
      %shift_right_arithmetic3A_905 = arith.constant 1 : i32
      %shift_right_arithmetic3A_906 = arith.shrsi %bitcast_convert_type3A_904, %shift_right_arithmetic3A_905 : i32
      %sub3A_907 = arith.constant 1597463007 : i32
      %sub3A_908 = arith.subi %sub3A_907, %shift_right_arithmetic3A_906 : i32
      %bitcast_convert_type3A_909 = arith.bitcast %sub3A_908 : i32 to f32
      %mul3A_910 = arith.constant 5.000000e-01 : f32
      %mul3A_911 = arith.mulf %reduce_sum3A_903, %mul3A_910 : f32
      %mul3A_912 = arith.mulf %mul3A_911, %bitcast_convert_type3A_909 : f32
      %mul3A_913 = arith.mulf %mul3A_912, %bitcast_convert_type3A_909 : f32
      %sub3A_914 = arith.constant 1.500000e+00 : f32
      %sub3A_915 = arith.subf %sub3A_914, %mul3A_913 : f32
      %mul3A_916 = arith.mulf %bitcast_convert_type3A_909, %sub3A_915 : f32
      %mul3A_917 = arith.mulf %mul3A_911, %mul3A_916 : f32
      %mul3A_918 = arith.mulf %mul3A_917, %mul3A_916 : f32
      %sub3A_919 = arith.constant 1.500000e+00 : f32
      %sub3A_920 = arith.subf %sub3A_919, %mul3A_918 : f32
      %mul3A_921 = arith.mulf %mul3A_916, %sub3A_920 : f32
      %mul3A_922 = arith.mulf %mul3A_911, %mul3A_921 : f32
      %mul3A_923 = arith.mulf %mul3A_922, %mul3A_921 : f32
      %sub3A_924 = arith.constant 1.500000e+00 : f32
      %sub3A_925 = arith.subf %sub3A_924, %mul3A_923 : f32
      %mul3A_926 = arith.mulf %mul3A_921, %sub3A_925 : f32
      %reduce_sum3A_927 = arith.constant true
      %reduce_sum3A_928 = vector.broadcast %reduce_sum3A_927 : i1 to vector<16xi1>
      %reduce_sum3A_929 = tpu.scan <sum>, %add3A_872 masked %reduce_sum3A_928 : vector<16xf32>, vector<16xi1> -> vector<16xf32>
      %reduce_sum3A_930 = vector.extract %reduce_sum3A_929[15] : f32 from vector<16xf32>
      %bitcast_convert_type3A_931 = arith.bitcast %reduce_sum3A_930 : f32 to i32
      %shift_right_arithmetic3A_932 = arith.constant 1 : i32
      %shift_right_arithmetic3A_933 = arith.shrsi %bitcast_convert_type3A_931, %shift_right_arithmetic3A_932 : i32
      %sub3A_934 = arith.constant 1597463007 : i32
      %sub3A_935 = arith.subi %sub3A_934, %shift_right_arithmetic3A_933 : i32
      %bitcast_convert_type3A_936 = arith.bitcast %sub3A_935 : i32 to f32
      %mul3A_937 = arith.constant 5.000000e-01 : f32
      %mul3A_938 = arith.mulf %reduce_sum3A_930, %mul3A_937 : f32
      %mul3A_939 = arith.mulf %mul3A_938, %bitcast_convert_type3A_936 : f32
      %mul3A_940 = arith.mulf %mul3A_939, %bitcast_convert_type3A_936 : f32
      %sub3A_941 = arith.constant 1.500000e+00 : f32
      %sub3A_942 = arith.subf %sub3A_941, %mul3A_940 : f32
      %mul3A_943 = arith.mulf %bitcast_convert_type3A_936, %sub3A_942 : f32
      %mul3A_944 = arith.mulf %mul3A_938, %mul3A_943 : f32
      %mul3A_945 = arith.mulf %mul3A_944, %mul3A_943 : f32
      %sub3A_946 = arith.constant 1.500000e+00 : f32
      %sub3A_947 = arith.subf %sub3A_946, %mul3A_945 : f32
      %mul3A_948 = arith.mulf %mul3A_943, %sub3A_947 : f32
      %mul3A_949 = arith.mulf %mul3A_938, %mul3A_948 : f32
      %mul3A_950 = arith.mulf %mul3A_949, %mul3A_948 : f32
      %sub3A_951 = arith.constant 1.500000e+00 : f32
      %sub3A_952 = arith.subf %sub3A_951, %mul3A_950 : f32
      %mul3A_953 = arith.mulf %mul3A_948, %sub3A_952 : f32
      %mul3A_954 = vector.broadcast %mul3A_899 : f32 to vector<16xf32>
      %mul3A_955 = arith.mulf %get3A_818, %mul3A_954 : vector<16xf32>
      %mul3A_956 = vector.broadcast %mul3A_926 : f32 to vector<16xf32>
      %mul3A_957 = arith.mulf %get3A_830, %mul3A_956 : vector<16xf32>
      %add3A_958 = arith.addf %mul3A_955, %mul3A_957 : vector<16xf32>
      %mul3A_959 = vector.broadcast %mul3A_953 : f32 to vector<16xf32>
      %mul3A_960 = arith.mulf %get3A_842, %mul3A_959 : vector<16xf32>
      %sub3A_961 = arith.subf %add3A_958, %mul3A_960 : vector<16xf32>
      %abs3A_962 = math.absf %sub3A_961 : vector<16xf32>
      %mul3A_963 = vector.broadcast %mul3A_899 : f32 to vector<16xf32>
      %mul3A_964 = arith.mulf %get3A_821, %mul3A_963 : vector<16xf32>
      %mul3A_965 = vector.broadcast %mul3A_926 : f32 to vector<16xf32>
      %mul3A_966 = arith.mulf %get3A_833, %mul3A_965 : vector<16xf32>
      %add3A_967 = arith.addf %mul3A_964, %mul3A_966 : vector<16xf32>
      %mul3A_968 = vector.broadcast %mul3A_953 : f32 to vector<16xf32>
      %mul3A_969 = arith.mulf %get3A_845, %mul3A_968 : vector<16xf32>
      %sub3A_970 = arith.subf %add3A_967, %mul3A_969 : vector<16xf32>
      %abs3A_971 = math.absf %sub3A_970 : vector<16xf32>
      %add3A_972 = arith.addf %abs3A_962, %abs3A_971 : vector<16xf32>
      %mul3A_973 = vector.broadcast %mul3A_899 : f32 to vector<16xf32>
      %mul3A_974 = arith.mulf %get3A_824, %mul3A_973 : vector<16xf32>
      %mul3A_975 = vector.broadcast %mul3A_926 : f32 to vector<16xf32>
      %mul3A_976 = arith.mulf %get3A_836, %mul3A_975 : vector<16xf32>
      %add3A_977 = arith.addf %mul3A_974, %mul3A_976 : vector<16xf32>
      %mul3A_978 = vector.broadcast %mul3A_953 : f32 to vector<16xf32>
      %mul3A_979 = arith.mulf %get3A_848, %mul3A_978 : vector<16xf32>
      %sub3A_980 = arith.subf %add3A_977, %mul3A_979 : vector<16xf32>
      %abs3A_981 = math.absf %sub3A_980 : vector<16xf32>
      %add3A_982 = arith.addf %add3A_972, %abs3A_981 : vector<16xf32>
      %mul3A_983 = vector.broadcast %mul3A_899 : f32 to vector<16xf32>
      %mul3A_984 = arith.mulf %get3A_827, %mul3A_983 : vector<16xf32>
      %mul3A_985 = vector.broadcast %mul3A_926 : f32 to vector<16xf32>
      %mul3A_986 = arith.mulf %get3A_839, %mul3A_985 : vector<16xf32>
      %add3A_987 = arith.addf %mul3A_984, %mul3A_986 : vector<16xf32>
      %mul3A_988 = vector.broadcast %mul3A_953 : f32 to vector<16xf32>
      %mul3A_989 = arith.mulf %get3A_851, %mul3A_988 : vector<16xf32>
      %sub3A_990 = arith.subf %add3A_987, %mul3A_989 : vector<16xf32>
      %abs3A_991 = math.absf %sub3A_990 : vector<16xf32>
      %add3A_992 = arith.addf %add3A_982, %abs3A_991 : vector<16xf32>
      %eq3A_993 = arith.constant 3 : i32
      %eq3A_994 = vector.broadcast %eq3A_993 : i32 to vector<16xi32>
      %eq3A_995 = arith.cmpi eq, %iota3A, %eq3A_994 : vector<16xi32>
      %reduce_sum3A_996 = arith.constant true
      %reduce_sum3A_997 = vector.broadcast %reduce_sum3A_996 : i1 to vector<16xi1>
      %reduce_sum3A_998 = tpu.scan <sum>, %add3A_992 masked %reduce_sum3A_997 : vector<16xf32>, vector<16xi1> -> vector<16xf32>
      %reduce_sum3A_999 = vector.extract %reduce_sum3A_998[15] : f32 from vector<16xf32>
      %broadcast_in_dim3A_1000 = vector.broadcast %reduce_sum3A_999 : f32 to vector<16xf32>
      %select_n3A_1001 = arith.select %eq3A_995, %broadcast_in_dim3A_1000, %select_n3A_811 : vector<16xi1>, vector<16xf32>
      %mul3A_1002 = arith.constant 16 : i32
      %mul3A_1003 = arith.muli %scan3A_248, %mul3A_1002 : i32
      %add3A_1004 = arith.constant 4 : i32
      %add3A_1005 = arith.addi %mul3A_1003, %add3A_1004 : i32
      %get3A_1006 = arith.index_cast %add3A_1005 : i32 to index
      %get3A_1007 = arith.constant 0 : index
      %get3A_1008 = tpu.vector_load %arg11[%get3A_1006, %get3A_1007] {strides = array<i32>} : memref<512x64xf32, #tpu.memory_space<vmem>>, vector<16xf32>,
      %get3A_1009 = arith.index_cast %add3A_1005 : i32 to index
      %get3A_1010 = arith.constant 16 : index
      %get3A_1011 = tpu.vector_load %arg11[%get3A_1009, %get3A_1010] {strides = array<i32>} : memref<512x64xf32, #tpu.memory_space<vmem>>, vector<16xf32>,
      %get3A_1012 = arith.index_cast %add3A_1005 : i32 to index
      %get3A_1013 = arith.constant 32 : index
      %get3A_1014 = tpu.vector_load %arg11[%get3A_1012, %get3A_1013] {strides = array<i32>} : memref<512x64xf32, #tpu.memory_space<vmem>>, vector<16xf32>,
      %get3A_1015 = arith.index_cast %add3A_1005 : i32 to index
      %get3A_1016 = arith.constant 48 : index
      %get3A_1017 = tpu.vector_load %arg11[%get3A_1015, %get3A_1016] {strides = array<i32>} : memref<512x64xf32, #tpu.memory_space<vmem>>, vector<16xf32>,
      %get3A_1018 = arith.index_cast %add3A_1005 : i32 to index
      %get3A_1019 = arith.constant 0 : index
      %get3A_1020 = tpu.vector_load %arg13[%get3A_1018, %get3A_1019] {strides = array<i32>} : memref<512x64xf32, #tpu.memory_space<vmem>>, vector<16xf32>,
      %get3A_1021 = arith.index_cast %add3A_1005 : i32 to index
      %get3A_1022 = arith.constant 16 : index
      %get3A_1023 = tpu.vector_load %arg13[%get3A_1021, %get3A_1022] {strides = array<i32>} : memref<512x64xf32, #tpu.memory_space<vmem>>, vector<16xf32>,
      %get3A_1024 = arith.index_cast %add3A_1005 : i32 to index
      %get3A_1025 = arith.constant 32 : index
      %get3A_1026 = tpu.vector_load %arg13[%get3A_1024, %get3A_1025] {strides = array<i32>} : memref<512x64xf32, #tpu.memory_space<vmem>>, vector<16xf32>,
      %get3A_1027 = arith.index_cast %add3A_1005 : i32 to index
      %get3A_1028 = arith.constant 48 : index
      %get3A_1029 = tpu.vector_load %arg13[%get3A_1027, %get3A_1028] {strides = array<i32>} : memref<512x64xf32, #tpu.memory_space<vmem>>, vector<16xf32>,
      %get3A_1030 = arith.index_cast %add3A_1005 : i32 to index
      %get3A_1031 = arith.constant 0 : index
      %get3A_1032 = tpu.vector_load %arg12[%get3A_1030, %get3A_1031] {strides = array<i32>} : memref<512x64xf32, #tpu.memory_space<vmem>>, vector<16xf32>,
      %get3A_1033 = arith.index_cast %add3A_1005 : i32 to index
      %get3A_1034 = arith.constant 16 : index
      %get3A_1035 = tpu.vector_load %arg12[%get3A_1033, %get3A_1034] {strides = array<i32>} : memref<512x64xf32, #tpu.memory_space<vmem>>, vector<16xf32>,
      %get3A_1036 = arith.index_cast %add3A_1005 : i32 to index
      %get3A_1037 = arith.constant 32 : index
      %get3A_1038 = tpu.vector_load %arg12[%get3A_1036, %get3A_1037] {strides = array<i32>} : memref<512x64xf32, #tpu.memory_space<vmem>>, vector<16xf32>,
      %get3A_1039 = arith.index_cast %add3A_1005 : i32 to index
      %get3A_1040 = arith.constant 48 : index
      %get3A_1041 = tpu.vector_load %arg12[%get3A_1039, %get3A_1040] {strides = array<i32>} : memref<512x64xf32, #tpu.memory_space<vmem>>, vector<16xf32>,
      %mul3A_1042 = arith.mulf %get3A_1008, %get3A_1008 : vector<16xf32>
      %mul3A_1043 = arith.mulf %get3A_1011, %get3A_1011 : vector<16xf32>
      %add3A_1044 = arith.addf %mul3A_1042, %mul3A_1043 : vector<16xf32>
      %mul3A_1045 = arith.mulf %get3A_1014, %get3A_1014 : vector<16xf32>
      %add3A_1046 = arith.addf %add3A_1044, %mul3A_1045 : vector<16xf32>
      %mul3A_1047 = arith.mulf %get3A_1017, %get3A_1017 : vector<16xf32>
      %add3A_1048 = arith.addf %add3A_1046, %mul3A_1047 : vector<16xf32>
      %mul3A_1049 = arith.mulf %get3A_1020, %get3A_1020 : vector<16xf32>
      %mul3A_1050 = arith.mulf %get3A_1023, %get3A_1023 : vector<16xf32>
      %add3A_1051 = arith.addf %mul3A_1049, %mul3A_1050 : vector<16xf32>
      %mul3A_1052 = arith.mulf %get3A_1026, %get3A_1026 : vector<16xf32>
      %add3A_1053 = arith.addf %add3A_1051, %mul3A_1052 : vector<16xf32>
      %mul3A_1054 = arith.mulf %get3A_1029, %get3A_1029 : vector<16xf32>
      %add3A_1055 = arith.addf %add3A_1053, %mul3A_1054 : vector<16xf32>
      %mul3A_1056 = arith.mulf %get3A_1032, %get3A_1032 : vector<16xf32>
      %mul3A_1057 = arith.mulf %get3A_1035, %get3A_1035 : vector<16xf32>
      %add3A_1058 = arith.addf %mul3A_1056, %mul3A_1057 : vector<16xf32>
      %mul3A_1059 = arith.mulf %get3A_1038, %get3A_1038 : vector<16xf32>
      %add3A_1060 = arith.addf %add3A_1058, %mul3A_1059 : vector<16xf32>
      %mul3A_1061 = arith.mulf %get3A_1041, %get3A_1041 : vector<16xf32>
      %add3A_1062 = arith.addf %add3A_1060, %mul3A_1061 : vector<16xf32>
      %reduce_sum3A_1063 = arith.constant true
      %reduce_sum3A_1064 = vector.broadcast %reduce_sum3A_1063 : i1 to vector<16xi1>
      %reduce_sum3A_1065 = tpu.scan <sum>, %add3A_1048 masked %reduce_sum3A_1064 : vector<16xf32>, vector<16xi1> -> vector<16xf32>
      %reduce_sum3A_1066 = vector.extract %reduce_sum3A_1065[15] : f32 from vector<16xf32>
      %bitcast_convert_type3A_1067 = arith.bitcast %reduce_sum3A_1066 : f32 to i32
      %shift_right_arithmetic3A_1068 = arith.constant 1 : i32
      %shift_right_arithmetic3A_1069 = arith.shrsi %bitcast_convert_type3A_1067, %shift_right_arithmetic3A_1068 : i32
      %sub3A_1070 = arith.constant 1597463007 : i32
      %sub3A_1071 = arith.subi %sub3A_1070, %shift_right_arithmetic3A_1069 : i32
      %bitcast_convert_type3A_1072 = arith.bitcast %sub3A_1071 : i32 to f32
      %mul3A_1073 = arith.constant 5.000000e-01 : f32
      %mul3A_1074 = arith.mulf %reduce_sum3A_1066, %mul3A_1073 : f32
      %mul3A_1075 = arith.mulf %mul3A_1074, %bitcast_convert_type3A_1072 : f32
      %mul3A_1076 = arith.mulf %mul3A_1075, %bitcast_convert_type3A_1072 : f32
      %sub3A_1077 = arith.constant 1.500000e+00 : f32
      %sub3A_1078 = arith.subf %sub3A_1077, %mul3A_1076 : f32
      %mul3A_1079 = arith.mulf %bitcast_convert_type3A_1072, %sub3A_1078 : f32
      %mul3A_1080 = arith.mulf %mul3A_1074, %mul3A_1079 : f32
      %mul3A_1081 = arith.mulf %mul3A_1080, %mul3A_1079 : f32
      %sub3A_1082 = arith.constant 1.500000e+00 : f32
      %sub3A_1083 = arith.subf %sub3A_1082, %mul3A_1081 : f32
      %mul3A_1084 = arith.mulf %mul3A_1079, %sub3A_1083 : f32
      %mul3A_1085 = arith.mulf %mul3A_1074, %mul3A_1084 : f32
      %mul3A_1086 = arith.mulf %mul3A_1085, %mul3A_1084 : f32
      %sub3A_1087 = arith.constant 1.500000e+00 : f32
      %sub3A_1088 = arith.subf %sub3A_1087, %mul3A_1086 : f32
      %mul3A_1089 = arith.mulf %mul3A_1084, %sub3A_1088 : f32
      %reduce_sum3A_1090 = arith.constant true
      %reduce_sum3A_1091 = vector.broadcast %reduce_sum3A_1090 : i1 to vector<16xi1>
      %reduce_sum3A_1092 = tpu.scan <sum>, %add3A_1055 masked %reduce_sum3A_1091 : vector<16xf32>, vector<16xi1> -> vector<16xf32>
      %reduce_sum3A_1093 = vector.extract %reduce_sum3A_1092[15] : f32 from vector<16xf32>
      %bitcast_convert_type3A_1094 = arith.bitcast %reduce_sum3A_1093 : f32 to i32
      %shift_right_arithmetic3A_1095 = arith.constant 1 : i32
      %shift_right_arithmetic3A_1096 = arith.shrsi %bitcast_convert_type3A_1094, %shift_right_arithmetic3A_1095 : i32
      %sub3A_1097 = arith.constant 1597463007 : i32
      %sub3A_1098 = arith.subi %sub3A_1097, %shift_right_arithmetic3A_1096 : i32
      %bitcast_convert_type3A_1099 = arith.bitcast %sub3A_1098 : i32 to f32
      %mul3A_1100 = arith.constant 5.000000e-01 : f32
      %mul3A_1101 = arith.mulf %reduce_sum3A_1093, %mul3A_1100 : f32
      %mul3A_1102 = arith.mulf %mul3A_1101, %bitcast_convert_type3A_1099 : f32
      %mul3A_1103 = arith.mulf %mul3A_1102, %bitcast_convert_type3A_1099 : f32
      %sub3A_1104 = arith.constant 1.500000e+00 : f32
      %sub3A_1105 = arith.subf %sub3A_1104, %mul3A_1103 : f32
      %mul3A_1106 = arith.mulf %bitcast_convert_type3A_1099, %sub3A_1105 : f32
      %mul3A_1107 = arith.mulf %mul3A_1101, %mul3A_1106 : f32
      %mul3A_1108 = arith.mulf %mul3A_1107, %mul3A_1106 : f32
      %sub3A_1109 = arith.constant 1.500000e+00 : f32
      %sub3A_1110 = arith.subf %sub3A_1109, %mul3A_1108 : f32
      %mul3A_1111 = arith.mulf %mul3A_1106, %sub3A_1110 : f32
      %mul3A_1112 = arith.mulf %mul3A_1101, %mul3A_1111 : f32
      %mul3A_1113 = arith.mulf %mul3A_1112, %mul3A_1111 : f32
      %sub3A_1114 = arith.constant 1.500000e+00 : f32
      %sub3A_1115 = arith.subf %sub3A_1114, %mul3A_1113 : f32
      %mul3A_1116 = arith.mulf %mul3A_1111, %sub3A_1115 : f32
      %reduce_sum3A_1117 = arith.constant true
      %reduce_sum3A_1118 = vector.broadcast %reduce_sum3A_1117 : i1 to vector<16xi1>
      %reduce_sum3A_1119 = tpu.scan <sum>, %add3A_1062 masked %reduce_sum3A_1118 : vector<16xf32>, vector<16xi1> -> vector<16xf32>
      %reduce_sum3A_1120 = vector.extract %reduce_sum3A_1119[15] : f32 from vector<16xf32>
      %bitcast_convert_type3A_1121 = arith.bitcast %reduce_sum3A_1120 : f32 to i32
      %shift_right_arithmetic3A_1122 = arith.constant 1 : i32
      %shift_right_arithmetic3A_1123 = arith.shrsi %bitcast_convert_type3A_1121, %shift_right_arithmetic3A_1122 : i32
      %sub3A_1124 = arith.constant 1597463007 : i32
      %sub3A_1125 = arith.subi %sub3A_1124, %shift_right_arithmetic3A_1123 : i32
      %bitcast_convert_type3A_1126 = arith.bitcast %sub3A_1125 : i32 to f32
      %mul3A_1127 = arith.constant 5.000000e-01 : f32
      %mul3A_1128 = arith.mulf %reduce_sum3A_1120, %mul3A_1127 : f32
      %mul3A_1129 = arith.mulf %mul3A_1128, %bitcast_convert_type3A_1126 : f32
      %mul3A_1130 = arith.mulf %mul3A_1129, %bitcast_convert_type3A_1126 : f32
      %sub3A_1131 = arith.constant 1.500000e+00 : f32
      %sub3A_1132 = arith.subf %sub3A_1131, %mul3A_1130 : f32
      %mul3A_1133 = arith.mulf %bitcast_convert_type3A_1126, %sub3A_1132 : f32
      %mul3A_1134 = arith.mulf %mul3A_1128, %mul3A_1133 : f32
      %mul3A_1135 = arith.mulf %mul3A_1134, %mul3A_1133 : f32
      %sub3A_1136 = arith.constant 1.500000e+00 : f32
      %sub3A_1137 = arith.subf %sub3A_1136, %mul3A_1135 : f32
      %mul3A_1138 = arith.mulf %mul3A_1133, %sub3A_1137 : f32
      %mul3A_1139 = arith.mulf %mul3A_1128, %mul3A_1138 : f32
      %mul3A_1140 = arith.mulf %mul3A_1139, %mul3A_1138 : f32
      %sub3A_1141 = arith.constant 1.500000e+00 : f32
      %sub3A_1142 = arith.subf %sub3A_1141, %mul3A_1140 : f32
      %mul3A_1143 = arith.mulf %mul3A_1138, %sub3A_1142 : f32
      %mul3A_1144 = vector.broadcast %mul3A_1089 : f32 to vector<16xf32>
      %mul3A_1145 = arith.mulf %get3A_1008, %mul3A_1144 : vector<16xf32>
      %mul3A_1146 = vector.broadcast %mul3A_1116 : f32 to vector<16xf32>
      %mul3A_1147 = arith.mulf %get3A_1020, %mul3A_1146 : vector<16xf32>
      %add3A_1148 = arith.addf %mul3A_1145, %mul3A_1147 : vector<16xf32>
      %mul3A_1149 = vector.broadcast %mul3A_1143 : f32 to vector<16xf32>
      %mul3A_1150 = arith.mulf %get3A_1032, %mul3A_1149 : vector<16xf32>
      %sub3A_1151 = arith.subf %add3A_1148, %mul3A_1150 : vector<16xf32>
      %abs3A_1152 = math.absf %sub3A_1151 : vector<16xf32>
      %mul3A_1153 = vector.broadcast %mul3A_1089 : f32 to vector<16xf32>
      %mul3A_1154 = arith.mulf %get3A_1011, %mul3A_1153 : vector<16xf32>
      %mul3A_1155 = vector.broadcast %mul3A_1116 : f32 to vector<16xf32>
      %mul3A_1156 = arith.mulf %get3A_1023, %mul3A_1155 : vector<16xf32>
      %add3A_1157 = arith.addf %mul3A_1154, %mul3A_1156 : vector<16xf32>
      %mul3A_1158 = vector.broadcast %mul3A_1143 : f32 to vector<16xf32>
      %mul3A_1159 = arith.mulf %get3A_1035, %mul3A_1158 : vector<16xf32>
      %sub3A_1160 = arith.subf %add3A_1157, %mul3A_1159 : vector<16xf32>
      %abs3A_1161 = math.absf %sub3A_1160 : vector<16xf32>
      %add3A_1162 = arith.addf %abs3A_1152, %abs3A_1161 : vector<16xf32>
      %mul3A_1163 = vector.broadcast %mul3A_1089 : f32 to vector<16xf32>
      %mul3A_1164 = arith.mulf %get3A_1014, %mul3A_1163 : vector<16xf32>
      %mul3A_1165 = vector.broadcast %mul3A_1116 : f32 to vector<16xf32>
      %mul3A_1166 = arith.mulf %get3A_1026, %mul3A_1165 : vector<16xf32>
      %add3A_1167 = arith.addf %mul3A_1164, %mul3A_1166 : vector<16xf32>
      %mul3A_1168 = vector.broadcast %mul3A_1143 : f32 to vector<16xf32>
      %mul3A_1169 = arith.mulf %get3A_1038, %mul3A_1168 : vector<16xf32>
      %sub3A_1170 = arith.subf %add3A_1167, %mul3A_1169 : vector<16xf32>
      %abs3A_1171 = math.absf %sub3A_1170 : vector<16xf32>
      %add3A_1172 = arith.addf %add3A_1162, %abs3A_1171 : vector<16xf32>
      %mul3A_1173 = vector.broadcast %mul3A_1089 : f32 to vector<16xf32>
      %mul3A_1174 = arith.mulf %get3A_1017, %mul3A_1173 : vector<16xf32>
      %mul3A_1175 = vector.broadcast %mul3A_1116 : f32 to vector<16xf32>
      %mul3A_1176 = arith.mulf %get3A_1029, %mul3A_1175 : vector<16xf32>
      %add3A_1177 = arith.addf %mul3A_1174, %mul3A_1176 : vector<16xf32>
      %mul3A_1178 = vector.broadcast %mul3A_1143 : f32 to vector<16xf32>
      %mul3A_1179 = arith.mulf %get3A_1041, %mul3A_1178 : vector<16xf32>
      %sub3A_1180 = arith.subf %add3A_1177, %mul3A_1179 : vector<16xf32>
      %abs3A_1181 = math.absf %sub3A_1180 : vector<16xf32>
      %add3A_1182 = arith.addf %add3A_1172, %abs3A_1181 : vector<16xf32>
      %eq3A_1183 = arith.constant 4 : i32
      %eq3A_1184 = vector.broadcast %eq3A_1183 : i32 to vector<16xi32>
      %eq3A_1185 = arith.cmpi eq, %iota3A, %eq3A_1184 : vector<16xi32>
      %reduce_sum3A_1186 = arith.constant true
      %reduce_sum3A_1187 = vector.broadcast %reduce_sum3A_1186 : i1 to vector<16xi1>
      %reduce_sum3A_1188 = tpu.scan <sum>, %add3A_1182 masked %reduce_sum3A_1187 : vector<16xf32>, vector<16xi1> -> vector<16xf32>
      %reduce_sum3A_1189 = vector.extract %reduce_sum3A_1188[15] : f32 from vector<16xf32>
      %broadcast_in_dim3A_1190 = vector.broadcast %reduce_sum3A_1189 : f32 to vector<16xf32>
      %select_n3A_1191 = arith.select %eq3A_1185, %broadcast_in_dim3A_1190, %select_n3A_1001 : vector<16xi1>, vector<16xf32>
      %mul3A_1192 = arith.constant 16 : i32
      %mul3A_1193 = arith.muli %scan3A_248, %mul3A_1192 : i32
      %add3A_1194 = arith.constant 5 : i32
      %add3A_1195 = arith.addi %mul3A_1193, %add3A_1194 : i32
      %get3A_1196 = arith.index_cast %add3A_1195 : i32 to index
      %get3A_1197 = arith.constant 0 : index
      %get3A_1198 = tpu.vector_load %arg11[%get3A_1196, %get3A_1197] {strides = array<i32>} : memref<512x64xf32, #tpu.memory_space<vmem>>, vector<16xf32>,
      %get3A_1199 = arith.index_cast %add3A_1195 : i32 to index
      %get3A_1200 = arith.constant 16 : index
      %get3A_1201 = tpu.vector_load %arg11[%get3A_1199, %get3A_1200] {strides = array<i32>} : memref<512x64xf32, #tpu.memory_space<vmem>>, vector<16xf32>,
      %get3A_1202 = arith.index_cast %add3A_1195 : i32 to index
      %get3A_1203 = arith.constant 32 : index
      %get3A_1204 = tpu.vector_load %arg11[%get3A_1202, %get3A_1203] {strides = array<i32>} : memref<512x64xf32, #tpu.memory_space<vmem>>, vector<16xf32>,
      %get3A_1205 = arith.index_cast %add3A_1195 : i32 to index
      %get3A_1206 = arith.constant 48 : index
      %get3A_1207 = tpu.vector_load %arg11[%get3A_1205, %get3A_1206] {strides = array<i32>} : memref<512x64xf32, #tpu.memory_space<vmem>>, vector<16xf32>,
      %get3A_1208 = arith.index_cast %add3A_1195 : i32 to index
      %get3A_1209 = arith.constant 0 : index
      %get3A_1210 = tpu.vector_load %arg13[%get3A_1208, %get3A_1209] {strides = array<i32>} : memref<512x64xf32, #tpu.memory_space<vmem>>, vector<16xf32>,
      %get3A_1211 = arith.index_cast %add3A_1195 : i32 to index
      %get3A_1212 = arith.constant 16 : index
      %get3A_1213 = tpu.vector_load %arg13[%get3A_1211, %get3A_1212] {strides = array<i32>} : memref<512x64xf32, #tpu.memory_space<vmem>>, vector<16xf32>,
      %get3A_1214 = arith.index_cast %add3A_1195 : i32 to index
      %get3A_1215 = arith.constant 32 : index
      %get3A_1216 = tpu.vector_load %arg13[%get3A_1214, %get3A_1215] {strides = array<i32>} : memref<512x64xf32, #tpu.memory_space<vmem>>, vector<16xf32>,
      %get3A_1217 = arith.index_cast %add3A_1195 : i32 to index
      %get3A_1218 = arith.constant 48 : index
      %get3A_1219 = tpu.vector_load %arg13[%get3A_1217, %get3A_1218] {strides = array<i32>} : memref<512x64xf32, #tpu.memory_space<vmem>>, vector<16xf32>,
      %get3A_1220 = arith.index_cast %add3A_1195 : i32 to index
      %get3A_1221 = arith.constant 0 : index
      %get3A_1222 = tpu.vector_load %arg12[%get3A_1220, %get3A_1221] {strides = array<i32>} : memref<512x64xf32, #tpu.memory_space<vmem>>, vector<16xf32>,
      %get3A_1223 = arith.index_cast %add3A_1195 : i32 to index
      %get3A_1224 = arith.constant 16 : index
      %get3A_1225 = tpu.vector_load %arg12[%get3A_1223, %get3A_1224] {strides = array<i32>} : memref<512x64xf32, #tpu.memory_space<vmem>>, vector<16xf32>,
      %get3A_1226 = arith.index_cast %add3A_1195 : i32 to index
      %get3A_1227 = arith.constant 32 : index
      %get3A_1228 = tpu.vector_load %arg12[%get3A_1226, %get3A_1227] {strides = array<i32>} : memref<512x64xf32, #tpu.memory_space<vmem>>, vector<16xf32>,
      %get3A_1229 = arith.index_cast %add3A_1195 : i32 to index
      %get3A_1230 = arith.constant 48 : index
      %get3A_1231 = tpu.vector_load %arg12[%get3A_1229, %get3A_1230] {strides = array<i32>} : memref<512x64xf32, #tpu.memory_space<vmem>>, vector<16xf32>,
      %mul3A_1232 = arith.mulf %get3A_1198, %get3A_1198 : vector<16xf32>
      %mul3A_1233 = arith.mulf %get3A_1201, %get3A_1201 : vector<16xf32>
      %add3A_1234 = arith.addf %mul3A_1232, %mul3A_1233 : vector<16xf32>
      %mul3A_1235 = arith.mulf %get3A_1204, %get3A_1204 : vector<16xf32>
      %add3A_1236 = arith.addf %add3A_1234, %mul3A_1235 : vector<16xf32>
      %mul3A_1237 = arith.mulf %get3A_1207, %get3A_1207 : vector<16xf32>
      %add3A_1238 = arith.addf %add3A_1236, %mul3A_1237 : vector<16xf32>
      %mul3A_1239 = arith.mulf %get3A_1210, %get3A_1210 : vector<16xf32>
      %mul3A_1240 = arith.mulf %get3A_1213, %get3A_1213 : vector<16xf32>
      %add3A_1241 = arith.addf %mul3A_1239, %mul3A_1240 : vector<16xf32>
      %mul3A_1242 = arith.mulf %get3A_1216, %get3A_1216 : vector<16xf32>
      %add3A_1243 = arith.addf %add3A_1241, %mul3A_1242 : vector<16xf32>
      %mul3A_1244 = arith.mulf %get3A_1219, %get3A_1219 : vector<16xf32>
      %add3A_1245 = arith.addf %add3A_1243, %mul3A_1244 : vector<16xf32>
      %mul3A_1246 = arith.mulf %get3A_1222, %get3A_1222 : vector<16xf32>
      %mul3A_1247 = arith.mulf %get3A_1225, %get3A_1225 : vector<16xf32>
      %add3A_1248 = arith.addf %mul3A_1246, %mul3A_1247 : vector<16xf32>
      %mul3A_1249 = arith.mulf %get3A_1228, %get3A_1228 : vector<16xf32>
      %add3A_1250 = arith.addf %add3A_1248, %mul3A_1249 : vector<16xf32>
      %mul3A_1251 = arith.mulf %get3A_1231, %get3A_1231 : vector<16xf32>
      %add3A_1252 = arith.addf %add3A_1250, %mul3A_1251 : vector<16xf32>
      %reduce_sum3A_1253 = arith.constant true
      %reduce_sum3A_1254 = vector.broadcast %reduce_sum3A_1253 : i1 to vector<16xi1>
      %reduce_sum3A_1255 = tpu.scan <sum>, %add3A_1238 masked %reduce_sum3A_1254 : vector<16xf32>, vector<16xi1> -> vector<16xf32>
      %reduce_sum3A_1256 = vector.extract %reduce_sum3A_1255[15] : f32 from vector<16xf32>
      %bitcast_convert_type3A_1257 = arith.bitcast %reduce_sum3A_1256 : f32 to i32
      %shift_right_arithmetic3A_1258 = arith.constant 1 : i32
      %shift_right_arithmetic3A_1259 = arith.shrsi %bitcast_convert_type3A_1257, %shift_right_arithmetic3A_1258 : i32
      %sub3A_1260 = arith.constant 1597463007 : i32
      %sub3A_1261 = arith.subi %sub3A_1260, %shift_right_arithmetic3A_1259 : i32
      %bitcast_convert_type3A_1262 = arith.bitcast %sub3A_1261 : i32 to f32
      %mul3A_1263 = arith.constant 5.000000e-01 : f32
      %mul3A_1264 = arith.mulf %reduce_sum3A_1256, %mul3A_1263 : f32
      %mul3A_1265 = arith.mulf %mul3A_1264, %bitcast_convert_type3A_1262 : f32
      %mul3A_1266 = arith.mulf %mul3A_1265, %bitcast_convert_type3A_1262 : f32
      %sub3A_1267 = arith.constant 1.500000e+00 : f32
      %sub3A_1268 = arith.subf %sub3A_1267, %mul3A_1266 : f32
      %mul3A_1269 = arith.mulf %bitcast_convert_type3A_1262, %sub3A_1268 : f32
      %mul3A_1270 = arith.mulf %mul3A_1264, %mul3A_1269 : f32
      %mul3A_1271 = arith.mulf %mul3A_1270, %mul3A_1269 : f32
      %sub3A_1272 = arith.constant 1.500000e+00 : f32
      %sub3A_1273 = arith.subf %sub3A_1272, %mul3A_1271 : f32
      %mul3A_1274 = arith.mulf %mul3A_1269, %sub3A_1273 : f32
      %mul3A_1275 = arith.mulf %mul3A_1264, %mul3A_1274 : f32
      %mul3A_1276 = arith.mulf %mul3A_1275, %mul3A_1274 : f32
      %sub3A_1277 = arith.constant 1.500000e+00 : f32
      %sub3A_1278 = arith.subf %sub3A_1277, %mul3A_1276 : f32
      %mul3A_1279 = arith.mulf %mul3A_1274, %sub3A_1278 : f32
      %reduce_sum3A_1280 = arith.constant true
      %reduce_sum3A_1281 = vector.broadcast %reduce_sum3A_1280 : i1 to vector<16xi1>
      %reduce_sum3A_1282 = tpu.scan <sum>, %add3A_1245 masked %reduce_sum3A_1281 : vector<16xf32>, vector<16xi1> -> vector<16xf32>
      %reduce_sum3A_1283 = vector.extract %reduce_sum3A_1282[15] : f32 from vector<16xf32>
      %bitcast_convert_type3A_1284 = arith.bitcast %reduce_sum3A_1283 : f32 to i32
      %shift_right_arithmetic3A_1285 = arith.constant 1 : i32
      %shift_right_arithmetic3A_1286 = arith.shrsi %bitcast_convert_type3A_1284, %shift_right_arithmetic3A_1285 : i32
      %sub3A_1287 = arith.constant 1597463007 : i32
      %sub3A_1288 = arith.subi %sub3A_1287, %shift_right_arithmetic3A_1286 : i32
      %bitcast_convert_type3A_1289 = arith.bitcast %sub3A_1288 : i32 to f32
      %mul3A_1290 = arith.constant 5.000000e-01 : f32
      %mul3A_1291 = arith.mulf %reduce_sum3A_1283, %mul3A_1290 : f32
      %mul3A_1292 = arith.mulf %mul3A_1291, %bitcast_convert_type3A_1289 : f32
      %mul3A_1293 = arith.mulf %mul3A_1292, %bitcast_convert_type3A_1289 : f32
      %sub3A_1294 = arith.constant 1.500000e+00 : f32
      %sub3A_1295 = arith.subf %sub3A_1294, %mul3A_1293 : f32
      %mul3A_1296 = arith.mulf %bitcast_convert_type3A_1289, %sub3A_1295 : f32
      %mul3A_1297 = arith.mulf %mul3A_1291, %mul3A_1296 : f32
      %mul3A_1298 = arith.mulf %mul3A_1297, %mul3A_1296 : f32
      %sub3A_1299 = arith.constant 1.500000e+00 : f32
      %sub3A_1300 = arith.subf %sub3A_1299, %mul3A_1298 : f32
      %mul3A_1301 = arith.mulf %mul3A_1296, %sub3A_1300 : f32
      %mul3A_1302 = arith.mulf %mul3A_1291, %mul3A_1301 : f32
      %mul3A_1303 = arith.mulf %mul3A_1302, %mul3A_1301 : f32
      %sub3A_1304 = arith.constant 1.500000e+00 : f32
      %sub3A_1305 = arith.subf %sub3A_1304, %mul3A_1303 : f32
      %mul3A_1306 = arith.mulf %mul3A_1301, %sub3A_1305 : f32
      %reduce_sum3A_1307 = arith.constant true
      %reduce_sum3A_1308 = vector.broadcast %reduce_sum3A_1307 : i1 to vector<16xi1>
      %reduce_sum3A_1309 = tpu.scan <sum>, %add3A_1252 masked %reduce_sum3A_1308 : vector<16xf32>, vector<16xi1> -> vector<16xf32>
      %reduce_sum3A_1310 = vector.extract %reduce_sum3A_1309[15] : f32 from vector<16xf32>
      %bitcast_convert_type3A_1311 = arith.bitcast %reduce_sum3A_1310 : f32 to i32
      %shift_right_arithmetic3A_1312 = arith.constant 1 : i32
      %shift_right_arithmetic3A_1313 = arith.shrsi %bitcast_convert_type3A_1311, %shift_right_arithmetic3A_1312 : i32
      %sub3A_1314 = arith.constant 1597463007 : i32
      %sub3A_1315 = arith.subi %sub3A_1314, %shift_right_arithmetic3A_1313 : i32
      %bitcast_convert_type3A_1316 = arith.bitcast %sub3A_1315 : i32 to f32
      %mul3A_1317 = arith.constant 5.000000e-01 : f32
      %mul3A_1318 = arith.mulf %reduce_sum3A_1310, %mul3A_1317 : f32
      %mul3A_1319 = arith.mulf %mul3A_1318, %bitcast_convert_type3A_1316 : f32
      %mul3A_1320 = arith.mulf %mul3A_1319, %bitcast_convert_type3A_1316 : f32
      %sub3A_1321 = arith.constant 1.500000e+00 : f32
      %sub3A_1322 = arith.subf %sub3A_1321, %mul3A_1320 : f32
      %mul3A_1323 = arith.mulf %bitcast_convert_type3A_1316, %sub3A_1322 : f32
      %mul3A_1324 = arith.mulf %mul3A_1318, %mul3A_1323 : f32
      %mul3A_1325 = arith.mulf %mul3A_1324, %mul3A_1323 : f32
      %sub3A_1326 = arith.constant 1.500000e+00 : f32
      %sub3A_1327 = arith.subf %sub3A_1326, %mul3A_1325 : f32
      %mul3A_1328 = arith.mulf %mul3A_1323, %sub3A_1327 : f32
      %mul3A_1329 = arith.mulf %mul3A_1318, %mul3A_1328 : f32
      %mul3A_1330 = arith.mulf %mul3A_1329, %mul3A_1328 : f32
      %sub3A_1331 = arith.constant 1.500000e+00 : f32
      %sub3A_1332 = arith.subf %sub3A_1331, %mul3A_1330 : f32
      %mul3A_1333 = arith.mulf %mul3A_1328, %sub3A_1332 : f32
      %mul3A_1334 = vector.broadcast %mul3A_1279 : f32 to vector<16xf32>
      %mul3A_1335 = arith.mulf %get3A_1198, %mul3A_1334 : vector<16xf32>
      %mul3A_1336 = vector.broadcast %mul3A_1306 : f32 to vector<16xf32>
      %mul3A_1337 = arith.mulf %get3A_1210, %mul3A_1336 : vector<16xf32>
      %add3A_1338 = arith.addf %mul3A_1335, %mul3A_1337 : vector<16xf32>
      %mul3A_1339 = vector.broadcast %mul3A_1333 : f32 to vector<16xf32>
      %mul3A_1340 = arith.mulf %get3A_1222, %mul3A_1339 : vector<16xf32>
      %sub3A_1341 = arith.subf %add3A_1338, %mul3A_1340 : vector<16xf32>
      %abs3A_1342 = math.absf %sub3A_1341 : vector<16xf32>
      %mul3A_1343 = vector.broadcast %mul3A_1279 : f32 to vector<16xf32>
      %mul3A_1344 = arith.mulf %get3A_1201, %mul3A_1343 : vector<16xf32>
      %mul3A_1345 = vector.broadcast %mul3A_1306 : f32 to vector<16xf32>
      %mul3A_1346 = arith.mulf %get3A_1213, %mul3A_1345 : vector<16xf32>
      %add3A_1347 = arith.addf %mul3A_1344, %mul3A_1346 : vector<16xf32>
      %mul3A_1348 = vector.broadcast %mul3A_1333 : f32 to vector<16xf32>
      %mul3A_1349 = arith.mulf %get3A_1225, %mul3A_1348 : vector<16xf32>
      %sub3A_1350 = arith.subf %add3A_1347, %mul3A_1349 : vector<16xf32>
      %abs3A_1351 = math.absf %sub3A_1350 : vector<16xf32>
      %add3A_1352 = arith.addf %abs3A_1342, %abs3A_1351 : vector<16xf32>
      %mul3A_1353 = vector.broadcast %mul3A_1279 : f32 to vector<16xf32>
      %mul3A_1354 = arith.mulf %get3A_1204, %mul3A_1353 : vector<16xf32>
      %mul3A_1355 = vector.broadcast %mul3A_1306 : f32 to vector<16xf32>
      %mul3A_1356 = arith.mulf %get3A_1216, %mul3A_1355 : vector<16xf32>
      %add3A_1357 = arith.addf %mul3A_1354, %mul3A_1356 : vector<16xf32>
      %mul3A_1358 = vector.broadcast %mul3A_1333 : f32 to vector<16xf32>
      %mul3A_1359 = arith.mulf %get3A_1228, %mul3A_1358 : vector<16xf32>
      %sub3A_1360 = arith.subf %add3A_1357, %mul3A_1359 : vector<16xf32>
      %abs3A_1361 = math.absf %sub3A_1360 : vector<16xf32>
      %add3A_1362 = arith.addf %add3A_1352, %abs3A_1361 : vector<16xf32>
      %mul3A_1363 = vector.broadcast %mul3A_1279 : f32 to vector<16xf32>
      %mul3A_1364 = arith.mulf %get3A_1207, %mul3A_1363 : vector<16xf32>
      %mul3A_1365 = vector.broadcast %mul3A_1306 : f32 to vector<16xf32>
      %mul3A_1366 = arith.mulf %get3A_1219, %mul3A_1365 : vector<16xf32>
      %add3A_1367 = arith.addf %mul3A_1364, %mul3A_1366 : vector<16xf32>
      %mul3A_1368 = vector.broadcast %mul3A_1333 : f32 to vector<16xf32>
      %mul3A_1369 = arith.mulf %get3A_1231, %mul3A_1368 : vector<16xf32>
      %sub3A_1370 = arith.subf %add3A_1367, %mul3A_1369 : vector<16xf32>
      %abs3A_1371 = math.absf %sub3A_1370 : vector<16xf32>
      %add3A_1372 = arith.addf %add3A_1362, %abs3A_1371 : vector<16xf32>
      %eq3A_1373 = arith.constant 5 : i32
      %eq3A_1374 = vector.broadcast %eq3A_1373 : i32 to vector<16xi32>
      %eq3A_1375 = arith.cmpi eq, %iota3A, %eq3A_1374 : vector<16xi32>
      %reduce_sum3A_1376 = arith.constant true
      %reduce_sum3A_1377 = vector.broadcast %reduce_sum3A_1376 : i1 to vector<16xi1>
      %reduce_sum3A_1378 = tpu.scan <sum>, %add3A_1372 masked %reduce_sum3A_1377 : vector<16xf32>, vector<16xi1> -> vector<16xf32>
      %reduce_sum3A_1379 = vector.extract %reduce_sum3A_1378[15] : f32 from vector<16xf32>
      %broadcast_in_dim3A_1380 = vector.broadcast %reduce_sum3A_1379 : f32 to vector<16xf32>
      %select_n3A_1381 = arith.select %eq3A_1375, %broadcast_in_dim3A_1380, %select_n3A_1191 : vector<16xi1>, vector<16xf32>
      %mul3A_1382 = arith.constant 16 : i32
      %mul3A_1383 = arith.muli %scan3A_248, %mul3A_1382 : i32
      %add3A_1384 = arith.constant 6 : i32
      %add3A_1385 = arith.addi %mul3A_1383, %add3A_1384 : i32
      %get3A_1386 = arith.index_cast %add3A_1385 : i32 to index
      %get3A_1387 = arith.constant 0 : index
      %get3A_1388 = tpu.vector_load %arg11[%get3A_1386, %get3A_1387] {strides = array<i32>} : memref<512x64xf32, #tpu.memory_space<vmem>>, vector<16xf32>,
      %get3A_1389 = arith.index_cast %add3A_1385 : i32 to index
      %get3A_1390 = arith.constant 16 : index
      %get3A_1391 = tpu.vector_load %arg11[%get3A_1389, %get3A_1390] {strides = array<i32>} : memref<512x64xf32, #tpu.memory_space<vmem>>, vector<16xf32>,
      %get3A_1392 = arith.index_cast %add3A_1385 : i32 to index
      %get3A_1393 = arith.constant 32 : index
      %get3A_1394 = tpu.vector_load %arg11[%get3A_1392, %get3A_1393] {strides = array<i32>} : memref<512x64xf32, #tpu.memory_space<vmem>>, vector<16xf32>,
      %get3A_1395 = arith.index_cast %add3A_1385 : i32 to index
      %get3A_1396 = arith.constant 48 : index
      %get3A_1397 = tpu.vector_load %arg11[%get3A_1395, %get3A_1396] {strides = array<i32>} : memref<512x64xf32, #tpu.memory_space<vmem>>, vector<16xf32>,
      %get3A_1398 = arith.index_cast %add3A_1385 : i32 to index
      %get3A_1399 = arith.constant 0 : index
      %get3A_1400 = tpu.vector_load %arg13[%get3A_1398, %get3A_1399] {strides = array<i32>} : memref<512x64xf32, #tpu.memory_space<vmem>>, vector<16xf32>,
      %get3A_1401 = arith.index_cast %add3A_1385 : i32 to index
      %get3A_1402 = arith.constant 16 : index
      %get3A_1403 = tpu.vector_load %arg13[%get3A_1401, %get3A_1402] {strides = array<i32>} : memref<512x64xf32, #tpu.memory_space<vmem>>, vector<16xf32>,
      %get3A_1404 = arith.index_cast %add3A_1385 : i32 to index
      %get3A_1405 = arith.constant 32 : index
      %get3A_1406 = tpu.vector_load %arg13[%get3A_1404, %get3A_1405] {strides = array<i32>} : memref<512x64xf32, #tpu.memory_space<vmem>>, vector<16xf32>,
      %get3A_1407 = arith.index_cast %add3A_1385 : i32 to index
      %get3A_1408 = arith.constant 48 : index
      %get3A_1409 = tpu.vector_load %arg13[%get3A_1407, %get3A_1408] {strides = array<i32>} : memref<512x64xf32, #tpu.memory_space<vmem>>, vector<16xf32>,
      %get3A_1410 = arith.index_cast %add3A_1385 : i32 to index
      %get3A_1411 = arith.constant 0 : index
      %get3A_1412 = tpu.vector_load %arg12[%get3A_1410, %get3A_1411] {strides = array<i32>} : memref<512x64xf32, #tpu.memory_space<vmem>>, vector<16xf32>,
      %get3A_1413 = arith.index_cast %add3A_1385 : i32 to index
      %get3A_1414 = arith.constant 16 : index
      %get3A_1415 = tpu.vector_load %arg12[%get3A_1413, %get3A_1414] {strides = array<i32>} : memref<512x64xf32, #tpu.memory_space<vmem>>, vector<16xf32>,
      %get3A_1416 = arith.index_cast %add3A_1385 : i32 to index
      %get3A_1417 = arith.constant 32 : index
      %get3A_1418 = tpu.vector_load %arg12[%get3A_1416, %get3A_1417] {strides = array<i32>} : memref<512x64xf32, #tpu.memory_space<vmem>>, vector<16xf32>,
      %get3A_1419 = arith.index_cast %add3A_1385 : i32 to index
      %get3A_1420 = arith.constant 48 : index
      %get3A_1421 = tpu.vector_load %arg12[%get3A_1419, %get3A_1420] {strides = array<i32>} : memref<512x64xf32, #tpu.memory_space<vmem>>, vector<16xf32>,
      %mul3A_1422 = arith.mulf %get3A_1388, %get3A_1388 : vector<16xf32>
      %mul3A_1423 = arith.mulf %get3A_1391, %get3A_1391 : vector<16xf32>
      %add3A_1424 = arith.addf %mul3A_1422, %mul3A_1423 : vector<16xf32>
      %mul3A_1425 = arith.mulf %get3A_1394, %get3A_1394 : vector<16xf32>
      %add3A_1426 = arith.addf %add3A_1424, %mul3A_1425 : vector<16xf32>
      %mul3A_1427 = arith.mulf %get3A_1397, %get3A_1397 : vector<16xf32>
      %add3A_1428 = arith.addf %add3A_1426, %mul3A_1427 : vector<16xf32>
      %mul3A_1429 = arith.mulf %get3A_1400, %get3A_1400 : vector<16xf32>
      %mul3A_1430 = arith.mulf %get3A_1403, %get3A_1403 : vector<16xf32>
      %add3A_1431 = arith.addf %mul3A_1429, %mul3A_1430 : vector<16xf32>
      %mul3A_1432 = arith.mulf %get3A_1406, %get3A_1406 : vector<16xf32>
      %add3A_1433 = arith.addf %add3A_1431, %mul3A_1432 : vector<16xf32>
      %mul3A_1434 = arith.mulf %get3A_1409, %get3A_1409 : vector<16xf32>
      %add3A_1435 = arith.addf %add3A_1433, %mul3A_1434 : vector<16xf32>
      %mul3A_1436 = arith.mulf %get3A_1412, %get3A_1412 : vector<16xf32>
      %mul3A_1437 = arith.mulf %get3A_1415, %get3A_1415 : vector<16xf32>
      %add3A_1438 = arith.addf %mul3A_1436, %mul3A_1437 : vector<16xf32>
      %mul3A_1439 = arith.mulf %get3A_1418, %get3A_1418 : vector<16xf32>
      %add3A_1440 = arith.addf %add3A_1438, %mul3A_1439 : vector<16xf32>
      %mul3A_1441 = arith.mulf %get3A_1421, %get3A_1421 : vector<16xf32>
      %add3A_1442 = arith.addf %add3A_1440, %mul3A_1441 : vector<16xf32>
      %reduce_sum3A_1443 = arith.constant true
      %reduce_sum3A_1444 = vector.broadcast %reduce_sum3A_1443 : i1 to vector<16xi1>
      %reduce_sum3A_1445 = tpu.scan <sum>, %add3A_1428 masked %reduce_sum3A_1444 : vector<16xf32>, vector<16xi1> -> vector<16xf32>
      %reduce_sum3A_1446 = vector.extract %reduce_sum3A_1445[15] : f32 from vector<16xf32>
      %bitcast_convert_type3A_1447 = arith.bitcast %reduce_sum3A_1446 : f32 to i32
      %shift_right_arithmetic3A_1448 = arith.constant 1 : i32
      %shift_right_arithmetic3A_1449 = arith.shrsi %bitcast_convert_type3A_1447, %shift_right_arithmetic3A_1448 : i32
      %sub3A_1450 = arith.constant 1597463007 : i32
      %sub3A_1451 = arith.subi %sub3A_1450, %shift_right_arithmetic3A_1449 : i32
      %bitcast_convert_type3A_1452 = arith.bitcast %sub3A_1451 : i32 to f32
      %mul3A_1453 = arith.constant 5.000000e-01 : f32
      %mul3A_1454 = arith.mulf %reduce_sum3A_1446, %mul3A_1453 : f32
      %mul3A_1455 = arith.mulf %mul3A_1454, %bitcast_convert_type3A_1452 : f32
      %mul3A_1456 = arith.mulf %mul3A_1455, %bitcast_convert_type3A_1452 : f32
      %sub3A_1457 = arith.constant 1.500000e+00 : f32
      %sub3A_1458 = arith.subf %sub3A_1457, %mul3A_1456 : f32
      %mul3A_1459 = arith.mulf %bitcast_convert_type3A_1452, %sub3A_1458 : f32
      %mul3A_1460 = arith.mulf %mul3A_1454, %mul3A_1459 : f32
      %mul3A_1461 = arith.mulf %mul3A_1460, %mul3A_1459 : f32
      %sub3A_1462 = arith.constant 1.500000e+00 : f32
      %sub3A_1463 = arith.subf %sub3A_1462, %mul3A_1461 : f32
      %mul3A_1464 = arith.mulf %mul3A_1459, %sub3A_1463 : f32
      %mul3A_1465 = arith.mulf %mul3A_1454, %mul3A_1464 : f32
      %mul3A_1466 = arith.mulf %mul3A_1465, %mul3A_1464 : f32
      %sub3A_1467 = arith.constant 1.500000e+00 : f32
      %sub3A_1468 = arith.subf %sub3A_1467, %mul3A_1466 : f32
      %mul3A_1469 = arith.mulf %mul3A_1464, %sub3A_1468 : f32
      %reduce_sum3A_1470 = arith.constant true
      %reduce_sum3A_1471 = vector.broadcast %reduce_sum3A_1470 : i1 to vector<16xi1>
      %reduce_sum3A_1472 = tpu.scan <sum>, %add3A_1435 masked %reduce_sum3A_1471 : vector<16xf32>, vector<16xi1> -> vector<16xf32>
      %reduce_sum3A_1473 = vector.extract %reduce_sum3A_1472[15] : f32 from vector<16xf32>
      %bitcast_convert_type3A_1474 = arith.bitcast %reduce_sum3A_1473 : f32 to i32
      %shift_right_arithmetic3A_1475 = arith.constant 1 : i32
      %shift_right_arithmetic3A_1476 = arith.shrsi %bitcast_convert_type3A_1474, %shift_right_arithmetic3A_1475 : i32
      %sub3A_1477 = arith.constant 1597463007 : i32
      %sub3A_1478 = arith.subi %sub3A_1477, %shift_right_arithmetic3A_1476 : i32
      %bitcast_convert_type3A_1479 = arith.bitcast %sub3A_1478 : i32 to f32
      %mul3A_1480 = arith.constant 5.000000e-01 : f32
      %mul3A_1481 = arith.mulf %reduce_sum3A_1473, %mul3A_1480 : f32
      %mul3A_1482 = arith.mulf %mul3A_1481, %bitcast_convert_type3A_1479 : f32
      %mul3A_1483 = arith.mulf %mul3A_1482, %bitcast_convert_type3A_1479 : f32
      %sub3A_1484 = arith.constant 1.500000e+00 : f32
      %sub3A_1485 = arith.subf %sub3A_1484, %mul3A_1483 : f32
      %mul3A_1486 = arith.mulf %bitcast_convert_type3A_1479, %sub3A_1485 : f32
      %mul3A_1487 = arith.mulf %mul3A_1481, %mul3A_1486 : f32
      %mul3A_1488 = arith.mulf %mul3A_1487, %mul3A_1486 : f32
      %sub3A_1489 = arith.constant 1.500000e+00 : f32
      %sub3A_1490 = arith.subf %sub3A_1489, %mul3A_1488 : f32
      %mul3A_1491 = arith.mulf %mul3A_1486, %sub3A_1490 : f32
      %mul3A_1492 = arith.mulf %mul3A_1481, %mul3A_1491 : f32
      %mul3A_1493 = arith.mulf %mul3A_1492, %mul3A_1491 : f32
      %sub3A_1494 = arith.constant 1.500000e+00 : f32
      %sub3A_1495 = arith.subf %sub3A_1494, %mul3A_1493 : f32
      %mul3A_1496 = arith.mulf %mul3A_1491, %sub3A_1495 : f32
      %reduce_sum3A_1497 = arith.constant true
      %reduce_sum3A_1498 = vector.broadcast %reduce_sum3A_1497 : i1 to vector<16xi1>
      %reduce_sum3A_1499 = tpu.scan <sum>, %add3A_1442 masked %reduce_sum3A_1498 : vector<16xf32>, vector<16xi1> -> vector<16xf32>
      %reduce_sum3A_1500 = vector.extract %reduce_sum3A_1499[15] : f32 from vector<16xf32>
      %bitcast_convert_type3A_1501 = arith.bitcast %reduce_sum3A_1500 : f32 to i32
      %shift_right_arithmetic3A_1502 = arith.constant 1 : i32
      %shift_right_arithmetic3A_1503 = arith.shrsi %bitcast_convert_type3A_1501, %shift_right_arithmetic3A_1502 : i32
      %sub3A_1504 = arith.constant 1597463007 : i32
      %sub3A_1505 = arith.subi %sub3A_1504, %shift_right_arithmetic3A_1503 : i32
      %bitcast_convert_type3A_1506 = arith.bitcast %sub3A_1505 : i32 to f32
      %mul3A_1507 = arith.constant 5.000000e-01 : f32
      %mul3A_1508 = arith.mulf %reduce_sum3A_1500, %mul3A_1507 : f32
      %mul3A_1509 = arith.mulf %mul3A_1508, %bitcast_convert_type3A_1506 : f32
      %mul3A_1510 = arith.mulf %mul3A_1509, %bitcast_convert_type3A_1506 : f32
      %sub3A_1511 = arith.constant 1.500000e+00 : f32
      %sub3A_1512 = arith.subf %sub3A_1511, %mul3A_1510 : f32
      %mul3A_1513 = arith.mulf %bitcast_convert_type3A_1506, %sub3A_1512 : f32
      %mul3A_1514 = arith.mulf %mul3A_1508, %mul3A_1513 : f32
      %mul3A_1515 = arith.mulf %mul3A_1514, %mul3A_1513 : f32
      %sub3A_1516 = arith.constant 1.500000e+00 : f32
      %sub3A_1517 = arith.subf %sub3A_1516, %mul3A_1515 : f32
      %mul3A_1518 = arith.mulf %mul3A_1513, %sub3A_1517 : f32
      %mul3A_1519 = arith.mulf %mul3A_1508, %mul3A_1518 : f32
      %mul3A_1520 = arith.mulf %mul3A_1519, %mul3A_1518 : f32
      %sub3A_1521 = arith.constant 1.500000e+00 : f32
      %sub3A_1522 = arith.subf %sub3A_1521, %mul3A_1520 : f32
      %mul3A_1523 = arith.mulf %mul3A_1518, %sub3A_1522 : f32
      %mul3A_1524 = vector.broadcast %mul3A_1469 : f32 to vector<16xf32>
      %mul3A_1525 = arith.mulf %get3A_1388, %mul3A_1524 : vector<16xf32>
      %mul3A_1526 = vector.broadcast %mul3A_1496 : f32 to vector<16xf32>
      %mul3A_1527 = arith.mulf %get3A_1400, %mul3A_1526 : vector<16xf32>
      %add3A_1528 = arith.addf %mul3A_1525, %mul3A_1527 : vector<16xf32>
      %mul3A_1529 = vector.broadcast %mul3A_1523 : f32 to vector<16xf32>
      %mul3A_1530 = arith.mulf %get3A_1412, %mul3A_1529 : vector<16xf32>
      %sub3A_1531 = arith.subf %add3A_1528, %mul3A_1530 : vector<16xf32>
      %abs3A_1532 = math.absf %sub3A_1531 : vector<16xf32>
      %mul3A_1533 = vector.broadcast %mul3A_1469 : f32 to vector<16xf32>
      %mul3A_1534 = arith.mulf %get3A_1391, %mul3A_1533 : vector<16xf32>
      %mul3A_1535 = vector.broadcast %mul3A_1496 : f32 to vector<16xf32>
      %mul3A_1536 = arith.mulf %get3A_1403, %mul3A_1535 : vector<16xf32>
      %add3A_1537 = arith.addf %mul3A_1534, %mul3A_1536 : vector<16xf32>
      %mul3A_1538 = vector.broadcast %mul3A_1523 : f32 to vector<16xf32>
      %mul3A_1539 = arith.mulf %get3A_1415, %mul3A_1538 : vector<16xf32>
      %sub3A_1540 = arith.subf %add3A_1537, %mul3A_1539 : vector<16xf32>
      %abs3A_1541 = math.absf %sub3A_1540 : vector<16xf32>
      %add3A_1542 = arith.addf %abs3A_1532, %abs3A_1541 : vector<16xf32>
      %mul3A_1543 = vector.broadcast %mul3A_1469 : f32 to vector<16xf32>
      %mul3A_1544 = arith.mulf %get3A_1394, %mul3A_1543 : vector<16xf32>
      %mul3A_1545 = vector.broadcast %mul3A_1496 : f32 to vector<16xf32>
      %mul3A_1546 = arith.mulf %get3A_1406, %mul3A_1545 : vector<16xf32>
      %add3A_1547 = arith.addf %mul3A_1544, %mul3A_1546 : vector<16xf32>
      %mul3A_1548 = vector.broadcast %mul3A_1523 : f32 to vector<16xf32>
      %mul3A_1549 = arith.mulf %get3A_1418, %mul3A_1548 : vector<16xf32>
      %sub3A_1550 = arith.subf %add3A_1547, %mul3A_1549 : vector<16xf32>
      %abs3A_1551 = math.absf %sub3A_1550 : vector<16xf32>
      %add3A_1552 = arith.addf %add3A_1542, %abs3A_1551 : vector<16xf32>
      %mul3A_1553 = vector.broadcast %mul3A_1469 : f32 to vector<16xf32>
      %mul3A_1554 = arith.mulf %get3A_1397, %mul3A_1553 : vector<16xf32>
      %mul3A_1555 = vector.broadcast %mul3A_1496 : f32 to vector<16xf32>
      %mul3A_1556 = arith.mulf %get3A_1409, %mul3A_1555 : vector<16xf32>
      %add3A_1557 = arith.addf %mul3A_1554, %mul3A_1556 : vector<16xf32>
      %mul3A_1558 = vector.broadcast %mul3A_1523 : f32 to vector<16xf32>
      %mul3A_1559 = arith.mulf %get3A_1421, %mul3A_1558 : vector<16xf32>
      %sub3A_1560 = arith.subf %add3A_1557, %mul3A_1559 : vector<16xf32>
      %abs3A_1561 = math.absf %sub3A_1560 : vector<16xf32>
      %add3A_1562 = arith.addf %add3A_1552, %abs3A_1561 : vector<16xf32>
      %eq3A_1563 = arith.constant 6 : i32
      %eq3A_1564 = vector.broadcast %eq3A_1563 : i32 to vector<16xi32>
      %eq3A_1565 = arith.cmpi eq, %iota3A, %eq3A_1564 : vector<16xi32>
      %reduce_sum3A_1566 = arith.constant true
      %reduce_sum3A_1567 = vector.broadcast %reduce_sum3A_1566 : i1 to vector<16xi1>
      %reduce_sum3A_1568 = tpu.scan <sum>, %add3A_1562 masked %reduce_sum3A_1567 : vector<16xf32>, vector<16xi1> -> vector<16xf32>
      %reduce_sum3A_1569 = vector.extract %reduce_sum3A_1568[15] : f32 from vector<16xf32>
      %broadcast_in_dim3A_1570 = vector.broadcast %reduce_sum3A_1569 : f32 to vector<16xf32>
      %select_n3A_1571 = arith.select %eq3A_1565, %broadcast_in_dim3A_1570, %select_n3A_1381 : vector<16xi1>, vector<16xf32>
      %mul3A_1572 = arith.constant 16 : i32
      %mul3A_1573 = arith.muli %scan3A_248, %mul3A_1572 : i32
      %add3A_1574 = arith.constant 7 : i32
      %add3A_1575 = arith.addi %mul3A_1573, %add3A_1574 : i32
      %get3A_1576 = arith.index_cast %add3A_1575 : i32 to index
      %get3A_1577 = arith.constant 0 : index
      %get3A_1578 = tpu.vector_load %arg11[%get3A_1576, %get3A_1577] {strides = array<i32>} : memref<512x64xf32, #tpu.memory_space<vmem>>, vector<16xf32>,
      %get3A_1579 = arith.index_cast %add3A_1575 : i32 to index
      %get3A_1580 = arith.constant 16 : index
      %get3A_1581 = tpu.vector_load %arg11[%get3A_1579, %get3A_1580] {strides = array<i32>} : memref<512x64xf32, #tpu.memory_space<vmem>>, vector<16xf32>,
      %get3A_1582 = arith.index_cast %add3A_1575 : i32 to index
      %get3A_1583 = arith.constant 32 : index
      %get3A_1584 = tpu.vector_load %arg11[%get3A_1582, %get3A_1583] {strides = array<i32>} : memref<512x64xf32, #tpu.memory_space<vmem>>, vector<16xf32>,
      %get3A_1585 = arith.index_cast %add3A_1575 : i32 to index
      %get3A_1586 = arith.constant 48 : index
      %get3A_1587 = tpu.vector_load %arg11[%get3A_1585, %get3A_1586] {strides = array<i32>} : memref<512x64xf32, #tpu.memory_space<vmem>>, vector<16xf32>,
      %get3A_1588 = arith.index_cast %add3A_1575 : i32 to index
      %get3A_1589 = arith.constant 0 : index
      %get3A_1590 = tpu.vector_load %arg13[%get3A_1588, %get3A_1589] {strides = array<i32>} : memref<512x64xf32, #tpu.memory_space<vmem>>, vector<16xf32>,
      %get3A_1591 = arith.index_cast %add3A_1575 : i32 to index
      %get3A_1592 = arith.constant 16 : index
      %get3A_1593 = tpu.vector_load %arg13[%get3A_1591, %get3A_1592] {strides = array<i32>} : memref<512x64xf32, #tpu.memory_space<vmem>>, vector<16xf32>,
      %get3A_1594 = arith.index_cast %add3A_1575 : i32 to index
      %get3A_1595 = arith.constant 32 : index
      %get3A_1596 = tpu.vector_load %arg13[%get3A_1594, %get3A_1595] {strides = array<i32>} : memref<512x64xf32, #tpu.memory_space<vmem>>, vector<16xf32>,
      %get3A_1597 = arith.index_cast %add3A_1575 : i32 to index
      %get3A_1598 = arith.constant 48 : index
      %get3A_1599 = tpu.vector_load %arg13[%get3A_1597, %get3A_1598] {strides = array<i32>} : memref<512x64xf32, #tpu.memory_space<vmem>>, vector<16xf32>,
      %get3A_1600 = arith.index_cast %add3A_1575 : i32 to index
      %get3A_1601 = arith.constant 0 : index
      %get3A_1602 = tpu.vector_load %arg12[%get3A_1600, %get3A_1601] {strides = array<i32>} : memref<512x64xf32, #tpu.memory_space<vmem>>, vector<16xf32>,
      %get3A_1603 = arith.index_cast %add3A_1575 : i32 to index
      %get3A_1604 = arith.constant 16 : index
      %get3A_1605 = tpu.vector_load %arg12[%get3A_1603, %get3A_1604] {strides = array<i32>} : memref<512x64xf32, #tpu.memory_space<vmem>>, vector<16xf32>,
      %get3A_1606 = arith.index_cast %add3A_1575 : i32 to index
      %get3A_1607 = arith.constant 32 : index
      %get3A_1608 = tpu.vector_load %arg12[%get3A_1606, %get3A_1607] {strides = array<i32>} : memref<512x64xf32, #tpu.memory_space<vmem>>, vector<16xf32>,
      %get3A_1609 = arith.index_cast %add3A_1575 : i32 to index
      %get3A_1610 = arith.constant 48 : index
      %get3A_1611 = tpu.vector_load %arg12[%get3A_1609, %get3A_1610] {strides = array<i32>} : memref<512x64xf32, #tpu.memory_space<vmem>>, vector<16xf32>,
      %mul3A_1612 = arith.mulf %get3A_1578, %get3A_1578 : vector<16xf32>
      %mul3A_1613 = arith.mulf %get3A_1581, %get3A_1581 : vector<16xf32>
      %add3A_1614 = arith.addf %mul3A_1612, %mul3A_1613 : vector<16xf32>
      %mul3A_1615 = arith.mulf %get3A_1584, %get3A_1584 : vector<16xf32>
      %add3A_1616 = arith.addf %add3A_1614, %mul3A_1615 : vector<16xf32>
      %mul3A_1617 = arith.mulf %get3A_1587, %get3A_1587 : vector<16xf32>
      %add3A_1618 = arith.addf %add3A_1616, %mul3A_1617 : vector<16xf32>
      %mul3A_1619 = arith.mulf %get3A_1590, %get3A_1590 : vector<16xf32>
      %mul3A_1620 = arith.mulf %get3A_1593, %get3A_1593 : vector<16xf32>
      %add3A_1621 = arith.addf %mul3A_1619, %mul3A_1620 : vector<16xf32>
      %mul3A_1622 = arith.mulf %get3A_1596, %get3A_1596 : vector<16xf32>
      %add3A_1623 = arith.addf %add3A_1621, %mul3A_1622 : vector<16xf32>
      %mul3A_1624 = arith.mulf %get3A_1599, %get3A_1599 : vector<16xf32>
      %add3A_1625 = arith.addf %add3A_1623, %mul3A_1624 : vector<16xf32>
      %mul3A_1626 = arith.mulf %get3A_1602, %get3A_1602 : vector<16xf32>
      %mul3A_1627 = arith.mulf %get3A_1605, %get3A_1605 : vector<16xf32>
      %add3A_1628 = arith.addf %mul3A_1626, %mul3A_1627 : vector<16xf32>
      %mul3A_1629 = arith.mulf %get3A_1608, %get3A_1608 : vector<16xf32>
      %add3A_1630 = arith.addf %add3A_1628, %mul3A_1629 : vector<16xf32>
      %mul3A_1631 = arith.mulf %get3A_1611, %get3A_1611 : vector<16xf32>
      %add3A_1632 = arith.addf %add3A_1630, %mul3A_1631 : vector<16xf32>
      %reduce_sum3A_1633 = arith.constant true
      %reduce_sum3A_1634 = vector.broadcast %reduce_sum3A_1633 : i1 to vector<16xi1>
      %reduce_sum3A_1635 = tpu.scan <sum>, %add3A_1618 masked %reduce_sum3A_1634 : vector<16xf32>, vector<16xi1> -> vector<16xf32>
      %reduce_sum3A_1636 = vector.extract %reduce_sum3A_1635[15] : f32 from vector<16xf32>
      %bitcast_convert_type3A_1637 = arith.bitcast %reduce_sum3A_1636 : f32 to i32
      %shift_right_arithmetic3A_1638 = arith.constant 1 : i32
      %shift_right_arithmetic3A_1639 = arith.shrsi %bitcast_convert_type3A_1637, %shift_right_arithmetic3A_1638 : i32
      %sub3A_1640 = arith.constant 1597463007 : i32
      %sub3A_1641 = arith.subi %sub3A_1640, %shift_right_arithmetic3A_1639 : i32
      %bitcast_convert_type3A_1642 = arith.bitcast %sub3A_1641 : i32 to f32
      %mul3A_1643 = arith.constant 5.000000e-01 : f32
      %mul3A_1644 = arith.mulf %reduce_sum3A_1636, %mul3A_1643 : f32
      %mul3A_1645 = arith.mulf %mul3A_1644, %bitcast_convert_type3A_1642 : f32
      %mul3A_1646 = arith.mulf %mul3A_1645, %bitcast_convert_type3A_1642 : f32
      %sub3A_1647 = arith.constant 1.500000e+00 : f32
      %sub3A_1648 = arith.subf %sub3A_1647, %mul3A_1646 : f32
      %mul3A_1649 = arith.mulf %bitcast_convert_type3A_1642, %sub3A_1648 : f32
      %mul3A_1650 = arith.mulf %mul3A_1644, %mul3A_1649 : f32
      %mul3A_1651 = arith.mulf %mul3A_1650, %mul3A_1649 : f32
      %sub3A_1652 = arith.constant 1.500000e+00 : f32
      %sub3A_1653 = arith.subf %sub3A_1652, %mul3A_1651 : f32
      %mul3A_1654 = arith.mulf %mul3A_1649, %sub3A_1653 : f32
      %mul3A_1655 = arith.mulf %mul3A_1644, %mul3A_1654 : f32
      %mul3A_1656 = arith.mulf %mul3A_1655, %mul3A_1654 : f32
      %sub3A_1657 = arith.constant 1.500000e+00 : f32
      %sub3A_1658 = arith.subf %sub3A_1657, %mul3A_1656 : f32
      %mul3A_1659 = arith.mulf %mul3A_1654, %sub3A_1658 : f32
      %reduce_sum3A_1660 = arith.constant true
      %reduce_sum3A_1661 = vector.broadcast %reduce_sum3A_1660 : i1 to vector<16xi1>
      %reduce_sum3A_1662 = tpu.scan <sum>, %add3A_1625 masked %reduce_sum3A_1661 : vector<16xf32>, vector<16xi1> -> vector<16xf32>
      %reduce_sum3A_1663 = vector.extract %reduce_sum3A_1662[15] : f32 from vector<16xf32>
      %bitcast_convert_type3A_1664 = arith.bitcast %reduce_sum3A_1663 : f32 to i32
      %shift_right_arithmetic3A_1665 = arith.constant 1 : i32
      %shift_right_arithmetic3A_1666 = arith.shrsi %bitcast_convert_type3A_1664, %shift_right_arithmetic3A_1665 : i32
      %sub3A_1667 = arith.constant 1597463007 : i32
      %sub3A_1668 = arith.subi %sub3A_1667, %shift_right_arithmetic3A_1666 : i32
      %bitcast_convert_type3A_1669 = arith.bitcast %sub3A_1668 : i32 to f32
      %mul3A_1670 = arith.constant 5.000000e-01 : f32
      %mul3A_1671 = arith.mulf %reduce_sum3A_1663, %mul3A_1670 : f32
      %mul3A_1672 = arith.mulf %mul3A_1671, %bitcast_convert_type3A_1669 : f32
      %mul3A_1673 = arith.mulf %mul3A_1672, %bitcast_convert_type3A_1669 : f32
      %sub3A_1674 = arith.constant 1.500000e+00 : f32
      %sub3A_1675 = arith.subf %sub3A_1674, %mul3A_1673 : f32
      %mul3A_1676 = arith.mulf %bitcast_convert_type3A_1669, %sub3A_1675 : f32
      %mul3A_1677 = arith.mulf %mul3A_1671, %mul3A_1676 : f32
      %mul3A_1678 = arith.mulf %mul3A_1677, %mul3A_1676 : f32
      %sub3A_1679 = arith.constant 1.500000e+00 : f32
      %sub3A_1680 = arith.subf %sub3A_1679, %mul3A_1678 : f32
      %mul3A_1681 = arith.mulf %mul3A_1676, %sub3A_1680 : f32
      %mul3A_1682 = arith.mulf %mul3A_1671, %mul3A_1681 : f32
      %mul3A_1683 = arith.mulf %mul3A_1682, %mul3A_1681 : f32
      %sub3A_1684 = arith.constant 1.500000e+00 : f32
      %sub3A_1685 = arith.subf %sub3A_1684, %mul3A_1683 : f32
      %mul3A_1686 = arith.mulf %mul3A_1681, %sub3A_1685 : f32
      %reduce_sum3A_1687 = arith.constant true
      %reduce_sum3A_1688 = vector.broadcast %reduce_sum3A_1687 : i1 to vector<16xi1>
      %reduce_sum3A_1689 = tpu.scan <sum>, %add3A_1632 masked %reduce_sum3A_1688 : vector<16xf32>, vector<16xi1> -> vector<16xf32>
      %reduce_sum3A_1690 = vector.extract %reduce_sum3A_1689[15] : f32 from vector<16xf32>
      %bitcast_convert_type3A_1691 = arith.bitcast %reduce_sum3A_1690 : f32 to i32
      %shift_right_arithmetic3A_1692 = arith.constant 1 : i32
      %shift_right_arithmetic3A_1693 = arith.shrsi %bitcast_convert_type3A_1691, %shift_right_arithmetic3A_1692 : i32
      %sub3A_1694 = arith.constant 1597463007 : i32
      %sub3A_1695 = arith.subi %sub3A_1694, %shift_right_arithmetic3A_1693 : i32
      %bitcast_convert_type3A_1696 = arith.bitcast %sub3A_1695 : i32 to f32
      %mul3A_1697 = arith.constant 5.000000e-01 : f32
      %mul3A_1698 = arith.mulf %reduce_sum3A_1690, %mul3A_1697 : f32
      %mul3A_1699 = arith.mulf %mul3A_1698, %bitcast_convert_type3A_1696 : f32
      %mul3A_1700 = arith.mulf %mul3A_1699, %bitcast_convert_type3A_1696 : f32
      %sub3A_1701 = arith.constant 1.500000e+00 : f32
      %sub3A_1702 = arith.subf %sub3A_1701, %mul3A_1700 : f32
      %mul3A_1703 = arith.mulf %bitcast_convert_type3A_1696, %sub3A_1702 : f32
      %mul3A_1704 = arith.mulf %mul3A_1698, %mul3A_1703 : f32
      %mul3A_1705 = arith.mulf %mul3A_1704, %mul3A_1703 : f32
      %sub3A_1706 = arith.constant 1.500000e+00 : f32
      %sub3A_1707 = arith.subf %sub3A_1706, %mul3A_1705 : f32
      %mul3A_1708 = arith.mulf %mul3A_1703, %sub3A_1707 : f32
      %mul3A_1709 = arith.mulf %mul3A_1698, %mul3A_1708 : f32
      %mul3A_1710 = arith.mulf %mul3A_1709, %mul3A_1708 : f32
      %sub3A_1711 = arith.constant 1.500000e+00 : f32
      %sub3A_1712 = arith.subf %sub3A_1711, %mul3A_1710 : f32
      %mul3A_1713 = arith.mulf %mul3A_1708, %sub3A_1712 : f32
      %mul3A_1714 = vector.broadcast %mul3A_1659 : f32 to vector<16xf32>
      %mul3A_1715 = arith.mulf %get3A_1578, %mul3A_1714 : vector<16xf32>
      %mul3A_1716 = vector.broadcast %mul3A_1686 : f32 to vector<16xf32>
      %mul3A_1717 = arith.mulf %get3A_1590, %mul3A_1716 : vector<16xf32>
      %add3A_1718 = arith.addf %mul3A_1715, %mul3A_1717 : vector<16xf32>
      %mul3A_1719 = vector.broadcast %mul3A_1713 : f32 to vector<16xf32>
      %mul3A_1720 = arith.mulf %get3A_1602, %mul3A_1719 : vector<16xf32>
      %sub3A_1721 = arith.subf %add3A_1718, %mul3A_1720 : vector<16xf32>
      %abs3A_1722 = math.absf %sub3A_1721 : vector<16xf32>
      %mul3A_1723 = vector.broadcast %mul3A_1659 : f32 to vector<16xf32>
      %mul3A_1724 = arith.mulf %get3A_1581, %mul3A_1723 : vector<16xf32>
      %mul3A_1725 = vector.broadcast %mul3A_1686 : f32 to vector<16xf32>
      %mul3A_1726 = arith.mulf %get3A_1593, %mul3A_1725 : vector<16xf32>
      %add3A_1727 = arith.addf %mul3A_1724, %mul3A_1726 : vector<16xf32>
      %mul3A_1728 = vector.broadcast %mul3A_1713 : f32 to vector<16xf32>
      %mul3A_1729 = arith.mulf %get3A_1605, %mul3A_1728 : vector<16xf32>
      %sub3A_1730 = arith.subf %add3A_1727, %mul3A_1729 : vector<16xf32>
      %abs3A_1731 = math.absf %sub3A_1730 : vector<16xf32>
      %add3A_1732 = arith.addf %abs3A_1722, %abs3A_1731 : vector<16xf32>
      %mul3A_1733 = vector.broadcast %mul3A_1659 : f32 to vector<16xf32>
      %mul3A_1734 = arith.mulf %get3A_1584, %mul3A_1733 : vector<16xf32>
      %mul3A_1735 = vector.broadcast %mul3A_1686 : f32 to vector<16xf32>
      %mul3A_1736 = arith.mulf %get3A_1596, %mul3A_1735 : vector<16xf32>
      %add3A_1737 = arith.addf %mul3A_1734, %mul3A_1736 : vector<16xf32>
      %mul3A_1738 = vector.broadcast %mul3A_1713 : f32 to vector<16xf32>
      %mul3A_1739 = arith.mulf %get3A_1608, %mul3A_1738 : vector<16xf32>
      %sub3A_1740 = arith.subf %add3A_1737, %mul3A_1739 : vector<16xf32>
      %abs3A_1741 = math.absf %sub3A_1740 : vector<16xf32>
      %add3A_1742 = arith.addf %add3A_1732, %abs3A_1741 : vector<16xf32>
      %mul3A_1743 = vector.broadcast %mul3A_1659 : f32 to vector<16xf32>
      %mul3A_1744 = arith.mulf %get3A_1587, %mul3A_1743 : vector<16xf32>
      %mul3A_1745 = vector.broadcast %mul3A_1686 : f32 to vector<16xf32>
      %mul3A_1746 = arith.mulf %get3A_1599, %mul3A_1745 : vector<16xf32>
      %add3A_1747 = arith.addf %mul3A_1744, %mul3A_1746 : vector<16xf32>
      %mul3A_1748 = vector.broadcast %mul3A_1713 : f32 to vector<16xf32>
      %mul3A_1749 = arith.mulf %get3A_1611, %mul3A_1748 : vector<16xf32>
      %sub3A_1750 = arith.subf %add3A_1747, %mul3A_1749 : vector<16xf32>
      %abs3A_1751 = math.absf %sub3A_1750 : vector<16xf32>
      %add3A_1752 = arith.addf %add3A_1742, %abs3A_1751 : vector<16xf32>
      %eq3A_1753 = arith.constant 7 : i32
      %eq3A_1754 = vector.broadcast %eq3A_1753 : i32 to vector<16xi32>
      %eq3A_1755 = arith.cmpi eq, %iota3A, %eq3A_1754 : vector<16xi32>
      %reduce_sum3A_1756 = arith.constant true
      %reduce_sum3A_1757 = vector.broadcast %reduce_sum3A_1756 : i1 to vector<16xi1>
      %reduce_sum3A_1758 = tpu.scan <sum>, %add3A_1752 masked %reduce_sum3A_1757 : vector<16xf32>, vector<16xi1> -> vector<16xf32>
      %reduce_sum3A_1759 = vector.extract %reduce_sum3A_1758[15] : f32 from vector<16xf32>
      %broadcast_in_dim3A_1760 = vector.broadcast %reduce_sum3A_1759 : f32 to vector<16xf32>
      %select_n3A_1761 = arith.select %eq3A_1755, %broadcast_in_dim3A_1760, %select_n3A_1571 : vector<16xi1>, vector<16xf32>
      %mul3A_1762 = arith.constant 16 : i32
      %mul3A_1763 = arith.muli %scan3A_248, %mul3A_1762 : i32
      %add3A_1764 = arith.constant 8 : i32
      %add3A_1765 = arith.addi %mul3A_1763, %add3A_1764 : i32
      %get3A_1766 = arith.index_cast %add3A_1765 : i32 to index
      %get3A_1767 = arith.constant 0 : index
      %get3A_1768 = tpu.vector_load %arg11[%get3A_1766, %get3A_1767] {strides = array<i32>} : memref<512x64xf32, #tpu.memory_space<vmem>>, vector<16xf32>,
      %get3A_1769 = arith.index_cast %add3A_1765 : i32 to index
      %get3A_1770 = arith.constant 16 : index
      %get3A_1771 = tpu.vector_load %arg11[%get3A_1769, %get3A_1770] {strides = array<i32>} : memref<512x64xf32, #tpu.memory_space<vmem>>, vector<16xf32>,
      %get3A_1772 = arith.index_cast %add3A_1765 : i32 to index
      %get3A_1773 = arith.constant 32 : index
      %get3A_1774 = tpu.vector_load %arg11[%get3A_1772, %get3A_1773] {strides = array<i32>} : memref<512x64xf32, #tpu.memory_space<vmem>>, vector<16xf32>,
      %get3A_1775 = arith.index_cast %add3A_1765 : i32 to index
      %get3A_1776 = arith.constant 48 : index
      %get3A_1777 = tpu.vector_load %arg11[%get3A_1775, %get3A_1776] {strides = array<i32>} : memref<512x64xf32, #tpu.memory_space<vmem>>, vector<16xf32>,
      %get3A_1778 = arith.index_cast %add3A_1765 : i32 to index
      %get3A_1779 = arith.constant 0 : index
      %get3A_1780 = tpu.vector_load %arg13[%get3A_1778, %get3A_1779] {strides = array<i32>} : memref<512x64xf32, #tpu.memory_space<vmem>>, vector<16xf32>,
      %get3A_1781 = arith.index_cast %add3A_1765 : i32 to index
      %get3A_1782 = arith.constant 16 : index
      %get3A_1783 = tpu.vector_load %arg13[%get3A_1781, %get3A_1782] {strides = array<i32>} : memref<512x64xf32, #tpu.memory_space<vmem>>, vector<16xf32>,
      %get3A_1784 = arith.index_cast %add3A_1765 : i32 to index
      %get3A_1785 = arith.constant 32 : index
      %get3A_1786 = tpu.vector_load %arg13[%get3A_1784, %get3A_1785] {strides = array<i32>} : memref<512x64xf32, #tpu.memory_space<vmem>>, vector<16xf32>,
      %get3A_1787 = arith.index_cast %add3A_1765 : i32 to index
      %get3A_1788 = arith.constant 48 : index
      %get3A_1789 = tpu.vector_load %arg13[%get3A_1787, %get3A_1788] {strides = array<i32>} : memref<512x64xf32, #tpu.memory_space<vmem>>, vector<16xf32>,
      %get3A_1790 = arith.index_cast %add3A_1765 : i32 to index
      %get3A_1791 = arith.constant 0 : index
      %get3A_1792 = tpu.vector_load %arg12[%get3A_1790, %get3A_1791] {strides = array<i32>} : memref<512x64xf32, #tpu.memory_space<vmem>>, vector<16xf32>,
      %get3A_1793 = arith.index_cast %add3A_1765 : i32 to index
      %get3A_1794 = arith.constant 16 : index
      %get3A_1795 = tpu.vector_load %arg12[%get3A_1793, %get3A_1794] {strides = array<i32>} : memref<512x64xf32, #tpu.memory_space<vmem>>, vector<16xf32>,
      %get3A_1796 = arith.index_cast %add3A_1765 : i32 to index
      %get3A_1797 = arith.constant 32 : index
      %get3A_1798 = tpu.vector_load %arg12[%get3A_1796, %get3A_1797] {strides = array<i32>} : memref<512x64xf32, #tpu.memory_space<vmem>>, vector<16xf32>,
      %get3A_1799 = arith.index_cast %add3A_1765 : i32 to index
      %get3A_1800 = arith.constant 48 : index
      %get3A_1801 = tpu.vector_load %arg12[%get3A_1799, %get3A_1800] {strides = array<i32>} : memref<512x64xf32, #tpu.memory_space<vmem>>, vector<16xf32>,
      %mul3A_1802 = arith.mulf %get3A_1768, %get3A_1768 : vector<16xf32>
      %mul3A_1803 = arith.mulf %get3A_1771, %get3A_1771 : vector<16xf32>
      %add3A_1804 = arith.addf %mul3A_1802, %mul3A_1803 : vector<16xf32>
      %mul3A_1805 = arith.mulf %get3A_1774, %get3A_1774 : vector<16xf32>
      %add3A_1806 = arith.addf %add3A_1804, %mul3A_1805 : vector<16xf32>
      %mul3A_1807 = arith.mulf %get3A_1777, %get3A_1777 : vector<16xf32>
      %add3A_1808 = arith.addf %add3A_1806, %mul3A_1807 : vector<16xf32>
      %mul3A_1809 = arith.mulf %get3A_1780, %get3A_1780 : vector<16xf32>
      %mul3A_1810 = arith.mulf %get3A_1783, %get3A_1783 : vector<16xf32>
      %add3A_1811 = arith.addf %mul3A_1809, %mul3A_1810 : vector<16xf32>
      %mul3A_1812 = arith.mulf %get3A_1786, %get3A_1786 : vector<16xf32>
      %add3A_1813 = arith.addf %add3A_1811, %mul3A_1812 : vector<16xf32>
      %mul3A_1814 = arith.mulf %get3A_1789, %get3A_1789 : vector<16xf32>
      %add3A_1815 = arith.addf %add3A_1813, %mul3A_1814 : vector<16xf32>
      %mul3A_1816 = arith.mulf %get3A_1792, %get3A_1792 : vector<16xf32>
      %mul3A_1817 = arith.mulf %get3A_1795, %get3A_1795 : vector<16xf32>
      %add3A_1818 = arith.addf %mul3A_1816, %mul3A_1817 : vector<16xf32>
      %mul3A_1819 = arith.mulf %get3A_1798, %get3A_1798 : vector<16xf32>
      %add3A_1820 = arith.addf %add3A_1818, %mul3A_1819 : vector<16xf32>
      %mul3A_1821 = arith.mulf %get3A_1801, %get3A_1801 : vector<16xf32>
      %add3A_1822 = arith.addf %add3A_1820, %mul3A_1821 : vector<16xf32>
      %reduce_sum3A_1823 = arith.constant true
      %reduce_sum3A_1824 = vector.broadcast %reduce_sum3A_1823 : i1 to vector<16xi1>
      %reduce_sum3A_1825 = tpu.scan <sum>, %add3A_1808 masked %reduce_sum3A_1824 : vector<16xf32>, vector<16xi1> -> vector<16xf32>
      %reduce_sum3A_1826 = vector.extract %reduce_sum3A_1825[15] : f32 from vector<16xf32>
      %bitcast_convert_type3A_1827 = arith.bitcast %reduce_sum3A_1826 : f32 to i32
      %shift_right_arithmetic3A_1828 = arith.constant 1 : i32
      %shift_right_arithmetic3A_1829 = arith.shrsi %bitcast_convert_type3A_1827, %shift_right_arithmetic3A_1828 : i32
      %sub3A_1830 = arith.constant 1597463007 : i32
      %sub3A_1831 = arith.subi %sub3A_1830, %shift_right_arithmetic3A_1829 : i32
      %bitcast_convert_type3A_1832 = arith.bitcast %sub3A_1831 : i32 to f32
      %mul3A_1833 = arith.constant 5.000000e-01 : f32
      %mul3A_1834 = arith.mulf %reduce_sum3A_1826, %mul3A_1833 : f32
      %mul3A_1835 = arith.mulf %mul3A_1834, %bitcast_convert_type3A_1832 : f32
      %mul3A_1836 = arith.mulf %mul3A_1835, %bitcast_convert_type3A_1832 : f32
      %sub3A_1837 = arith.constant 1.500000e+00 : f32
      %sub3A_1838 = arith.subf %sub3A_1837, %mul3A_1836 : f32
      %mul3A_1839 = arith.mulf %bitcast_convert_type3A_1832, %sub3A_1838 : f32
      %mul3A_1840 = arith.mulf %mul3A_1834, %mul3A_1839 : f32
      %mul3A_1841 = arith.mulf %mul3A_1840, %mul3A_1839 : f32
      %sub3A_1842 = arith.constant 1.500000e+00 : f32
      %sub3A_1843 = arith.subf %sub3A_1842, %mul3A_1841 : f32
      %mul3A_1844 = arith.mulf %mul3A_1839, %sub3A_1843 : f32
      %mul3A_1845 = arith.mulf %mul3A_1834, %mul3A_1844 : f32
      %mul3A_1846 = arith.mulf %mul3A_1845, %mul3A_1844 : f32
      %sub3A_1847 = arith.constant 1.500000e+00 : f32
      %sub3A_1848 = arith.subf %sub3A_1847, %mul3A_1846 : f32
      %mul3A_1849 = arith.mulf %mul3A_1844, %sub3A_1848 : f32
      %reduce_sum3A_1850 = arith.constant true
      %reduce_sum3A_1851 = vector.broadcast %reduce_sum3A_1850 : i1 to vector<16xi1>
      %reduce_sum3A_1852 = tpu.scan <sum>, %add3A_1815 masked %reduce_sum3A_1851 : vector<16xf32>, vector<16xi1> -> vector<16xf32>
      %reduce_sum3A_1853 = vector.extract %reduce_sum3A_1852[15] : f32 from vector<16xf32>
      %bitcast_convert_type3A_1854 = arith.bitcast %reduce_sum3A_1853 : f32 to i32
      %shift_right_arithmetic3A_1855 = arith.constant 1 : i32
      %shift_right_arithmetic3A_1856 = arith.shrsi %bitcast_convert_type3A_1854, %shift_right_arithmetic3A_1855 : i32
      %sub3A_1857 = arith.constant 1597463007 : i32
      %sub3A_1858 = arith.subi %sub3A_1857, %shift_right_arithmetic3A_1856 : i32
      %bitcast_convert_type3A_1859 = arith.bitcast %sub3A_1858 : i32 to f32
      %mul3A_1860 = arith.constant 5.000000e-01 : f32
      %mul3A_1861 = arith.mulf %reduce_sum3A_1853, %mul3A_1860 : f32
      %mul3A_1862 = arith.mulf %mul3A_1861, %bitcast_convert_type3A_1859 : f32
      %mul3A_1863 = arith.mulf %mul3A_1862, %bitcast_convert_type3A_1859 : f32
      %sub3A_1864 = arith.constant 1.500000e+00 : f32
      %sub3A_1865 = arith.subf %sub3A_1864, %mul3A_1863 : f32
      %mul3A_1866 = arith.mulf %bitcast_convert_type3A_1859, %sub3A_1865 : f32
      %mul3A_1867 = arith.mulf %mul3A_1861, %mul3A_1866 : f32
      %mul3A_1868 = arith.mulf %mul3A_1867, %mul3A_1866 : f32
      %sub3A_1869 = arith.constant 1.500000e+00 : f32
      %sub3A_1870 = arith.subf %sub3A_1869, %mul3A_1868 : f32
      %mul3A_1871 = arith.mulf %mul3A_1866, %sub3A_1870 : f32
      %mul3A_1872 = arith.mulf %mul3A_1861, %mul3A_1871 : f32
      %mul3A_1873 = arith.mulf %mul3A_1872, %mul3A_1871 : f32
      %sub3A_1874 = arith.constant 1.500000e+00 : f32
      %sub3A_1875 = arith.subf %sub3A_1874, %mul3A_1873 : f32
      %mul3A_1876 = arith.mulf %mul3A_1871, %sub3A_1875 : f32
      %reduce_sum3A_1877 = arith.constant true
      %reduce_sum3A_1878 = vector.broadcast %reduce_sum3A_1877 : i1 to vector<16xi1>
      %reduce_sum3A_1879 = tpu.scan <sum>, %add3A_1822 masked %reduce_sum3A_1878 : vector<16xf32>, vector<16xi1> -> vector<16xf32>
      %reduce_sum3A_1880 = vector.extract %reduce_sum3A_1879[15] : f32 from vector<16xf32>
      %bitcast_convert_type3A_1881 = arith.bitcast %reduce_sum3A_1880 : f32 to i32
      %shift_right_arithmetic3A_1882 = arith.constant 1 : i32
      %shift_right_arithmetic3A_1883 = arith.shrsi %bitcast_convert_type3A_1881, %shift_right_arithmetic3A_1882 : i32
      %sub3A_1884 = arith.constant 1597463007 : i32
      %sub3A_1885 = arith.subi %sub3A_1884, %shift_right_arithmetic3A_1883 : i32
      %bitcast_convert_type3A_1886 = arith.bitcast %sub3A_1885 : i32 to f32
      %mul3A_1887 = arith.constant 5.000000e-01 : f32
      %mul3A_1888 = arith.mulf %reduce_sum3A_1880, %mul3A_1887 : f32
      %mul3A_1889 = arith.mulf %mul3A_1888, %bitcast_convert_type3A_1886 : f32
      %mul3A_1890 = arith.mulf %mul3A_1889, %bitcast_convert_type3A_1886 : f32
      %sub3A_1891 = arith.constant 1.500000e+00 : f32
      %sub3A_1892 = arith.subf %sub3A_1891, %mul3A_1890 : f32
      %mul3A_1893 = arith.mulf %bitcast_convert_type3A_1886, %sub3A_1892 : f32
      %mul3A_1894 = arith.mulf %mul3A_1888, %mul3A_1893 : f32
      %mul3A_1895 = arith.mulf %mul3A_1894, %mul3A_1893 : f32
      %sub3A_1896 = arith.constant 1.500000e+00 : f32
      %sub3A_1897 = arith.subf %sub3A_1896, %mul3A_1895 : f32
      %mul3A_1898 = arith.mulf %mul3A_1893, %sub3A_1897 : f32
      %mul3A_1899 = arith.mulf %mul3A_1888, %mul3A_1898 : f32
      %mul3A_1900 = arith.mulf %mul3A_1899, %mul3A_1898 : f32
      %sub3A_1901 = arith.constant 1.500000e+00 : f32
      %sub3A_1902 = arith.subf %sub3A_1901, %mul3A_1900 : f32
      %mul3A_1903 = arith.mulf %mul3A_1898, %sub3A_1902 : f32
      %mul3A_1904 = vector.broadcast %mul3A_1849 : f32 to vector<16xf32>
      %mul3A_1905 = arith.mulf %get3A_1768, %mul3A_1904 : vector<16xf32>
      %mul3A_1906 = vector.broadcast %mul3A_1876 : f32 to vector<16xf32>
      %mul3A_1907 = arith.mulf %get3A_1780, %mul3A_1906 : vector<16xf32>
      %add3A_1908 = arith.addf %mul3A_1905, %mul3A_1907 : vector<16xf32>
      %mul3A_1909 = vector.broadcast %mul3A_1903 : f32 to vector<16xf32>
      %mul3A_1910 = arith.mulf %get3A_1792, %mul3A_1909 : vector<16xf32>
      %sub3A_1911 = arith.subf %add3A_1908, %mul3A_1910 : vector<16xf32>
      %abs3A_1912 = math.absf %sub3A_1911 : vector<16xf32>
      %mul3A_1913 = vector.broadcast %mul3A_1849 : f32 to vector<16xf32>
      %mul3A_1914 = arith.mulf %get3A_1771, %mul3A_1913 : vector<16xf32>
      %mul3A_1915 = vector.broadcast %mul3A_1876 : f32 to vector<16xf32>
      %mul3A_1916 = arith.mulf %get3A_1783, %mul3A_1915 : vector<16xf32>
      %add3A_1917 = arith.addf %mul3A_1914, %mul3A_1916 : vector<16xf32>
      %mul3A_1918 = vector.broadcast %mul3A_1903 : f32 to vector<16xf32>
      %mul3A_1919 = arith.mulf %get3A_1795, %mul3A_1918 : vector<16xf32>
      %sub3A_1920 = arith.subf %add3A_1917, %mul3A_1919 : vector<16xf32>
      %abs3A_1921 = math.absf %sub3A_1920 : vector<16xf32>
      %add3A_1922 = arith.addf %abs3A_1912, %abs3A_1921 : vector<16xf32>
      %mul3A_1923 = vector.broadcast %mul3A_1849 : f32 to vector<16xf32>
      %mul3A_1924 = arith.mulf %get3A_1774, %mul3A_1923 : vector<16xf32>
      %mul3A_1925 = vector.broadcast %mul3A_1876 : f32 to vector<16xf32>
      %mul3A_1926 = arith.mulf %get3A_1786, %mul3A_1925 : vector<16xf32>
      %add3A_1927 = arith.addf %mul3A_1924, %mul3A_1926 : vector<16xf32>
      %mul3A_1928 = vector.broadcast %mul3A_1903 : f32 to vector<16xf32>
      %mul3A_1929 = arith.mulf %get3A_1798, %mul3A_1928 : vector<16xf32>
      %sub3A_1930 = arith.subf %add3A_1927, %mul3A_1929 : vector<16xf32>
      %abs3A_1931 = math.absf %sub3A_1930 : vector<16xf32>
      %add3A_1932 = arith.addf %add3A_1922, %abs3A_1931 : vector<16xf32>
      %mul3A_1933 = vector.broadcast %mul3A_1849 : f32 to vector<16xf32>
      %mul3A_1934 = arith.mulf %get3A_1777, %mul3A_1933 : vector<16xf32>
      %mul3A_1935 = vector.broadcast %mul3A_1876 : f32 to vector<16xf32>
      %mul3A_1936 = arith.mulf %get3A_1789, %mul3A_1935 : vector<16xf32>
      %add3A_1937 = arith.addf %mul3A_1934, %mul3A_1936 : vector<16xf32>
      %mul3A_1938 = vector.broadcast %mul3A_1903 : f32 to vector<16xf32>
      %mul3A_1939 = arith.mulf %get3A_1801, %mul3A_1938 : vector<16xf32>
      %sub3A_1940 = arith.subf %add3A_1937, %mul3A_1939 : vector<16xf32>
      %abs3A_1941 = math.absf %sub3A_1940 : vector<16xf32>
      %add3A_1942 = arith.addf %add3A_1932, %abs3A_1941 : vector<16xf32>
      %eq3A_1943 = arith.constant 8 : i32
      %eq3A_1944 = vector.broadcast %eq3A_1943 : i32 to vector<16xi32>
      %eq3A_1945 = arith.cmpi eq, %iota3A, %eq3A_1944 : vector<16xi32>
      %reduce_sum3A_1946 = arith.constant true
      %reduce_sum3A_1947 = vector.broadcast %reduce_sum3A_1946 : i1 to vector<16xi1>
      %reduce_sum3A_1948 = tpu.scan <sum>, %add3A_1942 masked %reduce_sum3A_1947 : vector<16xf32>, vector<16xi1> -> vector<16xf32>
      %reduce_sum3A_1949 = vector.extract %reduce_sum3A_1948[15] : f32 from vector<16xf32>
      %broadcast_in_dim3A_1950 = vector.broadcast %reduce_sum3A_1949 : f32 to vector<16xf32>
      %select_n3A_1951 = arith.select %eq3A_1945, %broadcast_in_dim3A_1950, %select_n3A_1761 : vector<16xi1>, vector<16xf32>
      %mul3A_1952 = arith.constant 16 : i32
      %mul3A_1953 = arith.muli %scan3A_248, %mul3A_1952 : i32
      %add3A_1954 = arith.constant 9 : i32
      %add3A_1955 = arith.addi %mul3A_1953, %add3A_1954 : i32
      %get3A_1956 = arith.index_cast %add3A_1955 : i32 to index
      %get3A_1957 = arith.constant 0 : index
      %get3A_1958 = tpu.vector_load %arg11[%get3A_1956, %get3A_1957] {strides = array<i32>} : memref<512x64xf32, #tpu.memory_space<vmem>>, vector<16xf32>,
      %get3A_1959 = arith.index_cast %add3A_1955 : i32 to index
      %get3A_1960 = arith.constant 16 : index
      %get3A_1961 = tpu.vector_load %arg11[%get3A_1959, %get3A_1960] {strides = array<i32>} : memref<512x64xf32, #tpu.memory_space<vmem>>, vector<16xf32>,
      %get3A_1962 = arith.index_cast %add3A_1955 : i32 to index
      %get3A_1963 = arith.constant 32 : index
      %get3A_1964 = tpu.vector_load %arg11[%get3A_1962, %get3A_1963] {strides = array<i32>} : memref<512x64xf32, #tpu.memory_space<vmem>>, vector<16xf32>,
      %get3A_1965 = arith.index_cast %add3A_1955 : i32 to index
      %get3A_1966 = arith.constant 48 : index
      %get3A_1967 = tpu.vector_load %arg11[%get3A_1965, %get3A_1966] {strides = array<i32>} : memref<512x64xf32, #tpu.memory_space<vmem>>, vector<16xf32>,
      %get3A_1968 = arith.index_cast %add3A_1955 : i32 to index
      %get3A_1969 = arith.constant 0 : index
      %get3A_1970 = tpu.vector_load %arg13[%get3A_1968, %get3A_1969] {strides = array<i32>} : memref<512x64xf32, #tpu.memory_space<vmem>>, vector<16xf32>,
      %get3A_1971 = arith.index_cast %add3A_1955 : i32 to index
      %get3A_1972 = arith.constant 16 : index
      %get3A_1973 = tpu.vector_load %arg13[%get3A_1971, %get3A_1972] {strides = array<i32>} : memref<512x64xf32, #tpu.memory_space<vmem>>, vector<16xf32>,
      %get3A_1974 = arith.index_cast %add3A_1955 : i32 to index
      %get3A_1975 = arith.constant 32 : index
      %get3A_1976 = tpu.vector_load %arg13[%get3A_1974, %get3A_1975] {strides = array<i32>} : memref<512x64xf32, #tpu.memory_space<vmem>>, vector<16xf32>,
      %get3A_1977 = arith.index_cast %add3A_1955 : i32 to index
      %get3A_1978 = arith.constant 48 : index
      %get3A_1979 = tpu.vector_load %arg13[%get3A_1977, %get3A_1978] {strides = array<i32>} : memref<512x64xf32, #tpu.memory_space<vmem>>, vector<16xf32>,
      %get3A_1980 = arith.index_cast %add3A_1955 : i32 to index
      %get3A_1981 = arith.constant 0 : index
      %get3A_1982 = tpu.vector_load %arg12[%get3A_1980, %get3A_1981] {strides = array<i32>} : memref<512x64xf32, #tpu.memory_space<vmem>>, vector<16xf32>,
      %get3A_1983 = arith.index_cast %add3A_1955 : i32 to index
      %get3A_1984 = arith.constant 16 : index
      %get3A_1985 = tpu.vector_load %arg12[%get3A_1983, %get3A_1984] {strides = array<i32>} : memref<512x64xf32, #tpu.memory_space<vmem>>, vector<16xf32>,
      %get3A_1986 = arith.index_cast %add3A_1955 : i32 to index
      %get3A_1987 = arith.constant 32 : index
      %get3A_1988 = tpu.vector_load %arg12[%get3A_1986, %get3A_1987] {strides = array<i32>} : memref<512x64xf32, #tpu.memory_space<vmem>>, vector<16xf32>,
      %get3A_1989 = arith.index_cast %add3A_1955 : i32 to index
      %get3A_1990 = arith.constant 48 : index
      %get3A_1991 = tpu.vector_load %arg12[%get3A_1989, %get3A_1990] {strides = array<i32>} : memref<512x64xf32, #tpu.memory_space<vmem>>, vector<16xf32>,
      %mul3A_1992 = arith.mulf %get3A_1958, %get3A_1958 : vector<16xf32>
      %mul3A_1993 = arith.mulf %get3A_1961, %get3A_1961 : vector<16xf32>
      %add3A_1994 = arith.addf %mul3A_1992, %mul3A_1993 : vector<16xf32>
      %mul3A_1995 = arith.mulf %get3A_1964, %get3A_1964 : vector<16xf32>
      %add3A_1996 = arith.addf %add3A_1994, %mul3A_1995 : vector<16xf32>
      %mul3A_1997 = arith.mulf %get3A_1967, %get3A_1967 : vector<16xf32>
      %add3A_1998 = arith.addf %add3A_1996, %mul3A_1997 : vector<16xf32>
      %mul3A_1999 = arith.mulf %get3A_1970, %get3A_1970 : vector<16xf32>
      %mul3A_2000 = arith.mulf %get3A_1973, %get3A_1973 : vector<16xf32>
      %add3A_2001 = arith.addf %mul3A_1999, %mul3A_2000 : vector<16xf32>
      %mul3A_2002 = arith.mulf %get3A_1976, %get3A_1976 : vector<16xf32>
      %add3A_2003 = arith.addf %add3A_2001, %mul3A_2002 : vector<16xf32>
      %mul3A_2004 = arith.mulf %get3A_1979, %get3A_1979 : vector<16xf32>
      %add3A_2005 = arith.addf %add3A_2003, %mul3A_2004 : vector<16xf32>
      %mul3A_2006 = arith.mulf %get3A_1982, %get3A_1982 : vector<16xf32>
      %mul3A_2007 = arith.mulf %get3A_1985, %get3A_1985 : vector<16xf32>
      %add3A_2008 = arith.addf %mul3A_2006, %mul3A_2007 : vector<16xf32>
      %mul3A_2009 = arith.mulf %get3A_1988, %get3A_1988 : vector<16xf32>
      %add3A_2010 = arith.addf %add3A_2008, %mul3A_2009 : vector<16xf32>
      %mul3A_2011 = arith.mulf %get3A_1991, %get3A_1991 : vector<16xf32>
      %add3A_2012 = arith.addf %add3A_2010, %mul3A_2011 : vector<16xf32>
      %reduce_sum3A_2013 = arith.constant true
      %reduce_sum3A_2014 = vector.broadcast %reduce_sum3A_2013 : i1 to vector<16xi1>
      %reduce_sum3A_2015 = tpu.scan <sum>, %add3A_1998 masked %reduce_sum3A_2014 : vector<16xf32>, vector<16xi1> -> vector<16xf32>
      %reduce_sum3A_2016 = vector.extract %reduce_sum3A_2015[15] : f32 from vector<16xf32>
      %bitcast_convert_type3A_2017 = arith.bitcast %reduce_sum3A_2016 : f32 to i32
      %shift_right_arithmetic3A_2018 = arith.constant 1 : i32
      %shift_right_arithmetic3A_2019 = arith.shrsi %bitcast_convert_type3A_2017, %shift_right_arithmetic3A_2018 : i32
      %sub3A_2020 = arith.constant 1597463007 : i32
      %sub3A_2021 = arith.subi %sub3A_2020, %shift_right_arithmetic3A_2019 : i32
      %bitcast_convert_type3A_2022 = arith.bitcast %sub3A_2021 : i32 to f32
      %mul3A_2023 = arith.constant 5.000000e-01 : f32
      %mul3A_2024 = arith.mulf %reduce_sum3A_2016, %mul3A_2023 : f32
      %mul3A_2025 = arith.mulf %mul3A_2024, %bitcast_convert_type3A_2022 : f32
      %mul3A_2026 = arith.mulf %mul3A_2025, %bitcast_convert_type3A_2022 : f32
      %sub3A_2027 = arith.constant 1.500000e+00 : f32
      %sub3A_2028 = arith.subf %sub3A_2027, %mul3A_2026 : f32
      %mul3A_2029 = arith.mulf %bitcast_convert_type3A_2022, %sub3A_2028 : f32
      %mul3A_2030 = arith.mulf %mul3A_2024, %mul3A_2029 : f32
      %mul3A_2031 = arith.mulf %mul3A_2030, %mul3A_2029 : f32
      %sub3A_2032 = arith.constant 1.500000e+00 : f32
      %sub3A_2033 = arith.subf %sub3A_2032, %mul3A_2031 : f32
      %mul3A_2034 = arith.mulf %mul3A_2029, %sub3A_2033 : f32
      %mul3A_2035 = arith.mulf %mul3A_2024, %mul3A_2034 : f32
      %mul3A_2036 = arith.mulf %mul3A_2035, %mul3A_2034 : f32
      %sub3A_2037 = arith.constant 1.500000e+00 : f32
      %sub3A_2038 = arith.subf %sub3A_2037, %mul3A_2036 : f32
      %mul3A_2039 = arith.mulf %mul3A_2034, %sub3A_2038 : f32
      %reduce_sum3A_2040 = arith.constant true
      %reduce_sum3A_2041 = vector.broadcast %reduce_sum3A_2040 : i1 to vector<16xi1>
      %reduce_sum3A_2042 = tpu.scan <sum>, %add3A_2005 masked %reduce_sum3A_2041 : vector<16xf32>, vector<16xi1> -> vector<16xf32>
      %reduce_sum3A_2043 = vector.extract %reduce_sum3A_2042[15] : f32 from vector<16xf32>
      %bitcast_convert_type3A_2044 = arith.bitcast %reduce_sum3A_2043 : f32 to i32
      %shift_right_arithmetic3A_2045 = arith.constant 1 : i32
      %shift_right_arithmetic3A_2046 = arith.shrsi %bitcast_convert_type3A_2044, %shift_right_arithmetic3A_2045 : i32
      %sub3A_2047 = arith.constant 1597463007 : i32
      %sub3A_2048 = arith.subi %sub3A_2047, %shift_right_arithmetic3A_2046 : i32
      %bitcast_convert_type3A_2049 = arith.bitcast %sub3A_2048 : i32 to f32
      %mul3A_2050 = arith.constant 5.000000e-01 : f32
      %mul3A_2051 = arith.mulf %reduce_sum3A_2043, %mul3A_2050 : f32
      %mul3A_2052 = arith.mulf %mul3A_2051, %bitcast_convert_type3A_2049 : f32
      %mul3A_2053 = arith.mulf %mul3A_2052, %bitcast_convert_type3A_2049 : f32
      %sub3A_2054 = arith.constant 1.500000e+00 : f32
      %sub3A_2055 = arith.subf %sub3A_2054, %mul3A_2053 : f32
      %mul3A_2056 = arith.mulf %bitcast_convert_type3A_2049, %sub3A_2055 : f32
      %mul3A_2057 = arith.mulf %mul3A_2051, %mul3A_2056 : f32
      %mul3A_2058 = arith.mulf %mul3A_2057, %mul3A_2056 : f32
      %sub3A_2059 = arith.constant 1.500000e+00 : f32
      %sub3A_2060 = arith.subf %sub3A_2059, %mul3A_2058 : f32
      %mul3A_2061 = arith.mulf %mul3A_2056, %sub3A_2060 : f32
      %mul3A_2062 = arith.mulf %mul3A_2051, %mul3A_2061 : f32
      %mul3A_2063 = arith.mulf %mul3A_2062, %mul3A_2061 : f32
      %sub3A_2064 = arith.constant 1.500000e+00 : f32
      %sub3A_2065 = arith.subf %sub3A_2064, %mul3A_2063 : f32
      %mul3A_2066 = arith.mulf %mul3A_2061, %sub3A_2065 : f32
      %reduce_sum3A_2067 = arith.constant true
      %reduce_sum3A_2068 = vector.broadcast %reduce_sum3A_2067 : i1 to vector<16xi1>
      %reduce_sum3A_2069 = tpu.scan <sum>, %add3A_2012 masked %reduce_sum3A_2068 : vector<16xf32>, vector<16xi1> -> vector<16xf32>
      %reduce_sum3A_2070 = vector.extract %reduce_sum3A_2069[15] : f32 from vector<16xf32>
      %bitcast_convert_type3A_2071 = arith.bitcast %reduce_sum3A_2070 : f32 to i32
      %shift_right_arithmetic3A_2072 = arith.constant 1 : i32
      %shift_right_arithmetic3A_2073 = arith.shrsi %bitcast_convert_type3A_2071, %shift_right_arithmetic3A_2072 : i32
      %sub3A_2074 = arith.constant 1597463007 : i32
      %sub3A_2075 = arith.subi %sub3A_2074, %shift_right_arithmetic3A_2073 : i32
      %bitcast_convert_type3A_2076 = arith.bitcast %sub3A_2075 : i32 to f32
      %mul3A_2077 = arith.constant 5.000000e-01 : f32
      %mul3A_2078 = arith.mulf %reduce_sum3A_2070, %mul3A_2077 : f32
      %mul3A_2079 = arith.mulf %mul3A_2078, %bitcast_convert_type3A_2076 : f32
      %mul3A_2080 = arith.mulf %mul3A_2079, %bitcast_convert_type3A_2076 : f32
      %sub3A_2081 = arith.constant 1.500000e+00 : f32
      %sub3A_2082 = arith.subf %sub3A_2081, %mul3A_2080 : f32
      %mul3A_2083 = arith.mulf %bitcast_convert_type3A_2076, %sub3A_2082 : f32
      %mul3A_2084 = arith.mulf %mul3A_2078, %mul3A_2083 : f32
      %mul3A_2085 = arith.mulf %mul3A_2084, %mul3A_2083 : f32
      %sub3A_2086 = arith.constant 1.500000e+00 : f32
      %sub3A_2087 = arith.subf %sub3A_2086, %mul3A_2085 : f32
      %mul3A_2088 = arith.mulf %mul3A_2083, %sub3A_2087 : f32
      %mul3A_2089 = arith.mulf %mul3A_2078, %mul3A_2088 : f32
      %mul3A_2090 = arith.mulf %mul3A_2089, %mul3A_2088 : f32
      %sub3A_2091 = arith.constant 1.500000e+00 : f32
      %sub3A_2092 = arith.subf %sub3A_2091, %mul3A_2090 : f32
      %mul3A_2093 = arith.mulf %mul3A_2088, %sub3A_2092 : f32
      %mul3A_2094 = vector.broadcast %mul3A_2039 : f32 to vector<16xf32>
      %mul3A_2095 = arith.mulf %get3A_1958, %mul3A_2094 : vector<16xf32>
      %mul3A_2096 = vector.broadcast %mul3A_2066 : f32 to vector<16xf32>
      %mul3A_2097 = arith.mulf %get3A_1970, %mul3A_2096 : vector<16xf32>
      %add3A_2098 = arith.addf %mul3A_2095, %mul3A_2097 : vector<16xf32>
      %mul3A_2099 = vector.broadcast %mul3A_2093 : f32 to vector<16xf32>
      %mul3A_2100 = arith.mulf %get3A_1982, %mul3A_2099 : vector<16xf32>
      %sub3A_2101 = arith.subf %add3A_2098, %mul3A_2100 : vector<16xf32>
      %abs3A_2102 = math.absf %sub3A_2101 : vector<16xf32>
      %mul3A_2103 = vector.broadcast %mul3A_2039 : f32 to vector<16xf32>
      %mul3A_2104 = arith.mulf %get3A_1961, %mul3A_2103 : vector<16xf32>
      %mul3A_2105 = vector.broadcast %mul3A_2066 : f32 to vector<16xf32>
      %mul3A_2106 = arith.mulf %get3A_1973, %mul3A_2105 : vector<16xf32>
      %add3A_2107 = arith.addf %mul3A_2104, %mul3A_2106 : vector<16xf32>
      %mul3A_2108 = vector.broadcast %mul3A_2093 : f32 to vector<16xf32>
      %mul3A_2109 = arith.mulf %get3A_1985, %mul3A_2108 : vector<16xf32>
      %sub3A_2110 = arith.subf %add3A_2107, %mul3A_2109 : vector<16xf32>
      %abs3A_2111 = math.absf %sub3A_2110 : vector<16xf32>
      %add3A_2112 = arith.addf %abs3A_2102, %abs3A_2111 : vector<16xf32>
      %mul3A_2113 = vector.broadcast %mul3A_2039 : f32 to vector<16xf32>
      %mul3A_2114 = arith.mulf %get3A_1964, %mul3A_2113 : vector<16xf32>
      %mul3A_2115 = vector.broadcast %mul3A_2066 : f32 to vector<16xf32>
      %mul3A_2116 = arith.mulf %get3A_1976, %mul3A_2115 : vector<16xf32>
      %add3A_2117 = arith.addf %mul3A_2114, %mul3A_2116 : vector<16xf32>
      %mul3A_2118 = vector.broadcast %mul3A_2093 : f32 to vector<16xf32>
      %mul3A_2119 = arith.mulf %get3A_1988, %mul3A_2118 : vector<16xf32>
      %sub3A_2120 = arith.subf %add3A_2117, %mul3A_2119 : vector<16xf32>
      %abs3A_2121 = math.absf %sub3A_2120 : vector<16xf32>
      %add3A_2122 = arith.addf %add3A_2112, %abs3A_2121 : vector<16xf32>
      %mul3A_2123 = vector.broadcast %mul3A_2039 : f32 to vector<16xf32>
      %mul3A_2124 = arith.mulf %get3A_1967, %mul3A_2123 : vector<16xf32>
      %mul3A_2125 = vector.broadcast %mul3A_2066 : f32 to vector<16xf32>
      %mul3A_2126 = arith.mulf %get3A_1979, %mul3A_2125 : vector<16xf32>
      %add3A_2127 = arith.addf %mul3A_2124, %mul3A_2126 : vector<16xf32>
      %mul3A_2128 = vector.broadcast %mul3A_2093 : f32 to vector<16xf32>
      %mul3A_2129 = arith.mulf %get3A_1991, %mul3A_2128 : vector<16xf32>
      %sub3A_2130 = arith.subf %add3A_2127, %mul3A_2129 : vector<16xf32>
      %abs3A_2131 = math.absf %sub3A_2130 : vector<16xf32>
      %add3A_2132 = arith.addf %add3A_2122, %abs3A_2131 : vector<16xf32>
      %eq3A_2133 = arith.constant 9 : i32
      %eq3A_2134 = vector.broadcast %eq3A_2133 : i32 to vector<16xi32>
      %eq3A_2135 = arith.cmpi eq, %iota3A, %eq3A_2134 : vector<16xi32>
      %reduce_sum3A_2136 = arith.constant true
      %reduce_sum3A_2137 = vector.broadcast %reduce_sum3A_2136 : i1 to vector<16xi1>
      %reduce_sum3A_2138 = tpu.scan <sum>, %add3A_2132 masked %reduce_sum3A_2137 : vector<16xf32>, vector<16xi1> -> vector<16xf32>
      %reduce_sum3A_2139 = vector.extract %reduce_sum3A_2138[15] : f32 from vector<16xf32>
      %broadcast_in_dim3A_2140 = vector.broadcast %reduce_sum3A_2139 : f32 to vector<16xf32>
      %select_n3A_2141 = arith.select %eq3A_2135, %broadcast_in_dim3A_2140, %select_n3A_1951 : vector<16xi1>, vector<16xf32>
      %mul3A_2142 = arith.constant 16 : i32
      %mul3A_2143 = arith.muli %scan3A_248, %mul3A_2142 : i32
      %add3A_2144 = arith.constant 10 : i32
      %add3A_2145 = arith.addi %mul3A_2143, %add3A_2144 : i32
      %get3A_2146 = arith.index_cast %add3A_2145 : i32 to index
      %get3A_2147 = arith.constant 0 : index
      %get3A_2148 = tpu.vector_load %arg11[%get3A_2146, %get3A_2147] {strides = array<i32>} : memref<512x64xf32, #tpu.memory_space<vmem>>, vector<16xf32>,
      %get3A_2149 = arith.index_cast %add3A_2145 : i32 to index
      %get3A_2150 = arith.constant 16 : index
      %get3A_2151 = tpu.vector_load %arg11[%get3A_2149, %get3A_2150] {strides = array<i32>} : memref<512x64xf32, #tpu.memory_space<vmem>>, vector<16xf32>,
      %get3A_2152 = arith.index_cast %add3A_2145 : i32 to index
      %get3A_2153 = arith.constant 32 : index
      %get3A_2154 = tpu.vector_load %arg11[%get3A_2152, %get3A_2153] {strides = array<i32>} : memref<512x64xf32, #tpu.memory_space<vmem>>, vector<16xf32>,
      %get3A_2155 = arith.index_cast %add3A_2145 : i32 to index
      %get3A_2156 = arith.constant 48 : index
      %get3A_2157 = tpu.vector_load %arg11[%get3A_2155, %get3A_2156] {strides = array<i32>} : memref<512x64xf32, #tpu.memory_space<vmem>>, vector<16xf32>,
      %get3A_2158 = arith.index_cast %add3A_2145 : i32 to index
      %get3A_2159 = arith.constant 0 : index
      %get3A_2160 = tpu.vector_load %arg13[%get3A_2158, %get3A_2159] {strides = array<i32>} : memref<512x64xf32, #tpu.memory_space<vmem>>, vector<16xf32>,
      %get3A_2161 = arith.index_cast %add3A_2145 : i32 to index
      %get3A_2162 = arith.constant 16 : index
      %get3A_2163 = tpu.vector_load %arg13[%get3A_2161, %get3A_2162] {strides = array<i32>} : memref<512x64xf32, #tpu.memory_space<vmem>>, vector<16xf32>,
      %get3A_2164 = arith.index_cast %add3A_2145 : i32 to index
      %get3A_2165 = arith.constant 32 : index
      %get3A_2166 = tpu.vector_load %arg13[%get3A_2164, %get3A_2165] {strides = array<i32>} : memref<512x64xf32, #tpu.memory_space<vmem>>, vector<16xf32>,
      %get3A_2167 = arith.index_cast %add3A_2145 : i32 to index
      %get3A_2168 = arith.constant 48 : index
      %get3A_2169 = tpu.vector_load %arg13[%get3A_2167, %get3A_2168] {strides = array<i32>} : memref<512x64xf32, #tpu.memory_space<vmem>>, vector<16xf32>,
      %get3A_2170 = arith.index_cast %add3A_2145 : i32 to index
      %get3A_2171 = arith.constant 0 : index
      %get3A_2172 = tpu.vector_load %arg12[%get3A_2170, %get3A_2171] {strides = array<i32>} : memref<512x64xf32, #tpu.memory_space<vmem>>, vector<16xf32>,
      %get3A_2173 = arith.index_cast %add3A_2145 : i32 to index
      %get3A_2174 = arith.constant 16 : index
      %get3A_2175 = tpu.vector_load %arg12[%get3A_2173, %get3A_2174] {strides = array<i32>} : memref<512x64xf32, #tpu.memory_space<vmem>>, vector<16xf32>,
      %get3A_2176 = arith.index_cast %add3A_2145 : i32 to index
      %get3A_2177 = arith.constant 32 : index
      %get3A_2178 = tpu.vector_load %arg12[%get3A_2176, %get3A_2177] {strides = array<i32>} : memref<512x64xf32, #tpu.memory_space<vmem>>, vector<16xf32>,
      %get3A_2179 = arith.index_cast %add3A_2145 : i32 to index
      %get3A_2180 = arith.constant 48 : index
      %get3A_2181 = tpu.vector_load %arg12[%get3A_2179, %get3A_2180] {strides = array<i32>} : memref<512x64xf32, #tpu.memory_space<vmem>>, vector<16xf32>,
      %mul3A_2182 = arith.mulf %get3A_2148, %get3A_2148 : vector<16xf32>
      %mul3A_2183 = arith.mulf %get3A_2151, %get3A_2151 : vector<16xf32>
      %add3A_2184 = arith.addf %mul3A_2182, %mul3A_2183 : vector<16xf32>
      %mul3A_2185 = arith.mulf %get3A_2154, %get3A_2154 : vector<16xf32>
      %add3A_2186 = arith.addf %add3A_2184, %mul3A_2185 : vector<16xf32>
      %mul3A_2187 = arith.mulf %get3A_2157, %get3A_2157 : vector<16xf32>
      %add3A_2188 = arith.addf %add3A_2186, %mul3A_2187 : vector<16xf32>
      %mul3A_2189 = arith.mulf %get3A_2160, %get3A_2160 : vector<16xf32>
      %mul3A_2190 = arith.mulf %get3A_2163, %get3A_2163 : vector<16xf32>
      %add3A_2191 = arith.addf %mul3A_2189, %mul3A_2190 : vector<16xf32>
      %mul3A_2192 = arith.mulf %get3A_2166, %get3A_2166 : vector<16xf32>
      %add3A_2193 = arith.addf %add3A_2191, %mul3A_2192 : vector<16xf32>
      %mul3A_2194 = arith.mulf %get3A_2169, %get3A_2169 : vector<16xf32>
      %add3A_2195 = arith.addf %add3A_2193, %mul3A_2194 : vector<16xf32>
      %mul3A_2196 = arith.mulf %get3A_2172, %get3A_2172 : vector<16xf32>
      %mul3A_2197 = arith.mulf %get3A_2175, %get3A_2175 : vector<16xf32>
      %add3A_2198 = arith.addf %mul3A_2196, %mul3A_2197 : vector<16xf32>
      %mul3A_2199 = arith.mulf %get3A_2178, %get3A_2178 : vector<16xf32>
      %add3A_2200 = arith.addf %add3A_2198, %mul3A_2199 : vector<16xf32>
      %mul3A_2201 = arith.mulf %get3A_2181, %get3A_2181 : vector<16xf32>
      %add3A_2202 = arith.addf %add3A_2200, %mul3A_2201 : vector<16xf32>
      %reduce_sum3A_2203 = arith.constant true
      %reduce_sum3A_2204 = vector.broadcast %reduce_sum3A_2203 : i1 to vector<16xi1>
      %reduce_sum3A_2205 = tpu.scan <sum>, %add3A_2188 masked %reduce_sum3A_2204 : vector<16xf32>, vector<16xi1> -> vector<16xf32>
      %reduce_sum3A_2206 = vector.extract %reduce_sum3A_2205[15] : f32 from vector<16xf32>
      %bitcast_convert_type3A_2207 = arith.bitcast %reduce_sum3A_2206 : f32 to i32
      %shift_right_arithmetic3A_2208 = arith.constant 1 : i32
      %shift_right_arithmetic3A_2209 = arith.shrsi %bitcast_convert_type3A_2207, %shift_right_arithmetic3A_2208 : i32
      %sub3A_2210 = arith.constant 1597463007 : i32
      %sub3A_2211 = arith.subi %sub3A_2210, %shift_right_arithmetic3A_2209 : i32
      %bitcast_convert_type3A_2212 = arith.bitcast %sub3A_2211 : i32 to f32
      %mul3A_2213 = arith.constant 5.000000e-01 : f32
      %mul3A_2214 = arith.mulf %reduce_sum3A_2206, %mul3A_2213 : f32
      %mul3A_2215 = arith.mulf %mul3A_2214, %bitcast_convert_type3A_2212 : f32
      %mul3A_2216 = arith.mulf %mul3A_2215, %bitcast_convert_type3A_2212 : f32
      %sub3A_2217 = arith.constant 1.500000e+00 : f32
      %sub3A_2218 = arith.subf %sub3A_2217, %mul3A_2216 : f32
      %mul3A_2219 = arith.mulf %bitcast_convert_type3A_2212, %sub3A_2218 : f32
      %mul3A_2220 = arith.mulf %mul3A_2214, %mul3A_2219 : f32
      %mul3A_2221 = arith.mulf %mul3A_2220, %mul3A_2219 : f32
      %sub3A_2222 = arith.constant 1.500000e+00 : f32
      %sub3A_2223 = arith.subf %sub3A_2222, %mul3A_2221 : f32
      %mul3A_2224 = arith.mulf %mul3A_2219, %sub3A_2223 : f32
      %mul3A_2225 = arith.mulf %mul3A_2214, %mul3A_2224 : f32
      %mul3A_2226 = arith.mulf %mul3A_2225, %mul3A_2224 : f32
      %sub3A_2227 = arith.constant 1.500000e+00 : f32
      %sub3A_2228 = arith.subf %sub3A_2227, %mul3A_2226 : f32
      %mul3A_2229 = arith.mulf %mul3A_2224, %sub3A_2228 : f32
      %reduce_sum3A_2230 = arith.constant true
      %reduce_sum3A_2231 = vector.broadcast %reduce_sum3A_2230 : i1 to vector<16xi1>
      %reduce_sum3A_2232 = tpu.scan <sum>, %add3A_2195 masked %reduce_sum3A_2231 : vector<16xf32>, vector<16xi1> -> vector<16xf32>
      %reduce_sum3A_2233 = vector.extract %reduce_sum3A_2232[15] : f32 from vector<16xf32>
      %bitcast_convert_type3A_2234 = arith.bitcast %reduce_sum3A_2233 : f32 to i32
      %shift_right_arithmetic3A_2235 = arith.constant 1 : i32
      %shift_right_arithmetic3A_2236 = arith.shrsi %bitcast_convert_type3A_2234, %shift_right_arithmetic3A_2235 : i32
      %sub3A_2237 = arith.constant 1597463007 : i32
      %sub3A_2238 = arith.subi %sub3A_2237, %shift_right_arithmetic3A_2236 : i32
      %bitcast_convert_type3A_2239 = arith.bitcast %sub3A_2238 : i32 to f32
      %mul3A_2240 = arith.constant 5.000000e-01 : f32
      %mul3A_2241 = arith.mulf %reduce_sum3A_2233, %mul3A_2240 : f32
      %mul3A_2242 = arith.mulf %mul3A_2241, %bitcast_convert_type3A_2239 : f32
      %mul3A_2243 = arith.mulf %mul3A_2242, %bitcast_convert_type3A_2239 : f32
      %sub3A_2244 = arith.constant 1.500000e+00 : f32
      %sub3A_2245 = arith.subf %sub3A_2244, %mul3A_2243 : f32
      %mul3A_2246 = arith.mulf %bitcast_convert_type3A_2239, %sub3A_2245 : f32
      %mul3A_2247 = arith.mulf %mul3A_2241, %mul3A_2246 : f32
      %mul3A_2248 = arith.mulf %mul3A_2247, %mul3A_2246 : f32
      %sub3A_2249 = arith.constant 1.500000e+00 : f32
      %sub3A_2250 = arith.subf %sub3A_2249, %mul3A_2248 : f32
      %mul3A_2251 = arith.mulf %mul3A_2246, %sub3A_2250 : f32
      %mul3A_2252 = arith.mulf %mul3A_2241, %mul3A_2251 : f32
      %mul3A_2253 = arith.mulf %mul3A_2252, %mul3A_2251 : f32
      %sub3A_2254 = arith.constant 1.500000e+00 : f32
      %sub3A_2255 = arith.subf %sub3A_2254, %mul3A_2253 : f32
      %mul3A_2256 = arith.mulf %mul3A_2251, %sub3A_2255 : f32
      %reduce_sum3A_2257 = arith.constant true
      %reduce_sum3A_2258 = vector.broadcast %reduce_sum3A_2257 : i1 to vector<16xi1>
      %reduce_sum3A_2259 = tpu.scan <sum>, %add3A_2202 masked %reduce_sum3A_2258 : vector<16xf32>, vector<16xi1> -> vector<16xf32>
      %reduce_sum3A_2260 = vector.extract %reduce_sum3A_2259[15] : f32 from vector<16xf32>
      %bitcast_convert_type3A_2261 = arith.bitcast %reduce_sum3A_2260 : f32 to i32
      %shift_right_arithmetic3A_2262 = arith.constant 1 : i32
      %shift_right_arithmetic3A_2263 = arith.shrsi %bitcast_convert_type3A_2261, %shift_right_arithmetic3A_2262 : i32
      %sub3A_2264 = arith.constant 1597463007 : i32
      %sub3A_2265 = arith.subi %sub3A_2264, %shift_right_arithmetic3A_2263 : i32
      %bitcast_convert_type3A_2266 = arith.bitcast %sub3A_2265 : i32 to f32
      %mul3A_2267 = arith.constant 5.000000e-01 : f32
      %mul3A_2268 = arith.mulf %reduce_sum3A_2260, %mul3A_2267 : f32
      %mul3A_2269 = arith.mulf %mul3A_2268, %bitcast_convert_type3A_2266 : f32
      %mul3A_2270 = arith.mulf %mul3A_2269, %bitcast_convert_type3A_2266 : f32
      %sub3A_2271 = arith.constant 1.500000e+00 : f32
      %sub3A_2272 = arith.subf %sub3A_2271, %mul3A_2270 : f32
      %mul3A_2273 = arith.mulf %bitcast_convert_type3A_2266, %sub3A_2272 : f32
      %mul3A_2274 = arith.mulf %mul3A_2268, %mul3A_2273 : f32
      %mul3A_2275 = arith.mulf %mul3A_2274, %mul3A_2273 : f32
      %sub3A_2276 = arith.constant 1.500000e+00 : f32
      %sub3A_2277 = arith.subf %sub3A_2276, %mul3A_2275 : f32
      %mul3A_2278 = arith.mulf %mul3A_2273, %sub3A_2277 : f32
      %mul3A_2279 = arith.mulf %mul3A_2268, %mul3A_2278 : f32
      %mul3A_2280 = arith.mulf %mul3A_2279, %mul3A_2278 : f32
      %sub3A_2281 = arith.constant 1.500000e+00 : f32
      %sub3A_2282 = arith.subf %sub3A_2281, %mul3A_2280 : f32
      %mul3A_2283 = arith.mulf %mul3A_2278, %sub3A_2282 : f32
      %mul3A_2284 = vector.broadcast %mul3A_2229 : f32 to vector<16xf32>
      %mul3A_2285 = arith.mulf %get3A_2148, %mul3A_2284 : vector<16xf32>
      %mul3A_2286 = vector.broadcast %mul3A_2256 : f32 to vector<16xf32>
      %mul3A_2287 = arith.mulf %get3A_2160, %mul3A_2286 : vector<16xf32>
      %add3A_2288 = arith.addf %mul3A_2285, %mul3A_2287 : vector<16xf32>
      %mul3A_2289 = vector.broadcast %mul3A_2283 : f32 to vector<16xf32>
      %mul3A_2290 = arith.mulf %get3A_2172, %mul3A_2289 : vector<16xf32>
      %sub3A_2291 = arith.subf %add3A_2288, %mul3A_2290 : vector<16xf32>
      %abs3A_2292 = math.absf %sub3A_2291 : vector<16xf32>
      %mul3A_2293 = vector.broadcast %mul3A_2229 : f32 to vector<16xf32>
      %mul3A_2294 = arith.mulf %get3A_2151, %mul3A_2293 : vector<16xf32>
      %mul3A_2295 = vector.broadcast %mul3A_2256 : f32 to vector<16xf32>
      %mul3A_2296 = arith.mulf %get3A_2163, %mul3A_2295 : vector<16xf32>
      %add3A_2297 = arith.addf %mul3A_2294, %mul3A_2296 : vector<16xf32>
      %mul3A_2298 = vector.broadcast %mul3A_2283 : f32 to vector<16xf32>
      %mul3A_2299 = arith.mulf %get3A_2175, %mul3A_2298 : vector<16xf32>
      %sub3A_2300 = arith.subf %add3A_2297, %mul3A_2299 : vector<16xf32>
      %abs3A_2301 = math.absf %sub3A_2300 : vector<16xf32>
      %add3A_2302 = arith.addf %abs3A_2292, %abs3A_2301 : vector<16xf32>
      %mul3A_2303 = vector.broadcast %mul3A_2229 : f32 to vector<16xf32>
      %mul3A_2304 = arith.mulf %get3A_2154, %mul3A_2303 : vector<16xf32>
      %mul3A_2305 = vector.broadcast %mul3A_2256 : f32 to vector<16xf32>
      %mul3A_2306 = arith.mulf %get3A_2166, %mul3A_2305 : vector<16xf32>
      %add3A_2307 = arith.addf %mul3A_2304, %mul3A_2306 : vector<16xf32>
      %mul3A_2308 = vector.broadcast %mul3A_2283 : f32 to vector<16xf32>
      %mul3A_2309 = arith.mulf %get3A_2178, %mul3A_2308 : vector<16xf32>
      %sub3A_2310 = arith.subf %add3A_2307, %mul3A_2309 : vector<16xf32>
      %abs3A_2311 = math.absf %sub3A_2310 : vector<16xf32>
      %add3A_2312 = arith.addf %add3A_2302, %abs3A_2311 : vector<16xf32>
      %mul3A_2313 = vector.broadcast %mul3A_2229 : f32 to vector<16xf32>
      %mul3A_2314 = arith.mulf %get3A_2157, %mul3A_2313 : vector<16xf32>
      %mul3A_2315 = vector.broadcast %mul3A_2256 : f32 to vector<16xf32>
      %mul3A_2316 = arith.mulf %get3A_2169, %mul3A_2315 : vector<16xf32>
      %add3A_2317 = arith.addf %mul3A_2314, %mul3A_2316 : vector<16xf32>
      %mul3A_2318 = vector.broadcast %mul3A_2283 : f32 to vector<16xf32>
      %mul3A_2319 = arith.mulf %get3A_2181, %mul3A_2318 : vector<16xf32>
      %sub3A_2320 = arith.subf %add3A_2317, %mul3A_2319 : vector<16xf32>
      %abs3A_2321 = math.absf %sub3A_2320 : vector<16xf32>
      %add3A_2322 = arith.addf %add3A_2312, %abs3A_2321 : vector<16xf32>
      %eq3A_2323 = arith.constant 10 : i32
      %eq3A_2324 = vector.broadcast %eq3A_2323 : i32 to vector<16xi32>
      %eq3A_2325 = arith.cmpi eq, %iota3A, %eq3A_2324 : vector<16xi32>
      %reduce_sum3A_2326 = arith.constant true
      %reduce_sum3A_2327 = vector.broadcast %reduce_sum3A_2326 : i1 to vector<16xi1>
      %reduce_sum3A_2328 = tpu.scan <sum>, %add3A_2322 masked %reduce_sum3A_2327 : vector<16xf32>, vector<16xi1> -> vector<16xf32>
      %reduce_sum3A_2329 = vector.extract %reduce_sum3A_2328[15] : f32 from vector<16xf32>
      %broadcast_in_dim3A_2330 = vector.broadcast %reduce_sum3A_2329 : f32 to vector<16xf32>
      %select_n3A_2331 = arith.select %eq3A_2325, %broadcast_in_dim3A_2330, %select_n3A_2141 : vector<16xi1>, vector<16xf32>
      %mul3A_2332 = arith.constant 16 : i32
      %mul3A_2333 = arith.muli %scan3A_248, %mul3A_2332 : i32
      %add3A_2334 = arith.constant 11 : i32
      %add3A_2335 = arith.addi %mul3A_2333, %add3A_2334 : i32
      %get3A_2336 = arith.index_cast %add3A_2335 : i32 to index
      %get3A_2337 = arith.constant 0 : index
      %get3A_2338 = tpu.vector_load %arg11[%get3A_2336, %get3A_2337] {strides = array<i32>} : memref<512x64xf32, #tpu.memory_space<vmem>>, vector<16xf32>,
      %get3A_2339 = arith.index_cast %add3A_2335 : i32 to index
      %get3A_2340 = arith.constant 16 : index
      %get3A_2341 = tpu.vector_load %arg11[%get3A_2339, %get3A_2340] {strides = array<i32>} : memref<512x64xf32, #tpu.memory_space<vmem>>, vector<16xf32>,
      %get3A_2342 = arith.index_cast %add3A_2335 : i32 to index
      %get3A_2343 = arith.constant 32 : index
      %get3A_2344 = tpu.vector_load %arg11[%get3A_2342, %get3A_2343] {strides = array<i32>} : memref<512x64xf32, #tpu.memory_space<vmem>>, vector<16xf32>,
      %get3A_2345 = arith.index_cast %add3A_2335 : i32 to index
      %get3A_2346 = arith.constant 48 : index
      %get3A_2347 = tpu.vector_load %arg11[%get3A_2345, %get3A_2346] {strides = array<i32>} : memref<512x64xf32, #tpu.memory_space<vmem>>, vector<16xf32>,
      %get3A_2348 = arith.index_cast %add3A_2335 : i32 to index
      %get3A_2349 = arith.constant 0 : index
      %get3A_2350 = tpu.vector_load %arg13[%get3A_2348, %get3A_2349] {strides = array<i32>} : memref<512x64xf32, #tpu.memory_space<vmem>>, vector<16xf32>,
      %get3A_2351 = arith.index_cast %add3A_2335 : i32 to index
      %get3A_2352 = arith.constant 16 : index
      %get3A_2353 = tpu.vector_load %arg13[%get3A_2351, %get3A_2352] {strides = array<i32>} : memref<512x64xf32, #tpu.memory_space<vmem>>, vector<16xf32>,
      %get3A_2354 = arith.index_cast %add3A_2335 : i32 to index
      %get3A_2355 = arith.constant 32 : index
      %get3A_2356 = tpu.vector_load %arg13[%get3A_2354, %get3A_2355] {strides = array<i32>} : memref<512x64xf32, #tpu.memory_space<vmem>>, vector<16xf32>,
      %get3A_2357 = arith.index_cast %add3A_2335 : i32 to index
      %get3A_2358 = arith.constant 48 : index
      %get3A_2359 = tpu.vector_load %arg13[%get3A_2357, %get3A_2358] {strides = array<i32>} : memref<512x64xf32, #tpu.memory_space<vmem>>, vector<16xf32>,
      %get3A_2360 = arith.index_cast %add3A_2335 : i32 to index
      %get3A_2361 = arith.constant 0 : index
      %get3A_2362 = tpu.vector_load %arg12[%get3A_2360, %get3A_2361] {strides = array<i32>} : memref<512x64xf32, #tpu.memory_space<vmem>>, vector<16xf32>,
      %get3A_2363 = arith.index_cast %add3A_2335 : i32 to index
      %get3A_2364 = arith.constant 16 : index
      %get3A_2365 = tpu.vector_load %arg12[%get3A_2363, %get3A_2364] {strides = array<i32>} : memref<512x64xf32, #tpu.memory_space<vmem>>, vector<16xf32>,
      %get3A_2366 = arith.index_cast %add3A_2335 : i32 to index
      %get3A_2367 = arith.constant 32 : index
      %get3A_2368 = tpu.vector_load %arg12[%get3A_2366, %get3A_2367] {strides = array<i32>} : memref<512x64xf32, #tpu.memory_space<vmem>>, vector<16xf32>,
      %get3A_2369 = arith.index_cast %add3A_2335 : i32 to index
      %get3A_2370 = arith.constant 48 : index
      %get3A_2371 = tpu.vector_load %arg12[%get3A_2369, %get3A_2370] {strides = array<i32>} : memref<512x64xf32, #tpu.memory_space<vmem>>, vector<16xf32>,
      %mul3A_2372 = arith.mulf %get3A_2338, %get3A_2338 : vector<16xf32>
      %mul3A_2373 = arith.mulf %get3A_2341, %get3A_2341 : vector<16xf32>
      %add3A_2374 = arith.addf %mul3A_2372, %mul3A_2373 : vector<16xf32>
      %mul3A_2375 = arith.mulf %get3A_2344, %get3A_2344 : vector<16xf32>
      %add3A_2376 = arith.addf %add3A_2374, %mul3A_2375 : vector<16xf32>
      %mul3A_2377 = arith.mulf %get3A_2347, %get3A_2347 : vector<16xf32>
      %add3A_2378 = arith.addf %add3A_2376, %mul3A_2377 : vector<16xf32>
      %mul3A_2379 = arith.mulf %get3A_2350, %get3A_2350 : vector<16xf32>
      %mul3A_2380 = arith.mulf %get3A_2353, %get3A_2353 : vector<16xf32>
      %add3A_2381 = arith.addf %mul3A_2379, %mul3A_2380 : vector<16xf32>
      %mul3A_2382 = arith.mulf %get3A_2356, %get3A_2356 : vector<16xf32>
      %add3A_2383 = arith.addf %add3A_2381, %mul3A_2382 : vector<16xf32>
      %mul3A_2384 = arith.mulf %get3A_2359, %get3A_2359 : vector<16xf32>
      %add3A_2385 = arith.addf %add3A_2383, %mul3A_2384 : vector<16xf32>
      %mul3A_2386 = arith.mulf %get3A_2362, %get3A_2362 : vector<16xf32>
      %mul3A_2387 = arith.mulf %get3A_2365, %get3A_2365 : vector<16xf32>
      %add3A_2388 = arith.addf %mul3A_2386, %mul3A_2387 : vector<16xf32>
      %mul3A_2389 = arith.mulf %get3A_2368, %get3A_2368 : vector<16xf32>
      %add3A_2390 = arith.addf %add3A_2388, %mul3A_2389 : vector<16xf32>
      %mul3A_2391 = arith.mulf %get3A_2371, %get3A_2371 : vector<16xf32>
      %add3A_2392 = arith.addf %add3A_2390, %mul3A_2391 : vector<16xf32>
      %reduce_sum3A_2393 = arith.constant true
      %reduce_sum3A_2394 = vector.broadcast %reduce_sum3A_2393 : i1 to vector<16xi1>
      %reduce_sum3A_2395 = tpu.scan <sum>, %add3A_2378 masked %reduce_sum3A_2394 : vector<16xf32>, vector<16xi1> -> vector<16xf32>
      %reduce_sum3A_2396 = vector.extract %reduce_sum3A_2395[15] : f32 from vector<16xf32>
      %bitcast_convert_type3A_2397 = arith.bitcast %reduce_sum3A_2396 : f32 to i32
      %shift_right_arithmetic3A_2398 = arith.constant 1 : i32
      %shift_right_arithmetic3A_2399 = arith.shrsi %bitcast_convert_type3A_2397, %shift_right_arithmetic3A_2398 : i32
      %sub3A_2400 = arith.constant 1597463007 : i32
      %sub3A_2401 = arith.subi %sub3A_2400, %shift_right_arithmetic3A_2399 : i32
      %bitcast_convert_type3A_2402 = arith.bitcast %sub3A_2401 : i32 to f32
      %mul3A_2403 = arith.constant 5.000000e-01 : f32
      %mul3A_2404 = arith.mulf %reduce_sum3A_2396, %mul3A_2403 : f32
      %mul3A_2405 = arith.mulf %mul3A_2404, %bitcast_convert_type3A_2402 : f32
      %mul3A_2406 = arith.mulf %mul3A_2405, %bitcast_convert_type3A_2402 : f32
      %sub3A_2407 = arith.constant 1.500000e+00 : f32
      %sub3A_2408 = arith.subf %sub3A_2407, %mul3A_2406 : f32
      %mul3A_2409 = arith.mulf %bitcast_convert_type3A_2402, %sub3A_2408 : f32
      %mul3A_2410 = arith.mulf %mul3A_2404, %mul3A_2409 : f32
      %mul3A_2411 = arith.mulf %mul3A_2410, %mul3A_2409 : f32
      %sub3A_2412 = arith.constant 1.500000e+00 : f32
      %sub3A_2413 = arith.subf %sub3A_2412, %mul3A_2411 : f32
      %mul3A_2414 = arith.mulf %mul3A_2409, %sub3A_2413 : f32
      %mul3A_2415 = arith.mulf %mul3A_2404, %mul3A_2414 : f32
      %mul3A_2416 = arith.mulf %mul3A_2415, %mul3A_2414 : f32
      %sub3A_2417 = arith.constant 1.500000e+00 : f32
      %sub3A_2418 = arith.subf %sub3A_2417, %mul3A_2416 : f32
      %mul3A_2419 = arith.mulf %mul3A_2414, %sub3A_2418 : f32
      %reduce_sum3A_2420 = arith.constant true
      %reduce_sum3A_2421 = vector.broadcast %reduce_sum3A_2420 : i1 to vector<16xi1>
      %reduce_sum3A_2422 = tpu.scan <sum>, %add3A_2385 masked %reduce_sum3A_2421 : vector<16xf32>, vector<16xi1> -> vector<16xf32>
      %reduce_sum3A_2423 = vector.extract %reduce_sum3A_2422[15] : f32 from vector<16xf32>
      %bitcast_convert_type3A_2424 = arith.bitcast %reduce_sum3A_2423 : f32 to i32
      %shift_right_arithmetic3A_2425 = arith.constant 1 : i32
      %shift_right_arithmetic3A_2426 = arith.shrsi %bitcast_convert_type3A_2424, %shift_right_arithmetic3A_2425 : i32
      %sub3A_2427 = arith.constant 1597463007 : i32
      %sub3A_2428 = arith.subi %sub3A_2427, %shift_right_arithmetic3A_2426 : i32
      %bitcast_convert_type3A_2429 = arith.bitcast %sub3A_2428 : i32 to f32
      %mul3A_2430 = arith.constant 5.000000e-01 : f32
      %mul3A_2431 = arith.mulf %reduce_sum3A_2423, %mul3A_2430 : f32
      %mul3A_2432 = arith.mulf %mul3A_2431, %bitcast_convert_type3A_2429 : f32
      %mul3A_2433 = arith.mulf %mul3A_2432, %bitcast_convert_type3A_2429 : f32
      %sub3A_2434 = arith.constant 1.500000e+00 : f32
      %sub3A_2435 = arith.subf %sub3A_2434, %mul3A_2433 : f32
      %mul3A_2436 = arith.mulf %bitcast_convert_type3A_2429, %sub3A_2435 : f32
      %mul3A_2437 = arith.mulf %mul3A_2431, %mul3A_2436 : f32
      %mul3A_2438 = arith.mulf %mul3A_2437, %mul3A_2436 : f32
      %sub3A_2439 = arith.constant 1.500000e+00 : f32
      %sub3A_2440 = arith.subf %sub3A_2439, %mul3A_2438 : f32
      %mul3A_2441 = arith.mulf %mul3A_2436, %sub3A_2440 : f32
      %mul3A_2442 = arith.mulf %mul3A_2431, %mul3A_2441 : f32
      %mul3A_2443 = arith.mulf %mul3A_2442, %mul3A_2441 : f32
      %sub3A_2444 = arith.constant 1.500000e+00 : f32
      %sub3A_2445 = arith.subf %sub3A_2444, %mul3A_2443 : f32
      %mul3A_2446 = arith.mulf %mul3A_2441, %sub3A_2445 : f32
      %reduce_sum3A_2447 = arith.constant true
      %reduce_sum3A_2448 = vector.broadcast %reduce_sum3A_2447 : i1 to vector<16xi1>
      %reduce_sum3A_2449 = tpu.scan <sum>, %add3A_2392 masked %reduce_sum3A_2448 : vector<16xf32>, vector<16xi1> -> vector<16xf32>
      %reduce_sum3A_2450 = vector.extract %reduce_sum3A_2449[15] : f32 from vector<16xf32>
      %bitcast_convert_type3A_2451 = arith.bitcast %reduce_sum3A_2450 : f32 to i32
      %shift_right_arithmetic3A_2452 = arith.constant 1 : i32
      %shift_right_arithmetic3A_2453 = arith.shrsi %bitcast_convert_type3A_2451, %shift_right_arithmetic3A_2452 : i32
      %sub3A_2454 = arith.constant 1597463007 : i32
      %sub3A_2455 = arith.subi %sub3A_2454, %shift_right_arithmetic3A_2453 : i32
      %bitcast_convert_type3A_2456 = arith.bitcast %sub3A_2455 : i32 to f32
      %mul3A_2457 = arith.constant 5.000000e-01 : f32
      %mul3A_2458 = arith.mulf %reduce_sum3A_2450, %mul3A_2457 : f32
      %mul3A_2459 = arith.mulf %mul3A_2458, %bitcast_convert_type3A_2456 : f32
      %mul3A_2460 = arith.mulf %mul3A_2459, %bitcast_convert_type3A_2456 : f32
      %sub3A_2461 = arith.constant 1.500000e+00 : f32
      %sub3A_2462 = arith.subf %sub3A_2461, %mul3A_2460 : f32
      %mul3A_2463 = arith.mulf %bitcast_convert_type3A_2456, %sub3A_2462 : f32
      %mul3A_2464 = arith.mulf %mul3A_2458, %mul3A_2463 : f32
      %mul3A_2465 = arith.mulf %mul3A_2464, %mul3A_2463 : f32
      %sub3A_2466 = arith.constant 1.500000e+00 : f32
      %sub3A_2467 = arith.subf %sub3A_2466, %mul3A_2465 : f32
      %mul3A_2468 = arith.mulf %mul3A_2463, %sub3A_2467 : f32
      %mul3A_2469 = arith.mulf %mul3A_2458, %mul3A_2468 : f32
      %mul3A_2470 = arith.mulf %mul3A_2469, %mul3A_2468 : f32
      %sub3A_2471 = arith.constant 1.500000e+00 : f32
      %sub3A_2472 = arith.subf %sub3A_2471, %mul3A_2470 : f32
      %mul3A_2473 = arith.mulf %mul3A_2468, %sub3A_2472 : f32
      %mul3A_2474 = vector.broadcast %mul3A_2419 : f32 to vector<16xf32>
      %mul3A_2475 = arith.mulf %get3A_2338, %mul3A_2474 : vector<16xf32>
      %mul3A_2476 = vector.broadcast %mul3A_2446 : f32 to vector<16xf32>
      %mul3A_2477 = arith.mulf %get3A_2350, %mul3A_2476 : vector<16xf32>
      %add3A_2478 = arith.addf %mul3A_2475, %mul3A_2477 : vector<16xf32>
      %mul3A_2479 = vector.broadcast %mul3A_2473 : f32 to vector<16xf32>
      %mul3A_2480 = arith.mulf %get3A_2362, %mul3A_2479 : vector<16xf32>
      %sub3A_2481 = arith.subf %add3A_2478, %mul3A_2480 : vector<16xf32>
      %abs3A_2482 = math.absf %sub3A_2481 : vector<16xf32>
      %mul3A_2483 = vector.broadcast %mul3A_2419 : f32 to vector<16xf32>
      %mul3A_2484 = arith.mulf %get3A_2341, %mul3A_2483 : vector<16xf32>
      %mul3A_2485 = vector.broadcast %mul3A_2446 : f32 to vector<16xf32>
      %mul3A_2486 = arith.mulf %get3A_2353, %mul3A_2485 : vector<16xf32>
      %add3A_2487 = arith.addf %mul3A_2484, %mul3A_2486 : vector<16xf32>
      %mul3A_2488 = vector.broadcast %mul3A_2473 : f32 to vector<16xf32>
      %mul3A_2489 = arith.mulf %get3A_2365, %mul3A_2488 : vector<16xf32>
      %sub3A_2490 = arith.subf %add3A_2487, %mul3A_2489 : vector<16xf32>
      %abs3A_2491 = math.absf %sub3A_2490 : vector<16xf32>
      %add3A_2492 = arith.addf %abs3A_2482, %abs3A_2491 : vector<16xf32>
      %mul3A_2493 = vector.broadcast %mul3A_2419 : f32 to vector<16xf32>
      %mul3A_2494 = arith.mulf %get3A_2344, %mul3A_2493 : vector<16xf32>
      %mul3A_2495 = vector.broadcast %mul3A_2446 : f32 to vector<16xf32>
      %mul3A_2496 = arith.mulf %get3A_2356, %mul3A_2495 : vector<16xf32>
      %add3A_2497 = arith.addf %mul3A_2494, %mul3A_2496 : vector<16xf32>
      %mul3A_2498 = vector.broadcast %mul3A_2473 : f32 to vector<16xf32>
      %mul3A_2499 = arith.mulf %get3A_2368, %mul3A_2498 : vector<16xf32>
      %sub3A_2500 = arith.subf %add3A_2497, %mul3A_2499 : vector<16xf32>
      %abs3A_2501 = math.absf %sub3A_2500 : vector<16xf32>
      %add3A_2502 = arith.addf %add3A_2492, %abs3A_2501 : vector<16xf32>
      %mul3A_2503 = vector.broadcast %mul3A_2419 : f32 to vector<16xf32>
      %mul3A_2504 = arith.mulf %get3A_2347, %mul3A_2503 : vector<16xf32>
      %mul3A_2505 = vector.broadcast %mul3A_2446 : f32 to vector<16xf32>
      %mul3A_2506 = arith.mulf %get3A_2359, %mul3A_2505 : vector<16xf32>
      %add3A_2507 = arith.addf %mul3A_2504, %mul3A_2506 : vector<16xf32>
      %mul3A_2508 = vector.broadcast %mul3A_2473 : f32 to vector<16xf32>
      %mul3A_2509 = arith.mulf %get3A_2371, %mul3A_2508 : vector<16xf32>
      %sub3A_2510 = arith.subf %add3A_2507, %mul3A_2509 : vector<16xf32>
      %abs3A_2511 = math.absf %sub3A_2510 : vector<16xf32>
      %add3A_2512 = arith.addf %add3A_2502, %abs3A_2511 : vector<16xf32>
      %eq3A_2513 = arith.constant 11 : i32
      %eq3A_2514 = vector.broadcast %eq3A_2513 : i32 to vector<16xi32>
      %eq3A_2515 = arith.cmpi eq, %iota3A, %eq3A_2514 : vector<16xi32>
      %reduce_sum3A_2516 = arith.constant true
      %reduce_sum3A_2517 = vector.broadcast %reduce_sum3A_2516 : i1 to vector<16xi1>
      %reduce_sum3A_2518 = tpu.scan <sum>, %add3A_2512 masked %reduce_sum3A_2517 : vector<16xf32>, vector<16xi1> -> vector<16xf32>
      %reduce_sum3A_2519 = vector.extract %reduce_sum3A_2518[15] : f32 from vector<16xf32>
      %broadcast_in_dim3A_2520 = vector.broadcast %reduce_sum3A_2519 : f32 to vector<16xf32>
      %select_n3A_2521 = arith.select %eq3A_2515, %broadcast_in_dim3A_2520, %select_n3A_2331 : vector<16xi1>, vector<16xf32>
      %mul3A_2522 = arith.constant 16 : i32
      %mul3A_2523 = arith.muli %scan3A_248, %mul3A_2522 : i32
      %add3A_2524 = arith.constant 12 : i32
      %add3A_2525 = arith.addi %mul3A_2523, %add3A_2524 : i32
      %get3A_2526 = arith.index_cast %add3A_2525 : i32 to index
      %get3A_2527 = arith.constant 0 : index
      %get3A_2528 = tpu.vector_load %arg11[%get3A_2526, %get3A_2527] {strides = array<i32>} : memref<512x64xf32, #tpu.memory_space<vmem>>, vector<16xf32>,
      %get3A_2529 = arith.index_cast %add3A_2525 : i32 to index
      %get3A_2530 = arith.constant 16 : index
      %get3A_2531 = tpu.vector_load %arg11[%get3A_2529, %get3A_2530] {strides = array<i32>} : memref<512x64xf32, #tpu.memory_space<vmem>>, vector<16xf32>,
      %get3A_2532 = arith.index_cast %add3A_2525 : i32 to index
      %get3A_2533 = arith.constant 32 : index
      %get3A_2534 = tpu.vector_load %arg11[%get3A_2532, %get3A_2533] {strides = array<i32>} : memref<512x64xf32, #tpu.memory_space<vmem>>, vector<16xf32>,
      %get3A_2535 = arith.index_cast %add3A_2525 : i32 to index
      %get3A_2536 = arith.constant 48 : index
      %get3A_2537 = tpu.vector_load %arg11[%get3A_2535, %get3A_2536] {strides = array<i32>} : memref<512x64xf32, #tpu.memory_space<vmem>>, vector<16xf32>,
      %get3A_2538 = arith.index_cast %add3A_2525 : i32 to index
      %get3A_2539 = arith.constant 0 : index
      %get3A_2540 = tpu.vector_load %arg13[%get3A_2538, %get3A_2539] {strides = array<i32>} : memref<512x64xf32, #tpu.memory_space<vmem>>, vector<16xf32>,
      %get3A_2541 = arith.index_cast %add3A_2525 : i32 to index
      %get3A_2542 = arith.constant 16 : index
      %get3A_2543 = tpu.vector_load %arg13[%get3A_2541, %get3A_2542] {strides = array<i32>} : memref<512x64xf32, #tpu.memory_space<vmem>>, vector<16xf32>,
      %get3A_2544 = arith.index_cast %add3A_2525 : i32 to index
      %get3A_2545 = arith.constant 32 : index
      %get3A_2546 = tpu.vector_load %arg13[%get3A_2544, %get3A_2545] {strides = array<i32>} : memref<512x64xf32, #tpu.memory_space<vmem>>, vector<16xf32>,
      %get3A_2547 = arith.index_cast %add3A_2525 : i32 to index
      %get3A_2548 = arith.constant 48 : index
      %get3A_2549 = tpu.vector_load %arg13[%get3A_2547, %get3A_2548] {strides = array<i32>} : memref<512x64xf32, #tpu.memory_space<vmem>>, vector<16xf32>,
      %get3A_2550 = arith.index_cast %add3A_2525 : i32 to index
      %get3A_2551 = arith.constant 0 : index
      %get3A_2552 = tpu.vector_load %arg12[%get3A_2550, %get3A_2551] {strides = array<i32>} : memref<512x64xf32, #tpu.memory_space<vmem>>, vector<16xf32>,
      %get3A_2553 = arith.index_cast %add3A_2525 : i32 to index
      %get3A_2554 = arith.constant 16 : index
      %get3A_2555 = tpu.vector_load %arg12[%get3A_2553, %get3A_2554] {strides = array<i32>} : memref<512x64xf32, #tpu.memory_space<vmem>>, vector<16xf32>,
      %get3A_2556 = arith.index_cast %add3A_2525 : i32 to index
      %get3A_2557 = arith.constant 32 : index
      %get3A_2558 = tpu.vector_load %arg12[%get3A_2556, %get3A_2557] {strides = array<i32>} : memref<512x64xf32, #tpu.memory_space<vmem>>, vector<16xf32>,
      %get3A_2559 = arith.index_cast %add3A_2525 : i32 to index
      %get3A_2560 = arith.constant 48 : index
      %get3A_2561 = tpu.vector_load %arg12[%get3A_2559, %get3A_2560] {strides = array<i32>} : memref<512x64xf32, #tpu.memory_space<vmem>>, vector<16xf32>,
      %mul3A_2562 = arith.mulf %get3A_2528, %get3A_2528 : vector<16xf32>
      %mul3A_2563 = arith.mulf %get3A_2531, %get3A_2531 : vector<16xf32>
      %add3A_2564 = arith.addf %mul3A_2562, %mul3A_2563 : vector<16xf32>
      %mul3A_2565 = arith.mulf %get3A_2534, %get3A_2534 : vector<16xf32>
      %add3A_2566 = arith.addf %add3A_2564, %mul3A_2565 : vector<16xf32>
      %mul3A_2567 = arith.mulf %get3A_2537, %get3A_2537 : vector<16xf32>
      %add3A_2568 = arith.addf %add3A_2566, %mul3A_2567 : vector<16xf32>
      %mul3A_2569 = arith.mulf %get3A_2540, %get3A_2540 : vector<16xf32>
      %mul3A_2570 = arith.mulf %get3A_2543, %get3A_2543 : vector<16xf32>
      %add3A_2571 = arith.addf %mul3A_2569, %mul3A_2570 : vector<16xf32>
      %mul3A_2572 = arith.mulf %get3A_2546, %get3A_2546 : vector<16xf32>
      %add3A_2573 = arith.addf %add3A_2571, %mul3A_2572 : vector<16xf32>
      %mul3A_2574 = arith.mulf %get3A_2549, %get3A_2549 : vector<16xf32>
      %add3A_2575 = arith.addf %add3A_2573, %mul3A_2574 : vector<16xf32>
      %mul3A_2576 = arith.mulf %get3A_2552, %get3A_2552 : vector<16xf32>
      %mul3A_2577 = arith.mulf %get3A_2555, %get3A_2555 : vector<16xf32>
      %add3A_2578 = arith.addf %mul3A_2576, %mul3A_2577 : vector<16xf32>
      %mul3A_2579 = arith.mulf %get3A_2558, %get3A_2558 : vector<16xf32>
      %add3A_2580 = arith.addf %add3A_2578, %mul3A_2579 : vector<16xf32>
      %mul3A_2581 = arith.mulf %get3A_2561, %get3A_2561 : vector<16xf32>
      %add3A_2582 = arith.addf %add3A_2580, %mul3A_2581 : vector<16xf32>
      %reduce_sum3A_2583 = arith.constant true
      %reduce_sum3A_2584 = vector.broadcast %reduce_sum3A_2583 : i1 to vector<16xi1>
      %reduce_sum3A_2585 = tpu.scan <sum>, %add3A_2568 masked %reduce_sum3A_2584 : vector<16xf32>, vector<16xi1> -> vector<16xf32>
      %reduce_sum3A_2586 = vector.extract %reduce_sum3A_2585[15] : f32 from vector<16xf32>
      %bitcast_convert_type3A_2587 = arith.bitcast %reduce_sum3A_2586 : f32 to i32
      %shift_right_arithmetic3A_2588 = arith.constant 1 : i32
      %shift_right_arithmetic3A_2589 = arith.shrsi %bitcast_convert_type3A_2587, %shift_right_arithmetic3A_2588 : i32
      %sub3A_2590 = arith.constant 1597463007 : i32
      %sub3A_2591 = arith.subi %sub3A_2590, %shift_right_arithmetic3A_2589 : i32
      %bitcast_convert_type3A_2592 = arith.bitcast %sub3A_2591 : i32 to f32
      %mul3A_2593 = arith.constant 5.000000e-01 : f32
      %mul3A_2594 = arith.mulf %reduce_sum3A_2586, %mul3A_2593 : f32
      %mul3A_2595 = arith.mulf %mul3A_2594, %bitcast_convert_type3A_2592 : f32
      %mul3A_2596 = arith.mulf %mul3A_2595, %bitcast_convert_type3A_2592 : f32
      %sub3A_2597 = arith.constant 1.500000e+00 : f32
      %sub3A_2598 = arith.subf %sub3A_2597, %mul3A_2596 : f32
      %mul3A_2599 = arith.mulf %bitcast_convert_type3A_2592, %sub3A_2598 : f32
      %mul3A_2600 = arith.mulf %mul3A_2594, %mul3A_2599 : f32
      %mul3A_2601 = arith.mulf %mul3A_2600, %mul3A_2599 : f32
      %sub3A_2602 = arith.constant 1.500000e+00 : f32
      %sub3A_2603 = arith.subf %sub3A_2602, %mul3A_2601 : f32
      %mul3A_2604 = arith.mulf %mul3A_2599, %sub3A_2603 : f32
      %mul3A_2605 = arith.mulf %mul3A_2594, %mul3A_2604 : f32
      %mul3A_2606 = arith.mulf %mul3A_2605, %mul3A_2604 : f32
      %sub3A_2607 = arith.constant 1.500000e+00 : f32
      %sub3A_2608 = arith.subf %sub3A_2607, %mul3A_2606 : f32
      %mul3A_2609 = arith.mulf %mul3A_2604, %sub3A_2608 : f32
      %reduce_sum3A_2610 = arith.constant true
      %reduce_sum3A_2611 = vector.broadcast %reduce_sum3A_2610 : i1 to vector<16xi1>
      %reduce_sum3A_2612 = tpu.scan <sum>, %add3A_2575 masked %reduce_sum3A_2611 : vector<16xf32>, vector<16xi1> -> vector<16xf32>
      %reduce_sum3A_2613 = vector.extract %reduce_sum3A_2612[15] : f32 from vector<16xf32>
      %bitcast_convert_type3A_2614 = arith.bitcast %reduce_sum3A_2613 : f32 to i32
      %shift_right_arithmetic3A_2615 = arith.constant 1 : i32
      %shift_right_arithmetic3A_2616 = arith.shrsi %bitcast_convert_type3A_2614, %shift_right_arithmetic3A_2615 : i32
      %sub3A_2617 = arith.constant 1597463007 : i32
      %sub3A_2618 = arith.subi %sub3A_2617, %shift_right_arithmetic3A_2616 : i32
      %bitcast_convert_type3A_2619 = arith.bitcast %sub3A_2618 : i32 to f32
      %mul3A_2620 = arith.constant 5.000000e-01 : f32
      %mul3A_2621 = arith.mulf %reduce_sum3A_2613, %mul3A_2620 : f32
      %mul3A_2622 = arith.mulf %mul3A_2621, %bitcast_convert_type3A_2619 : f32
      %mul3A_2623 = arith.mulf %mul3A_2622, %bitcast_convert_type3A_2619 : f32
      %sub3A_2624 = arith.constant 1.500000e+00 : f32
      %sub3A_2625 = arith.subf %sub3A_2624, %mul3A_2623 : f32
      %mul3A_2626 = arith.mulf %bitcast_convert_type3A_2619, %sub3A_2625 : f32
      %mul3A_2627 = arith.mulf %mul3A_2621, %mul3A_2626 : f32
      %mul3A_2628 = arith.mulf %mul3A_2627, %mul3A_2626 : f32
      %sub3A_2629 = arith.constant 1.500000e+00 : f32
      %sub3A_2630 = arith.subf %sub3A_2629, %mul3A_2628 : f32
      %mul3A_2631 = arith.mulf %mul3A_2626, %sub3A_2630 : f32
      %mul3A_2632 = arith.mulf %mul3A_2621, %mul3A_2631 : f32
      %mul3A_2633 = arith.mulf %mul3A_2632, %mul3A_2631 : f32
      %sub3A_2634 = arith.constant 1.500000e+00 : f32
      %sub3A_2635 = arith.subf %sub3A_2634, %mul3A_2633 : f32
      %mul3A_2636 = arith.mulf %mul3A_2631, %sub3A_2635 : f32
      %reduce_sum3A_2637 = arith.constant true
      %reduce_sum3A_2638 = vector.broadcast %reduce_sum3A_2637 : i1 to vector<16xi1>
      %reduce_sum3A_2639 = tpu.scan <sum>, %add3A_2582 masked %reduce_sum3A_2638 : vector<16xf32>, vector<16xi1> -> vector<16xf32>
      %reduce_sum3A_2640 = vector.extract %reduce_sum3A_2639[15] : f32 from vector<16xf32>
      %bitcast_convert_type3A_2641 = arith.bitcast %reduce_sum3A_2640 : f32 to i32
      %shift_right_arithmetic3A_2642 = arith.constant 1 : i32
      %shift_right_arithmetic3A_2643 = arith.shrsi %bitcast_convert_type3A_2641, %shift_right_arithmetic3A_2642 : i32
      %sub3A_2644 = arith.constant 1597463007 : i32
      %sub3A_2645 = arith.subi %sub3A_2644, %shift_right_arithmetic3A_2643 : i32
      %bitcast_convert_type3A_2646 = arith.bitcast %sub3A_2645 : i32 to f32
      %mul3A_2647 = arith.constant 5.000000e-01 : f32
      %mul3A_2648 = arith.mulf %reduce_sum3A_2640, %mul3A_2647 : f32
      %mul3A_2649 = arith.mulf %mul3A_2648, %bitcast_convert_type3A_2646 : f32
      %mul3A_2650 = arith.mulf %mul3A_2649, %bitcast_convert_type3A_2646 : f32
      %sub3A_2651 = arith.constant 1.500000e+00 : f32
      %sub3A_2652 = arith.subf %sub3A_2651, %mul3A_2650 : f32
      %mul3A_2653 = arith.mulf %bitcast_convert_type3A_2646, %sub3A_2652 : f32
      %mul3A_2654 = arith.mulf %mul3A_2648, %mul3A_2653 : f32
      %mul3A_2655 = arith.mulf %mul3A_2654, %mul3A_2653 : f32
      %sub3A_2656 = arith.constant 1.500000e+00 : f32
      %sub3A_2657 = arith.subf %sub3A_2656, %mul3A_2655 : f32
      %mul3A_2658 = arith.mulf %mul3A_2653, %sub3A_2657 : f32
      %mul3A_2659 = arith.mulf %mul3A_2648, %mul3A_2658 : f32
      %mul3A_2660 = arith.mulf %mul3A_2659, %mul3A_2658 : f32
      %sub3A_2661 = arith.constant 1.500000e+00 : f32
      %sub3A_2662 = arith.subf %sub3A_2661, %mul3A_2660 : f32
      %mul3A_2663 = arith.mulf %mul3A_2658, %sub3A_2662 : f32
      %mul3A_2664 = vector.broadcast %mul3A_2609 : f32 to vector<16xf32>
      %mul3A_2665 = arith.mulf %get3A_2528, %mul3A_2664 : vector<16xf32>
      %mul3A_2666 = vector.broadcast %mul3A_2636 : f32 to vector<16xf32>
      %mul3A_2667 = arith.mulf %get3A_2540, %mul3A_2666 : vector<16xf32>
      %add3A_2668 = arith.addf %mul3A_2665, %mul3A_2667 : vector<16xf32>
      %mul3A_2669 = vector.broadcast %mul3A_2663 : f32 to vector<16xf32>
      %mul3A_2670 = arith.mulf %get3A_2552, %mul3A_2669 : vector<16xf32>
      %sub3A_2671 = arith.subf %add3A_2668, %mul3A_2670 : vector<16xf32>
      %abs3A_2672 = math.absf %sub3A_2671 : vector<16xf32>
      %mul3A_2673 = vector.broadcast %mul3A_2609 : f32 to vector<16xf32>
      %mul3A_2674 = arith.mulf %get3A_2531, %mul3A_2673 : vector<16xf32>
      %mul3A_2675 = vector.broadcast %mul3A_2636 : f32 to vector<16xf32>
      %mul3A_2676 = arith.mulf %get3A_2543, %mul3A_2675 : vector<16xf32>
      %add3A_2677 = arith.addf %mul3A_2674, %mul3A_2676 : vector<16xf32>
      %mul3A_2678 = vector.broadcast %mul3A_2663 : f32 to vector<16xf32>
      %mul3A_2679 = arith.mulf %get3A_2555, %mul3A_2678 : vector<16xf32>
      %sub3A_2680 = arith.subf %add3A_2677, %mul3A_2679 : vector<16xf32>
      %abs3A_2681 = math.absf %sub3A_2680 : vector<16xf32>
      %add3A_2682 = arith.addf %abs3A_2672, %abs3A_2681 : vector<16xf32>
      %mul3A_2683 = vector.broadcast %mul3A_2609 : f32 to vector<16xf32>
      %mul3A_2684 = arith.mulf %get3A_2534, %mul3A_2683 : vector<16xf32>
      %mul3A_2685 = vector.broadcast %mul3A_2636 : f32 to vector<16xf32>
      %mul3A_2686 = arith.mulf %get3A_2546, %mul3A_2685 : vector<16xf32>
      %add3A_2687 = arith.addf %mul3A_2684, %mul3A_2686 : vector<16xf32>
      %mul3A_2688 = vector.broadcast %mul3A_2663 : f32 to vector<16xf32>
      %mul3A_2689 = arith.mulf %get3A_2558, %mul3A_2688 : vector<16xf32>
      %sub3A_2690 = arith.subf %add3A_2687, %mul3A_2689 : vector<16xf32>
      %abs3A_2691 = math.absf %sub3A_2690 : vector<16xf32>
      %add3A_2692 = arith.addf %add3A_2682, %abs3A_2691 : vector<16xf32>
      %mul3A_2693 = vector.broadcast %mul3A_2609 : f32 to vector<16xf32>
      %mul3A_2694 = arith.mulf %get3A_2537, %mul3A_2693 : vector<16xf32>
      %mul3A_2695 = vector.broadcast %mul3A_2636 : f32 to vector<16xf32>
      %mul3A_2696 = arith.mulf %get3A_2549, %mul3A_2695 : vector<16xf32>
      %add3A_2697 = arith.addf %mul3A_2694, %mul3A_2696 : vector<16xf32>
      %mul3A_2698 = vector.broadcast %mul3A_2663 : f32 to vector<16xf32>
      %mul3A_2699 = arith.mulf %get3A_2561, %mul3A_2698 : vector<16xf32>
      %sub3A_2700 = arith.subf %add3A_2697, %mul3A_2699 : vector<16xf32>
      %abs3A_2701 = math.absf %sub3A_2700 : vector<16xf32>
      %add3A_2702 = arith.addf %add3A_2692, %abs3A_2701 : vector<16xf32>
      %eq3A_2703 = arith.constant 12 : i32
      %eq3A_2704 = vector.broadcast %eq3A_2703 : i32 to vector<16xi32>
      %eq3A_2705 = arith.cmpi eq, %iota3A, %eq3A_2704 : vector<16xi32>
      %reduce_sum3A_2706 = arith.constant true
      %reduce_sum3A_2707 = vector.broadcast %reduce_sum3A_2706 : i1 to vector<16xi1>
      %reduce_sum3A_2708 = tpu.scan <sum>, %add3A_2702 masked %reduce_sum3A_2707 : vector<16xf32>, vector<16xi1> -> vector<16xf32>
      %reduce_sum3A_2709 = vector.extract %reduce_sum3A_2708[15] : f32 from vector<16xf32>
      %broadcast_in_dim3A_2710 = vector.broadcast %reduce_sum3A_2709 : f32 to vector<16xf32>
      %select_n3A_2711 = arith.select %eq3A_2705, %broadcast_in_dim3A_2710, %select_n3A_2521 : vector<16xi1>, vector<16xf32>
      %mul3A_2712 = arith.constant 16 : i32
      %mul3A_2713 = arith.muli %scan3A_248, %mul3A_2712 : i32
      %add3A_2714 = arith.constant 13 : i32
      %add3A_2715 = arith.addi %mul3A_2713, %add3A_2714 : i32
      %get3A_2716 = arith.index_cast %add3A_2715 : i32 to index
      %get3A_2717 = arith.constant 0 : index
      %get3A_2718 = tpu.vector_load %arg11[%get3A_2716, %get3A_2717] {strides = array<i32>} : memref<512x64xf32, #tpu.memory_space<vmem>>, vector<16xf32>,
      %get3A_2719 = arith.index_cast %add3A_2715 : i32 to index
      %get3A_2720 = arith.constant 16 : index
      %get3A_2721 = tpu.vector_load %arg11[%get3A_2719, %get3A_2720] {strides = array<i32>} : memref<512x64xf32, #tpu.memory_space<vmem>>, vector<16xf32>,
      %get3A_2722 = arith.index_cast %add3A_2715 : i32 to index
      %get3A_2723 = arith.constant 32 : index
      %get3A_2724 = tpu.vector_load %arg11[%get3A_2722, %get3A_2723] {strides = array<i32>} : memref<512x64xf32, #tpu.memory_space<vmem>>, vector<16xf32>,
      %get3A_2725 = arith.index_cast %add3A_2715 : i32 to index
      %get3A_2726 = arith.constant 48 : index
      %get3A_2727 = tpu.vector_load %arg11[%get3A_2725, %get3A_2726] {strides = array<i32>} : memref<512x64xf32, #tpu.memory_space<vmem>>, vector<16xf32>,
      %get3A_2728 = arith.index_cast %add3A_2715 : i32 to index
      %get3A_2729 = arith.constant 0 : index
      %get3A_2730 = tpu.vector_load %arg13[%get3A_2728, %get3A_2729] {strides = array<i32>} : memref<512x64xf32, #tpu.memory_space<vmem>>, vector<16xf32>,
      %get3A_2731 = arith.index_cast %add3A_2715 : i32 to index
      %get3A_2732 = arith.constant 16 : index
      %get3A_2733 = tpu.vector_load %arg13[%get3A_2731, %get3A_2732] {strides = array<i32>} : memref<512x64xf32, #tpu.memory_space<vmem>>, vector<16xf32>,
      %get3A_2734 = arith.index_cast %add3A_2715 : i32 to index
      %get3A_2735 = arith.constant 32 : index
      %get3A_2736 = tpu.vector_load %arg13[%get3A_2734, %get3A_2735] {strides = array<i32>} : memref<512x64xf32, #tpu.memory_space<vmem>>, vector<16xf32>,
      %get3A_2737 = arith.index_cast %add3A_2715 : i32 to index
      %get3A_2738 = arith.constant 48 : index
      %get3A_2739 = tpu.vector_load %arg13[%get3A_2737, %get3A_2738] {strides = array<i32>} : memref<512x64xf32, #tpu.memory_space<vmem>>, vector<16xf32>,
      %get3A_2740 = arith.index_cast %add3A_2715 : i32 to index
      %get3A_2741 = arith.constant 0 : index
      %get3A_2742 = tpu.vector_load %arg12[%get3A_2740, %get3A_2741] {strides = array<i32>} : memref<512x64xf32, #tpu.memory_space<vmem>>, vector<16xf32>,
      %get3A_2743 = arith.index_cast %add3A_2715 : i32 to index
      %get3A_2744 = arith.constant 16 : index
      %get3A_2745 = tpu.vector_load %arg12[%get3A_2743, %get3A_2744] {strides = array<i32>} : memref<512x64xf32, #tpu.memory_space<vmem>>, vector<16xf32>,
      %get3A_2746 = arith.index_cast %add3A_2715 : i32 to index
      %get3A_2747 = arith.constant 32 : index
      %get3A_2748 = tpu.vector_load %arg12[%get3A_2746, %get3A_2747] {strides = array<i32>} : memref<512x64xf32, #tpu.memory_space<vmem>>, vector<16xf32>,
      %get3A_2749 = arith.index_cast %add3A_2715 : i32 to index
      %get3A_2750 = arith.constant 48 : index
      %get3A_2751 = tpu.vector_load %arg12[%get3A_2749, %get3A_2750] {strides = array<i32>} : memref<512x64xf32, #tpu.memory_space<vmem>>, vector<16xf32>,
      %mul3A_2752 = arith.mulf %get3A_2718, %get3A_2718 : vector<16xf32>
      %mul3A_2753 = arith.mulf %get3A_2721, %get3A_2721 : vector<16xf32>
      %add3A_2754 = arith.addf %mul3A_2752, %mul3A_2753 : vector<16xf32>
      %mul3A_2755 = arith.mulf %get3A_2724, %get3A_2724 : vector<16xf32>
      %add3A_2756 = arith.addf %add3A_2754, %mul3A_2755 : vector<16xf32>
      %mul3A_2757 = arith.mulf %get3A_2727, %get3A_2727 : vector<16xf32>
      %add3A_2758 = arith.addf %add3A_2756, %mul3A_2757 : vector<16xf32>
      %mul3A_2759 = arith.mulf %get3A_2730, %get3A_2730 : vector<16xf32>
      %mul3A_2760 = arith.mulf %get3A_2733, %get3A_2733 : vector<16xf32>
      %add3A_2761 = arith.addf %mul3A_2759, %mul3A_2760 : vector<16xf32>
      %mul3A_2762 = arith.mulf %get3A_2736, %get3A_2736 : vector<16xf32>
      %add3A_2763 = arith.addf %add3A_2761, %mul3A_2762 : vector<16xf32>
      %mul3A_2764 = arith.mulf %get3A_2739, %get3A_2739 : vector<16xf32>
      %add3A_2765 = arith.addf %add3A_2763, %mul3A_2764 : vector<16xf32>
      %mul3A_2766 = arith.mulf %get3A_2742, %get3A_2742 : vector<16xf32>
      %mul3A_2767 = arith.mulf %get3A_2745, %get3A_2745 : vector<16xf32>
      %add3A_2768 = arith.addf %mul3A_2766, %mul3A_2767 : vector<16xf32>
      %mul3A_2769 = arith.mulf %get3A_2748, %get3A_2748 : vector<16xf32>
      %add3A_2770 = arith.addf %add3A_2768, %mul3A_2769 : vector<16xf32>
      %mul3A_2771 = arith.mulf %get3A_2751, %get3A_2751 : vector<16xf32>
      %add3A_2772 = arith.addf %add3A_2770, %mul3A_2771 : vector<16xf32>
      %reduce_sum3A_2773 = arith.constant true
      %reduce_sum3A_2774 = vector.broadcast %reduce_sum3A_2773 : i1 to vector<16xi1>
      %reduce_sum3A_2775 = tpu.scan <sum>, %add3A_2758 masked %reduce_sum3A_2774 : vector<16xf32>, vector<16xi1> -> vector<16xf32>
      %reduce_sum3A_2776 = vector.extract %reduce_sum3A_2775[15] : f32 from vector<16xf32>
      %bitcast_convert_type3A_2777 = arith.bitcast %reduce_sum3A_2776 : f32 to i32
      %shift_right_arithmetic3A_2778 = arith.constant 1 : i32
      %shift_right_arithmetic3A_2779 = arith.shrsi %bitcast_convert_type3A_2777, %shift_right_arithmetic3A_2778 : i32
      %sub3A_2780 = arith.constant 1597463007 : i32
      %sub3A_2781 = arith.subi %sub3A_2780, %shift_right_arithmetic3A_2779 : i32
      %bitcast_convert_type3A_2782 = arith.bitcast %sub3A_2781 : i32 to f32
      %mul3A_2783 = arith.constant 5.000000e-01 : f32
      %mul3A_2784 = arith.mulf %reduce_sum3A_2776, %mul3A_2783 : f32
      %mul3A_2785 = arith.mulf %mul3A_2784, %bitcast_convert_type3A_2782 : f32
      %mul3A_2786 = arith.mulf %mul3A_2785, %bitcast_convert_type3A_2782 : f32
      %sub3A_2787 = arith.constant 1.500000e+00 : f32
      %sub3A_2788 = arith.subf %sub3A_2787, %mul3A_2786 : f32
      %mul3A_2789 = arith.mulf %bitcast_convert_type3A_2782, %sub3A_2788 : f32
      %mul3A_2790 = arith.mulf %mul3A_2784, %mul3A_2789 : f32
      %mul3A_2791 = arith.mulf %mul3A_2790, %mul3A_2789 : f32
      %sub3A_2792 = arith.constant 1.500000e+00 : f32
      %sub3A_2793 = arith.subf %sub3A_2792, %mul3A_2791 : f32
      %mul3A_2794 = arith.mulf %mul3A_2789, %sub3A_2793 : f32
      %mul3A_2795 = arith.mulf %mul3A_2784, %mul3A_2794 : f32
      %mul3A_2796 = arith.mulf %mul3A_2795, %mul3A_2794 : f32
      %sub3A_2797 = arith.constant 1.500000e+00 : f32
      %sub3A_2798 = arith.subf %sub3A_2797, %mul3A_2796 : f32
      %mul3A_2799 = arith.mulf %mul3A_2794, %sub3A_2798 : f32
      %reduce_sum3A_2800 = arith.constant true
      %reduce_sum3A_2801 = vector.broadcast %reduce_sum3A_2800 : i1 to vector<16xi1>
      %reduce_sum3A_2802 = tpu.scan <sum>, %add3A_2765 masked %reduce_sum3A_2801 : vector<16xf32>, vector<16xi1> -> vector<16xf32>
      %reduce_sum3A_2803 = vector.extract %reduce_sum3A_2802[15] : f32 from vector<16xf32>
      %bitcast_convert_type3A_2804 = arith.bitcast %reduce_sum3A_2803 : f32 to i32
      %shift_right_arithmetic3A_2805 = arith.constant 1 : i32
      %shift_right_arithmetic3A_2806 = arith.shrsi %bitcast_convert_type3A_2804, %shift_right_arithmetic3A_2805 : i32
      %sub3A_2807 = arith.constant 1597463007 : i32
      %sub3A_2808 = arith.subi %sub3A_2807, %shift_right_arithmetic3A_2806 : i32
      %bitcast_convert_type3A_2809 = arith.bitcast %sub3A_2808 : i32 to f32
      %mul3A_2810 = arith.constant 5.000000e-01 : f32
      %mul3A_2811 = arith.mulf %reduce_sum3A_2803, %mul3A_2810 : f32
      %mul3A_2812 = arith.mulf %mul3A_2811, %bitcast_convert_type3A_2809 : f32
      %mul3A_2813 = arith.mulf %mul3A_2812, %bitcast_convert_type3A_2809 : f32
      %sub3A_2814 = arith.constant 1.500000e+00 : f32
      %sub3A_2815 = arith.subf %sub3A_2814, %mul3A_2813 : f32
      %mul3A_2816 = arith.mulf %bitcast_convert_type3A_2809, %sub3A_2815 : f32
      %mul3A_2817 = arith.mulf %mul3A_2811, %mul3A_2816 : f32
      %mul3A_2818 = arith.mulf %mul3A_2817, %mul3A_2816 : f32
      %sub3A_2819 = arith.constant 1.500000e+00 : f32
      %sub3A_2820 = arith.subf %sub3A_2819, %mul3A_2818 : f32
      %mul3A_2821 = arith.mulf %mul3A_2816, %sub3A_2820 : f32
      %mul3A_2822 = arith.mulf %mul3A_2811, %mul3A_2821 : f32
      %mul3A_2823 = arith.mulf %mul3A_2822, %mul3A_2821 : f32
      %sub3A_2824 = arith.constant 1.500000e+00 : f32
      %sub3A_2825 = arith.subf %sub3A_2824, %mul3A_2823 : f32
      %mul3A_2826 = arith.mulf %mul3A_2821, %sub3A_2825 : f32
      %reduce_sum3A_2827 = arith.constant true
      %reduce_sum3A_2828 = vector.broadcast %reduce_sum3A_2827 : i1 to vector<16xi1>
      %reduce_sum3A_2829 = tpu.scan <sum>, %add3A_2772 masked %reduce_sum3A_2828 : vector<16xf32>, vector<16xi1> -> vector<16xf32>
      %reduce_sum3A_2830 = vector.extract %reduce_sum3A_2829[15] : f32 from vector<16xf32>
      %bitcast_convert_type3A_2831 = arith.bitcast %reduce_sum3A_2830 : f32 to i32
      %shift_right_arithmetic3A_2832 = arith.constant 1 : i32
      %shift_right_arithmetic3A_2833 = arith.shrsi %bitcast_convert_type3A_2831, %shift_right_arithmetic3A_2832 : i32
      %sub3A_2834 = arith.constant 1597463007 : i32
      %sub3A_2835 = arith.subi %sub3A_2834, %shift_right_arithmetic3A_2833 : i32
      %bitcast_convert_type3A_2836 = arith.bitcast %sub3A_2835 : i32 to f32
      %mul3A_2837 = arith.constant 5.000000e-01 : f32
      %mul3A_2838 = arith.mulf %reduce_sum3A_2830, %mul3A_2837 : f32
      %mul3A_2839 = arith.mulf %mul3A_2838, %bitcast_convert_type3A_2836 : f32
      %mul3A_2840 = arith.mulf %mul3A_2839, %bitcast_convert_type3A_2836 : f32
      %sub3A_2841 = arith.constant 1.500000e+00 : f32
      %sub3A_2842 = arith.subf %sub3A_2841, %mul3A_2840 : f32
      %mul3A_2843 = arith.mulf %bitcast_convert_type3A_2836, %sub3A_2842 : f32
      %mul3A_2844 = arith.mulf %mul3A_2838, %mul3A_2843 : f32
      %mul3A_2845 = arith.mulf %mul3A_2844, %mul3A_2843 : f32
      %sub3A_2846 = arith.constant 1.500000e+00 : f32
      %sub3A_2847 = arith.subf %sub3A_2846, %mul3A_2845 : f32
      %mul3A_2848 = arith.mulf %mul3A_2843, %sub3A_2847 : f32
      %mul3A_2849 = arith.mulf %mul3A_2838, %mul3A_2848 : f32
      %mul3A_2850 = arith.mulf %mul3A_2849, %mul3A_2848 : f32
      %sub3A_2851 = arith.constant 1.500000e+00 : f32
      %sub3A_2852 = arith.subf %sub3A_2851, %mul3A_2850 : f32
      %mul3A_2853 = arith.mulf %mul3A_2848, %sub3A_2852 : f32
      %mul3A_2854 = vector.broadcast %mul3A_2799 : f32 to vector<16xf32>
      %mul3A_2855 = arith.mulf %get3A_2718, %mul3A_2854 : vector<16xf32>
      %mul3A_2856 = vector.broadcast %mul3A_2826 : f32 to vector<16xf32>
      %mul3A_2857 = arith.mulf %get3A_2730, %mul3A_2856 : vector<16xf32>
      %add3A_2858 = arith.addf %mul3A_2855, %mul3A_2857 : vector<16xf32>
      %mul3A_2859 = vector.broadcast %mul3A_2853 : f32 to vector<16xf32>
      %mul3A_2860 = arith.mulf %get3A_2742, %mul3A_2859 : vector<16xf32>
      %sub3A_2861 = arith.subf %add3A_2858, %mul3A_2860 : vector<16xf32>
      %abs3A_2862 = math.absf %sub3A_2861 : vector<16xf32>
      %mul3A_2863 = vector.broadcast %mul3A_2799 : f32 to vector<16xf32>
      %mul3A_2864 = arith.mulf %get3A_2721, %mul3A_2863 : vector<16xf32>
      %mul3A_2865 = vector.broadcast %mul3A_2826 : f32 to vector<16xf32>
      %mul3A_2866 = arith.mulf %get3A_2733, %mul3A_2865 : vector<16xf32>
      %add3A_2867 = arith.addf %mul3A_2864, %mul3A_2866 : vector<16xf32>
      %mul3A_2868 = vector.broadcast %mul3A_2853 : f32 to vector<16xf32>
      %mul3A_2869 = arith.mulf %get3A_2745, %mul3A_2868 : vector<16xf32>
      %sub3A_2870 = arith.subf %add3A_2867, %mul3A_2869 : vector<16xf32>
      %abs3A_2871 = math.absf %sub3A_2870 : vector<16xf32>
      %add3A_2872 = arith.addf %abs3A_2862, %abs3A_2871 : vector<16xf32>
      %mul3A_2873 = vector.broadcast %mul3A_2799 : f32 to vector<16xf32>
      %mul3A_2874 = arith.mulf %get3A_2724, %mul3A_2873 : vector<16xf32>
      %mul3A_2875 = vector.broadcast %mul3A_2826 : f32 to vector<16xf32>
      %mul3A_2876 = arith.mulf %get3A_2736, %mul3A_2875 : vector<16xf32>
      %add3A_2877 = arith.addf %mul3A_2874, %mul3A_2876 : vector<16xf32>
      %mul3A_2878 = vector.broadcast %mul3A_2853 : f32 to vector<16xf32>
      %mul3A_2879 = arith.mulf %get3A_2748, %mul3A_2878 : vector<16xf32>
      %sub3A_2880 = arith.subf %add3A_2877, %mul3A_2879 : vector<16xf32>
      %abs3A_2881 = math.absf %sub3A_2880 : vector<16xf32>
      %add3A_2882 = arith.addf %add3A_2872, %abs3A_2881 : vector<16xf32>
      %mul3A_2883 = vector.broadcast %mul3A_2799 : f32 to vector<16xf32>
      %mul3A_2884 = arith.mulf %get3A_2727, %mul3A_2883 : vector<16xf32>
      %mul3A_2885 = vector.broadcast %mul3A_2826 : f32 to vector<16xf32>
      %mul3A_2886 = arith.mulf %get3A_2739, %mul3A_2885 : vector<16xf32>
      %add3A_2887 = arith.addf %mul3A_2884, %mul3A_2886 : vector<16xf32>
      %mul3A_2888 = vector.broadcast %mul3A_2853 : f32 to vector<16xf32>
      %mul3A_2889 = arith.mulf %get3A_2751, %mul3A_2888 : vector<16xf32>
      %sub3A_2890 = arith.subf %add3A_2887, %mul3A_2889 : vector<16xf32>
      %abs3A_2891 = math.absf %sub3A_2890 : vector<16xf32>
      %add3A_2892 = arith.addf %add3A_2882, %abs3A_2891 : vector<16xf32>
      %eq3A_2893 = arith.constant 13 : i32
      %eq3A_2894 = vector.broadcast %eq3A_2893 : i32 to vector<16xi32>
      %eq3A_2895 = arith.cmpi eq, %iota3A, %eq3A_2894 : vector<16xi32>
      %reduce_sum3A_2896 = arith.constant true
      %reduce_sum3A_2897 = vector.broadcast %reduce_sum3A_2896 : i1 to vector<16xi1>
      %reduce_sum3A_2898 = tpu.scan <sum>, %add3A_2892 masked %reduce_sum3A_2897 : vector<16xf32>, vector<16xi1> -> vector<16xf32>
      %reduce_sum3A_2899 = vector.extract %reduce_sum3A_2898[15] : f32 from vector<16xf32>
      %broadcast_in_dim3A_2900 = vector.broadcast %reduce_sum3A_2899 : f32 to vector<16xf32>
      %select_n3A_2901 = arith.select %eq3A_2895, %broadcast_in_dim3A_2900, %select_n3A_2711 : vector<16xi1>, vector<16xf32>
      %mul3A_2902 = arith.constant 16 : i32
      %mul3A_2903 = arith.muli %scan3A_248, %mul3A_2902 : i32
      %add3A_2904 = arith.constant 14 : i32
      %add3A_2905 = arith.addi %mul3A_2903, %add3A_2904 : i32
      %get3A_2906 = arith.index_cast %add3A_2905 : i32 to index
      %get3A_2907 = arith.constant 0 : index
      %get3A_2908 = tpu.vector_load %arg11[%get3A_2906, %get3A_2907] {strides = array<i32>} : memref<512x64xf32, #tpu.memory_space<vmem>>, vector<16xf32>,
      %get3A_2909 = arith.index_cast %add3A_2905 : i32 to index
      %get3A_2910 = arith.constant 16 : index
      %get3A_2911 = tpu.vector_load %arg11[%get3A_2909, %get3A_2910] {strides = array<i32>} : memref<512x64xf32, #tpu.memory_space<vmem>>, vector<16xf32>,
      %get3A_2912 = arith.index_cast %add3A_2905 : i32 to index
      %get3A_2913 = arith.constant 32 : index
      %get3A_2914 = tpu.vector_load %arg11[%get3A_2912, %get3A_2913] {strides = array<i32>} : memref<512x64xf32, #tpu.memory_space<vmem>>, vector<16xf32>,
      %get3A_2915 = arith.index_cast %add3A_2905 : i32 to index
      %get3A_2916 = arith.constant 48 : index
      %get3A_2917 = tpu.vector_load %arg11[%get3A_2915, %get3A_2916] {strides = array<i32>} : memref<512x64xf32, #tpu.memory_space<vmem>>, vector<16xf32>,
      %get3A_2918 = arith.index_cast %add3A_2905 : i32 to index
      %get3A_2919 = arith.constant 0 : index
      %get3A_2920 = tpu.vector_load %arg13[%get3A_2918, %get3A_2919] {strides = array<i32>} : memref<512x64xf32, #tpu.memory_space<vmem>>, vector<16xf32>,
      %get3A_2921 = arith.index_cast %add3A_2905 : i32 to index
      %get3A_2922 = arith.constant 16 : index
      %get3A_2923 = tpu.vector_load %arg13[%get3A_2921, %get3A_2922] {strides = array<i32>} : memref<512x64xf32, #tpu.memory_space<vmem>>, vector<16xf32>,
      %get3A_2924 = arith.index_cast %add3A_2905 : i32 to index
      %get3A_2925 = arith.constant 32 : index
      %get3A_2926 = tpu.vector_load %arg13[%get3A_2924, %get3A_2925] {strides = array<i32>} : memref<512x64xf32, #tpu.memory_space<vmem>>, vector<16xf32>,
      %get3A_2927 = arith.index_cast %add3A_2905 : i32 to index
      %get3A_2928 = arith.constant 48 : index
      %get3A_2929 = tpu.vector_load %arg13[%get3A_2927, %get3A_2928] {strides = array<i32>} : memref<512x64xf32, #tpu.memory_space<vmem>>, vector<16xf32>,
      %get3A_2930 = arith.index_cast %add3A_2905 : i32 to index
      %get3A_2931 = arith.constant 0 : index
      %get3A_2932 = tpu.vector_load %arg12[%get3A_2930, %get3A_2931] {strides = array<i32>} : memref<512x64xf32, #tpu.memory_space<vmem>>, vector<16xf32>,
      %get3A_2933 = arith.index_cast %add3A_2905 : i32 to index
      %get3A_2934 = arith.constant 16 : index
      %get3A_2935 = tpu.vector_load %arg12[%get3A_2933, %get3A_2934] {strides = array<i32>} : memref<512x64xf32, #tpu.memory_space<vmem>>, vector<16xf32>,
      %get3A_2936 = arith.index_cast %add3A_2905 : i32 to index
      %get3A_2937 = arith.constant 32 : index
      %get3A_2938 = tpu.vector_load %arg12[%get3A_2936, %get3A_2937] {strides = array<i32>} : memref<512x64xf32, #tpu.memory_space<vmem>>, vector<16xf32>,
      %get3A_2939 = arith.index_cast %add3A_2905 : i32 to index
      %get3A_2940 = arith.constant 48 : index
      %get3A_2941 = tpu.vector_load %arg12[%get3A_2939, %get3A_2940] {strides = array<i32>} : memref<512x64xf32, #tpu.memory_space<vmem>>, vector<16xf32>,
      %mul3A_2942 = arith.mulf %get3A_2908, %get3A_2908 : vector<16xf32>
      %mul3A_2943 = arith.mulf %get3A_2911, %get3A_2911 : vector<16xf32>
      %add3A_2944 = arith.addf %mul3A_2942, %mul3A_2943 : vector<16xf32>
      %mul3A_2945 = arith.mulf %get3A_2914, %get3A_2914 : vector<16xf32>
      %add3A_2946 = arith.addf %add3A_2944, %mul3A_2945 : vector<16xf32>
      %mul3A_2947 = arith.mulf %get3A_2917, %get3A_2917 : vector<16xf32>
      %add3A_2948 = arith.addf %add3A_2946, %mul3A_2947 : vector<16xf32>
      %mul3A_2949 = arith.mulf %get3A_2920, %get3A_2920 : vector<16xf32>
      %mul3A_2950 = arith.mulf %get3A_2923, %get3A_2923 : vector<16xf32>
      %add3A_2951 = arith.addf %mul3A_2949, %mul3A_2950 : vector<16xf32>
      %mul3A_2952 = arith.mulf %get3A_2926, %get3A_2926 : vector<16xf32>
      %add3A_2953 = arith.addf %add3A_2951, %mul3A_2952 : vector<16xf32>
      %mul3A_2954 = arith.mulf %get3A_2929, %get3A_2929 : vector<16xf32>
      %add3A_2955 = arith.addf %add3A_2953, %mul3A_2954 : vector<16xf32>
      %mul3A_2956 = arith.mulf %get3A_2932, %get3A_2932 : vector<16xf32>
      %mul3A_2957 = arith.mulf %get3A_2935, %get3A_2935 : vector<16xf32>
      %add3A_2958 = arith.addf %mul3A_2956, %mul3A_2957 : vector<16xf32>
      %mul3A_2959 = arith.mulf %get3A_2938, %get3A_2938 : vector<16xf32>
      %add3A_2960 = arith.addf %add3A_2958, %mul3A_2959 : vector<16xf32>
      %mul3A_2961 = arith.mulf %get3A_2941, %get3A_2941 : vector<16xf32>
      %add3A_2962 = arith.addf %add3A_2960, %mul3A_2961 : vector<16xf32>
      %reduce_sum3A_2963 = arith.constant true
      %reduce_sum3A_2964 = vector.broadcast %reduce_sum3A_2963 : i1 to vector<16xi1>
      %reduce_sum3A_2965 = tpu.scan <sum>, %add3A_2948 masked %reduce_sum3A_2964 : vector<16xf32>, vector<16xi1> -> vector<16xf32>
      %reduce_sum3A_2966 = vector.extract %reduce_sum3A_2965[15] : f32 from vector<16xf32>
      %bitcast_convert_type3A_2967 = arith.bitcast %reduce_sum3A_2966 : f32 to i32
      %shift_right_arithmetic3A_2968 = arith.constant 1 : i32
      %shift_right_arithmetic3A_2969 = arith.shrsi %bitcast_convert_type3A_2967, %shift_right_arithmetic3A_2968 : i32
      %sub3A_2970 = arith.constant 1597463007 : i32
      %sub3A_2971 = arith.subi %sub3A_2970, %shift_right_arithmetic3A_2969 : i32
      %bitcast_convert_type3A_2972 = arith.bitcast %sub3A_2971 : i32 to f32
      %mul3A_2973 = arith.constant 5.000000e-01 : f32
      %mul3A_2974 = arith.mulf %reduce_sum3A_2966, %mul3A_2973 : f32
      %mul3A_2975 = arith.mulf %mul3A_2974, %bitcast_convert_type3A_2972 : f32
      %mul3A_2976 = arith.mulf %mul3A_2975, %bitcast_convert_type3A_2972 : f32
      %sub3A_2977 = arith.constant 1.500000e+00 : f32
      %sub3A_2978 = arith.subf %sub3A_2977, %mul3A_2976 : f32
      %mul3A_2979 = arith.mulf %bitcast_convert_type3A_2972, %sub3A_2978 : f32
      %mul3A_2980 = arith.mulf %mul3A_2974, %mul3A_2979 : f32
      %mul3A_2981 = arith.mulf %mul3A_2980, %mul3A_2979 : f32
      %sub3A_2982 = arith.constant 1.500000e+00 : f32
      %sub3A_2983 = arith.subf %sub3A_2982, %mul3A_2981 : f32
      %mul3A_2984 = arith.mulf %mul3A_2979, %sub3A_2983 : f32
      %mul3A_2985 = arith.mulf %mul3A_2974, %mul3A_2984 : f32
      %mul3A_2986 = arith.mulf %mul3A_2985, %mul3A_2984 : f32
      %sub3A_2987 = arith.constant 1.500000e+00 : f32
      %sub3A_2988 = arith.subf %sub3A_2987, %mul3A_2986 : f32
      %mul3A_2989 = arith.mulf %mul3A_2984, %sub3A_2988 : f32
      %reduce_sum3A_2990 = arith.constant true
      %reduce_sum3A_2991 = vector.broadcast %reduce_sum3A_2990 : i1 to vector<16xi1>
      %reduce_sum3A_2992 = tpu.scan <sum>, %add3A_2955 masked %reduce_sum3A_2991 : vector<16xf32>, vector<16xi1> -> vector<16xf32>
      %reduce_sum3A_2993 = vector.extract %reduce_sum3A_2992[15] : f32 from vector<16xf32>
      %bitcast_convert_type3A_2994 = arith.bitcast %reduce_sum3A_2993 : f32 to i32
      %shift_right_arithmetic3A_2995 = arith.constant 1 : i32
      %shift_right_arithmetic3A_2996 = arith.shrsi %bitcast_convert_type3A_2994, %shift_right_arithmetic3A_2995 : i32
      %sub3A_2997 = arith.constant 1597463007 : i32
      %sub3A_2998 = arith.subi %sub3A_2997, %shift_right_arithmetic3A_2996 : i32
      %bitcast_convert_type3A_2999 = arith.bitcast %sub3A_2998 : i32 to f32
      %mul3A_3000 = arith.constant 5.000000e-01 : f32
      %mul3A_3001 = arith.mulf %reduce_sum3A_2993, %mul3A_3000 : f32
      %mul3A_3002 = arith.mulf %mul3A_3001, %bitcast_convert_type3A_2999 : f32
      %mul3A_3003 = arith.mulf %mul3A_3002, %bitcast_convert_type3A_2999 : f32
      %sub3A_3004 = arith.constant 1.500000e+00 : f32
      %sub3A_3005 = arith.subf %sub3A_3004, %mul3A_3003 : f32
      %mul3A_3006 = arith.mulf %bitcast_convert_type3A_2999, %sub3A_3005 : f32
      %mul3A_3007 = arith.mulf %mul3A_3001, %mul3A_3006 : f32
      %mul3A_3008 = arith.mulf %mul3A_3007, %mul3A_3006 : f32
      %sub3A_3009 = arith.constant 1.500000e+00 : f32
      %sub3A_3010 = arith.subf %sub3A_3009, %mul3A_3008 : f32
      %mul3A_3011 = arith.mulf %mul3A_3006, %sub3A_3010 : f32
      %mul3A_3012 = arith.mulf %mul3A_3001, %mul3A_3011 : f32
      %mul3A_3013 = arith.mulf %mul3A_3012, %mul3A_3011 : f32
      %sub3A_3014 = arith.constant 1.500000e+00 : f32
      %sub3A_3015 = arith.subf %sub3A_3014, %mul3A_3013 : f32
      %mul3A_3016 = arith.mulf %mul3A_3011, %sub3A_3015 : f32
      %reduce_sum3A_3017 = arith.constant true
      %reduce_sum3A_3018 = vector.broadcast %reduce_sum3A_3017 : i1 to vector<16xi1>
      %reduce_sum3A_3019 = tpu.scan <sum>, %add3A_2962 masked %reduce_sum3A_3018 : vector<16xf32>, vector<16xi1> -> vector<16xf32>
      %reduce_sum3A_3020 = vector.extract %reduce_sum3A_3019[15] : f32 from vector<16xf32>
      %bitcast_convert_type3A_3021 = arith.bitcast %reduce_sum3A_3020 : f32 to i32
      %shift_right_arithmetic3A_3022 = arith.constant 1 : i32
      %shift_right_arithmetic3A_3023 = arith.shrsi %bitcast_convert_type3A_3021, %shift_right_arithmetic3A_3022 : i32
      %sub3A_3024 = arith.constant 1597463007 : i32
      %sub3A_3025 = arith.subi %sub3A_3024, %shift_right_arithmetic3A_3023 : i32
      %bitcast_convert_type3A_3026 = arith.bitcast %sub3A_3025 : i32 to f32
      %mul3A_3027 = arith.constant 5.000000e-01 : f32
      %mul3A_3028 = arith.mulf %reduce_sum3A_3020, %mul3A_3027 : f32
      %mul3A_3029 = arith.mulf %mul3A_3028, %bitcast_convert_type3A_3026 : f32
      %mul3A_3030 = arith.mulf %mul3A_3029, %bitcast_convert_type3A_3026 : f32
      %sub3A_3031 = arith.constant 1.500000e+00 : f32
      %sub3A_3032 = arith.subf %sub3A_3031, %mul3A_3030 : f32
      %mul3A_3033 = arith.mulf %bitcast_convert_type3A_3026, %sub3A_3032 : f32
      %mul3A_3034 = arith.mulf %mul3A_3028, %mul3A_3033 : f32
      %mul3A_3035 = arith.mulf %mul3A_3034, %mul3A_3033 : f32
      %sub3A_3036 = arith.constant 1.500000e+00 : f32
      %sub3A_3037 = arith.subf %sub3A_3036, %mul3A_3035 : f32
      %mul3A_3038 = arith.mulf %mul3A_3033, %sub3A_3037 : f32
      %mul3A_3039 = arith.mulf %mul3A_3028, %mul3A_3038 : f32
      %mul3A_3040 = arith.mulf %mul3A_3039, %mul3A_3038 : f32
      %sub3A_3041 = arith.constant 1.500000e+00 : f32
      %sub3A_3042 = arith.subf %sub3A_3041, %mul3A_3040 : f32
      %mul3A_3043 = arith.mulf %mul3A_3038, %sub3A_3042 : f32
      %mul3A_3044 = vector.broadcast %mul3A_2989 : f32 to vector<16xf32>
      %mul3A_3045 = arith.mulf %get3A_2908, %mul3A_3044 : vector<16xf32>
      %mul3A_3046 = vector.broadcast %mul3A_3016 : f32 to vector<16xf32>
      %mul3A_3047 = arith.mulf %get3A_2920, %mul3A_3046 : vector<16xf32>
      %add3A_3048 = arith.addf %mul3A_3045, %mul3A_3047 : vector<16xf32>
      %mul3A_3049 = vector.broadcast %mul3A_3043 : f32 to vector<16xf32>
      %mul3A_3050 = arith.mulf %get3A_2932, %mul3A_3049 : vector<16xf32>
      %sub3A_3051 = arith.subf %add3A_3048, %mul3A_3050 : vector<16xf32>
      %abs3A_3052 = math.absf %sub3A_3051 : vector<16xf32>
      %mul3A_3053 = vector.broadcast %mul3A_2989 : f32 to vector<16xf32>
      %mul3A_3054 = arith.mulf %get3A_2911, %mul3A_3053 : vector<16xf32>
      %mul3A_3055 = vector.broadcast %mul3A_3016 : f32 to vector<16xf32>
      %mul3A_3056 = arith.mulf %get3A_2923, %mul3A_3055 : vector<16xf32>
      %add3A_3057 = arith.addf %mul3A_3054, %mul3A_3056 : vector<16xf32>
      %mul3A_3058 = vector.broadcast %mul3A_3043 : f32 to vector<16xf32>
      %mul3A_3059 = arith.mulf %get3A_2935, %mul3A_3058 : vector<16xf32>
      %sub3A_3060 = arith.subf %add3A_3057, %mul3A_3059 : vector<16xf32>
      %abs3A_3061 = math.absf %sub3A_3060 : vector<16xf32>
      %add3A_3062 = arith.addf %abs3A_3052, %abs3A_3061 : vector<16xf32>
      %mul3A_3063 = vector.broadcast %mul3A_2989 : f32 to vector<16xf32>
      %mul3A_3064 = arith.mulf %get3A_2914, %mul3A_3063 : vector<16xf32>
      %mul3A_3065 = vector.broadcast %mul3A_3016 : f32 to vector<16xf32>
      %mul3A_3066 = arith.mulf %get3A_2926, %mul3A_3065 : vector<16xf32>
      %add3A_3067 = arith.addf %mul3A_3064, %mul3A_3066 : vector<16xf32>
      %mul3A_3068 = vector.broadcast %mul3A_3043 : f32 to vector<16xf32>
      %mul3A_3069 = arith.mulf %get3A_2938, %mul3A_3068 : vector<16xf32>
      %sub3A_3070 = arith.subf %add3A_3067, %mul3A_3069 : vector<16xf32>
      %abs3A_3071 = math.absf %sub3A_3070 : vector<16xf32>
      %add3A_3072 = arith.addf %add3A_3062, %abs3A_3071 : vector<16xf32>
      %mul3A_3073 = vector.broadcast %mul3A_2989 : f32 to vector<16xf32>
      %mul3A_3074 = arith.mulf %get3A_2917, %mul3A_3073 : vector<16xf32>
      %mul3A_3075 = vector.broadcast %mul3A_3016 : f32 to vector<16xf32>
      %mul3A_3076 = arith.mulf %get3A_2929, %mul3A_3075 : vector<16xf32>
      %add3A_3077 = arith.addf %mul3A_3074, %mul3A_3076 : vector<16xf32>
      %mul3A_3078 = vector.broadcast %mul3A_3043 : f32 to vector<16xf32>
      %mul3A_3079 = arith.mulf %get3A_2941, %mul3A_3078 : vector<16xf32>
      %sub3A_3080 = arith.subf %add3A_3077, %mul3A_3079 : vector<16xf32>
      %abs3A_3081 = math.absf %sub3A_3080 : vector<16xf32>
      %add3A_3082 = arith.addf %add3A_3072, %abs3A_3081 : vector<16xf32>
      %eq3A_3083 = arith.constant 14 : i32
      %eq3A_3084 = vector.broadcast %eq3A_3083 : i32 to vector<16xi32>
      %eq3A_3085 = arith.cmpi eq, %iota3A, %eq3A_3084 : vector<16xi32>
      %reduce_sum3A_3086 = arith.constant true
      %reduce_sum3A_3087 = vector.broadcast %reduce_sum3A_3086 : i1 to vector<16xi1>
      %reduce_sum3A_3088 = tpu.scan <sum>, %add3A_3082 masked %reduce_sum3A_3087 : vector<16xf32>, vector<16xi1> -> vector<16xf32>
      %reduce_sum3A_3089 = vector.extract %reduce_sum3A_3088[15] : f32 from vector<16xf32>
      %broadcast_in_dim3A_3090 = vector.broadcast %reduce_sum3A_3089 : f32 to vector<16xf32>
      %select_n3A_3091 = arith.select %eq3A_3085, %broadcast_in_dim3A_3090, %select_n3A_2901 : vector<16xi1>, vector<16xf32>
      %mul3A_3092 = arith.constant 16 : i32
      %mul3A_3093 = arith.muli %scan3A_248, %mul3A_3092 : i32
      %add3A_3094 = arith.constant 15 : i32
      %add3A_3095 = arith.addi %mul3A_3093, %add3A_3094 : i32
      %get3A_3096 = arith.index_cast %add3A_3095 : i32 to index
      %get3A_3097 = arith.constant 0 : index
      %get3A_3098 = tpu.vector_load %arg11[%get3A_3096, %get3A_3097] {strides = array<i32>} : memref<512x64xf32, #tpu.memory_space<vmem>>, vector<16xf32>,
      %get3A_3099 = arith.index_cast %add3A_3095 : i32 to index
      %get3A_3100 = arith.constant 16 : index
      %get3A_3101 = tpu.vector_load %arg11[%get3A_3099, %get3A_3100] {strides = array<i32>} : memref<512x64xf32, #tpu.memory_space<vmem>>, vector<16xf32>,
      %get3A_3102 = arith.index_cast %add3A_3095 : i32 to index
      %get3A_3103 = arith.constant 32 : index
      %get3A_3104 = tpu.vector_load %arg11[%get3A_3102, %get3A_3103] {strides = array<i32>} : memref<512x64xf32, #tpu.memory_space<vmem>>, vector<16xf32>,
      %get3A_3105 = arith.index_cast %add3A_3095 : i32 to index
      %get3A_3106 = arith.constant 48 : index
      %get3A_3107 = tpu.vector_load %arg11[%get3A_3105, %get3A_3106] {strides = array<i32>} : memref<512x64xf32, #tpu.memory_space<vmem>>, vector<16xf32>,
      %get3A_3108 = arith.index_cast %add3A_3095 : i32 to index
      %get3A_3109 = arith.constant 0 : index
      %get3A_3110 = tpu.vector_load %arg13[%get3A_3108, %get3A_3109] {strides = array<i32>} : memref<512x64xf32, #tpu.memory_space<vmem>>, vector<16xf32>,
      %get3A_3111 = arith.index_cast %add3A_3095 : i32 to index
      %get3A_3112 = arith.constant 16 : index
      %get3A_3113 = tpu.vector_load %arg13[%get3A_3111, %get3A_3112] {strides = array<i32>} : memref<512x64xf32, #tpu.memory_space<vmem>>, vector<16xf32>,
      %get3A_3114 = arith.index_cast %add3A_3095 : i32 to index
      %get3A_3115 = arith.constant 32 : index
      %get3A_3116 = tpu.vector_load %arg13[%get3A_3114, %get3A_3115] {strides = array<i32>} : memref<512x64xf32, #tpu.memory_space<vmem>>, vector<16xf32>,
      %get3A_3117 = arith.index_cast %add3A_3095 : i32 to index
      %get3A_3118 = arith.constant 48 : index
      %get3A_3119 = tpu.vector_load %arg13[%get3A_3117, %get3A_3118] {strides = array<i32>} : memref<512x64xf32, #tpu.memory_space<vmem>>, vector<16xf32>,
      %get3A_3120 = arith.index_cast %add3A_3095 : i32 to index
      %get3A_3121 = arith.constant 0 : index
      %get3A_3122 = tpu.vector_load %arg12[%get3A_3120, %get3A_3121] {strides = array<i32>} : memref<512x64xf32, #tpu.memory_space<vmem>>, vector<16xf32>,
      %get3A_3123 = arith.index_cast %add3A_3095 : i32 to index
      %get3A_3124 = arith.constant 16 : index
      %get3A_3125 = tpu.vector_load %arg12[%get3A_3123, %get3A_3124] {strides = array<i32>} : memref<512x64xf32, #tpu.memory_space<vmem>>, vector<16xf32>,
      %get3A_3126 = arith.index_cast %add3A_3095 : i32 to index
      %get3A_3127 = arith.constant 32 : index
      %get3A_3128 = tpu.vector_load %arg12[%get3A_3126, %get3A_3127] {strides = array<i32>} : memref<512x64xf32, #tpu.memory_space<vmem>>, vector<16xf32>,
      %get3A_3129 = arith.index_cast %add3A_3095 : i32 to index
      %get3A_3130 = arith.constant 48 : index
      %get3A_3131 = tpu.vector_load %arg12[%get3A_3129, %get3A_3130] {strides = array<i32>} : memref<512x64xf32, #tpu.memory_space<vmem>>, vector<16xf32>,
      %mul3A_3132 = arith.mulf %get3A_3098, %get3A_3098 : vector<16xf32>
      %mul3A_3133 = arith.mulf %get3A_3101, %get3A_3101 : vector<16xf32>
      %add3A_3134 = arith.addf %mul3A_3132, %mul3A_3133 : vector<16xf32>
      %mul3A_3135 = arith.mulf %get3A_3104, %get3A_3104 : vector<16xf32>
      %add3A_3136 = arith.addf %add3A_3134, %mul3A_3135 : vector<16xf32>
      %mul3A_3137 = arith.mulf %get3A_3107, %get3A_3107 : vector<16xf32>
      %add3A_3138 = arith.addf %add3A_3136, %mul3A_3137 : vector<16xf32>
      %mul3A_3139 = arith.mulf %get3A_3110, %get3A_3110 : vector<16xf32>
      %mul3A_3140 = arith.mulf %get3A_3113, %get3A_3113 : vector<16xf32>
      %add3A_3141 = arith.addf %mul3A_3139, %mul3A_3140 : vector<16xf32>
      %mul3A_3142 = arith.mulf %get3A_3116, %get3A_3116 : vector<16xf32>
      %add3A_3143 = arith.addf %add3A_3141, %mul3A_3142 : vector<16xf32>
      %mul3A_3144 = arith.mulf %get3A_3119, %get3A_3119 : vector<16xf32>
      %add3A_3145 = arith.addf %add3A_3143, %mul3A_3144 : vector<16xf32>
      %mul3A_3146 = arith.mulf %get3A_3122, %get3A_3122 : vector<16xf32>
      %mul3A_3147 = arith.mulf %get3A_3125, %get3A_3125 : vector<16xf32>
      %add3A_3148 = arith.addf %mul3A_3146, %mul3A_3147 : vector<16xf32>
      %mul3A_3149 = arith.mulf %get3A_3128, %get3A_3128 : vector<16xf32>
      %add3A_3150 = arith.addf %add3A_3148, %mul3A_3149 : vector<16xf32>
      %mul3A_3151 = arith.mulf %get3A_3131, %get3A_3131 : vector<16xf32>
      %add3A_3152 = arith.addf %add3A_3150, %mul3A_3151 : vector<16xf32>
      %reduce_sum3A_3153 = arith.constant true
      %reduce_sum3A_3154 = vector.broadcast %reduce_sum3A_3153 : i1 to vector<16xi1>
      %reduce_sum3A_3155 = tpu.scan <sum>, %add3A_3138 masked %reduce_sum3A_3154 : vector<16xf32>, vector<16xi1> -> vector<16xf32>
      %reduce_sum3A_3156 = vector.extract %reduce_sum3A_3155[15] : f32 from vector<16xf32>
      %bitcast_convert_type3A_3157 = arith.bitcast %reduce_sum3A_3156 : f32 to i32
      %shift_right_arithmetic3A_3158 = arith.constant 1 : i32
      %shift_right_arithmetic3A_3159 = arith.shrsi %bitcast_convert_type3A_3157, %shift_right_arithmetic3A_3158 : i32
      %sub3A_3160 = arith.constant 1597463007 : i32
      %sub3A_3161 = arith.subi %sub3A_3160, %shift_right_arithmetic3A_3159 : i32
      %bitcast_convert_type3A_3162 = arith.bitcast %sub3A_3161 : i32 to f32
      %mul3A_3163 = arith.constant 5.000000e-01 : f32
      %mul3A_3164 = arith.mulf %reduce_sum3A_3156, %mul3A_3163 : f32
      %mul3A_3165 = arith.mulf %mul3A_3164, %bitcast_convert_type3A_3162 : f32
      %mul3A_3166 = arith.mulf %mul3A_3165, %bitcast_convert_type3A_3162 : f32
      %sub3A_3167 = arith.constant 1.500000e+00 : f32
      %sub3A_3168 = arith.subf %sub3A_3167, %mul3A_3166 : f32
      %mul3A_3169 = arith.mulf %bitcast_convert_type3A_3162, %sub3A_3168 : f32
      %mul3A_3170 = arith.mulf %mul3A_3164, %mul3A_3169 : f32
      %mul3A_3171 = arith.mulf %mul3A_3170, %mul3A_3169 : f32
      %sub3A_3172 = arith.constant 1.500000e+00 : f32
      %sub3A_3173 = arith.subf %sub3A_3172, %mul3A_3171 : f32
      %mul3A_3174 = arith.mulf %mul3A_3169, %sub3A_3173 : f32
      %mul3A_3175 = arith.mulf %mul3A_3164, %mul3A_3174 : f32
      %mul3A_3176 = arith.mulf %mul3A_3175, %mul3A_3174 : f32
      %sub3A_3177 = arith.constant 1.500000e+00 : f32
      %sub3A_3178 = arith.subf %sub3A_3177, %mul3A_3176 : f32
      %mul3A_3179 = arith.mulf %mul3A_3174, %sub3A_3178 : f32
      %reduce_sum3A_3180 = arith.constant true
      %reduce_sum3A_3181 = vector.broadcast %reduce_sum3A_3180 : i1 to vector<16xi1>
      %reduce_sum3A_3182 = tpu.scan <sum>, %add3A_3145 masked %reduce_sum3A_3181 : vector<16xf32>, vector<16xi1> -> vector<16xf32>
      %reduce_sum3A_3183 = vector.extract %reduce_sum3A_3182[15] : f32 from vector<16xf32>
      %bitcast_convert_type3A_3184 = arith.bitcast %reduce_sum3A_3183 : f32 to i32
      %shift_right_arithmetic3A_3185 = arith.constant 1 : i32
      %shift_right_arithmetic3A_3186 = arith.shrsi %bitcast_convert_type3A_3184, %shift_right_arithmetic3A_3185 : i32
      %sub3A_3187 = arith.constant 1597463007 : i32
      %sub3A_3188 = arith.subi %sub3A_3187, %shift_right_arithmetic3A_3186 : i32
      %bitcast_convert_type3A_3189 = arith.bitcast %sub3A_3188 : i32 to f32
      %mul3A_3190 = arith.constant 5.000000e-01 : f32
      %mul3A_3191 = arith.mulf %reduce_sum3A_3183, %mul3A_3190 : f32
      %mul3A_3192 = arith.mulf %mul3A_3191, %bitcast_convert_type3A_3189 : f32
      %mul3A_3193 = arith.mulf %mul3A_3192, %bitcast_convert_type3A_3189 : f32
      %sub3A_3194 = arith.constant 1.500000e+00 : f32
      %sub3A_3195 = arith.subf %sub3A_3194, %mul3A_3193 : f32
      %mul3A_3196 = arith.mulf %bitcast_convert_type3A_3189, %sub3A_3195 : f32
      %mul3A_3197 = arith.mulf %mul3A_3191, %mul3A_3196 : f32
      %mul3A_3198 = arith.mulf %mul3A_3197, %mul3A_3196 : f32
      %sub3A_3199 = arith.constant 1.500000e+00 : f32
      %sub3A_3200 = arith.subf %sub3A_3199, %mul3A_3198 : f32
      %mul3A_3201 = arith.mulf %mul3A_3196, %sub3A_3200 : f32
      %mul3A_3202 = arith.mulf %mul3A_3191, %mul3A_3201 : f32
      %mul3A_3203 = arith.mulf %mul3A_3202, %mul3A_3201 : f32
      %sub3A_3204 = arith.constant 1.500000e+00 : f32
      %sub3A_3205 = arith.subf %sub3A_3204, %mul3A_3203 : f32
      %mul3A_3206 = arith.mulf %mul3A_3201, %sub3A_3205 : f32
      %reduce_sum3A_3207 = arith.constant true
      %reduce_sum3A_3208 = vector.broadcast %reduce_sum3A_3207 : i1 to vector<16xi1>
      %reduce_sum3A_3209 = tpu.scan <sum>, %add3A_3152 masked %reduce_sum3A_3208 : vector<16xf32>, vector<16xi1> -> vector<16xf32>
      %reduce_sum3A_3210 = vector.extract %reduce_sum3A_3209[15] : f32 from vector<16xf32>
      %bitcast_convert_type3A_3211 = arith.bitcast %reduce_sum3A_3210 : f32 to i32
      %shift_right_arithmetic3A_3212 = arith.constant 1 : i32
      %shift_right_arithmetic3A_3213 = arith.shrsi %bitcast_convert_type3A_3211, %shift_right_arithmetic3A_3212 : i32
      %sub3A_3214 = arith.constant 1597463007 : i32
      %sub3A_3215 = arith.subi %sub3A_3214, %shift_right_arithmetic3A_3213 : i32
      %bitcast_convert_type3A_3216 = arith.bitcast %sub3A_3215 : i32 to f32
      %mul3A_3217 = arith.constant 5.000000e-01 : f32
      %mul3A_3218 = arith.mulf %reduce_sum3A_3210, %mul3A_3217 : f32
      %mul3A_3219 = arith.mulf %mul3A_3218, %bitcast_convert_type3A_3216 : f32
      %mul3A_3220 = arith.mulf %mul3A_3219, %bitcast_convert_type3A_3216 : f32
      %sub3A_3221 = arith.constant 1.500000e+00 : f32
      %sub3A_3222 = arith.subf %sub3A_3221, %mul3A_3220 : f32
      %mul3A_3223 = arith.mulf %bitcast_convert_type3A_3216, %sub3A_3222 : f32
      %mul3A_3224 = arith.mulf %mul3A_3218, %mul3A_3223 : f32
      %mul3A_3225 = arith.mulf %mul3A_3224, %mul3A_3223 : f32
      %sub3A_3226 = arith.constant 1.500000e+00 : f32
      %sub3A_3227 = arith.subf %sub3A_3226, %mul3A_3225 : f32
      %mul3A_3228 = arith.mulf %mul3A_3223, %sub3A_3227 : f32
      %mul3A_3229 = arith.mulf %mul3A_3218, %mul3A_3228 : f32
      %mul3A_3230 = arith.mulf %mul3A_3229, %mul3A_3228 : f32
      %sub3A_3231 = arith.constant 1.500000e+00 : f32
      %sub3A_3232 = arith.subf %sub3A_3231, %mul3A_3230 : f32
      %mul3A_3233 = arith.mulf %mul3A_3228, %sub3A_3232 : f32
      %mul3A_3234 = vector.broadcast %mul3A_3179 : f32 to vector<16xf32>
      %mul3A_3235 = arith.mulf %get3A_3098, %mul3A_3234 : vector<16xf32>
      %mul3A_3236 = vector.broadcast %mul3A_3206 : f32 to vector<16xf32>
      %mul3A_3237 = arith.mulf %get3A_3110, %mul3A_3236 : vector<16xf32>
      %add3A_3238 = arith.addf %mul3A_3235, %mul3A_3237 : vector<16xf32>
      %mul3A_3239 = vector.broadcast %mul3A_3233 : f32 to vector<16xf32>
      %mul3A_3240 = arith.mulf %get3A_3122, %mul3A_3239 : vector<16xf32>
      %sub3A_3241 = arith.subf %add3A_3238, %mul3A_3240 : vector<16xf32>
      %abs3A_3242 = math.absf %sub3A_3241 : vector<16xf32>
      %mul3A_3243 = vector.broadcast %mul3A_3179 : f32 to vector<16xf32>
      %mul3A_3244 = arith.mulf %get3A_3101, %mul3A_3243 : vector<16xf32>
      %mul3A_3245 = vector.broadcast %mul3A_3206 : f32 to vector<16xf32>
      %mul3A_3246 = arith.mulf %get3A_3113, %mul3A_3245 : vector<16xf32>
      %add3A_3247 = arith.addf %mul3A_3244, %mul3A_3246 : vector<16xf32>
      %mul3A_3248 = vector.broadcast %mul3A_3233 : f32 to vector<16xf32>
      %mul3A_3249 = arith.mulf %get3A_3125, %mul3A_3248 : vector<16xf32>
      %sub3A_3250 = arith.subf %add3A_3247, %mul3A_3249 : vector<16xf32>
      %abs3A_3251 = math.absf %sub3A_3250 : vector<16xf32>
      %add3A_3252 = arith.addf %abs3A_3242, %abs3A_3251 : vector<16xf32>
      %mul3A_3253 = vector.broadcast %mul3A_3179 : f32 to vector<16xf32>
      %mul3A_3254 = arith.mulf %get3A_3104, %mul3A_3253 : vector<16xf32>
      %mul3A_3255 = vector.broadcast %mul3A_3206 : f32 to vector<16xf32>
      %mul3A_3256 = arith.mulf %get3A_3116, %mul3A_3255 : vector<16xf32>
      %add3A_3257 = arith.addf %mul3A_3254, %mul3A_3256 : vector<16xf32>
      %mul3A_3258 = vector.broadcast %mul3A_3233 : f32 to vector<16xf32>
      %mul3A_3259 = arith.mulf %get3A_3128, %mul3A_3258 : vector<16xf32>
      %sub3A_3260 = arith.subf %add3A_3257, %mul3A_3259 : vector<16xf32>
      %abs3A_3261 = math.absf %sub3A_3260 : vector<16xf32>
      %add3A_3262 = arith.addf %add3A_3252, %abs3A_3261 : vector<16xf32>
      %mul3A_3263 = vector.broadcast %mul3A_3179 : f32 to vector<16xf32>
      %mul3A_3264 = arith.mulf %get3A_3107, %mul3A_3263 : vector<16xf32>
      %mul3A_3265 = vector.broadcast %mul3A_3206 : f32 to vector<16xf32>
      %mul3A_3266 = arith.mulf %get3A_3119, %mul3A_3265 : vector<16xf32>
      %add3A_3267 = arith.addf %mul3A_3264, %mul3A_3266 : vector<16xf32>
      %mul3A_3268 = vector.broadcast %mul3A_3233 : f32 to vector<16xf32>
      %mul3A_3269 = arith.mulf %get3A_3131, %mul3A_3268 : vector<16xf32>
      %sub3A_3270 = arith.subf %add3A_3267, %mul3A_3269 : vector<16xf32>
      %abs3A_3271 = math.absf %sub3A_3270 : vector<16xf32>
      %add3A_3272 = arith.addf %add3A_3262, %abs3A_3271 : vector<16xf32>
      %eq3A_3273 = arith.constant 15 : i32
      %eq3A_3274 = vector.broadcast %eq3A_3273 : i32 to vector<16xi32>
      %eq3A_3275 = arith.cmpi eq, %iota3A, %eq3A_3274 : vector<16xi32>
      %reduce_sum3A_3276 = arith.constant true
      %reduce_sum3A_3277 = vector.broadcast %reduce_sum3A_3276 : i1 to vector<16xi1>
      %reduce_sum3A_3278 = tpu.scan <sum>, %add3A_3272 masked %reduce_sum3A_3277 : vector<16xf32>, vector<16xi1> -> vector<16xf32>
      %reduce_sum3A_3279 = vector.extract %reduce_sum3A_3278[15] : f32 from vector<16xf32>
      %broadcast_in_dim3A_3280 = vector.broadcast %reduce_sum3A_3279 : f32 to vector<16xf32>
      %select_n3A_3281 = arith.select %eq3A_3275, %broadcast_in_dim3A_3280, %select_n3A_3091 : vector<16xi1>, vector<16xf32>
      %mul3A_3282 = arith.constant 16 : i32
      %mul3A_3283 = arith.muli %scan3A_248, %mul3A_3282 : i32
      %swap3A = arith.index_cast %mul3A_3283 : i32 to index
      %swap3A_3284 = tpu.vector_load %arg14[%swap3A] {strides = array<i32>} : memref<512xf32, #tpu.memory_space<vmem>>, vector<16xf32>,
      tpu.vector_store %arg14[%swap3A], %select_n3A_3281 {strides = array<i32>} : memref<512xf32, #tpu.memory_space<vmem>>, vector<16xf32>,
    }
    %scan3A_247 = arith.constant 32 : i32
    "tpu.region"() ({
      %run_scoped3A = tpu.sem_alloc : memref<!tpu.dma_semaphore, #tpu.memory_space<semaphore_mem>>
      %dma_start3A_248 = tpu.memref_slice %arg7[%mul3A_4] : memref<16384xf32, #tpu.memory_space<hbm>> -> memref<512xf32, #tpu.memory_space<hbm>>
      %dma_start3A_249 = tpu.memref_slice %arg7[%mul3A_4] : memref<16384xf32, #tpu.memory_space<hbm>> -> memref<512xf32, #tpu.memory_space<hbm>>
      tpu.enqueue_dma source(%arg14 : memref<512xf32, #tpu.memory_space<vmem>>) target(%dma_start3A_249 : memref<512xf32, #tpu.memory_space<hbm>>) target_semaphore(%run_scoped3A : memref<!tpu.dma_semaphore, #tpu.memory_space<semaphore_mem>>)
      %dma_wait3A_250 = tpu.memref_slice %arg7[%mul3A_4] : memref<16384xf32, #tpu.memory_space<hbm>> -> memref<512xf32, #tpu.memory_space<hbm>>
      %dma_wait3A_251 = tpu.memref_slice %arg7[%mul3A_4] : memref<16384xf32, #tpu.memory_space<hbm>> -> memref<512xf32, #tpu.memory_space<hbm>>
      tpu.wait_dma2 semaphore(%run_scoped3A : memref<!tpu.dma_semaphore, #tpu.memory_space<semaphore_mem>>) src(%arg14 : memref<512xf32, #tpu.memory_space<vmem>>) dst(%dma_wait3A_251 : memref<512xf32, #tpu.memory_space<hbm>>)
      tpu.yield
    }) : () -> ()
    return
  }
}

</mosaic_0001>

<sc_bundles>
// kernel: kernel.3.cloned.1.call-start
scs
__scs_entry_jumppad:
0x0: {  	(pc) =	sbr.rel $0x88, $3  }
0x1: {  	(tag) =	ssettag $0x0;
	lr =	simm.s32 $0x1  }
0x2: {  	[smem:$0x3F9C] =	sst lr;
	_ =	strace $0xD0000000  }
0x3: {  	_ = 	snop  }
0x4: {  	_ = 	snop  }
0x5: {  	_ = 	snop  }
0x6: {  	_ = 	snop  }
0x7: {  	_ = 	snop  }
__scs_overlays_trampoline_lowered:
0x8: {  	[smem:$0x3FAB] =	sst s0  }
0x9: {  	[smem:$0x3FAC] =	sst s1  }
0xa: {  	[smem:$0x3FAD] =	sst s2  }
0xb: {  	[smem:$0x3FAE] =	sst s3  }
0xc: {  	[smem:$0x3FAF] =	sst s4  }
0xd: {  	[smem:$0x3FB0] =	sst s5  }
0xe: {  	[smem:$0x3FB1] =	sst s6  }
0xf: {  	[smem:$0x3FB2] =	sst s7  }
0x10: {  	[smem:$0x3FB3] =	sst s8  }
0x11: {  	[smem:$0x3FB4] =	sst s9;
	s0 =	simm.s32 @!p0 $0x0  }
0x12: {  	s1 =	sld [smem:$0x3F9A];
	s0 =	simm.s32 @p0 $0x1  }
0x13: {  	[smem:$0x3FB5] =	sst s0;
	s0 =	simm.s32 @!p1 $0x0  }
0x14: {  	s2 =	sld [smem:$0x3F99];
	s0 =	simm.s32 @p1 $0x1  }
0x15: {  	[smem:$0x3FB6] =	sst s0;
	s0 =	simm.s32 @!p2 $0x0  }
0x16: {  	s3 =	sld [smem:$0x3FDB];
	s0 =	simm.s32 @p2 $0x1  }
0x17: {  	s4 =	simm.s32 $0x1BF5;
	[smem:$0x3FB8] =	sst s0  }
0x18: {  	s0 =	sld [smem:$0x3F9B];
	_ =	swait.ge [sflag:s4], $0x0  }
0x19: {  	s7 =	sld [smem:$0x3F9C]  }
0x1a: {  	s8 =	sadd.s32 $0xFFFFE003, lr  }
0x1b: {  	s9 =	sadd.s32 $0xFFFFFEF7, lr;
	s5 =	simm.s32 $0xFFFFFFFF;
	p2 =	slt.u32 s8, $0xFFFFF086  }
0x1c: {  	p1 =	slt.u32 s9, $0xF7A;
	s5 =	simm.s32 @!p2 $0x0  }
0x1d: {  	s5 =	simm.s32 @p1 $0x1;
	p0 =	seq.s32 s7, s2  }
0x1e: {  	s7 =	smul.u32 @!p0 $0xF7A, s2;
	p2 =	seq.s32 @!p0 s5, $0x0  }
0x1f: {  	s9 =	smul.u32 $0xF7A, s1;
	s8 =	simm.s32 @!p0 $0x1BF5;
	p2 =	por !p2, p0  }
0x20: {  	[sflag:s8] =	ssyncset.s32 @!p0 $0xFFFFF086;
	s6 =	sadd.s32 @!p0 s3, s7;
	s7 =	simm.s32 @!p0 $0x108  }
0x21: {  	s3 =	sadd.s32 s3, s9;
	s6 =	sadd.s32 @!p0 $0x88, s6;
	s7 =	simm.s32 @p2 $0x1082  }
0x22: {  	[simem:s7], [sflag:s8] =	dma.local @!p0 [hbm:s6], $0xF7A  }
0x23: {  	s9 =	sor.u32 $0xD0000000, s2;
	s6 =	simm.s32 $0x108;
	_ =	swait.ge @!p0 [sflag:s8], $0x0  }
0x24: {  	s3 =	sadd.s32 $0x88, s3;
	s6 =	simm.s32 @!p1 $0x1082;
	[sflag:s4] =	ssyncset.s32 $0xFFFFF086  }
0x25: {  	[simem:s6], [sflag:s4] =	dma.local [hbm:s3], $0xF7A  }
0x26: {  	[smem:$0x3F9C] =	sst s1;
	(tag) =	ssettag s2;
	_ =	strace s9  }
0x27: {  	s1 =	sld [smem:$0x3FAC]  }
0x28: {  	s2 =	sld [smem:$0x3FAD]  }
0x29: {  	s4 =	sld [smem:$0x3FAF]  }
0x2a: {  	p0 =	seq.s32 s5, $0x0;
	s5 =	sld [smem:$0x3FB0]  }
0x2b: {  	s6 =	sld [smem:$0x3FB1]  }
0x2c: {  	s7 =	sld [smem:$0x3FB2]  }
0x2d: {  	s3 =	simm.s32 $0x108;
	s8 =	sld [smem:$0x3FB3]  }
0x2e: {  	s3 =	simm.s32 @!p0 $0x1082;
	s9 =	sld [smem:$0x3FB4]  }
0x2f: {  	lr =	sadd.s32 s0, s3;
	s0 =	sld [smem:$0x3FAB]  }
0x30: {  	s3 =	sld [smem:$0x3FAE]  }
0x31: {  	[smem:$0x3FB7] =	sst s10  }
0x32: {  	s10 =	sld [smem:$0x3FB5];
	_ =	sdelay $0x3  }
0x33: {  	p0 =	seq.s32 s10, $0x1;
	s10 =	sld [smem:$0x3FB7];
	_ =	sdelay $0x3  }
0x34: {  	[smem:$0x3FB7] =	sst s10  }
0x35: {  	s10 =	sld [smem:$0x3FB6];
	_ =	sdelay $0x3  }
0x36: {  	p1 =	seq.s32 s10, $0x1;
	s10 =	sld [smem:$0x3FB7];
	_ =	sdelay $0x3  }
0x37: {  	[smem:$0x3FB7] =	sst s10  }
0x38: {  	s10 =	sld [smem:$0x3FB8]  }
0x39: {  	_ = 	snop;
	(pc) =	sbr.ind lr, $3  }
0x3a: {  	_ = 	snop  }
0x3b: {  	_ = 	snop  }
0x3c: {  	p2 =	seq.s32 s10, $0x1;
	s10 =	sld [smem:$0x3FB7]  }
0x3d: {  	_ =	shalt  }
0x3e: {  	_ =	shalt  }
0x3f: {  	_ =	shalt  }
0x40: {  	_ =	shalt  }
0x41: {  	_ =	shalt  }
0x42: {  	_ =	shalt  }
0x43: {  	_ =	shalt  }
0x44: {  	_ =	shalt  }
0x45: {  	_ =	shalt  }
0x46: {  	_ =	shalt  }
0x47: {  	_ =	shalt  }
0x48: {  	_ =	shalt  }
0x49: {  	_ =	shalt  }
0x4a: {  	_ =	shalt  }
0x4b: {  	_ =	shalt  }
0x4c: {  	_ =	shalt  }
0x4d: {  	_ =	shalt  }
0x4e: {  	_ =	shalt  }
0x4f: {  	_ =	shalt  }
0x50: {  	_ =	shalt  }
0x51: {  	_ =	shalt  }
0x52: {  	_ =	shalt  }
0x53: {  	_ =	shalt  }
0x54: {  	_ =	shalt  }
0x55: {  	_ =	shalt  }
0x56: {  	_ =	shalt  }
0x57: {  	_ =	shalt  }
0x58: {  	_ =	shalt  }
0x59: {  	_ =	shalt  }
0x5a: {  	_ =	shalt  }
0x5b: {  	_ =	shalt  }
0x5c: {  	_ =	shalt  }
0x5d: {  	_ =	shalt  }
0x5e: {  	_ =	shalt  }
0x5f: {  	_ =	shalt  }
0x60: {  	_ =	shalt  }
0x61: {  	_ =	shalt  }
0x62: {  	_ =	shalt  }
0x63: {  	_ =	shalt  }
0x64: {  	_ =	shalt  }
0x65: {  	_ =	shalt  }
0x66: {  	_ =	shalt  }
0x67: {  	_ =	shalt  }
0x68: {  	_ =	shalt  }
0x69: {  	_ =	shalt  }
0x6a: {  	_ =	shalt  }
0x6b: {  	_ =	shalt  }
0x6c: {  	_ =	shalt  }
0x6d: {  	_ =	shalt  }
0x6e: {  	_ =	shalt  }
0x6f: {  	_ =	shalt  }
0x70: {  	_ =	shalt  }
0x71: {  	_ =	shalt  }
0x72: {  	_ =	shalt  }
0x73: {  	_ =	shalt  }
0x74: {  	_ =	shalt  }
0x75: {  	_ =	shalt  }
0x76: {  	_ =	shalt  }
0x77: {  	_ =	shalt  }
0x78: {  	_ =	shalt  }
0x79: {  	_ =	shalt  }
0x7a: {  	_ =	shalt  }
0x7b: {  	_ =	shalt  }
0x7c: {  	_ =	shalt  }
0x7d: {  	_ =	shalt  }
0x7e: {  	_ =	shalt  }
0x7f: {  	_ =	shalt  }
0x80: {  	_ =	shalt  }
0x81: {  	_ =	shalt  }
0x82: {  	_ =	shalt  }
0x83: {  	_ =	shalt  }
0x84: {  	_ =	shalt  }
0x85: {  	_ =	shalt  }
0x86: {  	_ =	shalt  }
0x87: {  	_ =	shalt  }
.Lfunc_end0:
.L_simem_size_0:
called_computation_lowered:
.L_overlay_start_0:
0x88: {  	s2 =	sld [smem:$0x3FD9]  }
0x89: {  	s3 =	sld [smem:$0x3FFE];
	_ =	sdelay $0x1  }
0x8a: {  	s1 =	srdreg.scid  }
0x8b: {  	s0 =	sand.u32 $0x1, s1  }
0x8c: {  	s17 =	sshll.u32 s0, $0xA;
	s2 =	sadd.s32 s3, s2  }
0x8d: {  	s2 =	sadd.s32 s2, s17  }
0x8e: {  	[smem:$0x3FC3] =	sst s2  }
0x8f: {  	_ = 	snop  }
0x90: {  	s2 =	sld [smem:$0x3FC9]  }
0x91: {  	s18 =	sld [smem:$0x3FC8]  }
0x92: {  	s4 =	sld [smem:$0x3FC7]  }
0x93: {  	s5 =	sld [smem:$0x3FD0];
	(tm) =	ssettm $0x1  }
0x94: {  	s6 =	sld [smem:$0x3FFB];
	_ =	sdelay $0x3  }
0x95: {  	_ =	strace s6  }
0x96: {  	s6 =	sld [smem:$0x3FFC];
	_ =	sdelay $0x3  }
0x97: {  	_ =	strace s6  }
0x98: {  	s6 =	sld [smem:$0x3FFD];
	_ =	sdelay $0x3  }
0x99: {  	_ =	strace s6  }
0x9a: {  	_ =	strace $0x8FFFFFFF  }
0x9b: {  	s19 =	sld [smem:$0x3FDB];
	_ =	sdelay $0x1  }
0x9c: {  	s7 =	simm.s32 $_scs_section_size  }
0x9d: {  	s8 =	simm.s32 $_size__tile_overlayer_lowered;
	s9 =	simm.s32 $_tile_overlayer_lowered  }
0x9e: {  	s22 =	simm.s32 $0x1BFF;
	s21 =	sshll.u32 s9, $0x1;
	s6 =	sadd.s32 s7, s19  }
0x9f: {  	s10 =	simm.s32 $0x0;
	s20 =	sshll.u32 s8, $0x1;
	s8 =	sadd.s32 s21, s6  }
0xa0: {  	[timem:s10], [sflag:s22] =	dma.local [hbm:s8], s20  }
0xa1: {  	_ =	swait.ge [sflag:s22], s20  }
0xa2: {  	s7 =	ssub.s32 $0x0, s20;
	[sflag:s22] =	ssyncset.done $0x0  }
0xa3: {  	[sflag:s22] =	ssyncadd.s32 s7;
	_ =	sdelay $0x1  }
0xa4: {  	s23 =	simm.s32 $0x1B8B  }
0xa5: {  	_ =	swait.ge [sflag:s23], $0x1  }
0xa6: {  	[sflag:s23] =	ssyncset.done $0x0  }
0xa7: {  	s25 =	simm.s32 $0x1B8E;
	s24 =	sld [smem:$0x3FFE];
	[sflag:s23] =	ssyncadd.s32 $0xFFFFFFFF  }
0xa8: {  	s26 =	simm.s32 $execute0_lowered;
	[smem:$0x3FD2] =	sst s25  }
0xa9: {  	s8 =	sshll.u32 s26, $0x1;
	_ =	strace $0x80000046;
	[dreg:$0x1] =	wrdreg $0xFFFFFFFF  }
0xaa: {  	s28 =	simm.s32 $_size_execute0_lowered;
	s6 =	sadd.s32 s6, s8;
	[dreg:$0x0] =	wrdreg $0x0  }
0xab: {  	s8 =	sshll.u32 s28, $0x1;
	[dreg:$0x2] =	wrdreg s6  }
0xac: {  	[dreg:$0x3] =	wrdreg s8  }
0xad: {  	[dreg:$0x4] =	wrdreg $0xC0  }
0xae: {  	_ =	task [dreg:s10], $0x5FFFF  }
0xaf: {  	[dreg:$0x1] =	wrdreg $0xFFFFFFFF  }
0xb0: {  	[dreg:$0x0] =	wrdreg $0x60  }
0xb1: {  	[dreg:$0x2] =	wrdreg s2  }
0xb2: {  	[dreg:$0x3] =	wrdreg s4  }
0xb3: {  	[dreg:$0x4] =	wrdreg s18  }
0xb4: {  	[dreg:$0x5] =	wrdreg s24  }
0xb5: {  	[dreg:$0x6] =	wrdreg s5  }
0xb6: {  	[dreg:$0x7] =	wrdreg $0x9  }
0xb7: {  	_ =	task.clear_ibuf [dreg:s10], $0x8FFFF;
	_ =	strace $0x90000046  }
0xb8: {  	s29 =	simm.s32 $0x9;
	_ =	strace $0x80000048  }
0xb9: {  	_ =	swait.ge [sflag:s29], $0x1  }
0xba: {  	[sflag:s29] =	ssyncadd.s32 $0xFFFFFFFF  }
0xbb: {  	_ =	strace $0x90000048  }
0xbc: {  	_ =	sfence  }
0xbd: {  	s30 =	sld [smem:$0x0];
	_ =	sdelay $0x2  }
0xbe: {  	s31 =	sshll.u32 s1, $0xD;
	s1 =	sshrl.u32 s1, $0x2  }
0xbf: {  	s3 =	sand.u32 $0x4000, s31;
	s1 =	sadd.s32 s1, s30  }
0xc0: {  	s0 =	sor.u32 s3, s0;
	s1 =	sshll.u32 s1, $0x11  }
0xc1: {  	s0 =	sor.u32 s1, s0  }
0xc2: {  	s0 =	sadd.s32 $0x8F2B, s0  }
0xc3: {  	[sflag:s0] =	ssyncadd.remote.s32 $0x1  }
0xc4: {  	_ =	sfence.sel $0xFFFF  }
0xc5: {  	[dreg:$0x0] =	wrdreg $0xFFFFFFFF;
	(pc) =	sbr.abs _section_cstart, $3  }
0xc6: {  	[dreg:$0x1] =	wrdreg $0xFFFFFFFF  }
0xc7: {  	_ =	task.clear_ibuf [dreg:s10], $0x2FFFF;
	_ =	strace $0x9FFFFFFF  }
0xc8: {  	(tm) =	ssettm $0x7FFFFFFF  }
0xc9: {  	_ =	shalt  }
tec
execute0_lowered:
.L_overlay_start_1:
0x0: {  	(tag) =	ssettag $0x1  }
0x1: {  	s0 =	rddreg [dreg:$0x0]  }
0x2: {  	s2 =	rddreg [dreg:$0x1]  }
0x3: {  	s7 =	rddreg [dreg:$0x2]  }
0x4: {  	s4 =	rddreg [dreg:$0x3]  }
0x5: {  	s8 =	rddreg [dreg:$0x4]  }
0x6: {  	s1 =	simm.s32 $0x0;
	s5 =	srdreg.scid;
	s9 =	stileid.u32  }
0x7: {  	s11 =	simm.s32 $0x200;
	s12 =	simm.s32 $0x400;
	s13 =	simm.s32 $0x80  }
0x8: {  	s31 =	simm.s32 $0x380;
	s14 =	simm.s32 $0x16600;
	s15 =	simm.s32 $0x1  }
0x9: {  	s16 =	simm.s32 $0x18600;
	s17 =	simm.s32 $0x0;
	[smem:$0x7FF] =	sst s1  }
0xa: {  	s3 =	sadd.s32 $0xF42A00, s4;
	s5 =	sand.u32 $0x1, s5;
	s9 =	sshll.u32 s9, $0x7  }
0xb: {  	vm0 =	vmmov $0x1;
	vm1 =	vmmov $0x3;
	vm2 =	vmmov $0x7;
	s4 =	sadd.s32 $0x600, s4;
	s6 =	ssub.s32 $0x2, s5;
	s5 =	sshll.u32 s5, $0x6  }
0xc: {  	vm3 =	vmmov $0xf;
	vm4 =	vmmov $0x1f;
	vm5 =	vmmov $0x3f;
	_ =	strace $0x80000047;
	s10 =	sshrl.u32 s6, $0x1;
	s9 =	sor.u32 s5, s9  }
0xd: {  	vm6 =	vmmov $0x7f;
	vm7 =	vmmov $0xff;
	vm8 =	vmmov $0x1ff;
	s10 =	ssub.s32 s6, s10;
	s5 =	sadd.s32 s0, s9;
	s6 =	sadd.s32 s2, s9  }
0xe: {  	vm9 =	vmmov $0x3ff;
	vm10 =	vmmov $0x7ff;
	vm11 =	vmmov $0xfff;
	s7 =	sadd.s32 s7, s9;
	s8 =	sadd.s32 s8, s9;
	s0 =	simm.s32 $0xE600  }
0xf: {  	vm12 =	vmmov $0x1fff;
	vm13 =	vmmov $0x3fff;
	vm14 =	vmmov $0x7fff;
	s2 =	simm.s32 $0x580;
	s9 =	smax.u32 s10, $0x1;
	s10 =	simm.s32 $0x2  }
.LBB2_1:
0x10: {  	[tilespmem:s1], [sflag:$0x2] =	stream.linear.gather [hbm4b:s5+s1], $0x200, $0x38;
	[tilespmem:$0x18800] =	vst v63  }
0x11: {  	_ =	swait.ge [sflag:s10], $0x200  }
0x12: {  	[sflag:s10] =	ssyncset.done $0x0  }
0x13: {  	[sflag:s10] =	ssyncadd.s32 $0xFFFFFE00  }
0x14: {  	[tilespmem:s11], [sflag:$0x2] =	stream.linear.gather [hbm4b:s6+s1], $0x200, $0x38;
	[tilespmem:$0x18800] =	vst v63  }
0x15: {  	_ =	swait.ge [sflag:s10], $0x200  }
0x16: {  	[sflag:s10] =	ssyncset.done $0x0  }
0x17: {  	[sflag:s10] =	ssyncadd.s32 $0xFFFFFE00  }
0x18: {  	[tilespmem:s12], [sflag:$0x2] =	stream.linear.gather [hbm4b:s7+s1], $0x200, $0x38;
	[tilespmem:$0x18800] =	vst v63  }
0x19: {  	_ =	swait.ge [sflag:s10], $0x200  }
0x1a: {  	[sflag:s10] =	ssyncset.done $0x0  }
0x1b: {  	s18 =	simm.s32 $0x600;
	[sflag:s10] =	ssyncadd.s32 $0xFFFFFE00  }
0x1c: {  	[tilespmem:s18], [sflag:$0x1] =	stream.indirect.gather [hbm4b:s3+s13], $0x40, s1, s13, $0xb8;
	[tilespmem:$0x18800] =	vst v63  }
0x1d: {  	s26 =	simm.s32 $0x8600  }
0x1e: {  	[tilespmem:s26], [sflag:$0x1] =	stream.indirect.gather [hbm4b:s3+s13], $0x40, s11, s13, $0xb8;
	[tilespmem:$0x18800] =	vst v63  }
0x1f: {  	s28 =	simm.s32 $0x10600  }
0x20: {  	[tilespmem:s28], [sflag:$0x1] =	stream.indirect.gather [hbm4b:s4+s13], $0x40, s12, s13, $0xb8;
	[tilespmem:$0x18800] =	vst v63  }
0x21: {  	s29 =	simm.s32 $0x2600  }
0x22: {  	[tilespmem:s29], [sflag:$0x1] =	stream.indirect.gather [hbm4b:s3+s13], $0x40, s13, s13, $0xb8;
	[tilespmem:$0x18800] =	vst v63  }
0x23: {  	s30 =	simm.s32 $0x280;
	s19 =	simm.s32 $0xA600  }
0x24: {  	[tilespmem:s19], [sflag:$0x1] =	stream.indirect.gather [hbm4b:s3+s13], $0x40, s30, s13, $0xb8;
	[tilespmem:$0x18800] =	vst v63  }
0x25: {  	s20 =	simm.s32 $0x480;
	s21 =	simm.s32 $0x12600  }
0x26: {  	[tilespmem:s21], [sflag:$0x1] =	stream.indirect.gather [hbm4b:s4+s13], $0x40, s20, s13, $0xb8;
	[tilespmem:$0x18800] =	vst v63  }
0x27: {  	s22 =	simm.s32 $0x100;
	s23 =	simm.s32 $0x4600  }
0x28: {  	[tilespmem:s23], [sflag:$0x1] =	stream.indirect.gather [hbm4b:s3+s13], $0x40, s22, s13, $0xb8;
	[tilespmem:$0x18800] =	vst v63  }
0x29: {  	s24 =	simm.s32 $0x300;
	s25 =	simm.s32 $0xC600  }
0x2a: {  	[tilespmem:s25], [sflag:$0x1] =	stream.indirect.gather [hbm4b:s3+s13], $0x40, s24, s13, $0xb8;
	[tilespmem:$0x18800] =	vst v63  }
0x2b: {  	s26 =	simm.s32 $0x500;
	s28 =	simm.s32 $0x14600  }
0x2c: {  	[tilespmem:s28], [sflag:$0x1] =	stream.indirect.gather [hbm4b:s4+s13], $0x40, s26, s13, $0xb8;
	[tilespmem:$0x18800] =	vst v63  }
0x2d: {  	s29 =	simm.s32 $0x180;
	s30 =	simm.s32 $0x6600  }
0x2e: {  	[tilespmem:s30], [sflag:$0x1] =	stream.indirect.gather [hbm4b:s3+s13], $0x40, s29, s13, $0xb8;
	[tilespmem:$0x18800] =	vst v63  }
0x2f: {  	_ = 	snop  }
0x30: {  	[tilespmem:s0], [sflag:$0x1] =	stream.indirect.gather [hbm4b:s3+s13], $0x40, s31, s13, $0xb8;
	[tilespmem:$0x18800] =	vst v63  }
0x31: {  	_ = 	snop  }
0x32: {  	[tilespmem:s14], [sflag:$0x1] =	stream.indirect.gather [hbm4b:s4+s13], $0x40, s2, s13, $0xb8;
	[tilespmem:$0x18800] =	vst v63  }
0x33: {  	_ =	swait.ge [sflag:s15], $0x2000  }
0x34: {  	[sflag:s15] =	ssyncset.done $0x0  }
0x35: {  	[sflag:s15] =	ssyncadd.s32 $0xFFFFE000  }
0x36: {  	_ =	swait.ge [sflag:s15], $0x2000  }
0x37: {  	[sflag:s15] =	ssyncset.done $0x0  }
0x38: {  	[sflag:s15] =	ssyncadd.s32 $0xFFFFE000  }
0x39: {  	_ =	swait.ge [sflag:s15], $0x2000  }
0x3a: {  	[sflag:s15] =	ssyncset.done $0x0  }
0x3b: {  	[sflag:s15] =	ssyncadd.s32 $0xFFFFE000  }
0x3c: {  	_ =	swait.ge [sflag:s15], $0x2000  }
0x3d: {  	[sflag:s15] =	ssyncset.done $0x0  }
0x3e: {  	[sflag:s15] =	ssyncadd.s32 $0xFFFFE000  }
0x3f: {  	_ =	swait.ge [sflag:s15], $0x2000  }
0x40: {  	[sflag:s15] =	ssyncset.done $0x0  }
0x41: {  	[sflag:s15] =	ssyncadd.s32 $0xFFFFE000  }
0x42: {  	_ =	swait.ge [sflag:s15], $0x2000  }
0x43: {  	[sflag:s15] =	ssyncset.done $0x0  }
0x44: {  	[sflag:s15] =	ssyncadd.s32 $0xFFFFE000  }
0x45: {  	_ =	swait.ge [sflag:s15], $0x2000  }
0x46: {  	[sflag:s15] =	ssyncset.done $0x0  }
0x47: {  	[sflag:s15] =	ssyncadd.s32 $0xFFFFE000  }
0x48: {  	_ =	swait.ge [sflag:s15], $0x2000  }
0x49: {  	[sflag:s15] =	ssyncset.done $0x0  }
0x4a: {  	[sflag:s15] =	ssyncadd.s32 $0xFFFFE000  }
0x4b: {  	_ =	swait.ge [sflag:s15], $0x2000  }
0x4c: {  	[sflag:s15] =	ssyncset.done $0x0  }
0x4d: {  	[sflag:s15] =	ssyncadd.s32 $0xFFFFE000  }
0x4e: {  	_ =	swait.ge [sflag:s15], $0x2000  }
0x4f: {  	[sflag:s15] =	ssyncset.done $0x0  }
0x50: {  	[sflag:s15] =	ssyncadd.s32 $0xFFFFE000  }
0x51: {  	_ =	swait.ge [sflag:s15], $0x2000  }
0x52: {  	[sflag:s15] =	ssyncset.done $0x0  }
0x53: {  	[sflag:s15] =	ssyncadd.s32 $0xFFFFE000  }
0x54: {  	_ =	swait.ge [sflag:s15], $0x2000  }
0x55: {  	[sflag:s15] =	ssyncset.done $0x0  }
0x56: {  	s18 =	simm.s32 $0x18600;
	s19 =	simm.s32 $0x0;
	[sflag:s15] =	ssyncadd.s32 $0xFFFFE000  }
.LBB2_2:
0x57: {  	s20 =	sshra.s32 s19, $0x2  }
0x58: {  	v0 =	vld [tilespmem:s20+$0x600]  }
0x59: {  	v1 =	vld [tilespmem:s20+$0x610];
	_ =	sdelay $0x1  }
0x5a: {  	v2 =	vld [tilespmem:s20+$0x620];
	_ =	sdelay $0x1  }
0x5b: {  	v3 =	vld [tilespmem:s20+$0x630]  }
0x5c: {  	v4 =	vmul.f32 v0, v0;
	v5 =	vmul.f32 v1, v1;
	_ =	sdelay $0x1  }
0x5d: {  	v21 =	vmul.f32 v2, v2;
	v4 =	vadd.f32 v5, v4;
	_ =	sdelay $0x1  }
0x5e: {  	v6 =	vld [tilespmem:s20+$0x10600];
	v22 =	vmul.f32 v3, v3;
	v4 =	vadd.f32 v21, v4  }
0x5f: {  	v7 =	vld [tilespmem:s20+$0x10610]  }
0x60: {  	v8 =	vld [tilespmem:s20+$0x8600];
	v4 =	vadd.f32 v22, v4  }
0x61: {  	v24 =	vld [tilespmem:s20+$0x8610]  }
0x62: {  	v23 =	vld [tilespmem:s20+$0x10620];
	(xrf2) =	vadd.scan.msk.f32 $0xffff, v4  }
0x63: {  	v10 =	vld [tilespmem:s20+$0x8620]  }
0x64: {  	v9 =	vld [tilespmem:s20+$0x10630]  }
0x65: {  	v13 =	vld [tilespmem:s20+$0x8630];
	v11 =	vmul.f32 v6, v6;
	v12 =	vmul.f32 v7, v7  }
0x66: {  	v14 =	vmul.f32 v8, v8;
	v15 =	vmul.f32 v24, v24  }
0x67: {  	v25 =	vmul.f32 v23, v23;
	v11 =	vadd.f32 v12, v11  }
0x68: {  	v27 =	vmul.f32 v10, v10;
	v14 =	vadd.f32 v15, v14  }
0x69: {  	v26 =	vmul.f32 v9, v9;
	v11 =	vadd.f32 v25, v11  }
0x6a: {  	v29 =	vmul.f32 v13, v13;
	v28 =	vadd.f32 v27, v14  }
0x6b: {  	v11 =	vadd.f32 v26, v11  }
0x6c: {  	v31 =	vadd.f32 v29, v28;
	v30, _, _ =	vpop (xrf2)  }
0x6d: {  	(xrf2) =	vadd.scan.msk.f32 $0xffff, v11;
	(v2sf) =	vpush v30, $0xF  }
0x6e: {  	(xrf2) =	vadd.scan.msk.f32 $0xffff, v31;
	_ =	sdelay $0x8  }
0x6f: {  	v32, _, _ =	vpop (xrf2)  }
0x70: {  	(v2sf) =	vpush v32, $0xF;
	v33, _, _ =	vpop (xrf2)  }
0x71: {  	(v2sf) =	vpush v33, $0xF;
	_ =	sdelay $0x2  }
0x72: {  	s21 =	spop (v2sf)  }
0x73: {  	s22 =	sshra.s32 s21, $0x1;
	s21 =	smul.f32 $5.000000000e-01, s21  }
0x74: {  	s22 =	ssub.s32 $0x5F3759DF, s22  }
0x75: {  	s23 =	smul.f32 s22, s21;
	_ =	sdelay $0x1  }
0x76: {  	s23 =	smul.f32 s22, s23;
	_ =	sdelay $0x1  }
0x77: {  	s23 =	ssub.f32 $1.500000000e+00, s23;
	_ =	sdelay $0x1  }
0x78: {  	s22 =	smul.f32 s22, s23;
	_ =	sdelay $0x1  }
0x79: {  	s24 =	spop (v2sf);
	s23 =	smul.f32 s22, s21  }
0x7a: {  	s25 =	sshra.s32 s24, $0x1;
	s24 =	smul.f32 $5.000000000e-01, s24;
	s28 =	spop (v2sf)  }
0x7b: {  	s29 =	sshra.s32 s28, $0x1;
	s28 =	smul.f32 $5.000000000e-01, s28  }
0x7c: {  	s25 =	ssub.s32 $0x5F3759DF, s25;
	s23 =	smul.f32 s23, s22  }
0x7d: {  	s26 =	smul.f32 s25, s24;
	s29 =	ssub.s32 $0x5F3759DF, s29  }
0x7e: {  	s30 =	smul.f32 s29, s28  }
0x7f: {  	s26 =	smul.f32 s25, s26  }
0x80: {  	s23 =	ssub.f32 $1.500000000e+00, s23  }
0x81: {  	s30 =	smul.f32 s29, s30;
	s26 =	ssub.f32 $1.500000000e+00, s26  }
0x82: {  	s22 =	smul.f32 s23, s22  }
0x83: {  	s30 =	ssub.f32 $1.500000000e+00, s30;
	s25 =	smul.f32 s25, s26  }
0x84: {  	s21 =	smul.f32 s22, s21  }
0x85: {  	s23 =	smul.f32 s29, s30  }
0x86: {  	s26 =	smul.f32 s25, s24  }
0x87: {  	s29 =	smul.f32 s23, s28  }
0x88: {  	s26 =	smul.f32 s26, s25  }
0x89: {  	s29 =	smul.f32 s29, s23  }
0x8a: {  	s26 =	ssub.f32 $1.500000000e+00, s26  }
0x8b: {  	s21 =	smul.f32 s21, s22;
	s30 =	ssub.f32 $1.500000000e+00, s29  }
0x8c: {  	s25 =	smul.f32 s26, s25  }
0x8d: {  	s23 =	smul.f32 s30, s23  }
0x8e: {  	s24 =	smul.f32 s25, s24  }
0x8f: {  	v35 =	vld [tilespmem:s20+$0x640];
	s26 =	smul.f32 s23, s28  }
0x90: {  	s21 =	ssub.f32 $1.500000000e+00, s21;
	s24 =	smul.f32 s24, s25  }
0x91: {  	s26 =	smul.f32 s26, s23  }
0x92: {  	s21 =	smul.f32 s21, s22;
	s24 =	ssub.f32 $1.500000000e+00, s24  }
0x93: {  	s30 =	ssub.f32 $1.500000000e+00, s26  }
0x94: {  	v42 =	vmul.f32 v35, v35;
	v0 =	vmul.f32 s21, v0;
	s29 =	smul.f32 s24, s25  }
0x95: {  	v1 =	vmul.f32 s21, v1;
	v2 =	vmul.f32 s21, v2;
	s23 =	smul.f32 s30, s23  }
0x96: {  	v36 =	vld [tilespmem:s20+$0x650];
	v6 =	vmul.f32 s29, v6;
	v7 =	vmul.f32 s29, v7  }
0x97: {  	v5 =	vmul.f32 s29, v23;
	v34 =	vmul.f32 s23, v8  }
0x98: {  	v38 =	vld [tilespmem:s20+$0x660];
	v4 =	vmul.f32 s23, v24;
	v0 =	vadd.f32 v6, v0;
	v1 =	vadd.f32 v7, v1  }
0x99: {  	v3 =	vmul.f32 s21, v3;
	v39 =	vmul.f32 s29, v9;
	v2 =	vadd.f32 v5, v2  }
0x9a: {  	v37 =	vmul.f32 s23, v10;
	v0 =	vsub.f32 v0, v34;
	v1 =	vsub.f32 v1, v4  }
0x9b: {  	v41 =	vld [tilespmem:s20+$0x670];
	v43 =	vmul.f32 v36, v36;
	v40 =	vmul.f32 s23, v13;
	v3 =	vadd.f32 v39, v3  }
0x9c: {  	v2 =	vsub.f32 v2, v37;
	v0 =	vand.u32 $0x7FFFFFFF, v0;
	v1 =	vand.u32 $0x7FFFFFFF, v1  }
0x9d: {  	v47 =	vmul.f32 v38, v38;
	v0 =	vadd.f32 v1, v0  }
0x9e: {  	v51 =	vld [tilespmem:s20+$0x10640];
	v46 =	vadd.f32 v43, v42;
	v45 =	vsub.f32 v3, v40;
	v44 =	vand.u32 $0x7FFFFFFF, v2  }
0x9f: {  	v52 =	vld [tilespmem:s20+$0x10650];
	v0 =	vadd.f32 v0, v44  }
0xa0: {  	v53 =	vld [tilespmem:s20+$0x10660];
	v50 =	vmul.f32 v41, v41;
	v49 =	vadd.f32 v47, v46;
	v48 =	vand.u32 $0x7FFFFFFF, v45  }
0xa1: {  	v54 =	vld [tilespmem:s20+$0x8640];
	v0 =	vadd.f32 v0, v48  }
0xa2: {  	v55 =	vld [tilespmem:s20+$0x8650];
	v2 =	vadd.f32 v50, v49  }
0xa3: {  	v56 =	vld [tilespmem:s20+$0x10670];
	(xrf2) =	vadd.scan.msk.f32 $0xffff, v0  }
0xa4: {  	v57 =	vld [tilespmem:s20+$0x8660];
	(xrf2) =	vadd.scan.msk.f32 $0xffff, v2  }
0xa5: {  	v58 =	vmul.f32 v51, v51;
	v59 =	vmul.f32 v52, v52  }
0xa6: {  	v60 =	vld [tilespmem:s20+$0x8670];
	v61 =	vmul.f32 v53, v53  }
0xa7: {  	v62 =	vmul.f32 v54, v54;
	v63 =	vmul.f32 v55, v55;
	v0 =	vadd.f32 v59, v58  }
0xa8: {  	v16 =	vmul.f32 v56, v56  }
0xa9: {  	v19 =	vmul.f32 v57, v57;
	v14 =	vadd.f32 v63, v62;
	v12 =	vadd.f32 v61, v0;
	_ =	sdelay $0x1  }
0xaa: {  	v20 =	vmul.f32 v60, v60;
	v14 =	vadd.f32 v19, v14;
	v12 =	vadd.f32 v16, v12;
	_ =	sdelay $0x1  }
0xab: {  	v22 =	vadd.f32 v20, v14;
	v0, _, _ =	vpop (xrf2);
	(xrf2) =	vadd.scan.msk.f32 $0xffff, v12  }
0xac: {  	v21, _, _ =	vpop (xrf2)  }
0xad: {  	(xrf2) =	vadd.scan.msk.f32 $0xffff, v22;
	(v2sf) =	vpush v21, $0xF;
	_ =	sdelay $0x7  }
0xae: {  	v23, _, _ =	vpop (xrf2)  }
0xaf: {  	(v2sf) =	vpush v23, $0xF  }
0xb0: {  	v24, _, _ =	vpop (xrf2)  }
0xb1: {  	(v2sf) =	vpush v24, $0xF;
	_ =	sdelay $0x3  }
0xb2: {  	s24 =	spop (v2sf)  }
0xb3: {  	s25 =	sshra.s32 s24, $0x1;
	s21 =	smul.f32 $5.000000000e-01, s24  }
0xb4: {  	s22 =	ssub.s32 $0x5F3759DF, s25  }
0xb5: {  	s26 =	smul.f32 s22, s21;
	_ =	sdelay $0x1  }
0xb6: {  	s23 =	smul.f32 s22, s26;
	_ =	sdelay $0x1  }
0xb7: {  	s23 =	ssub.f32 $1.500000000e+00, s23;
	_ =	sdelay $0x1  }
0xb8: {  	s22 =	smul.f32 s22, s23;
	s28 =	spop (v2sf)  }
0xb9: {  	s24 =	smul.f32 $5.000000000e-01, s28  }
0xba: {  	s29 =	sshra.s32 s28, $0x1;
	s28 =	spop (v2sf);
	s23 =	smul.f32 s22, s21  }
0xbb: {  	s25 =	ssub.s32 $0x5F3759DF, s29;
	s30 =	sshra.s32 s28, $0x1;
	s28 =	smul.f32 $5.000000000e-01, s28  }
0xbc: {  	s26 =	smul.f32 s25, s24  }
0xbd: {  	s29 =	ssub.s32 $0x5F3759DF, s30;
	s23 =	smul.f32 s23, s22  }
0xbe: {  	s30 =	smul.f32 s29, s28  }
0xbf: {  	s26 =	smul.f32 s25, s26  }
0xc0: {  	s23 =	ssub.f32 $1.500000000e+00, s23;
	s30 =	smul.f32 s29, s30  }
0xc1: {  	s26 =	ssub.f32 $1.500000000e+00, s26  }
0xc2: {  	s22 =	smul.f32 s23, s22;
	s30 =	ssub.f32 $1.500000000e+00, s30  }
0xc3: {  	s25 =	smul.f32 s25, s26  }
0xc4: {  	s23 =	smul.f32 s29, s30  }
0xc5: {  	s21 =	smul.f32 s22, s21  }
0xc6: {  	s26 =	smul.f32 s25, s24  }
0xc7: {  	s29 =	smul.f32 s23, s28  }
0xc8: {  	s26 =	smul.f32 s26, s25  }
0xc9: {  	s29 =	smul.f32 s29, s23  }
0xca: {  	s26 =	ssub.f32 $1.500000000e+00, s26  }
0xcb: {  	s21 =	smul.f32 s21, s22;
	s30 =	ssub.f32 $1.500000000e+00, s29  }
0xcc: {  	s25 =	smul.f32 s26, s25  }
0xcd: {  	s23 =	smul.f32 s30, s23  }
0xce: {  	s24 =	smul.f32 s25, s24  }
0xcf: {  	v25 =	vld [tilespmem:s20+$0x680];
	s26 =	smul.f32 s23, s28  }
0xd0: {  	s21 =	ssub.f32 $1.500000000e+00, s21;
	s24 =	smul.f32 s24, s25  }
0xd1: {  	s26 =	smul.f32 s26, s23  }
0xd2: {  	s21 =	smul.f32 s21, s22;
	s24 =	ssub.f32 $1.500000000e+00, s24  }
0xd3: {  	s30 =	ssub.f32 $1.500000000e+00, s26  }
0xd4: {  	v33 =	vmul.f32 v25, v25;
	v8 =	vmul.f32 s21, v35;
	s29 =	smul.f32 s24, s25  }
0xd5: {  	v7 =	vmul.f32 s21, v36;
	v5 =	vmul.f32 s21, v38;
	s23 =	smul.f32 s30, s23  }
0xd6: {  	v26 =	vld [tilespmem:s20+$0x690];
	v1 =	vmul.f32 s29, v51;
	v4 =	vmul.f32 s29, v52  }
0xd7: {  	v3 =	vmul.f32 s29, v53;
	v6 =	vmul.f32 s23, v54  }
0xd8: {  	v2 =	vmul.f32 s23, v55;
	v1 =	vadd.f32 v1, v8;
	v4 =	vadd.f32 v4, v7  }
0xd9: {  	v28 =	vld [tilespmem:s20+$0x6A0];
	v29 =	vmul.f32 s21, v41;
	v27 =	vmul.f32 s23, v57;
	v3 =	vadd.f32 v3, v5  }
0xda: {  	v30 =	vmul.f32 s29, v56;
	v1 =	vsub.f32 v1, v6;
	v2 =	vsub.f32 v4, v2  }
0xdb: {  	v32 =	vld [tilespmem:s20+$0x6B0];
	v34 =	vmul.f32 v26, v26;
	v31 =	vmul.f32 s23, v60;
	v3 =	vsub.f32 v3, v27  }
0xdc: {  	v6 =	vadd.f32 v30, v29;
	v1 =	vand.u32 $0x7FFFFFFF, v1;
	v2 =	vand.u32 $0x7FFFFFFF, v2  }
0xdd: {  	v37 =	vadd.f32 v34, v33;
	v1 =	vadd.f32 v2, v1  }
0xde: {  	v42 =	vld [tilespmem:s20+$0x10680];
	v38 =	vmul.f32 v28, v28;
	v35 =	vand.u32 $0x7FFFFFFF, v3;
	v36 =	vsub.f32 v6, v31  }
0xdf: {  	v43 =	vld [tilespmem:s20+$0x10690];
	v1 =	vadd.f32 v1, v35  }
0xe0: {  	v46 =	vld [tilespmem:s20+$0x8690];
	v41 =	vmul.f32 v32, v32;
	v40 =	vadd.f32 v38, v37;
	v39 =	vand.u32 $0x7FFFFFFF, v36  }
0xe1: {  	v44 =	vld [tilespmem:s20+$0x106A0];
	v1 =	vadd.f32 v1, v39  }
0xe2: {  	v45 =	vld [tilespmem:s20+$0x8680];
	v3 =	vadd.f32 v41, v40  }
0xe3: {  	v47 =	vld [tilespmem:s20+$0x106B0];
	(xrf2) =	vadd.scan.msk.f32 $0xffff, v1  }
0xe4: {  	v48 =	vld [tilespmem:s20+$0x86A0];
	(xrf2) =	vadd.scan.msk.f32 $0xffff, v3  }
0xe5: {  	v49 =	vmul.f32 v42, v42;
	v50 =	vmul.f32 v43, v43  }
0xe6: {  	v51 =	vld [tilespmem:s20+$0x86B0];
	v52 =	vmul.f32 v44, v44  }
0xe7: {  	v53 =	vmul.f32 v45, v45;
	v54 =	vmul.f32 v46, v46;
	v1 =	vadd.f32 v50, v49  }
0xe8: {  	v17 =	vmul.f32 v47, v47  }
0xe9: {  	v55 =	vmul.f32 v48, v48;
	v15 =	vadd.f32 v54, v53;
	v13 =	vadd.f32 v52, v1;
	_ =	sdelay $0x1  }
0xea: {  	v15 =	vadd.f32 v55, v15;
	v56 =	vmul.f32 v51, v51;
	v13 =	vadd.f32 v17, v13;
	_ =	sdelay $0x1  }
0xeb: {  	v58 =	vadd.f32 v56, v15;
	v1, _, _ =	vpop (xrf2);
	(xrf2) =	vadd.scan.msk.f32 $0xffff, v13  }
0xec: {  	v57, _, _ =	vpop (xrf2)  }
0xed: {  	(xrf2) =	vadd.scan.msk.f32 $0xffff, v58;
	(v2sf) =	vpush v57, $0xF;
	_ =	sdelay $0x7  }
0xee: {  	v59, _, _ =	vpop (xrf2)  }
0xef: {  	(v2sf) =	vpush v59, $0xF  }
0xf0: {  	v60, _, _ =	vpop (xrf2)  }
0xf1: {  	(v2sf) =	vpush v60, $0xF;
	_ =	sdelay $0x3  }
0xf2: {  	s24 =	spop (v2sf)  }
0xf3: {  	s25 =	sshra.s32 s24, $0x1;
	s21 =	smul.f32 $5.000000000e-01, s24  }
0xf4: {  	s22 =	ssub.s32 $0x5F3759DF, s25  }
0xf5: {  	s26 =	smul.f32 s22, s21;
	_ =	sdelay $0x1  }
0xf6: {  	s23 =	smul.f32 s22, s26;
	_ =	sdelay $0x1  }
0xf7: {  	s23 =	ssub.f32 $1.500000000e+00, s23;
	_ =	sdelay $0x1  }
0xf8: {  	s22 =	smul.f32 s22, s23;
	s28 =	spop (v2sf)  }
0xf9: {  	s24 =	smul.f32 $5.000000000e-01, s28  }
0xfa: {  	s29 =	sshra.s32 s28, $0x1;
	s28 =	spop (v2sf);
	s23 =	smul.f32 s22, s21  }
0xfb: {  	s25 =	ssub.s32 $0x5F3759DF, s29;
	s30 =	sshra.s32 s28, $0x1;
	s28 =	smul.f32 $5.000000000e-01, s28  }
0xfc: {  	s26 =	smul.f32 s25, s24  }
0xfd: {  	s29 =	ssub.s32 $0x5F3759DF, s30;
	s23 =	smul.f32 s23, s22  }
0xfe: {  	s30 =	smul.f32 s29, s28  }
0xff: {  	s26 =	smul.f32 s25, s26  }
0x100: {  	s23 =	ssub.f32 $1.500000000e+00, s23;
	s30 =	smul.f32 s29, s30  }
0x101: {  	s26 =	ssub.f32 $1.500000000e+00, s26  }
0x102: {  	s22 =	smul.f32 s23, s22;
	s30 =	ssub.f32 $1.500000000e+00, s30  }
0x103: {  	s25 =	smul.f32 s25, s26  }
0x104: {  	s23 =	smul.f32 s29, s30  }
0x105: {  	s21 =	smul.f32 s22, s21  }
0x106: {  	s26 =	smul.f32 s25, s24  }
0x107: {  	s29 =	smul.f32 s23, s28  }
0x108: {  	s26 =	smul.f32 s26, s25  }
0x109: {  	s29 =	smul.f32 s29, s23  }
0x10a: {  	s26 =	ssub.f32 $1.500000000e+00, s26  }
0x10b: {  	s21 =	smul.f32 s21, s22;
	s30 =	ssub.f32 $1.500000000e+00, s29  }
0x10c: {  	s25 =	smul.f32 s26, s25  }
0x10d: {  	s23 =	smul.f32 s30, s23  }
0x10e: {  	s24 =	smul.f32 s25, s24  }
0x10f: {  	v62 =	vld [tilespmem:s20+$0x6C0];
	s26 =	smul.f32 s23, s28  }
0x110: {  	s21 =	ssub.f32 $1.500000000e+00, s21;
	s24 =	smul.f32 s24, s25  }
0x111: {  	s26 =	smul.f32 s26, s23  }
0x112: {  	s21 =	smul.f32 s21, s22;
	s24 =	ssub.f32 $1.500000000e+00, s24  }
0x113: {  	s30 =	ssub.f32 $1.500000000e+00, s26  }
0x114: {  	v27 =	vmul.f32 v62, v62;
	v8 =	vmul.f32 s21, v25;
	s29 =	smul.f32 s24, s25  }
0x115: {  	v7 =	vmul.f32 s21, v26;
	v5 =	vmul.f32 s21, v28;
	s23 =	smul.f32 s30, s23  }
0x116: {  	v63 =	vld [tilespmem:s20+$0x6D0];
	v2 =	vmul.f32 s29, v42;
	v6 =	vmul.f32 s29, v43  }
0x117: {  	v4 =	vmul.f32 s29, v44;
	v61 =	vmul.f32 s23, v45  }
0x118: {  	v22 =	vld [tilespmem:s20+$0x6E0];
	v3 =	vmul.f32 s23, v46;
	v2 =	vadd.f32 v2, v8;
	v6 =	vadd.f32 v6, v7  }
0x119: {  	v23 =	vmul.f32 s21, v32;
	v24 =	vmul.f32 s29, v47;
	v4 =	vadd.f32 v4, v5  }
0x11a: {  	v21 =	vmul.f32 s23, v48;
	v2 =	vsub.f32 v2, v61;
	v3 =	vsub.f32 v6, v3  }
0x11b: {  	v26 =	vld [tilespmem:s20+$0x6F0];
	v28 =	vmul.f32 v63, v63;
	v25 =	vmul.f32 s23, v51;
	v8 =	vadd.f32 v24, v23  }
0x11c: {  	v4 =	vsub.f32 v4, v21;
	v2 =	vand.u32 $0x7FFFFFFF, v2;
	v3 =	vand.u32 $0x7FFFFFFF, v3  }
0x11d: {  	v32 =	vmul.f32 v22, v22;
	v2 =	vadd.f32 v3, v2  }
0x11e: {  	v37 =	vld [tilespmem:s20+$0x106D0];
	v31 =	vadd.f32 v28, v27;
	v30 =	vsub.f32 v8, v25;
	v29 =	vand.u32 $0x7FFFFFFF, v4  }
0x11f: {  	v38 =	vld [tilespmem:s20+$0x106E0];
	v2 =	vadd.f32 v2, v29  }
0x120: {  	v36 =	vld [tilespmem:s20+$0x106C0];
	v34 =	vadd.f32 v32, v31;
	v35 =	vmul.f32 v26, v26;
	v33 =	vand.u32 $0x7FFFFFFF, v30  }
0x121: {  	v39 =	vld [tilespmem:s20+$0x86C0];
	v2 =	vadd.f32 v2, v33  }
0x122: {  	v40 =	vld [tilespmem:s20+$0x86D0];
	v4 =	vadd.f32 v35, v34  }
0x123: {  	v41 =	vld [tilespmem:s20+$0x106F0];
	(xrf2) =	vadd.scan.msk.f32 $0xffff, v2  }
0x124: {  	v42 =	vld [tilespmem:s20+$0x86E0];
	(xrf2) =	vadd.scan.msk.f32 $0xffff, v4  }
0x125: {  	v43 =	vmul.f32 v36, v36;
	v44 =	vmul.f32 v37, v37  }
0x126: {  	v47 =	vmul.f32 v39, v39;
	v45 =	vld [tilespmem:s20+$0x86F0]  }
0x127: {  	v46 =	vmul.f32 v38, v38;
	v48 =	vmul.f32 v40, v40;
	v2 =	vadd.f32 v44, v43  }
0x128: {  	v18 =	vmul.f32 v41, v41  }
0x129: {  	v16 =	vadd.f32 v48, v47;
	v49 =	vmul.f32 v42, v42;
	v14 =	vadd.f32 v46, v2;
	_ =	sdelay $0x1  }
0x12a: {  	v50 =	vmul.f32 v45, v45;
	v16 =	vadd.f32 v49, v16;
	v14 =	vadd.f32 v18, v14;
	_ =	sdelay $0x1  }
0x12b: {  	v52 =	vadd.f32 v50, v16;
	v2, _, _ =	vpop (xrf2);
	(xrf2) =	vadd.scan.msk.f32 $0xffff, v14  }
0x12c: {  	v51, _, _ =	vpop (xrf2)  }
0x12d: {  	(xrf2) =	vadd.scan.msk.f32 $0xffff, v52;
	(v2sf) =	vpush v51, $0xF;
	_ =	sdelay $0x7  }
0x12e: {  	v53, _, _ =	vpop (xrf2)  }
0x12f: {  	(v2sf) =	vpush v53, $0xF  }
0x130: {  	v54, _, _ =	vpop (xrf2)  }
0x131: {  	(v2sf) =	vpush v54, $0xF;
	_ =	sdelay $0x3  }
0x132: {  	s24 =	spop (v2sf)  }
0x133: {  	s25 =	sshra.s32 s24, $0x1;
	s21 =	smul.f32 $5.000000000e-01, s24  }
0x134: {  	s22 =	ssub.s32 $0x5F3759DF, s25  }
0x135: {  	s26 =	smul.f32 s22, s21;
	_ =	sdelay $0x1  }
0x136: {  	s23 =	smul.f32 s22, s26;
	_ =	sdelay $0x1  }
0x137: {  	s23 =	ssub.f32 $1.500000000e+00, s23;
	_ =	sdelay $0x1  }
0x138: {  	s22 =	smul.f32 s22, s23;
	s28 =	spop (v2sf)  }
0x139: {  	s24 =	smul.f32 $5.000000000e-01, s28  }
0x13a: {  	s29 =	sshra.s32 s28, $0x1;
	s28 =	spop (v2sf);
	s23 =	smul.f32 s22, s21  }
0x13b: {  	s25 =	ssub.s32 $0x5F3759DF, s29;
	s30 =	sshra.s32 s28, $0x1;
	s28 =	smul.f32 $5.000000000e-01, s28  }
0x13c: {  	s26 =	smul.f32 s25, s24  }
0x13d: {  	s29 =	ssub.s32 $0x5F3759DF, s30;
	s23 =	smul.f32 s23, s22  }
0x13e: {  	s30 =	smul.f32 s29, s28  }
0x13f: {  	s26 =	smul.f32 s25, s26  }
0x140: {  	s23 =	ssub.f32 $1.500000000e+00, s23;
	s30 =	smul.f32 s29, s30  }
0x141: {  	s26 =	ssub.f32 $1.500000000e+00, s26  }
0x142: {  	s22 =	smul.f32 s23, s22;
	s30 =	ssub.f32 $1.500000000e+00, s30  }
0x143: {  	s25 =	smul.f32 s25, s26  }
0x144: {  	s23 =	smul.f32 s29, s30  }
0x145: {  	s21 =	smul.f32 s22, s21  }
0x146: {  	s26 =	smul.f32 s25, s24  }
0x147: {  	s29 =	smul.f32 s23, s28  }
0x148: {  	s26 =	smul.f32 s26, s25  }
0x149: {  	s29 =	smul.f32 s29, s23  }
0x14a: {  	s26 =	ssub.f32 $1.500000000e+00, s26  }
0x14b: {  	s21 =	smul.f32 s21, s22;
	s30 =	ssub.f32 $1.500000000e+00, s29  }
0x14c: {  	s25 =	smul.f32 s26, s25  }
0x14d: {  	s23 =	smul.f32 s30, s23  }
0x14e: {  	s24 =	smul.f32 s25, s24  }
0x14f: {  	v56 =	vld [tilespmem:s20+$0x700];
	s26 =	smul.f32 s23, s28  }
0x150: {  	s21 =	ssub.f32 $1.500000000e+00, s21;
	s24 =	smul.f32 s24, s25  }
0x151: {  	s26 =	smul.f32 s26, s23  }
0x152: {  	s21 =	smul.f32 s21, s22;
	s24 =	ssub.f32 $1.500000000e+00, s24  }
0x153: {  	s30 =	ssub.f32 $1.500000000e+00, s26  }
0x154: {  	v17 =	vmul.f32 v56, v56;
	v9 =	vmul.f32 s21, v62;
	s29 =	smul.f32 s24, s25  }
0x155: {  	v7 =	vmul.f32 s21, v63;
	v6 =	vmul.f32 s21, v22;
	s23 =	smul.f32 s30, s23  }
0x156: {  	v57 =	vld [tilespmem:s20+$0x710];
	v3 =	vmul.f32 s29, v36;
	v8 =	vmul.f32 s29, v37  }
0x157: {  	v5 =	vmul.f32 s29, v38;
	v55 =	vmul.f32 s23, v39  }
0x158: {  	v4 =	vmul.f32 s23, v40;
	v3 =	vadd.f32 v3, v9;
	v7 =	vadd.f32 v8, v7  }
0x159: {  	v59 =	vld [tilespmem:s20+$0x720];
	v60 =	vmul.f32 s21, v26;
	v61 =	vmul.f32 s29, v41;
	v5 =	vadd.f32 v5, v6  }
0x15a: {  	v58 =	vmul.f32 s23, v42;
	v3 =	vsub.f32 v3, v55;
	v4 =	vsub.f32 v7, v4  }
0x15b: {  	v18 =	vmul.f32 v57, v57;
	v63 =	vld [tilespmem:s20+$0x730];
	v62 =	vmul.f32 s23, v45;
	v9 =	vadd.f32 v61, v60  }
0x15c: {  	v5 =	vsub.f32 v5, v58;
	v3 =	vand.u32 $0x7FFFFFFF, v3;
	v4 =	vand.u32 $0x7FFFFFFF, v4  }
0x15d: {  	v21 =	vadd.f32 v18, v17;
	v3 =	vadd.f32 v4, v3  }
0x15e: {  	v27 =	vld [tilespmem:s20+$0x10710];
	v22 =	vmul.f32 v59, v59;
	v20 =	vsub.f32 v9, v62;
	v19 =	vand.u32 $0x7FFFFFFF, v5  }
0x15f: {  	v28 =	vld [tilespmem:s20+$0x10720];
	v3 =	vadd.f32 v3, v19  }
0x160: {  	v26 =	vld [tilespmem:s20+$0x10700];
	v24 =	vadd.f32 v22, v21;
	v25 =	vmul.f32 v63, v63;
	v23 =	vand.u32 $0x7FFFFFFF, v20  }
0x161: {  	v30 =	vld [tilespmem:s20+$0x8710];
	v3 =	vadd.f32 v3, v23  }
0x162: {  	v29 =	vld [tilespmem:s20+$0x8700];
	v5 =	vadd.f32 v25, v24  }
0x163: {  	v32 =	vld [tilespmem:s20+$0x8720];
	(xrf2) =	vadd.scan.msk.f32 $0xffff, v3  }
0x164: {  	v31 =	vld [tilespmem:s20+$0x10730];
	(xrf2) =	vadd.scan.msk.f32 $0xffff, v5  }
0x165: {  	v34 =	vmul.f32 v27, v27;
	v33 =	vmul.f32 v26, v26  }
0x166: {  	v35 =	vld [tilespmem:s20+$0x8730];
	v36 =	vmul.f32 v28, v28  }
0x167: {  	v37 =	vmul.f32 v29, v29;
	v38 =	vmul.f32 v30, v30;
	v3 =	vadd.f32 v34, v33  }
0x168: {  	v39 =	vmul.f32 v32, v32  }
0x169: {  	v17 =	vadd.f32 v38, v37;
	v19 =	vmul.f32 v31, v31;
	v15 =	vadd.f32 v36, v3;
	_ =	sdelay $0x1  }
0x16a: {  	v40 =	vmul.f32 v35, v35;
	v17 =	vadd.f32 v39, v17;
	v15 =	vadd.f32 v19, v15;
	_ =	sdelay $0x1  }
0x16b: {  	v42 =	vadd.f32 v40, v17;
	v3, _, _ =	vpop (xrf2);
	(xrf2) =	vadd.scan.msk.f32 $0xffff, v15  }
0x16c: {  	v41, _, _ =	vpop (xrf2)  }
0x16d: {  	(xrf2) =	vadd.scan.msk.f32 $0xffff, v42;
	(v2sf) =	vpush v41, $0xF;
	_ =	sdelay $0x7  }
0x16e: {  	v43, _, _ =	vpop (xrf2)  }
0x16f: {  	(v2sf) =	vpush v43, $0xF  }
0x170: {  	v44, _, _ =	vpop (xrf2)  }
0x171: {  	(v2sf) =	vpush v44, $0xF;
	_ =	sdelay $0x3  }
0x172: {  	s24 =	spop (v2sf)  }
0x173: {  	s25 =	sshra.s32 s24, $0x1;
	s21 =	smul.f32 $5.000000000e-01, s24  }
0x174: {  	s22 =	ssub.s32 $0x5F3759DF, s25  }
0x175: {  	s26 =	smul.f32 s22, s21;
	_ =	sdelay $0x1  }
0x176: {  	s23 =	smul.f32 s22, s26;
	_ =	sdelay $0x1  }
0x177: {  	s23 =	ssub.f32 $1.500000000e+00, s23;
	_ =	sdelay $0x1  }
0x178: {  	s22 =	smul.f32 s22, s23;
	s28 =	spop (v2sf)  }
0x179: {  	s24 =	smul.f32 $5.000000000e-01, s28  }
0x17a: {  	s29 =	sshra.s32 s28, $0x1;
	s28 =	spop (v2sf);
	s23 =	smul.f32 s22, s21  }
0x17b: {  	s25 =	ssub.s32 $0x5F3759DF, s29;
	s30 =	sshra.s32 s28, $0x1;
	s28 =	smul.f32 $5.000000000e-01, s28  }
0x17c: {  	s26 =	smul.f32 s25, s24  }
0x17d: {  	s29 =	ssub.s32 $0x5F3759DF, s30;
	s23 =	smul.f32 s23, s22  }
0x17e: {  	s30 =	smul.f32 s29, s28  }
0x17f: {  	s26 =	smul.f32 s25, s26  }
0x180: {  	s23 =	ssub.f32 $1.500000000e+00, s23;
	s30 =	smul.f32 s29, s30  }
0x181: {  	s26 =	ssub.f32 $1.500000000e+00, s26  }
0x182: {  	s22 =	smul.f32 s23, s22;
	s30 =	ssub.f32 $1.500000000e+00, s30  }
0x183: {  	s25 =	smul.f32 s25, s26  }
0x184: {  	s23 =	smul.f32 s29, s30  }
0x185: {  	s21 =	smul.f32 s22, s21  }
0x186: {  	s26 =	smul.f32 s25, s24  }
0x187: {  	s29 =	smul.f32 s23, s28  }
0x188: {  	s26 =	smul.f32 s26, s25  }
0x189: {  	s29 =	smul.f32 s29, s23  }
0x18a: {  	s26 =	ssub.f32 $1.500000000e+00, s26  }
0x18b: {  	s21 =	smul.f32 s21, s22;
	s30 =	ssub.f32 $1.500000000e+00, s29  }
0x18c: {  	s25 =	smul.f32 s26, s25  }
0x18d: {  	s23 =	smul.f32 s30, s23  }
0x18e: {  	s24 =	smul.f32 s25, s24  }
0x18f: {  	v46 =	vld [tilespmem:s20+$0x740];
	s26 =	smul.f32 s23, s28  }
0x190: {  	s21 =	ssub.f32 $1.500000000e+00, s21;
	s24 =	smul.f32 s24, s25  }
0x191: {  	s26 =	smul.f32 s26, s23  }
0x192: {  	s21 =	smul.f32 s21, s22;
	s24 =	ssub.f32 $1.500000000e+00, s24  }
0x193: {  	s30 =	ssub.f32 $1.500000000e+00, s26  }
0x194: {  	v54 =	vmul.f32 v46, v46;
	v10 =	vmul.f32 s21, v56;
	s29 =	smul.f32 s24, s25  }
0x195: {  	v8 =	vmul.f32 s21, v57;
	v7 =	vmul.f32 s21, v59;
	s23 =	smul.f32 s30, s23  }
0x196: {  	v47 =	vld [tilespmem:s20+$0x750];
	v4 =	vmul.f32 s29, v26;
	v9 =	vmul.f32 s29, v27  }
0x197: {  	v6 =	vmul.f32 s29, v28;
	v45 =	vmul.f32 s23, v29  }
0x198: {  	v5 =	vmul.f32 s23, v30;
	v4 =	vadd.f32 v4, v10;
	v8 =	vadd.f32 v9, v8  }
0x199: {  	v49 =	vld [tilespmem:s20+$0x760];
	v50 =	vmul.f32 s21, v63;
	v51 =	vmul.f32 s29, v31;
	v6 =	vadd.f32 v6, v7  }
0x19a: {  	v48 =	vmul.f32 s23, v32;
	v4 =	vsub.f32 v4, v45;
	v5 =	vsub.f32 v8, v5  }
0x19b: {  	v53 =	vld [tilespmem:s20+$0x770];
	v55 =	vmul.f32 v47, v47;
	v52 =	vmul.f32 s23, v35;
	v10 =	vadd.f32 v51, v50  }
0x19c: {  	v6 =	vsub.f32 v6, v48;
	v4 =	vand.u32 $0x7FFFFFFF, v4;
	v5 =	vand.u32 $0x7FFFFFFF, v5  }
0x19d: {  	v58 =	vadd.f32 v55, v54;
	v4 =	vadd.f32 v5, v4  }
0x19e: {  	v24 =	vld [tilespmem:s20+$0x10750];
	v59 =	vmul.f32 v49, v49;
	v57 =	vsub.f32 v10, v52;
	v56 =	vand.u32 $0x7FFFFFFF, v6  }
0x19f: {  	v25 =	vld [tilespmem:s20+$0x10760];
	v4 =	vadd.f32 v4, v56  }
0x1a0: {  	v62 =	vmul.f32 v53, v53;
	v63 =	vld [tilespmem:s20+$0x10740];
	v61 =	vadd.f32 v59, v58;
	v60 =	vand.u32 $0x7FFFFFFF, v57  }
0x1a1: {  	v26 =	vld [tilespmem:s20+$0x8740];
	v4 =	vadd.f32 v4, v60  }
0x1a2: {  	v27 =	vld [tilespmem:s20+$0x8750];
	v6 =	vadd.f32 v62, v61  }
0x1a3: {  	v28 =	vld [tilespmem:s20+$0x10770];
	(xrf2) =	vadd.scan.msk.f32 $0xffff, v4  }
0x1a4: {  	v29 =	vld [tilespmem:s20+$0x8760];
	(xrf2) =	vadd.scan.msk.f32 $0xffff, v6  }
0x1a5: {  	v31 =	vmul.f32 v24, v24;
	v30 =	vmul.f32 v63, v63  }
0x1a6: {  	v33 =	vmul.f32 v25, v25;
	v32 =	vld [tilespmem:s20+$0x8770]  }
0x1a7: {  	v34 =	vmul.f32 v26, v26;
	v35 =	vmul.f32 v27, v27;
	v4 =	vadd.f32 v31, v30  }
0x1a8: {  	v20 =	vmul.f32 v28, v28  }
0x1a9: {  	v36 =	vmul.f32 v29, v29;
	v18 =	vadd.f32 v35, v34;
	v16 =	vadd.f32 v33, v4;
	_ =	sdelay $0x1  }
0x1aa: {  	v37 =	vmul.f32 v32, v32;
	v18 =	vadd.f32 v36, v18;
	v16 =	vadd.f32 v20, v16;
	_ =	sdelay $0x1  }
0x1ab: {  	v39 =	vadd.f32 v37, v18;
	v4, _, _ =	vpop (xrf2);
	(xrf2) =	vadd.scan.msk.f32 $0xffff, v16  }
0x1ac: {  	v38, _, _ =	vpop (xrf2)  }
0x1ad: {  	(xrf2) =	vadd.scan.msk.f32 $0xffff, v39;
	(v2sf) =	vpush v38, $0xF;
	_ =	sdelay $0x7  }
0x1ae: {  	v40, _, _ =	vpop (xrf2)  }
0x1af: {  	(v2sf) =	vpush v40, $0xF  }
0x1b0: {  	v41, _, _ =	vpop (xrf2)  }
0x1b1: {  	(v2sf) =	vpush v41, $0xF;
	_ =	sdelay $0x3  }
0x1b2: {  	s24 =	spop (v2sf)  }
0x1b3: {  	s25 =	sshra.s32 s24, $0x1;
	s21 =	smul.f32 $5.000000000e-01, s24  }
0x1b4: {  	s22 =	ssub.s32 $0x5F3759DF, s25  }
0x1b5: {  	s26 =	smul.f32 s22, s21;
	_ =	sdelay $0x1  }
0x1b6: {  	s23 =	smul.f32 s22, s26;
	_ =	sdelay $0x1  }
0x1b7: {  	s23 =	ssub.f32 $1.500000000e+00, s23;
	_ =	sdelay $0x1  }
0x1b8: {  	s22 =	smul.f32 s22, s23;
	s28 =	spop (v2sf)  }
0x1b9: {  	s24 =	smul.f32 $5.000000000e-01, s28  }
0x1ba: {  	s29 =	sshra.s32 s28, $0x1;
	s28 =	spop (v2sf);
	s23 =	smul.f32 s22, s21  }
0x1bb: {  	s25 =	ssub.s32 $0x5F3759DF, s29;
	s30 =	sshra.s32 s28, $0x1;
	s28 =	smul.f32 $5.000000000e-01, s28  }
0x1bc: {  	s26 =	smul.f32 s25, s24  }
0x1bd: {  	s29 =	ssub.s32 $0x5F3759DF, s30;
	s23 =	smul.f32 s23, s22  }
0x1be: {  	s30 =	smul.f32 s29, s28  }
0x1bf: {  	s26 =	smul.f32 s25, s26  }
0x1c0: {  	s23 =	ssub.f32 $1.500000000e+00, s23;
	s30 =	smul.f32 s29, s30  }
0x1c1: {  	s26 =	ssub.f32 $1.500000000e+00, s26  }
0x1c2: {  	s22 =	smul.f32 s23, s22;
	s30 =	ssub.f32 $1.500000000e+00, s30  }
0x1c3: {  	s25 =	smul.f32 s25, s26  }
0x1c4: {  	s23 =	smul.f32 s29, s30  }
0x1c5: {  	s21 =	smul.f32 s22, s21  }
0x1c6: {  	s26 =	smul.f32 s25, s24  }
0x1c7: {  	s29 =	smul.f32 s23, s28  }
0x1c8: {  	s26 =	smul.f32 s26, s25  }
0x1c9: {  	s29 =	smul.f32 s29, s23  }
0x1ca: {  	s26 =	ssub.f32 $1.500000000e+00, s26  }
0x1cb: {  	s21 =	smul.f32 s21, s22;
	s30 =	ssub.f32 $1.500000000e+00, s29  }
0x1cc: {  	s25 =	smul.f32 s26, s25  }
0x1cd: {  	s23 =	smul.f32 s30, s23  }
0x1ce: {  	s24 =	smul.f32 s25, s24  }
0x1cf: {  	v43 =	vld [tilespmem:s20+$0x780];
	s26 =	smul.f32 s23, s28  }
0x1d0: {  	s21 =	ssub.f32 $1.500000000e+00, s21;
	s24 =	smul.f32 s24, s25  }
0x1d1: {  	s26 =	smul.f32 s26, s23  }
0x1d2: {  	s21 =	smul.f32 s21, s22;
	s24 =	ssub.f32 $1.500000000e+00, s24  }
0x1d3: {  	s30 =	ssub.f32 $1.500000000e+00, s26  }
0x1d4: {  	v51 =	vmul.f32 v43, v43;
	v11 =	vmul.f32 s21, v46;
	s29 =	smul.f32 s24, s25  }
0x1d5: {  	v9 =	vmul.f32 s21, v47;
	v8 =	vmul.f32 s21, v49;
	s23 =	smul.f32 s30, s23  }
0x1d6: {  	v44 =	vld [tilespmem:s20+$0x790];
	v5 =	vmul.f32 s29, v63;
	v10 =	vmul.f32 s29, v24  }
0x1d7: {  	v7 =	vmul.f32 s29, v25;
	v42 =	vmul.f32 s23, v26  }
0x1d8: {  	v6 =	vmul.f32 s23, v27;
	v5 =	vadd.f32 v5, v11;
	v9 =	vadd.f32 v10, v9  }
0x1d9: {  	v46 =	vld [tilespmem:s20+$0x7A0];
	v47 =	vmul.f32 s21, v53;
	v48 =	vmul.f32 s29, v28;
	v7 =	vadd.f32 v7, v8  }
0x1da: {  	v45 =	vmul.f32 s23, v29;
	v5 =	vsub.f32 v5, v42;
	v6 =	vsub.f32 v9, v6  }
0x1db: {  	v50 =	vld [tilespmem:s20+$0x7B0];
	v52 =	vmul.f32 v44, v44;
	v49 =	vmul.f32 s23, v32;
	v11 =	vadd.f32 v48, v47  }
0x1dc: {  	v7 =	vsub.f32 v7, v45;
	v5 =	vand.u32 $0x7FFFFFFF, v5;
	v6 =	vand.u32 $0x7FFFFFFF, v6  }
0x1dd: {  	v55 =	vadd.f32 v52, v51;
	v5 =	vadd.f32 v6, v5  }
0x1de: {  	v61 =	vld [tilespmem:s20+$0x10790];
	v56 =	vmul.f32 v46, v46;
	v54 =	vsub.f32 v11, v49;
	v53 =	vand.u32 $0x7FFFFFFF, v7  }
0x1df: {  	v62 =	vld [tilespmem:s20+$0x107A0];
	v5 =	vadd.f32 v5, v53  }
0x1e0: {  	v59 =	vmul.f32 v50, v50;
	v60 =	vld [tilespmem:s20+$0x10780];
	v58 =	vadd.f32 v56, v55;
	v57 =	vand.u32 $0x7FFFFFFF, v54  }
0x1e1: {  	v63 =	vld [tilespmem:s20+$0x8780];
	v5 =	vadd.f32 v5, v57  }
0x1e2: {  	v24 =	vld [tilespmem:s20+$0x8790];
	v7 =	vadd.f32 v59, v58  }
0x1e3: {  	v25 =	vld [tilespmem:s20+$0x107B0];
	(xrf2) =	vadd.scan.msk.f32 $0xffff, v5  }
0x1e4: {  	v26 =	vld [tilespmem:s20+$0x87A0];
	(xrf2) =	vadd.scan.msk.f32 $0xffff, v7  }
0x1e5: {  	v28 =	vmul.f32 v61, v61;
	v27 =	vmul.f32 v60, v60  }
0x1e6: {  	v30 =	vmul.f32 v62, v62;
	v29 =	vld [tilespmem:s20+$0x87B0]  }
0x1e7: {  	v31 =	vmul.f32 v63, v63;
	v32 =	vmul.f32 v24, v24;
	v5 =	vadd.f32 v28, v27  }
0x1e8: {  	v21 =	vmul.f32 v25, v25  }
0x1e9: {  	v33 =	vmul.f32 v26, v26;
	v19 =	vadd.f32 v32, v31;
	v17 =	vadd.f32 v30, v5;
	_ =	sdelay $0x1  }
0x1ea: {  	v34 =	vmul.f32 v29, v29;
	v19 =	vadd.f32 v33, v19;
	v17 =	vadd.f32 v21, v17;
	_ =	sdelay $0x1  }
0x1eb: {  	v36 =	vadd.f32 v34, v19;
	v5, _, _ =	vpop (xrf2);
	(xrf2) =	vadd.scan.msk.f32 $0xffff, v17  }
0x1ec: {  	v35, _, _ =	vpop (xrf2)  }
0x1ed: {  	(xrf2) =	vadd.scan.msk.f32 $0xffff, v36;
	(v2sf) =	vpush v35, $0xF;
	_ =	sdelay $0x7  }
0x1ee: {  	v37, _, _ =	vpop (xrf2)  }
0x1ef: {  	(v2sf) =	vpush v37, $0xF  }
0x1f0: {  	v38, _, _ =	vpop (xrf2)  }
0x1f1: {  	(v2sf) =	vpush v38, $0xF;
	_ =	sdelay $0x3  }
0x1f2: {  	s24 =	spop (v2sf)  }
0x1f3: {  	s25 =	sshra.s32 s24, $0x1;
	s21 =	smul.f32 $5.000000000e-01, s24  }
0x1f4: {  	s22 =	ssub.s32 $0x5F3759DF, s25  }
0x1f5: {  	s26 =	smul.f32 s22, s21;
	_ =	sdelay $0x1  }
0x1f6: {  	s23 =	smul.f32 s22, s26;
	_ =	sdelay $0x1  }
0x1f7: {  	s23 =	ssub.f32 $1.500000000e+00, s23;
	_ =	sdelay $0x1  }
0x1f8: {  	s22 =	smul.f32 s22, s23;
	s28 =	spop (v2sf)  }
0x1f9: {  	s24 =	smul.f32 $5.000000000e-01, s28  }
0x1fa: {  	s29 =	sshra.s32 s28, $0x1;
	s28 =	spop (v2sf);
	s23 =	smul.f32 s22, s21  }
0x1fb: {  	s25 =	ssub.s32 $0x5F3759DF, s29;
	s30 =	sshra.s32 s28, $0x1;
	s28 =	smul.f32 $5.000000000e-01, s28  }
0x1fc: {  	s26 =	smul.f32 s25, s24  }
0x1fd: {  	s29 =	ssub.s32 $0x5F3759DF, s30;
	s23 =	smul.f32 s23, s22  }
0x1fe: {  	s30 =	smul.f32 s29, s28  }
0x1ff: {  	s26 =	smul.f32 s25, s26  }
0x200: {  	s23 =	ssub.f32 $1.500000000e+00, s23;
	s30 =	smul.f32 s29, s30  }
0x201: {  	s26 =	ssub.f32 $1.500000000e+00, s26  }
0x202: {  	s22 =	smul.f32 s23, s22;
	s30 =	ssub.f32 $1.500000000e+00, s30  }
0x203: {  	s25 =	smul.f32 s25, s26  }
0x204: {  	s23 =	smul.f32 s29, s30  }
0x205: {  	s21 =	smul.f32 s22, s21  }
0x206: {  	s26 =	smul.f32 s25, s24  }
0x207: {  	s29 =	smul.f32 s23, s28  }
0x208: {  	s26 =	smul.f32 s26, s25  }
0x209: {  	s29 =	smul.f32 s29, s23  }
0x20a: {  	s26 =	ssub.f32 $1.500000000e+00, s26  }
0x20b: {  	s21 =	smul.f32 s21, s22;
	s30 =	ssub.f32 $1.500000000e+00, s29  }
0x20c: {  	s25 =	smul.f32 s26, s25  }
0x20d: {  	s23 =	smul.f32 s30, s23  }
0x20e: {  	s24 =	smul.f32 s25, s24  }
0x20f: {  	v40 =	vld [tilespmem:s20+$0x7C0];
	s26 =	smul.f32 s23, s28  }
0x210: {  	s21 =	ssub.f32 $1.500000000e+00, s21;
	s24 =	smul.f32 s24, s25  }
0x211: {  	s26 =	smul.f32 s26, s23  }
0x212: {  	s21 =	smul.f32 s21, s22;
	s24 =	ssub.f32 $1.500000000e+00, s24  }
0x213: {  	s30 =	ssub.f32 $1.500000000e+00, s26  }
0x214: {  	v48 =	vmul.f32 v40, v40;
	v12 =	vmul.f32 s21, v43;
	s29 =	smul.f32 s24, s25  }
0x215: {  	v10 =	vmul.f32 s21, v44;
	v9 =	vmul.f32 s21, v46;
	s23 =	smul.f32 s30, s23  }
0x216: {  	v41 =	vld [tilespmem:s20+$0x7D0];
	v6 =	vmul.f32 s29, v60;
	v11 =	vmul.f32 s29, v61  }
0x217: {  	v8 =	vmul.f32 s29, v62;
	v39 =	vmul.f32 s23, v63  }
0x218: {  	v7 =	vmul.f32 s23, v24;
	v6 =	vadd.f32 v6, v12;
	v10 =	vadd.f32 v11, v10  }
0x219: {  	v43 =	vld [tilespmem:s20+$0x7E0];
	v44 =	vmul.f32 s21, v50;
	v45 =	vmul.f32 s29, v25;
	v8 =	vadd.f32 v8, v9  }
0x21a: {  	v42 =	vmul.f32 s23, v26;
	v6 =	vsub.f32 v6, v39;
	v7 =	vsub.f32 v10, v7  }
0x21b: {  	v47 =	vld [tilespmem:s20+$0x7F0];
	v49 =	vmul.f32 v41, v41;
	v46 =	vmul.f32 s23, v29;
	v12 =	vadd.f32 v45, v44  }
0x21c: {  	v8 =	vsub.f32 v8, v42;
	v6 =	vand.u32 $0x7FFFFFFF, v6;
	v7 =	vand.u32 $0x7FFFFFFF, v7  }
0x21d: {  	v52 =	vadd.f32 v49, v48;
	v6 =	vadd.f32 v7, v6  }
0x21e: {  	v58 =	vld [tilespmem:s20+$0x107D0];
	v53 =	vmul.f32 v43, v43;
	v51 =	vsub.f32 v12, v46;
	v50 =	vand.u32 $0x7FFFFFFF, v8  }
0x21f: {  	v59 =	vld [tilespmem:s20+$0x107E0];
	v6 =	vadd.f32 v6, v50  }
0x220: {  	v56 =	vmul.f32 v47, v47;
	v57 =	vld [tilespmem:s20+$0x107C0];
	v55 =	vadd.f32 v53, v52;
	v54 =	vand.u32 $0x7FFFFFFF, v51  }
0x221: {  	v60 =	vld [tilespmem:s20+$0x87C0];
	v6 =	vadd.f32 v6, v54  }
0x222: {  	v61 =	vld [tilespmem:s20+$0x87D0];
	v8 =	vadd.f32 v56, v55  }
0x223: {  	v62 =	vld [tilespmem:s20+$0x107F0];
	(xrf2) =	vadd.scan.msk.f32 $0xffff, v6  }
0x224: {  	v63 =	vld [tilespmem:s20+$0x87E0];
	(xrf2) =	vadd.scan.msk.f32 $0xffff, v8  }
0x225: {  	v25 =	vmul.f32 v58, v58;
	v24 =	vmul.f32 v57, v57  }
0x226: {  	v27 =	vmul.f32 v59, v59;
	v26 =	vld [tilespmem:s20+$0x87F0]  }
0x227: {  	v28 =	vmul.f32 v60, v60;
	v29 =	vmul.f32 v61, v61;
	v6 =	vadd.f32 v25, v24  }
0x228: {  	v22 =	vmul.f32 v62, v62  }
0x229: {  	v30 =	vmul.f32 v63, v63;
	v20 =	vadd.f32 v29, v28;
	v18 =	vadd.f32 v27, v6;
	_ =	sdelay $0x1  }
0x22a: {  	v31 =	vmul.f32 v26, v26;
	v20 =	vadd.f32 v30, v20;
	v18 =	vadd.f32 v22, v18;
	_ =	sdelay $0x1  }
0x22b: {  	v33 =	vadd.f32 v31, v20;
	v6, _, _ =	vpop (xrf2);
	(xrf2) =	vadd.scan.msk.f32 $0xffff, v18  }
0x22c: {  	v32, _, _ =	vpop (xrf2)  }
0x22d: {  	(xrf2) =	vadd.scan.msk.f32 $0xffff, v33;
	(v2sf) =	vpush v32, $0xF;
	_ =	sdelay $0x7  }
0x22e: {  	v34, _, _ =	vpop (xrf2)  }
0x22f: {  	(v2sf) =	vpush v34, $0xF  }
0x230: {  	v35, _, _ =	vpop (xrf2)  }
0x231: {  	(v2sf) =	vpush v35, $0xF;
	_ =	sdelay $0x3  }
0x232: {  	s24 =	spop (v2sf)  }
0x233: {  	s25 =	sshra.s32 s24, $0x1;
	s21 =	smul.f32 $5.000000000e-01, s24  }
0x234: {  	s22 =	ssub.s32 $0x5F3759DF, s25  }
0x235: {  	s26 =	smul.f32 s22, s21;
	_ =	sdelay $0x1  }
0x236: {  	s23 =	smul.f32 s22, s26;
	_ =	sdelay $0x1  }
0x237: {  	s23 =	ssub.f32 $1.500000000e+00, s23;
	_ =	sdelay $0x1  }
0x238: {  	s22 =	smul.f32 s22, s23;
	s28 =	spop (v2sf)  }
0x239: {  	s24 =	smul.f32 $5.000000000e-01, s28  }
0x23a: {  	s29 =	sshra.s32 s28, $0x1;
	s28 =	spop (v2sf);
	s23 =	smul.f32 s22, s21  }
0x23b: {  	s25 =	ssub.s32 $0x5F3759DF, s29;
	s30 =	sshra.s32 s28, $0x1;
	s28 =	smul.f32 $5.000000000e-01, s28  }
0x23c: {  	s26 =	smul.f32 s25, s24  }
0x23d: {  	s29 =	ssub.s32 $0x5F3759DF, s30;
	s23 =	smul.f32 s23, s22  }
0x23e: {  	s30 =	smul.f32 s29, s28  }
0x23f: {  	s26 =	smul.f32 s25, s26  }
0x240: {  	s23 =	ssub.f32 $1.500000000e+00, s23;
	s30 =	smul.f32 s29, s30  }
0x241: {  	s26 =	ssub.f32 $1.500000000e+00, s26  }
0x242: {  	s22 =	smul.f32 s23, s22;
	s30 =	ssub.f32 $1.500000000e+00, s30  }
0x243: {  	s25 =	smul.f32 s25, s26  }
0x244: {  	s23 =	smul.f32 s29, s30  }
0x245: {  	s21 =	smul.f32 s22, s21  }
0x246: {  	s26 =	smul.f32 s25, s24  }
0x247: {  	s29 =	smul.f32 s23, s28  }
0x248: {  	s26 =	smul.f32 s26, s25  }
0x249: {  	s29 =	smul.f32 s29, s23  }
0x24a: {  	s26 =	ssub.f32 $1.500000000e+00, s26  }
0x24b: {  	s21 =	smul.f32 s21, s22;
	s30 =	ssub.f32 $1.500000000e+00, s29  }
0x24c: {  	s25 =	smul.f32 s26, s25  }
0x24d: {  	s23 =	smul.f32 s30, s23  }
0x24e: {  	s24 =	smul.f32 s25, s24  }
0x24f: {  	v37 =	vld [tilespmem:s20+$0x800];
	s26 =	smul.f32 s23, s28  }
0x250: {  	s21 =	ssub.f32 $1.500000000e+00, s21;
	s24 =	smul.f32 s24, s25  }
0x251: {  	s26 =	smul.f32 s26, s23  }
0x252: {  	s21 =	smul.f32 s21, s22;
	s24 =	ssub.f32 $1.500000000e+00, s24  }
0x253: {  	s30 =	ssub.f32 $1.500000000e+00, s26  }
0x254: {  	v45 =	vmul.f32 v37, v37;
	v13 =	vmul.f32 s21, v40;
	s29 =	smul.f32 s24, s25  }
0x255: {  	v11 =	vmul.f32 s21, v41;
	v10 =	vmul.f32 s21, v43;
	s23 =	smul.f32 s30, s23  }
0x256: {  	v38 =	vld [tilespmem:s20+$0x810];
	v7 =	vmul.f32 s29, v57;
	v12 =	vmul.f32 s29, v58  }
0x257: {  	v9 =	vmul.f32 s29, v59;
	v36 =	vmul.f32 s23, v60  }
0x258: {  	v8 =	vmul.f32 s23, v61;
	v7 =	vadd.f32 v7, v13;
	v11 =	vadd.f32 v12, v11  }
0x259: {  	v40 =	vld [tilespmem:s20+$0x820];
	v41 =	vmul.f32 s21, v47;
	v42 =	vmul.f32 s29, v62;
	v9 =	vadd.f32 v9, v10  }
0x25a: {  	v39 =	vmul.f32 s23, v63;
	v7 =	vsub.f32 v7, v36;
	v8 =	vsub.f32 v11, v8  }
0x25b: {  	v44 =	vld [tilespmem:s20+$0x830];
	v46 =	vmul.f32 v38, v38;
	v43 =	vmul.f32 s23, v26;
	v13 =	vadd.f32 v42, v41  }
0x25c: {  	v9 =	vsub.f32 v9, v39;
	v7 =	vand.u32 $0x7FFFFFFF, v7;
	v8 =	vand.u32 $0x7FFFFFFF, v8  }
0x25d: {  	v49 =	vadd.f32 v46, v45;
	v7 =	vadd.f32 v8, v7  }
0x25e: {  	v55 =	vld [tilespmem:s20+$0x10810];
	v50 =	vmul.f32 v40, v40;
	v48 =	vsub.f32 v13, v43;
	v47 =	vand.u32 $0x7FFFFFFF, v9  }
0x25f: {  	v56 =	vld [tilespmem:s20+$0x10820];
	v7 =	vadd.f32 v7, v47  }
0x260: {  	v53 =	vmul.f32 v44, v44;
	v54 =	vld [tilespmem:s20+$0x10800];
	v52 =	vadd.f32 v50, v49;
	v51 =	vand.u32 $0x7FFFFFFF, v48  }
0x261: {  	v57 =	vld [tilespmem:s20+$0x8800];
	v7 =	vadd.f32 v7, v51  }
0x262: {  	v58 =	vld [tilespmem:s20+$0x8810];
	v9 =	vadd.f32 v53, v52  }
0x263: {  	v59 =	vld [tilespmem:s20+$0x10830];
	(xrf2) =	vadd.scan.msk.f32 $0xffff, v7  }
0x264: {  	v60 =	vld [tilespmem:s20+$0x8820];
	(xrf2) =	vadd.scan.msk.f32 $0xffff, v9  }
0x265: {  	v62 =	vmul.f32 v55, v55;
	v61 =	vmul.f32 v54, v54  }
0x266: {  	v24 =	vmul.f32 v56, v56;
	v63 =	vld [tilespmem:s20+$0x8830]  }
0x267: {  	v25 =	vmul.f32 v57, v57;
	v26 =	vmul.f32 v58, v58;
	v7 =	vadd.f32 v62, v61  }
0x268: {  	v23 =	vmul.f32 v59, v59  }
0x269: {  	v27 =	vmul.f32 v60, v60;
	v21 =	vadd.f32 v26, v25;
	v19 =	vadd.f32 v24, v7;
	_ =	sdelay $0x1  }
0x26a: {  	v28 =	vmul.f32 v63, v63;
	v21 =	vadd.f32 v27, v21;
	v19 =	vadd.f32 v23, v19;
	_ =	sdelay $0x1  }
0x26b: {  	v30 =	vadd.f32 v28, v21;
	v7, _, _ =	vpop (xrf2);
	(xrf2) =	vadd.scan.msk.f32 $0xffff, v19  }
0x26c: {  	v29, _, _ =	vpop (xrf2)  }
0x26d: {  	(xrf2) =	vadd.scan.msk.f32 $0xffff, v30;
	(v2sf) =	vpush v29, $0xF;
	_ =	sdelay $0x7  }
0x26e: {  	v31, _, _ =	vpop (xrf2)  }
0x26f: {  	(v2sf) =	vpush v31, $0xF  }
0x270: {  	v32, _, _ =	vpop (xrf2)  }
0x271: {  	(v2sf) =	vpush v32, $0xF;
	_ =	sdelay $0x3  }
0x272: {  	s24 =	spop (v2sf)  }
0x273: {  	s25 =	sshra.s32 s24, $0x1;
	s21 =	smul.f32 $5.000000000e-01, s24  }
0x274: {  	s22 =	ssub.s32 $0x5F3759DF, s25  }
0x275: {  	s26 =	smul.f32 s22, s21;
	_ =	sdelay $0x1  }
0x276: {  	s23 =	smul.f32 s22, s26;
	_ =	sdelay $0x1  }
0x277: {  	s23 =	ssub.f32 $1.500000000e+00, s23;
	_ =	sdelay $0x1  }
0x278: {  	s22 =	smul.f32 s22, s23;
	s28 =	spop (v2sf)  }
0x279: {  	s24 =	smul.f32 $5.000000000e-01, s28  }
0x27a: {  	s29 =	sshra.s32 s28, $0x1;
	s28 =	spop (v2sf);
	s23 =	smul.f32 s22, s21  }
0x27b: {  	s25 =	ssub.s32 $0x5F3759DF, s29;
	s30 =	sshra.s32 s28, $0x1;
	s28 =	smul.f32 $5.000000000e-01, s28  }
0x27c: {  	s26 =	smul.f32 s25, s24  }
0x27d: {  	s29 =	ssub.s32 $0x5F3759DF, s30;
	s23 =	smul.f32 s23, s22  }
0x27e: {  	s30 =	smul.f32 s29, s28  }
0x27f: {  	s26 =	smul.f32 s25, s26  }
0x280: {  	s23 =	ssub.f32 $1.500000000e+00, s23;
	s30 =	smul.f32 s29, s30  }
0x281: {  	s26 =	ssub.f32 $1.500000000e+00, s26  }
0x282: {  	s22 =	smul.f32 s23, s22;
	s30 =	ssub.f32 $1.500000000e+00, s30  }
0x283: {  	s25 =	smul.f32 s25, s26  }
0x284: {  	s23 =	smul.f32 s29, s30  }
0x285: {  	s21 =	smul.f32 s22, s21  }
0x286: {  	s26 =	smul.f32 s25, s24  }
0x287: {  	s29 =	smul.f32 s23, s28  }
0x288: {  	s26 =	smul.f32 s26, s25  }
0x289: {  	s29 =	smul.f32 s29, s23  }
0x28a: {  	s26 =	ssub.f32 $1.500000000e+00, s26  }
0x28b: {  	s21 =	smul.f32 s21, s22;
	s30 =	ssub.f32 $1.500000000e+00, s29  }
0x28c: {  	s25 =	smul.f32 s26, s25  }
0x28d: {  	s23 =	smul.f32 s30, s23  }
0x28e: {  	s24 =	smul.f32 s25, s24  }
0x28f: {  	v34 =	vld [tilespmem:s20+$0x840];
	s26 =	smul.f32 s23, s28  }
0x290: {  	s21 =	ssub.f32 $1.500000000e+00, s21;
	s24 =	smul.f32 s24, s25  }
0x291: {  	s26 =	smul.f32 s26, s23  }
0x292: {  	s21 =	smul.f32 s21, s22;
	s24 =	ssub.f32 $1.500000000e+00, s24  }
0x293: {  	s30 =	ssub.f32 $1.500000000e+00, s26  }
0x294: {  	v42 =	vmul.f32 v34, v34;
	v14 =	vmul.f32 s21, v37;
	s29 =	smul.f32 s24, s25  }
0x295: {  	v12 =	vmul.f32 s21, v38;
	v11 =	vmul.f32 s21, v40;
	s23 =	smul.f32 s30, s23  }
0x296: {  	v35 =	vld [tilespmem:s20+$0x850];
	v8 =	vmul.f32 s29, v54;
	v13 =	vmul.f32 s29, v55  }
0x297: {  	v10 =	vmul.f32 s29, v56;
	v33 =	vmul.f32 s23, v57  }
0x298: {  	v9 =	vmul.f32 s23, v58;
	v8 =	vadd.f32 v8, v14;
	v12 =	vadd.f32 v13, v12  }
0x299: {  	v37 =	vld [tilespmem:s20+$0x860];
	v38 =	vmul.f32 s21, v44;
	v39 =	vmul.f32 s29, v59;
	v10 =	vadd.f32 v10, v11  }
0x29a: {  	v36 =	vmul.f32 s23, v60;
	v8 =	vsub.f32 v8, v33;
	v9 =	vsub.f32 v12, v9  }
0x29b: {  	v41 =	vld [tilespmem:s20+$0x870];
	v43 =	vmul.f32 v35, v35;
	v40 =	vmul.f32 s23, v63;
	v14 =	vadd.f32 v39, v38  }
0x29c: {  	v10 =	vsub.f32 v10, v36;
	v8 =	vand.u32 $0x7FFFFFFF, v8;
	v9 =	vand.u32 $0x7FFFFFFF, v9  }
0x29d: {  	v46 =	vadd.f32 v43, v42;
	v8 =	vadd.f32 v9, v8  }
0x29e: {  	v52 =	vld [tilespmem:s20+$0x10850];
	v47 =	vmul.f32 v37, v37;
	v45 =	vsub.f32 v14, v40;
	v44 =	vand.u32 $0x7FFFFFFF, v10  }
0x29f: {  	v53 =	vld [tilespmem:s20+$0x10860];
	v8 =	vadd.f32 v8, v44  }
0x2a0: {  	v50 =	vmul.f32 v41, v41;
	v51 =	vld [tilespmem:s20+$0x10840];
	v49 =	vadd.f32 v47, v46;
	v48 =	vand.u32 $0x7FFFFFFF, v45  }
0x2a1: {  	v54 =	vld [tilespmem:s20+$0x8840];
	v8 =	vadd.f32 v8, v48  }
0x2a2: {  	v55 =	vld [tilespmem:s20+$0x8850];
	v10 =	vadd.f32 v50, v49  }
0x2a3: {  	v56 =	vld [tilespmem:s20+$0x10870];
	(xrf2) =	vadd.scan.msk.f32 $0xffff, v8  }
0x2a4: {  	v57 =	vld [tilespmem:s20+$0x8860];
	(xrf2) =	vadd.scan.msk.f32 $0xffff, v10  }
0x2a5: {  	v59 =	vmul.f32 v52, v52;
	v58 =	vmul.f32 v51, v51  }
0x2a6: {  	v61 =	vmul.f32 v53, v53;
	v60 =	vld [tilespmem:s20+$0x8870]  }
0x2a7: {  	v62 =	vmul.f32 v54, v54;
	v63 =	vmul.f32 v55, v55;
	v8 =	vadd.f32 v59, v58  }
0x2a8: {  	v24 =	vmul.f32 v56, v56  }
0x2a9: {  	v28 =	vmul.f32 v57, v57;
	v22 =	vadd.f32 v63, v62;
	v20 =	vadd.f32 v61, v8;
	_ =	sdelay $0x1  }
0x2aa: {  	v29 =	vmul.f32 v60, v60;
	v22 =	vadd.f32 v28, v22;
	v20 =	vadd.f32 v24, v20;
	_ =	sdelay $0x1  }
0x2ab: {  	v31 =	vadd.f32 v29, v22;
	v8, _, _ =	vpop (xrf2);
	(xrf2) =	vadd.scan.msk.f32 $0xffff, v20  }
0x2ac: {  	v30, _, _ =	vpop (xrf2)  }
0x2ad: {  	(xrf2) =	vadd.scan.msk.f32 $0xffff, v31;
	(v2sf) =	vpush v30, $0xF;
	_ =	sdelay $0x7  }
0x2ae: {  	v32, _, _ =	vpop (xrf2)  }
0x2af: {  	(v2sf) =	vpush v32, $0xF  }
0x2b0: {  	v33, _, _ =	vpop (xrf2)  }
0x2b1: {  	(v2sf) =	vpush v33, $0xF;
	_ =	sdelay $0x3  }
0x2b2: {  	s24 =	spop (v2sf)  }
0x2b3: {  	s25 =	sshra.s32 s24, $0x1;
	s21 =	smul.f32 $5.000000000e-01, s24  }
0x2b4: {  	s22 =	ssub.s32 $0x5F3759DF, s25  }
0x2b5: {  	s26 =	smul.f32 s22, s21;
	_ =	sdelay $0x1  }
0x2b6: {  	s23 =	smul.f32 s22, s26;
	_ =	sdelay $0x1  }
0x2b7: {  	s23 =	ssub.f32 $1.500000000e+00, s23;
	_ =	sdelay $0x1  }
0x2b8: {  	s22 =	smul.f32 s22, s23;
	s28 =	spop (v2sf)  }
0x2b9: {  	s24 =	smul.f32 $5.000000000e-01, s28  }
0x2ba: {  	s29 =	sshra.s32 s28, $0x1;
	s28 =	spop (v2sf);
	s23 =	smul.f32 s22, s21  }
0x2bb: {  	s25 =	ssub.s32 $0x5F3759DF, s29;
	s30 =	sshra.s32 s28, $0x1;
	s28 =	smul.f32 $5.000000000e-01, s28  }
0x2bc: {  	s26 =	smul.f32 s25, s24  }
0x2bd: {  	s29 =	ssub.s32 $0x5F3759DF, s30;
	s23 =	smul.f32 s23, s22  }
0x2be: {  	s30 =	smul.f32 s29, s28  }
0x2bf: {  	s26 =	smul.f32 s25, s26  }
0x2c0: {  	s23 =	ssub.f32 $1.500000000e+00, s23;
	s30 =	smul.f32 s29, s30  }
0x2c1: {  	s26 =	ssub.f32 $1.500000000e+00, s26  }
0x2c2: {  	s22 =	smul.f32 s23, s22;
	s30 =	ssub.f32 $1.500000000e+00, s30  }
0x2c3: {  	s25 =	smul.f32 s25, s26  }
0x2c4: {  	s23 =	smul.f32 s29, s30  }
0x2c5: {  	s21 =	smul.f32 s22, s21  }
0x2c6: {  	s26 =	smul.f32 s25, s24  }
0x2c7: {  	s29 =	smul.f32 s23, s28  }
0x2c8: {  	s26 =	smul.f32 s26, s25  }
0x2c9: {  	s29 =	smul.f32 s29, s23  }
0x2ca: {  	s26 =	ssub.f32 $1.500000000e+00, s26  }
0x2cb: {  	s21 =	smul.f32 s21, s22;
	s30 =	ssub.f32 $1.500000000e+00, s29  }
0x2cc: {  	s25 =	smul.f32 s26, s25  }
0x2cd: {  	s23 =	smul.f32 s30, s23  }
0x2ce: {  	s24 =	smul.f32 s25, s24  }
0x2cf: {  	v36 =	vld [tilespmem:s20+$0x890];
	s26 =	smul.f32 s23, s28  }
0x2d0: {  	s21 =	ssub.f32 $1.500000000e+00, s21;
	s24 =	smul.f32 s24, s25  }
0x2d1: {  	s26 =	smul.f32 s26, s23  }
0x2d2: {  	s21 =	smul.f32 s21, s22;
	s24 =	ssub.f32 $1.500000000e+00, s24  }
0x2d3: {  	s30 =	ssub.f32 $1.500000000e+00, s26  }
0x2d4: {  	v44 =	vmul.f32 v36, v36;
	v15 =	vmul.f32 s21, v34;
	s29 =	smul.f32 s24, s25  }
0x2d5: {  	v13 =	vmul.f32 s21, v35;
	v12 =	vmul.f32 s21, v37;
	s23 =	smul.f32 s30, s23  }
0x2d6: {  	v35 =	vld [tilespmem:s20+$0x880];
	v9 =	vmul.f32 s29, v51;
	v14 =	vmul.f32 s29, v52  }
0x2d7: {  	v11 =	vmul.f32 s29, v53;
	v34 =	vmul.f32 s23, v54  }
0x2d8: {  	v38 =	vld [tilespmem:s20+$0x8A0];
	v10 =	vmul.f32 s23, v55;
	v9 =	vadd.f32 v9, v15;
	v13 =	vadd.f32 v14, v13  }
0x2d9: {  	v39 =	vmul.f32 s21, v41;
	v40 =	vmul.f32 s29, v56;
	v11 =	vadd.f32 v11, v12  }
0x2da: {  	v37 =	vmul.f32 s23, v57;
	v9 =	vsub.f32 v9, v34;
	v10 =	vsub.f32 v13, v10  }
0x2db: {  	v42 =	vld [tilespmem:s20+$0x8B0];
	v43 =	vmul.f32 v35, v35;
	v41 =	vmul.f32 s23, v60;
	v15 =	vadd.f32 v40, v39  }
0x2dc: {  	v11 =	vsub.f32 v11, v37;
	v9 =	vand.u32 $0x7FFFFFFF, v9;
	v10 =	vand.u32 $0x7FFFFFFF, v10  }
0x2dd: {  	v48 =	vmul.f32 v38, v38;
	v9 =	vadd.f32 v10, v9  }
0x2de: {  	v47 =	vadd.f32 v44, v43;
	v52 =	vld [tilespmem:s20+$0x10880];
	v46 =	vsub.f32 v15, v41;
	v45 =	vand.u32 $0x7FFFFFFF, v11  }
0x2df: {  	v53 =	vld [tilespmem:s20+$0x10890];
	v9 =	vadd.f32 v9, v45  }
0x2e0: {  	v50 =	vadd.f32 v48, v47;
	v51 =	vmul.f32 v42, v42;
	v56 =	vld [tilespmem:s20+$0x8890];
	v49 =	vand.u32 $0x7FFFFFFF, v46  }
0x2e1: {  	v54 =	vld [tilespmem:s20+$0x108A0];
	v9 =	vadd.f32 v9, v49  }
0x2e2: {  	v55 =	vld [tilespmem:s20+$0x8880];
	v11 =	vadd.f32 v51, v50  }
0x2e3: {  	v58 =	vld [tilespmem:s20+$0x88A0];
	(xrf2) =	vadd.scan.msk.f32 $0xffff, v9  }
0x2e4: {  	v57 =	vld [tilespmem:s20+$0x108B0];
	(xrf2) =	vadd.scan.msk.f32 $0xffff, v11  }
0x2e5: {  	v59 =	vmul.f32 v52, v52;
	v60 =	vmul.f32 v53, v53  }
0x2e6: {  	v61 =	vld [tilespmem:s20+$0x88B0];
	v28 =	vmul.f32 v56, v56  }
0x2e7: {  	v62 =	vmul.f32 v54, v54;
	v63 =	vmul.f32 v55, v55;
	v9 =	vadd.f32 v60, v59  }
0x2e8: {  	v29 =	vmul.f32 v58, v58  }
0x2e9: {  	v25 =	vmul.f32 v57, v57;
	v23 =	vadd.f32 v28, v63;
	v21 =	vadd.f32 v62, v9;
	_ =	sdelay $0x1  }
0x2ea: {  	v30 =	vmul.f32 v61, v61;
	v23 =	vadd.f32 v29, v23;
	v21 =	vadd.f32 v25, v21;
	_ =	sdelay $0x1  }
0x2eb: {  	v32 =	vadd.f32 v30, v23;
	v9, _, _ =	vpop (xrf2);
	(xrf2) =	vadd.scan.msk.f32 $0xffff, v21  }
0x2ec: {  	v31, _, _ =	vpop (xrf2)  }
0x2ed: {  	(xrf2) =	vadd.scan.msk.f32 $0xffff, v32;
	(v2sf) =	vpush v31, $0xF;
	_ =	sdelay $0x7  }
0x2ee: {  	v33, _, _ =	vpop (xrf2)  }
0x2ef: {  	(v2sf) =	vpush v33, $0xF  }
0x2f0: {  	v34, _, _ =	vpop (xrf2)  }
0x2f1: {  	(v2sf) =	vpush v34, $0xF;
	_ =	sdelay $0x3  }
0x2f2: {  	s24 =	spop (v2sf)  }
0x2f3: {  	s25 =	sshra.s32 s24, $0x1;
	s21 =	smul.f32 $5.000000000e-01, s24  }
0x2f4: {  	s22 =	ssub.s32 $0x5F3759DF, s25  }
0x2f5: {  	s26 =	smul.f32 s22, s21;
	_ =	sdelay $0x1  }
0x2f6: {  	s23 =	smul.f32 s22, s26;
	_ =	sdelay $0x1  }
0x2f7: {  	s23 =	ssub.f32 $1.500000000e+00, s23;
	_ =	sdelay $0x1  }
0x2f8: {  	s22 =	smul.f32 s22, s23;
	s28 =	spop (v2sf)  }
0x2f9: {  	s24 =	smul.f32 $5.000000000e-01, s28  }
0x2fa: {  	s29 =	sshra.s32 s28, $0x1;
	s28 =	spop (v2sf);
	s23 =	smul.f32 s22, s21  }
0x2fb: {  	s25 =	ssub.s32 $0x5F3759DF, s29;
	s30 =	sshra.s32 s28, $0x1;
	s28 =	smul.f32 $5.000000000e-01, s28  }
0x2fc: {  	s26 =	smul.f32 s25, s24  }
0x2fd: {  	s29 =	ssub.s32 $0x5F3759DF, s30;
	s23 =	smul.f32 s23, s22  }
0x2fe: {  	s30 =	smul.f32 s29, s28  }
0x2ff: {  	s26 =	smul.f32 s25, s26  }
0x300: {  	s23 =	ssub.f32 $1.500000000e+00, s23;
	s30 =	smul.f32 s29, s30  }
0x301: {  	s26 =	ssub.f32 $1.500000000e+00, s26  }
0x302: {  	s22 =	smul.f32 s23, s22;
	s30 =	ssub.f32 $1.500000000e+00, s30  }
0x303: {  	s25 =	smul.f32 s25, s26  }
0x304: {  	s23 =	smul.f32 s29, s30  }
0x305: {  	s21 =	smul.f32 s22, s21  }
0x306: {  	s26 =	smul.f32 s25, s24  }
0x307: {  	s29 =	smul.f32 s23, s28  }
0x308: {  	s26 =	smul.f32 s26, s25  }
0x309: {  	s29 =	smul.f32 s29, s23  }
0x30a: {  	s26 =	ssub.f32 $1.500000000e+00, s26  }
0x30b: {  	s21 =	smul.f32 s21, s22;
	s30 =	ssub.f32 $1.500000000e+00, s29  }
0x30c: {  	s25 =	smul.f32 s26, s25  }
0x30d: {  	s23 =	smul.f32 s30, s23  }
0x30e: {  	s24 =	smul.f32 s25, s24  }
0x30f: {  	v37 =	vld [tilespmem:s20+$0x8D0];
	s26 =	smul.f32 s23, s28  }
0x310: {  	s21 =	ssub.f32 $1.500000000e+00, s21;
	s24 =	smul.f32 s24, s25  }
0x311: {  	s26 =	smul.f32 s26, s23  }
0x312: {  	s21 =	smul.f32 s21, s22;
	s24 =	ssub.f32 $1.500000000e+00, s24  }
0x313: {  	s30 =	ssub.f32 $1.500000000e+00, s26  }
0x314: {  	v45 =	vmul.f32 v37, v37;
	v16 =	vmul.f32 s21, v35;
	s29 =	smul.f32 s24, s25  }
0x315: {  	v14 =	vmul.f32 s21, v36;
	v13 =	vmul.f32 s21, v38;
	s23 =	smul.f32 s30, s23  }
0x316: {  	v36 =	vld [tilespmem:s20+$0x8C0];
	v10 =	vmul.f32 s29, v52;
	v15 =	vmul.f32 s29, v53  }
0x317: {  	v12 =	vmul.f32 s29, v54;
	v35 =	vmul.f32 s23, v55  }
0x318: {  	v39 =	vld [tilespmem:s20+$0x8E0];
	v11 =	vmul.f32 s23, v56;
	v10 =	vadd.f32 v10, v16;
	v14 =	vadd.f32 v15, v14  }
0x319: {  	v40 =	vmul.f32 s21, v42;
	v41 =	vmul.f32 s29, v57;
	v12 =	vadd.f32 v12, v13  }
0x31a: {  	v38 =	vmul.f32 s23, v58;
	v10 =	vsub.f32 v10, v35;
	v11 =	vsub.f32 v14, v11  }
0x31b: {  	v43 =	vld [tilespmem:s20+$0x8F0];
	v44 =	vmul.f32 v36, v36;
	v42 =	vmul.f32 s23, v61;
	v16 =	vadd.f32 v41, v40  }
0x31c: {  	v12 =	vsub.f32 v12, v38;
	v10 =	vand.u32 $0x7FFFFFFF, v10;
	v11 =	vand.u32 $0x7FFFFFFF, v11  }
0x31d: {  	v49 =	vmul.f32 v39, v39;
	v10 =	vadd.f32 v11, v10  }
0x31e: {  	v48 =	vadd.f32 v45, v44;
	v53 =	vld [tilespmem:s20+$0x108C0];
	v47 =	vsub.f32 v16, v42;
	v46 =	vand.u32 $0x7FFFFFFF, v12  }
0x31f: {  	v54 =	vld [tilespmem:s20+$0x108D0];
	v10 =	vadd.f32 v10, v46  }
0x320: {  	v51 =	vadd.f32 v49, v48;
	v52 =	vmul.f32 v43, v43;
	v57 =	vld [tilespmem:s20+$0x88D0];
	v50 =	vand.u32 $0x7FFFFFFF, v47  }
0x321: {  	v55 =	vld [tilespmem:s20+$0x108E0];
	v10 =	vadd.f32 v10, v50  }
0x322: {  	v56 =	vld [tilespmem:s20+$0x88C0];
	v12 =	vadd.f32 v52, v51  }
0x323: {  	v59 =	vld [tilespmem:s20+$0x88E0];
	(xrf2) =	vadd.scan.msk.f32 $0xffff, v10  }
0x324: {  	v58 =	vld [tilespmem:s20+$0x108F0];
	(xrf2) =	vadd.scan.msk.f32 $0xffff, v12  }
0x325: {  	v60 =	vmul.f32 v53, v53;
	v61 =	vmul.f32 v54, v54  }
0x326: {  	v62 =	vld [tilespmem:s20+$0x88F0];
	v29 =	vmul.f32 v57, v57  }
0x327: {  	v63 =	vmul.f32 v55, v55;
	v28 =	vmul.f32 v56, v56;
	v10 =	vadd.f32 v61, v60  }
0x328: {  	v30 =	vmul.f32 v59, v59  }
0x329: {  	v26 =	vmul.f32 v58, v58;
	v24 =	vadd.f32 v29, v28;
	v22 =	vadd.f32 v63, v10;
	_ =	sdelay $0x1  }
0x32a: {  	v31 =	vmul.f32 v62, v62;
	v24 =	vadd.f32 v30, v24;
	v22 =	vadd.f32 v26, v22;
	_ =	sdelay $0x1  }
0x32b: {  	v33 =	vadd.f32 v31, v24;
	v10, _, _ =	vpop (xrf2);
	(xrf2) =	vadd.scan.msk.f32 $0xffff, v22  }
0x32c: {  	v32, _, _ =	vpop (xrf2)  }
0x32d: {  	(xrf2) =	vadd.scan.msk.f32 $0xffff, v33;
	(v2sf) =	vpush v32, $0xF;
	_ =	sdelay $0x7  }
0x32e: {  	v34, _, _ =	vpop (xrf2)  }
0x32f: {  	(v2sf) =	vpush v34, $0xF  }
0x330: {  	v35, _, _ =	vpop (xrf2)  }
0x331: {  	(v2sf) =	vpush v35, $0xF;
	_ =	sdelay $0x3  }
0x332: {  	s24 =	spop (v2sf)  }
0x333: {  	s25 =	sshra.s32 s24, $0x1;
	s21 =	smul.f32 $5.000000000e-01, s24  }
0x334: {  	s22 =	ssub.s32 $0x5F3759DF, s25  }
0x335: {  	s26 =	smul.f32 s22, s21;
	_ =	sdelay $0x1  }
0x336: {  	s23 =	smul.f32 s22, s26;
	_ =	sdelay $0x1  }
0x337: {  	s23 =	ssub.f32 $1.500000000e+00, s23;
	_ =	sdelay $0x1  }
0x338: {  	s22 =	smul.f32 s22, s23;
	s28 =	spop (v2sf)  }
0x339: {  	s24 =	smul.f32 $5.000000000e-01, s28  }
0x33a: {  	s29 =	sshra.s32 s28, $0x1;
	s28 =	spop (v2sf);
	s23 =	smul.f32 s22, s21  }
0x33b: {  	s25 =	ssub.s32 $0x5F3759DF, s29;
	s30 =	sshra.s32 s28, $0x1;
	s28 =	smul.f32 $5.000000000e-01, s28  }
0x33c: {  	s26 =	smul.f32 s25, s24  }
0x33d: {  	s23 =	smul.f32 s23, s22  }
0x33e: {  	s29 =	ssub.s32 $0x5F3759DF, s30;
	s26 =	smul.f32 s25, s26  }
0x33f: {  	s30 =	smul.f32 s29, s28  }
0x340: {  	s26 =	ssub.f32 $1.500000000e+00, s26  }
0x341: {  	s23 =	ssub.f32 $1.500000000e+00, s23;
	s30 =	smul.f32 s29, s30  }
0x342: {  	s25 =	smul.f32 s25, s26  }
0x343: {  	s22 =	smul.f32 s23, s22;
	s30 =	ssub.f32 $1.500000000e+00, s30  }
0x344: {  	s26 =	smul.f32 s25, s24  }
0x345: {  	s23 =	smul.f32 s29, s30  }
0x346: {  	s26 =	smul.f32 s26, s25  }
0x347: {  	s29 =	smul.f32 s23, s28  }
0x348: {  	s21 =	smul.f32 s22, s21;
	s26 =	ssub.f32 $1.500000000e+00, s26  }
0x349: {  	s29 =	smul.f32 s29, s23  }
0x34a: {  	s25 =	smul.f32 s26, s25  }
0x34b: {  	s21 =	smul.f32 s21, s22;
	s30 =	ssub.f32 $1.500000000e+00, s29  }
0x34c: {  	s24 =	smul.f32 s25, s24  }
0x34d: {  	s23 =	smul.f32 s30, s23  }
0x34e: {  	s21 =	ssub.f32 $1.500000000e+00, s21;
	s24 =	smul.f32 s24, s25  }
0x34f: {  	s26 =	smul.f32 s23, s28  }
0x350: {  	s21 =	smul.f32 s21, s22;
	s24 =	ssub.f32 $1.500000000e+00, s24  }
0x351: {  	s26 =	smul.f32 s26, s23  }
0x352: {  	s29 =	smul.f32 s24, s25  }
0x353: {  	v17 =	vmul.f32 s21, v36;
	s30 =	ssub.f32 $1.500000000e+00, s26  }
0x354: {  	v18 =	vld [tilespmem:s20+$0x900];
	v15 =	vmul.f32 s21, v37;
	v16 =	vmul.f32 s29, v54  }
0x355: {  	v14 =	vmul.f32 s21, v39;
	s23 =	smul.f32 s30, s23;
	v11 =	vmul.f32 s29, v53  }
0x356: {  	v39 =	vmul.f32 s21, v43;
	v13 =	vmul.f32 s29, v55;
	v15 =	vadd.f32 v16, v15;
	v16 =	vld [tilespmem:s20+$0x910]  }
0x357: {  	v38 =	vld [tilespmem:s20+$0x920];
	v36 =	vmul.f32 s23, v56;
	v12 =	vmul.f32 s23, v57;
	v11 =	vadd.f32 v11, v17  }
0x358: {  	v40 =	vmul.f32 s29, v58;
	v37 =	vmul.f32 s23, v59;
	v13 =	vadd.f32 v13, v14  }
0x359: {  	v43 =	vmul.f32 v18, v18;
	v11 =	vsub.f32 v11, v36;
	v12 =	vsub.f32 v15, v12  }
0x35a: {  	v42 =	vld [tilespmem:s20+$0x930];
	v41 =	vmul.f32 s23, v62;
	v17 =	vadd.f32 v40, v39;
	v13 =	vsub.f32 v13, v37  }
0x35b: {  	v11 =	vand.u32 $0x7FFFFFFF, v11;
	v12 =	vand.u32 $0x7FFFFFFF, v12;
	v44 =	vmul.f32 v16, v16  }
0x35c: {  	v48 =	vmul.f32 v38, v38;
	v11 =	vadd.f32 v12, v11  }
0x35d: {  	v46 =	vsub.f32 v17, v41;
	v45 =	vand.u32 $0x7FFFFFFF, v13;
	v47 =	vadd.f32 v44, v43  }
0x35e: {  	v52 =	vld [tilespmem:s20+$0x10900];
	v11 =	vadd.f32 v11, v45  }
0x35f: {  	v51 =	vmul.f32 v42, v42;
	v53 =	vld [tilespmem:s20+$0x10910];
	v49 =	vand.u32 $0x7FFFFFFF, v46;
	v50 =	vadd.f32 v48, v47  }
0x360: {  	v54 =	vld [tilespmem:s20+$0x10920];
	v11 =	vadd.f32 v11, v49  }
0x361: {  	v55 =	vld [tilespmem:s20+$0x8900];
	v13 =	vadd.f32 v51, v50  }
0x362: {  	v56 =	vld [tilespmem:s20+$0x8910];
	(xrf2) =	vadd.scan.msk.f32 $0xffff, v11  }
0x363: {  	v57 =	vld [tilespmem:s20+$0x10930];
	(xrf2) =	vadd.scan.msk.f32 $0xffff, v13  }
0x364: {  	v58 =	vld [tilespmem:s20+$0x8920];
	v59 =	vmul.f32 v52, v52;
	v60 =	vmul.f32 v53, v53;
	_ =	sdelay $0x1  }
0x365: {  	v61 =	vld [tilespmem:s20+$0x8930];
	v62 =	vmul.f32 v54, v54;
	v11 =	vadd.f32 v60, v59  }
0x366: {  	v63 =	vmul.f32 v55, v55;
	v30 =	vmul.f32 v56, v56  }
0x367: {  	v27 =	vmul.f32 v57, v57;
	v23 =	vadd.f32 v62, v11  }
0x368: {  	v31 =	vmul.f32 v58, v58;
	v25 =	vadd.f32 v30, v63  }
0x369: {  	v23 =	vadd.f32 v27, v23  }
0x36a: {  	v32 =	vmul.f32 v61, v61;
	v25 =	vadd.f32 v31, v25  }
0x36b: {  	v11, _, _ =	vpop (xrf2);
	(xrf2) =	vadd.scan.msk.f32 $0xffff, v23  }
0x36c: {  	v34 =	vadd.f32 v32, v25;
	v33, _, _ =	vpop (xrf2)  }
0x36d: {  	(v2sf) =	vpush v33, $0xF  }
0x36e: {  	(xrf2) =	vadd.scan.msk.f32 $0xffff, v34;
	_ =	sdelay $0x6  }
0x36f: {  	v35, _, _ =	vpop (xrf2)  }
0x370: {  	(v2sf) =	vpush v35, $0xF;
	_ =	sdelay $0x1  }
0x371: {  	v36, _, _ =	vpop (xrf2)  }
0x372: {  	(v2sf) =	vpush v36, $0xF;
	_ =	sdelay $0x2  }
0x373: {  	s24 =	spop (v2sf)  }
0x374: {  	s25 =	sshra.s32 s24, $0x1;
	s21 =	smul.f32 $5.000000000e-01, s24  }
0x375: {  	s22 =	ssub.s32 $0x5F3759DF, s25  }
0x376: {  	s26 =	smul.f32 s22, s21;
	_ =	sdelay $0x1  }
0x377: {  	s23 =	smul.f32 s22, s26;
	_ =	sdelay $0x1  }
0x378: {  	s23 =	ssub.f32 $1.500000000e+00, s23;
	_ =	sdelay $0x1  }
0x379: {  	s28 =	spop (v2sf);
	s22 =	smul.f32 s22, s23  }
0x37a: {  	s29 =	sshra.s32 s28, $0x1;
	s24 =	smul.f32 $5.000000000e-01, s28  }
0x37b: {  	s25 =	ssub.s32 $0x5F3759DF, s29;
	s23 =	smul.f32 s22, s21  }
0x37c: {  	s28 =	spop (v2sf);
	s26 =	smul.f32 s25, s24  }
0x37d: {  	s30 =	sshra.s32 s28, $0x1;
	s28 =	smul.f32 $5.000000000e-01, s28  }
0x37e: {  	s23 =	smul.f32 s23, s22  }
0x37f: {  	s29 =	ssub.s32 $0x5F3759DF, s30;
	s26 =	smul.f32 s25, s26  }
0x380: {  	s30 =	smul.f32 s29, s28  }
0x381: {  	s26 =	ssub.f32 $1.500000000e+00, s26  }
0x382: {  	s23 =	ssub.f32 $1.500000000e+00, s23;
	s30 =	smul.f32 s29, s30  }
0x383: {  	s25 =	smul.f32 s25, s26  }
0x384: {  	s22 =	smul.f32 s23, s22;
	s30 =	ssub.f32 $1.500000000e+00, s30  }
0x385: {  	s26 =	smul.f32 s25, s24  }
0x386: {  	s23 =	smul.f32 s29, s30  }
0x387: {  	s26 =	smul.f32 s26, s25  }
0x388: {  	s29 =	smul.f32 s23, s28  }
0x389: {  	s21 =	smul.f32 s22, s21;
	s26 =	ssub.f32 $1.500000000e+00, s26  }
0x38a: {  	s29 =	smul.f32 s29, s23  }
0x38b: {  	s25 =	smul.f32 s26, s25  }
0x38c: {  	s21 =	smul.f32 s21, s22;
	s30 =	ssub.f32 $1.500000000e+00, s29  }
0x38d: {  	s24 =	smul.f32 s25, s24  }
0x38e: {  	s23 =	smul.f32 s30, s23  }
0x38f: {  	s24 =	smul.f32 s24, s25  }
0x390: {  	s26 =	smul.f32 s23, s28  }
0x391: {  	s21 =	ssub.f32 $1.500000000e+00, s21  }
0x392: {  	s24 =	ssub.f32 $1.500000000e+00, s24;
	s26 =	smul.f32 s26, s23  }
0x393: {  	s21 =	smul.f32 s21, s22  }
0x394: {  	s29 =	smul.f32 s24, s25;
	s30 =	ssub.f32 $1.500000000e+00, s26  }
0x395: {  	v18 =	vmul.f32 s21, v18;
	v16 =	vmul.f32 s21, v16  }
0x396: {  	v19 =	vld [tilespmem:s20+$0x940];
	v15 =	vmul.f32 s21, v38;
	s23 =	smul.f32 s30, s23;
	v17 =	vmul.f32 s29, v53  }
0x397: {  	v39 =	vmul.f32 s21, v42;
	v12 =	vmul.f32 s29, v52  }
0x398: {  	v14 =	vmul.f32 s29, v54;
	v13 =	vmul.f32 s23, v56;
	v16 =	vadd.f32 v17, v16;
	v17 =	vld [tilespmem:s20+$0x950]  }
0x399: {  	v40 =	vmul.f32 s29, v57;
	v12 =	vadd.f32 v12, v18;
	v37 =	vmul.f32 s23, v55  }
0x39a: {  	v14 =	vadd.f32 v14, v15;
	v38 =	vmul.f32 s23, v58;
	v13 =	vsub.f32 v16, v13;
	v16 =	vld [tilespmem:s20+$0x960]  }
0x39b: {  	v43 =	vmul.f32 v19, v19;
	v12 =	vsub.f32 v12, v37  }
0x39c: {  	v42 =	vld [tilespmem:s20+$0x970];
	v41 =	vmul.f32 s23, v61;
	v18 =	vadd.f32 v40, v39;
	v14 =	vsub.f32 v14, v38  }
0x39d: {  	v12 =	vand.u32 $0x7FFFFFFF, v12;
	v13 =	vand.u32 $0x7FFFFFFF, v13;
	v44 =	vmul.f32 v17, v17  }
0x39e: {  	v46 =	vsub.f32 v18, v41;
	v12 =	vadd.f32 v13, v12  }
0x39f: {  	v45 =	vand.u32 $0x7FFFFFFF, v14;
	v47 =	vadd.f32 v44, v43;
	v48 =	vmul.f32 v16, v16  }
0x3a0: {  	v52 =	vld [tilespmem:s20+$0x10940];
	v12 =	vadd.f32 v12, v45  }
0x3a1: {  	v51 =	vmul.f32 v42, v42;
	v53 =	vld [tilespmem:s20+$0x10950];
	v49 =	vand.u32 $0x7FFFFFFF, v46;
	v50 =	vadd.f32 v48, v47  }
0x3a2: {  	v54 =	vld [tilespmem:s20+$0x10960];
	v12 =	vadd.f32 v12, v49  }
0x3a3: {  	v55 =	vld [tilespmem:s20+$0x8940];
	v14 =	vadd.f32 v51, v50  }
0x3a4: {  	v56 =	vld [tilespmem:s20+$0x8950];
	(xrf2) =	vadd.scan.msk.f32 $0xffff, v12  }
0x3a5: {  	v57 =	vld [tilespmem:s20+$0x10970];
	(xrf2) =	vadd.scan.msk.f32 $0xffff, v14  }
0x3a6: {  	v58 =	vld [tilespmem:s20+$0x8960];
	v59 =	vmul.f32 v52, v52;
	v60 =	vmul.f32 v53, v53;
	_ =	sdelay $0x1  }
0x3a7: {  	v61 =	vld [tilespmem:s20+$0x8970];
	v62 =	vmul.f32 v54, v54;
	v12 =	vadd.f32 v60, v59  }
0x3a8: {  	v63 =	vmul.f32 v55, v55;
	v32 =	vmul.f32 v56, v56  }
0x3a9: {  	v28 =	vmul.f32 v57, v57;
	v24 =	vadd.f32 v62, v12  }
0x3aa: {  	v33 =	vmul.f32 v58, v58;
	v26 =	vadd.f32 v32, v63  }
0x3ab: {  	v24 =	vadd.f32 v28, v24  }
0x3ac: {  	v34 =	vmul.f32 v61, v61;
	v26 =	vadd.f32 v33, v26  }
0x3ad: {  	v12, _, _ =	vpop (xrf2);
	(xrf2) =	vadd.scan.msk.f32 $0xffff, v24  }
0x3ae: {  	v36 =	vadd.f32 v34, v26;
	v35, _, _ =	vpop (xrf2)  }
0x3af: {  	(v2sf) =	vpush v35, $0xF  }
0x3b0: {  	(xrf2) =	vadd.scan.msk.f32 $0xffff, v36;
	_ =	sdelay $0x6  }
0x3b1: {  	v37, _, _ =	vpop (xrf2)  }
0x3b2: {  	(v2sf) =	vpush v37, $0xF;
	_ =	sdelay $0x1  }
0x3b3: {  	v38, _, _ =	vpop (xrf2)  }
0x3b4: {  	(v2sf) =	vpush v38, $0xF;
	_ =	sdelay $0x2  }
0x3b5: {  	s24 =	spop (v2sf)  }
0x3b6: {  	s25 =	sshra.s32 s24, $0x1;
	s21 =	smul.f32 $5.000000000e-01, s24  }
0x3b7: {  	s22 =	ssub.s32 $0x5F3759DF, s25  }
0x3b8: {  	s26 =	smul.f32 s22, s21;
	_ =	sdelay $0x1  }
0x3b9: {  	s23 =	smul.f32 s22, s26;
	_ =	sdelay $0x1  }
0x3ba: {  	s23 =	ssub.f32 $1.500000000e+00, s23;
	_ =	sdelay $0x1  }
0x3bb: {  	s28 =	spop (v2sf);
	s22 =	smul.f32 s22, s23  }
0x3bc: {  	s29 =	sshra.s32 s28, $0x1;
	s24 =	smul.f32 $5.000000000e-01, s28  }
0x3bd: {  	s25 =	ssub.s32 $0x5F3759DF, s29;
	s23 =	smul.f32 s22, s21  }
0x3be: {  	s28 =	spop (v2sf);
	s26 =	smul.f32 s25, s24  }
0x3bf: {  	s30 =	sshra.s32 s28, $0x1;
	s28 =	smul.f32 $5.000000000e-01, s28  }
0x3c0: {  	s23 =	smul.f32 s23, s22  }
0x3c1: {  	s29 =	ssub.s32 $0x5F3759DF, s30;
	s26 =	smul.f32 s25, s26  }
0x3c2: {  	s30 =	smul.f32 s29, s28  }
0x3c3: {  	s26 =	ssub.f32 $1.500000000e+00, s26  }
0x3c4: {  	s23 =	ssub.f32 $1.500000000e+00, s23;
	s30 =	smul.f32 s29, s30  }
0x3c5: {  	s25 =	smul.f32 s25, s26  }
0x3c6: {  	s22 =	smul.f32 s23, s22;
	s30 =	ssub.f32 $1.500000000e+00, s30  }
0x3c7: {  	s26 =	smul.f32 s25, s24  }
0x3c8: {  	s23 =	smul.f32 s29, s30  }
0x3c9: {  	s26 =	smul.f32 s26, s25  }
0x3ca: {  	s29 =	smul.f32 s23, s28  }
0x3cb: {  	s21 =	smul.f32 s22, s21;
	s26 =	ssub.f32 $1.500000000e+00, s26  }
0x3cc: {  	s29 =	smul.f32 s29, s23  }
0x3cd: {  	s25 =	smul.f32 s26, s25  }
0x3ce: {  	s21 =	smul.f32 s21, s22;
	s30 =	ssub.f32 $1.500000000e+00, s29  }
0x3cf: {  	s24 =	smul.f32 s25, s24  }
0x3d0: {  	s23 =	smul.f32 s30, s23  }
0x3d1: {  	s24 =	smul.f32 s24, s25  }
0x3d2: {  	s26 =	smul.f32 s23, s28  }
0x3d3: {  	s21 =	ssub.f32 $1.500000000e+00, s21  }
0x3d4: {  	s24 =	ssub.f32 $1.500000000e+00, s24;
	s26 =	smul.f32 s26, s23  }
0x3d5: {  	s21 =	smul.f32 s21, s22  }
0x3d6: {  	s29 =	smul.f32 s24, s25;
	s30 =	ssub.f32 $1.500000000e+00, s26  }
0x3d7: {  	v19 =	vmul.f32 s21, v19;
	v17 =	vmul.f32 s21, v17  }
0x3d8: {  	v20 =	vld [tilespmem:s20+$0x980];
	v16 =	vmul.f32 s21, v16;
	s23 =	smul.f32 s30, s23;
	v18 =	vmul.f32 s29, v53  }
0x3d9: {  	v41 =	vmul.f32 s21, v42;
	v13 =	vmul.f32 s29, v52  }
0x3da: {  	v15 =	vmul.f32 s29, v54;
	v14 =	vmul.f32 s23, v56;
	v17 =	vadd.f32 v18, v17;
	v18 =	vld [tilespmem:s20+$0x990]  }
0x3db: {  	v42 =	vmul.f32 s29, v57;
	v13 =	vadd.f32 v13, v19;
	v39 =	vmul.f32 s23, v55  }
0x3dc: {  	v15 =	vadd.f32 v15, v16;
	v40 =	vmul.f32 s23, v58;
	v14 =	vsub.f32 v17, v14;
	v17 =	vld [tilespmem:s20+$0x9A0]  }
0x3dd: {  	v45 =	vmul.f32 v20, v20;
	v13 =	vsub.f32 v13, v39  }
0x3de: {  	v44 =	vld [tilespmem:s20+$0x9B0];
	v43 =	vmul.f32 s23, v61;
	v19 =	vadd.f32 v42, v41;
	v15 =	vsub.f32 v15, v40  }
0x3df: {  	v13 =	vand.u32 $0x7FFFFFFF, v13;
	v14 =	vand.u32 $0x7FFFFFFF, v14;
	v46 =	vmul.f32 v18, v18  }
0x3e0: {  	v48 =	vsub.f32 v19, v43;
	v13 =	vadd.f32 v14, v13  }
0x3e1: {  	v47 =	vand.u32 $0x7FFFFFFF, v15;
	v49 =	vadd.f32 v46, v45;
	v50 =	vmul.f32 v17, v17  }
0x3e2: {  	v54 =	vld [tilespmem:s20+$0x10980];
	v13 =	vadd.f32 v13, v47  }
0x3e3: {  	v53 =	vmul.f32 v44, v44;
	v55 =	vld [tilespmem:s20+$0x10990];
	v51 =	vand.u32 $0x7FFFFFFF, v48;
	v52 =	vadd.f32 v50, v49  }
0x3e4: {  	v57 =	vld [tilespmem:s20+$0x8980];
	v13 =	vadd.f32 v13, v51  }
0x3e5: {  	v56 =	vld [tilespmem:s20+$0x109A0];
	v15 =	vadd.f32 v53, v52  }
0x3e6: {  	v58 =	vld [tilespmem:s20+$0x8990];
	(xrf2) =	vadd.scan.msk.f32 $0xffff, v13  }
0x3e7: {  	v59 =	vld [tilespmem:s20+$0x109B0];
	(xrf2) =	vadd.scan.msk.f32 $0xffff, v15  }
0x3e8: {  	v60 =	vld [tilespmem:s20+$0x89A0];
	v61 =	vmul.f32 v54, v54;
	v62 =	vmul.f32 v55, v55;
	_ =	sdelay $0x1  }
0x3e9: {  	v63 =	vld [tilespmem:s20+$0x89B0];
	v32 =	vmul.f32 v56, v56;
	v13 =	vadd.f32 v62, v61  }
0x3ea: {  	v33 =	vmul.f32 v57, v57;
	v34 =	vmul.f32 v58, v58  }
0x3eb: {  	v29 =	vmul.f32 v59, v59;
	v25 =	vadd.f32 v32, v13  }
0x3ec: {  	v35 =	vmul.f32 v60, v60;
	v27 =	vadd.f32 v34, v33  }
0x3ed: {  	v25 =	vadd.f32 v29, v25  }
0x3ee: {  	v36 =	vmul.f32 v63, v63;
	v27 =	vadd.f32 v35, v27  }
0x3ef: {  	v13, _, _ =	vpop (xrf2);
	(xrf2) =	vadd.scan.msk.f32 $0xffff, v25  }
0x3f0: {  	v38 =	vadd.f32 v36, v27;
	v37, _, _ =	vpop (xrf2)  }
0x3f1: {  	(v2sf) =	vpush v37, $0xF  }
0x3f2: {  	(xrf2) =	vadd.scan.msk.f32 $0xffff, v38;
	_ =	sdelay $0x6  }
0x3f3: {  	v39, _, _ =	vpop (xrf2)  }
0x3f4: {  	(v2sf) =	vpush v39, $0xF;
	_ =	sdelay $0x1  }
0x3f5: {  	v40, _, _ =	vpop (xrf2)  }
0x3f6: {  	(v2sf) =	vpush v40, $0xF;
	_ =	sdelay $0x2  }
0x3f7: {  	s24 =	spop (v2sf)  }
0x3f8: {  	s25 =	sshra.s32 s24, $0x1;
	s21 =	smul.f32 $5.000000000e-01, s24  }
0x3f9: {  	s22 =	ssub.s32 $0x5F3759DF, s25  }
0x3fa: {  	s26 =	smul.f32 s22, s21;
	_ =	sdelay $0x1  }
0x3fb: {  	s23 =	smul.f32 s22, s26;
	_ =	sdelay $0x1  }
0x3fc: {  	s23 =	ssub.f32 $1.500000000e+00, s23;
	_ =	sdelay $0x1  }
0x3fd: {  	s28 =	spop (v2sf);
	s22 =	smul.f32 s22, s23  }
0x3fe: {  	s29 =	sshra.s32 s28, $0x1;
	s24 =	smul.f32 $5.000000000e-01, s28  }
0x3ff: {  	s25 =	ssub.s32 $0x5F3759DF, s29;
	s23 =	smul.f32 s22, s21  }
0x400: {  	s28 =	spop (v2sf);
	s26 =	smul.f32 s25, s24  }
0x401: {  	s30 =	sshra.s32 s28, $0x1;
	s28 =	smul.f32 $5.000000000e-01, s28  }
0x402: {  	s23 =	smul.f32 s23, s22  }
0x403: {  	s29 =	ssub.s32 $0x5F3759DF, s30;
	s26 =	smul.f32 s25, s26  }
0x404: {  	s30 =	smul.f32 s29, s28  }
0x405: {  	s26 =	ssub.f32 $1.500000000e+00, s26  }
0x406: {  	s23 =	ssub.f32 $1.500000000e+00, s23;
	s30 =	smul.f32 s29, s30  }
0x407: {  	s25 =	smul.f32 s25, s26  }
0x408: {  	s22 =	smul.f32 s23, s22;
	s30 =	ssub.f32 $1.500000000e+00, s30  }
0x409: {  	s26 =	smul.f32 s25, s24  }
0x40a: {  	s23 =	smul.f32 s29, s30  }
0x40b: {  	s26 =	smul.f32 s26, s25  }
0x40c: {  	s29 =	smul.f32 s23, s28  }
0x40d: {  	s21 =	smul.f32 s22, s21;
	s26 =	ssub.f32 $1.500000000e+00, s26  }
0x40e: {  	s29 =	smul.f32 s29, s23  }
0x40f: {  	s25 =	smul.f32 s26, s25  }
0x410: {  	s21 =	smul.f32 s21, s22;
	s30 =	ssub.f32 $1.500000000e+00, s29  }
0x411: {  	s24 =	smul.f32 s25, s24  }
0x412: {  	s23 =	smul.f32 s30, s23  }
0x413: {  	s24 =	smul.f32 s24, s25  }
0x414: {  	s26 =	smul.f32 s23, s28  }
0x415: {  	s21 =	ssub.f32 $1.500000000e+00, s21  }
0x416: {  	s24 =	ssub.f32 $1.500000000e+00, s24;
	s26 =	smul.f32 s26, s23  }
0x417: {  	s21 =	smul.f32 s21, s22  }
0x418: {  	s29 =	smul.f32 s24, s25;
	s30 =	ssub.f32 $1.500000000e+00, s26  }
0x419: {  	v20 =	vmul.f32 s21, v20;
	v18 =	vmul.f32 s21, v18  }
0x41a: {  	v21 =	vld [tilespmem:s20+$0x9C0];
	v17 =	vmul.f32 s21, v17;
	s23 =	smul.f32 s30, s23;
	v19 =	vmul.f32 s29, v55  }
0x41b: {  	v43 =	vmul.f32 s21, v44;
	v14 =	vmul.f32 s29, v54  }
0x41c: {  	v16 =	vmul.f32 s29, v56;
	v15 =	vmul.f32 s23, v58;
	v18 =	vadd.f32 v19, v18;
	v19 =	vld [tilespmem:s20+$0x9D0]  }
0x41d: {  	v44 =	vmul.f32 s29, v59;
	v14 =	vadd.f32 v14, v20;
	v41 =	vmul.f32 s23, v57  }
0x41e: {  	v16 =	vadd.f32 v16, v17;
	v42 =	vmul.f32 s23, v60;
	v15 =	vsub.f32 v18, v15;
	v18 =	vld [tilespmem:s20+$0x9E0]  }
0x41f: {  	v47 =	vmul.f32 v21, v21;
	v14 =	vsub.f32 v14, v41  }
0x420: {  	v46 =	vld [tilespmem:s20+$0x9F0];
	v45 =	vmul.f32 s23, v63;
	v20 =	vadd.f32 v44, v43;
	v16 =	vsub.f32 v16, v42  }
0x421: {  	v14 =	vand.u32 $0x7FFFFFFF, v14;
	v15 =	vand.u32 $0x7FFFFFFF, v15;
	v48 =	vmul.f32 v19, v19  }
0x422: {  	v50 =	vsub.f32 v20, v45;
	v14 =	vadd.f32 v15, v14  }
0x423: {  	v54 =	vld [tilespmem:s20+$0x109C0];
	v49 =	vand.u32 $0x7FFFFFFF, v16;
	v51 =	vadd.f32 v48, v47;
	v52 =	vmul.f32 v18, v18  }
0x424: {  	v56 =	vld [tilespmem:s20+$0x109D0];
	v14 =	vadd.f32 v14, v49  }
0x425: {  	v55 =	vmul.f32 v46, v46;
	v59 =	vld [tilespmem:s20+$0x109E0];
	v53 =	vand.u32 $0x7FFFFFFF, v50;
	v17 =	vadd.f32 v52, v51  }
0x426: {  	v57 =	vld [tilespmem:s20+$0x89C0];
	v14 =	vadd.f32 v14, v53  }
0x427: {  	v58 =	vld [tilespmem:s20+$0x89D0];
	v17 =	vadd.f32 v55, v17  }
0x428: {  	v61 =	vld [tilespmem:s20+$0x109F0];
	(xrf2) =	vadd.scan.msk.f32 $0xffff, v14  }
0x429: {  	v60 =	vld [tilespmem:s20+$0x89E0];
	(xrf2) =	vadd.scan.msk.f32 $0xffff, v17  }
0x42a: {  	v63 =	vmul.f32 v54, v54;
	v32 =	vmul.f32 v56, v56  }
0x42b: {  	v62 =	vld [tilespmem:s20+$0x89F0];
	v35 =	vmul.f32 v59, v59  }
0x42c: {  	v33 =	vmul.f32 v57, v57;
	v34 =	vmul.f32 v58, v58;
	v26 =	vadd.f32 v32, v63  }
0x42d: {  	v37 =	vmul.f32 v61, v61  }
0x42e: {  	v36 =	vmul.f32 v60, v60;
	v28 =	vadd.f32 v34, v33;
	v26 =	vadd.f32 v35, v26;
	_ =	sdelay $0x1  }
0x42f: {  	v38 =	vmul.f32 v62, v62;
	v28 =	vadd.f32 v36, v28;
	v26 =	vadd.f32 v37, v26;
	_ =	sdelay $0x1  }
0x430: {  	v28 =	vadd.f32 v38, v28;
	v39, _, _ =	vpop (xrf2);
	(xrf2) =	vadd.scan.msk.f32 $0xffff, v26  }
0x431: {  	v40, _, _ =	vpop (xrf2)  }
0x432: {  	(xrf2) =	vadd.scan.msk.f32 $0xffff, v28;
	(v2sf) =	vpush v40, $0xF;
	_ =	sdelay $0x7  }
0x433: {  	v26, _, _ =	vpop (xrf2)  }
0x434: {  	(v2sf) =	vpush v26, $0xF  }
0x435: {  	v41, _, _ =	vpop (xrf2)  }
0x436: {  	(v2sf) =	vpush v41, $0xF;
	_ =	sdelay $0x3  }
0x437: {  	s22 =	spop (v2sf)  }
0x438: {  	s23 =	sshra.s32 s22, $0x1;
	s20 =	smul.f32 $5.000000000e-01, s22  }
0x439: {  	s21 =	ssub.s32 $0x5F3759DF, s23  }
0x43a: {  	s24 =	smul.f32 s21, s20;
	_ =	sdelay $0x1  }
0x43b: {  	s22 =	smul.f32 s21, s24;
	_ =	sdelay $0x1  }
0x43c: {  	s22 =	ssub.f32 $1.500000000e+00, s22;
	_ =	sdelay $0x1  }
0x43d: {  	s25 =	spop (v2sf);
	s21 =	smul.f32 s21, s22  }
0x43e: {  	s22 =	smul.f32 $5.000000000e-01, s25  }
0x43f: {  	s26 =	sshra.s32 s25, $0x1;
	s28 =	spop (v2sf);
	s23 =	smul.f32 s21, s20  }
0x440: {  	s24 =	ssub.s32 $0x5F3759DF, s26;
	s29 =	sshra.s32 s28, $0x1;
	s25 =	smul.f32 $5.000000000e-01, s28  }
0x441: {  	s28 =	smul.f32 s24, s22;
	s26 =	ssub.s32 $0x5F3759DF, s29  }
0x442: {  	s30 =	smul.f32 s26, s25  }
0x443: {  	s28 =	smul.f32 s24, s28  }
0x444: {  	s23 =	smul.f32 s23, s21  }
0x445: {  	s28 =	ssub.f32 $1.500000000e+00, s28  }
0x446: {  	s29 =	smul.f32 s26, s30;
	s23 =	ssub.f32 $1.500000000e+00, s23  }
0x447: {  	s24 =	smul.f32 s24, s28  }
0x448: {  	s29 =	ssub.f32 $1.500000000e+00, s29;
	s21 =	smul.f32 s23, s21  }
0x449: {  	s28 =	smul.f32 s24, s22  }
0x44a: {  	s26 =	smul.f32 s26, s29  }
0x44b: {  	s28 =	smul.f32 s28, s24  }
0x44c: {  	s29 =	smul.f32 s26, s25  }
0x44d: {  	s20 =	smul.f32 s21, s20;
	s28 =	ssub.f32 $1.500000000e+00, s28  }
0x44e: {  	s29 =	smul.f32 s29, s26  }
0x44f: {  	s24 =	smul.f32 s28, s24  }
0x450: {  	s20 =	smul.f32 s20, s21;
	s30 =	ssub.f32 $1.500000000e+00, s29  }
0x451: {  	s22 =	smul.f32 s24, s22  }
0x452: {  	s23 =	smul.f32 s30, s26  }
0x453: {  	s20 =	ssub.f32 $1.500000000e+00, s20;
	s22 =	smul.f32 s22, s24  }
0x454: {  	s25 =	smul.f32 s23, s25  }
0x455: {  	s20 =	smul.f32 s20, s21;
	s22 =	ssub.f32 $1.500000000e+00, s22  }
0x456: {  	s25 =	smul.f32 s25, s23  }
0x457: {  	s29 =	smul.f32 s22, s24  }
0x458: {  	s30 =	ssub.f32 $1.500000000e+00, s25  }
0x459: {  	v21 =	vmul.f32 s20, v21;
	v16 =	vmul.f32 s29, v54  }
0x45a: {  	v19 =	vmul.f32 s20, v19;
	s22 =	smul.f32 s30, s23;
	v15 =	vmul.f32 s29, v56  }
0x45b: {  	v18 =	vmul.f32 s20, v18;
	v43 =	vmul.f32 s29, v59;
	v16 =	vadd.f32 v16, v21  }
0x45c: {  	v42 =	vmul.f32 s22, v57;
	v14 =	vmul.f32 s22, v58;
	v15 =	vadd.f32 v15, v19  }
0x45d: {  	v44 =	vmul.f32 s20, v46;
	v45 =	vmul.f32 s29, v61;
	v46 =	vadd.f32 v43, v18  }
0x45e: {  	v17 =	vmul.f32 s22, v60;
	v16 =	vsub.f32 v16, v42;
	v14 =	vsub.f32 v15, v14  }
0x45f: {  	v47 =	vadd.f32 v45, v44;
	v48 =	vmul.f32 s22, v62  }
0x460: {  	v15 =	vsub.f32 v46, v17;
	v16 =	vand.u32 $0x7FFFFFFF, v16;
	v14 =	vand.u32 $0x7FFFFFFF, v14  }
0x461: {  	v0 =	vbroadcast v0, $0xF;
	v14 =	vadd.f32 v14, v16  }
0x462: {  	v1 =	vbroadcast v1, $0xF;
	v49 =	vsub.f32 v47, v48;
	v15 =	vand.u32 $0x7FFFFFFF, v15  }
0x463: {  	v2 =	vbroadcast v2, $0xF;
	v14 =	vadd.f32 v14, v15  }
0x464: {  	v0 =	vsel vm0, v0, v1;
	v50 =	vbroadcast v3, $0xF;
	v51 =	vand.u32 $0x7FFFFFFF, v49  }
0x465: {  	v0 =	vsel vm1, v0, v2;
	v52 =	vbroadcast v4, $0xF;
	v3 =	vadd.f32 v14, v51  }
0x466: {  	v0 =	vsel vm2, v0, v50;
	v53 =	vbroadcast v5, $0xF  }
0x467: {  	v0 =	vsel vm3, v0, v52;
	v54 =	vbroadcast v6, $0xF;
	(xrf2) =	vadd.scan.msk.f32 $0xffff, v3  }
0x468: {  	v55 =	vbroadcast v7, $0xF;
	v0 =	vsel vm4, v0, v53  }
0x469: {  	v56 =	vbroadcast v8, $0xF;
	v0 =	vsel vm5, v0, v54  }
0x46a: {  	v57 =	vbroadcast v9, $0xF;
	v0 =	vsel vm6, v0, v55  }
0x46b: {  	v58 =	vbroadcast v10, $0xF;
	v0 =	vsel vm7, v0, v56  }
0x46c: {  	v59 =	vbroadcast v11, $0xF;
	v0 =	vsel vm8, v0, v57  }
0x46d: {  	v60 =	vbroadcast v12, $0xF;
	v0 =	vsel vm9, v0, v58  }
0x46e: {  	p0 =	sne.s32 s19, $0x1F000;
	v61 =	vbroadcast v13, $0xF;
	v0 =	vsel vm10, v0, v59  }
.Ltmp0:
0x46f: {  	v62 =	vbroadcast v39, $0xF;
	v0 =	vsel vm11, v0, v60;
	(pc) =	sbr.rel @p0 .LBB2_2-.Ltmp0, $4  }
0x470: {  	v0 =	vsel vm12, v0, v61  }
0x471: {  	v0 =	vsel vm13, v0, v62;
	v63, _, _ =	vpop (xrf2)  }
0x472: {  	v0 =	vsel vm14, v0, v63  }
0x473: {  	s19 =	sadd.s32 $0x1000, s19;
	[tilespmem:s18+$0x0] =	vst v0;
	s18 =	sadd.s32 $0x10, s18  }
0x474: {  	s17 =	sadd.s32 $0x1, s17  }
0x475: {  	p0 =	sne.s32 s17, s9  }
.Ltmp1:
0x476: {  	_ = 	snop;
	(pc) =	sbr.rel @p0 .LBB2_1-.Ltmp1, $4  }
0x477: {  	[hbm4b:s8+s1] =	stream.linear.scatter [tilespmem:s16], [sflag:$0x2], $0x200, $0x38;
	[tilespmem:$0x18800] =	vst v63  }
0x478: {  	_ =	swait.ge [sflag:s10], $0x200  }
0x479: {  	[sflag:s10] =	ssyncset.done $0x0  }
0x47a: {  	[sflag:s10] =	ssyncadd.s32 $0xFFFFFE00  }
0x47b: {  	_ =	sfence.sel $0x180000  }
0x47c: {  	[bflag:$0x0] =	sbarrier.arrive $0xFFFF  }
0x47d: {  	_ =	strace $0x90000047  }
0x47e: {  	s0 =	stileid.u32;
	[bflag:$0x2] =	sbarrier.arrive $0xFFFF  }
0x47f: {  	p0 =	sne.s32 s0, $0x0;
	s0 =	rddreg [dreg:$0x5]  }
0x480: {  	s0 =	sadd.s32 @!p0 $0x100000, s0  }
0x481: {  	[sflag:s0] =	ssyncadd.tile.s32 @!p0 $0x1;
	_ =	shalt  }
.Lfunc_end2:
_tile_overlayer_lowered:
.L_overlay_start_2:
0x482: {  	(tag) =	ssettag $0x2  }
0x483: {  	s0 =	rddreg [dreg:$0x0];
	s2 =	stileid.u32  }
0x484: {  	s1 =	rddreg [dreg:$0x1];
	p0 =	sne.s32 s2, $0x0  }
0x485: {  	s3 =	rddreg [dreg:$0x2];
	[bflag:$0x3] =	sbarrier.arrive $0xFFFF;
	s2 =	simm.s32 @!p0 $0x1C02  }
0x486: {  	[timem:s3], [sflag:s2] =	dma.local @!p0 [hbm:s0], s1  }
0x487: {  	s0 =	simm.s32 @!p0 $0x2  }
0x488: {  	_ =	swait.ge @!p0 [sflag:s0], s1  }
0x489: {  	s1 =	ssub.s32 @!p0 $0x0, s1;
	[sflag:s0] =	ssyncset.done @!p0 $0x0  }
0x48a: {  	[sflag:s0] =	ssyncadd.s32 @!p0 s1  }
0x48b: {  	[bflag:$0x3] =	sbarrier.arrive $0xFFFF  }
0x48c: {  	_ =	shalt  }

</sc_bundles>
